<compile_context>
chip_gen: v7x
topology: tpu7x:2x2x1
jax: 0.10.2.dev20260603
libtpu: 0.0.44.dev20260713+nightly
codegen_flags: <defaults>
</compile_context>

<pallas_src>
import functools

import jax
import jax.numpy as jnp
from jax import lax
from jax.experimental import pallas as pl
from jax.experimental.pallas import tpu as pltpu
from jax.experimental.pallas import tpu_sc as plsc

_B = 4096
_T = 50
_N = _B * _T
_D = 64
_S = 100
_V = 1000000
_NW = 32
_SB = 2
_NP = _S // _SB
_NTASK = _T * _NP
_KMAX = (_NTASK + _NW - 1) // _NW
_MSHIFT = (1 << 16) // _NP + 1
_GP = 5
_NPG = _NP // _GP
_NG = _NTASK // _GP
_M5 = (1 << 16) // _GP + 1
_SEPROWS = 504


def _tp(tau):
    t = lax.shift_right_logical(tau * jnp.int32(_MSHIFT), jnp.int32(16))
    return t, tau - jnp.int32(_NP) * t


def _sc_body(wb_hbm, neg_hbm, lab_hbm, xs_hbm, sep_hbm, tl_hbm,
             wb_sp, n0a, n0b, n1a, n1b, n2a, n2b, g0a, g0b, g1a, g1b,
             xsv, accv, labv, labgv, tlv, st0, st1, st2, sg0, sg1):
    wid = lax.axis_index("s") * 2 + lax.axis_index("c")
    himask = jnp.int32(-65536)

    @pl.when(lax.axis_index("s") == 0)
    def _load_table():
        pltpu.sync_copy(wb_hbm, wb_sp)

    plsc.subcore_barrier()

    negcs = ((n0a, n0b), (n1a, n1b), (n2a, n2b))
    gats = ((g0a, g0b), (g1a, g1b))
    sem_st = (st0, st1, st2)
    sem_g = (sg0, sg1)

    start = lax.shift_right_logical(wid * jnp.int32(_NG),
                                    jnp.int32(5)) * jnp.int32(_GP)
    end = lax.shift_right_logical((wid + jnp.int32(1)) * jnp.int32(_NG),
                                  jnp.int32(5)) * jnp.int32(_GP)

    def stage(tau, sb):
        negc, sem = negcs[sb], sem_st[sb]
        t, p = _tp(tau)
        for sl in range(_SB):
            pltpu.async_copy(neg_hbm.at[t, p * _SB + sl, :], negc[sl], sem)

        @pl.when(p == 0)
        def _():
            pltpu.async_copy(lab_hbm.at[t, :], labv, sem)

    def fire(tau, sb, gb):
        negc, gat = negcs[sb], gats[gb]
        t, p = _tp(tau)
        for sl in range(_SB):
            pltpu.make_async_copy(neg_hbm.at[t, p * _SB + sl, :], negc[sl],
                                  sem_st[sb]).wait()
            pltpu.async_copy(wb_sp.at[negc[sl]], gat[sl], sem_g[gb])

        @pl.when(p == 0)
        def _():
            pltpu.make_async_copy(lab_hbm.at[t, :], labv, sem_st[sb]).wait()
            pltpu.async_copy(wb_sp.at[labv], labgv, sem_g[gb])

    def unpack_w(v):
        return lax.bitcast_convert_type(v & himask, jnp.float32)

    def unpack_b(v):
        return lax.bitcast_convert_type(lax.shift_left(v, jnp.int32(16)),
                                        jnp.float32)

    def compute(tau, sb, gb, vb):
        negc, gat = negcs[sb], gats[gb]
        t, p = _tp(tau)
        pg = lax.shift_right_logical(p * jnp.int32(_M5), jnp.int32(16))
        pm5 = p - jnp.int32(_GP) * pg
        fresh = jnp.full((16,), pm5 == 0)

        @pl.when((p == 0) | (tau == start))
        def _():
            pltpu.sync_copy(xs_hbm.at[t, :], xsv)

        for sl in range(_SB):
            pltpu.make_async_copy(wb_sp.at[negc[sl]], gat[sl],
                                  sem_g[gb]).wait()

        def expsum(bg, with_true):
            base = bg * 16
            xs = xsv[pl.ds(base, 16)]
            acc = jnp.where(fresh, jnp.zeros((16,), jnp.float32),
                            accv[pl.ds(base, 16)])
            for sl in range(_SB):
                v = gat[sl][pl.ds(base, 16)]
                acc = acc + jnp.exp(unpack_w(v) * xs + unpack_b(v))
            if with_true:
                lw = labgv[pl.ds(base, 16)]
                tl = unpack_w(lw) * xs + unpack_b(lw)
                tlv[pl.ds(base, 16)] = tl
                acc = acc + jnp.exp(tl)
            accv[pl.ds(base, 16)] = acc
            return 0

        @pl.when(p == 0)
        def _():
            pltpu.make_async_copy(wb_sp.at[labv], labgv, sem_g[gb]).wait()
            lax.fori_loop(0, _B // 16, lambda bg, c: expsum(bg, True), 0)
            pltpu.sync_copy(tlv, tl_hbm.at[t, :])

        @pl.when(p != 0)
        def _():
            lax.fori_loop(0, _B // 16, lambda bg, c: expsum(bg, False), 0)

        @pl.when(pm5 == jnp.int32(_GP - 1))
        def _():
            row = (pg * jnp.int32(_T) + t) * jnp.int32(_B)
            pltpu.sync_copy(accv, sep_hbm.at[pl.ds(row, _B)])

    stage(start, 0)
    stage(start + 1, 1)
    fire(start, 0, 0)

    def six_body(i, carry):
        k0 = start + i * 6
        for j in range(6):
            kj = k0 + j
            pl.when(kj + 2 < end)(lambda: stage(kj + 2, (j + 2) % 3))
            pl.when(kj + 1 < end)(lambda: fire(kj + 1, (j + 1) % 3,
                                               (j + 1) % 2))
            pl.when(kj < end)(lambda: compute(kj, j % 3, j % 2, j % 2))
        return carry

    lax.fori_loop(0, (_KMAX + 5) // 6, six_body, 0)


@jax.jit
def _sc_gather_expsum(wb, neg, lab, xs):
    mesh = plsc.VectorSubcoreMesh(core_axis_name="c", subcore_axis_name="s")
    dbl = lambda t: (t, t)
    f = pl.kernel(
        _sc_body,
        out_type=(jax.ShapeDtypeStruct((_SEPROWS * _B,), jnp.float32),
                  jax.ShapeDtypeStruct((_T, _B), jnp.float32)),
        mesh=mesh,
        compiler_params=pltpu.CompilerParams(needs_layout_passes=False),
        scratch_types=[
            pltpu.VMEM_SHARED((_V,), jnp.int32),
            *(pltpu.VMEM((_B,), jnp.int32) for _ in range(6)),
            *(pltpu.VMEM((_B,), jnp.int32) for _ in range(4)),
            pltpu.VMEM((_B,), jnp.float32),
            pltpu.VMEM((_B,), jnp.float32),
            pltpu.VMEM((_B,), jnp.int32),
            pltpu.VMEM((_B,), jnp.int32),
            pltpu.VMEM((_B,), jnp.float32),
            *(pltpu.SemaphoreType.DMA for _ in range(5)),
        ],
    )
    return f(wb, neg, lab, xs)


def _xsum_body(x_ref, o_ref):
    o_ref[...] = jnp.sum(x_ref[...], axis=1)


def _loss_body(sep_ref, tl_ref, lab_ref, o_ref, acc_ref):
    i = pl.program_id(0)

    @pl.when(i == 0)
    def _():
        acc_ref[...] = jnp.zeros_like(acc_ref)

    se = sep_ref[pl.ds(0, _T), :]
    for p in range(1, _NPG):
        se = se + sep_ref[pl.ds(p * _T, _T), :]
    mask = (lab_ref[...] != 0).astype(jnp.float32)
    ce = jnp.log(se) - tl_ref[...]
    acc_ref[pl.ds(0, 1), :] += jnp.sum(ce * mask, axis=0, keepdims=True)
    acc_ref[pl.ds(1, 1), :] += jnp.sum(mask, axis=0, keepdims=True)

    @pl.when(i == pl.num_programs(0) - 1)
    def _():
        o_ref[...] = (jnp.sum(acc_ref[pl.ds(0, 1), :]) /
                      jnp.sum(acc_ref[pl.ds(1, 1), :])).reshape(1, 1)


def kernel(inputs, labels, neg_samples, softmax_w, softmax_b):
    x_t = jnp.transpose(inputs, (1, 2, 0))
    lab_t = jnp.transpose(labels.astype(jnp.int32))
    neg_t = jnp.transpose(neg_samples.astype(jnp.int32), (1, 2, 0))

    w16 = lax.bitcast_convert_type(
        softmax_w.reshape(-1).astype(jnp.bfloat16), jnp.uint16).astype(jnp.uint32)
    b16 = lax.bitcast_convert_type(
        softmax_b.astype(jnp.bfloat16), jnp.uint16).astype(jnp.uint32)
    wb = lax.bitcast_convert_type((w16 << 16) | b16, jnp.int32)

    xsum = pl.pallas_call(
        _xsum_body,
        grid=(8,),
        in_specs=[pl.BlockSpec((_T, _D, _B // 8), lambda i: (0, 0, i))],
        out_specs=pl.BlockSpec((_T, _B // 8), lambda i: (0, i)),
        out_shape=jax.ShapeDtypeStruct((_T, _B), jnp.float32),
    )(x_t)

    sep, tl = _sc_gather_expsum(wb, neg_t, lab_t, xsum)

    loss = pl.pallas_call(
        _loss_body,
        grid=(8,),
        in_specs=[pl.BlockSpec((_SEPROWS, _B // 8), lambda i: (0, i)),
                  pl.BlockSpec((_T, _B // 8), lambda i: (0, i)),
                  pl.BlockSpec((_T, _B // 8), lambda i: (0, i))],
        out_specs=pl.BlockSpec((1, 1), lambda i: (0, 0)),
        out_shape=jax.ShapeDtypeStruct((1, 1), jnp.float32),
        scratch_shapes=[pltpu.VMEM((8, _B // 8), jnp.float32)],
    )(sep.reshape(_SEPROWS, _B), tl, lab_t)

    return loss.reshape(())

# --- scband reference (transcript-rebuilt; emitter-appended) ---
"""Pipeline reference for scband-sampled-softmax-loss-60052232733023 (READ-ONLY COPY).

The authoritative reference and input builder live on the scoring server;
editing this copy changes nothing except your own understanding.
"""

import jax, jax.numpy as jnp
import numpy as np

NUM_SAMPLED = 100
NUM_CLASSES = 1000000

def setup_inputs(seed: int = 0) -> dict:
    key = jax.random.key(seed)
    k1, k2, k3, k4, k5 = jax.random.split(key, 5)
    inputs = jax.random.normal(k1, (4096, 50, 64), dtype=jnp.float32)
    labels = jax.random.randint(k2, (4096, 50), 0, NUM_CLASSES, dtype=jnp.int64)
    neg_samples = jax.random.randint(k3, (4096, 50, NUM_SAMPLED), 0, NUM_CLASSES, dtype=jnp.int64)
    softmax_w = jax.random.normal(k4, (NUM_CLASSES, 1), dtype=jnp.float32) * 0.02
    softmax_b = jax.random.normal(k5, (NUM_CLASSES,), dtype=jnp.float32) * 0.02
    return {"inputs": inputs, "labels": labels, "neg_samples": neg_samples,
            "softmax_w": softmax_w, "softmax_b": softmax_b}

def reference(inputs, labels, neg_samples, softmax_w, softmax_b):
    x = inputs.reshape(-1, inputs.shape[-1])            # [N, D]
    lab = labels.reshape(-1)                            # [N]
    neg = neg_samples.reshape(-1, NUM_SAMPLED)          # [N, S]
    true_w = jnp.take(softmax_w, lab, axis=0)           # [N, 1]
    true_b = jnp.take(softmax_b, lab, axis=0)           # [N]
    sampled_w = jnp.take(softmax_w, neg, axis=0)        # [N, S, 1]
    sampled_b = jnp.take(softmax_b, neg, axis=0)        # [N, S]
    true_logits = (x * true_w).sum(axis=1) + true_b     # [N]
    sampled_logits = (x[:, None, :] * sampled_w).sum(axis=2) + sampled_b  # [N, S]
    logits = jnp.concatenate([true_logits[:, None], sampled_logits], axis=1)  # [N, S+1]
    # cross_entropy with target class 0, reduction='none'
    lse = jax.nn.logsumexp(logits, axis=1)
    ce = lse - logits[:, 0]
    loss_mask = (lab != 0).astype(jnp.float32)
    loss = (ce * loss_mask).sum() / loss_mask.sum()
    return loss

if __name__ == "__main__":
    import jax
    _d = setup_inputs()
    print(jax.jit(kernel)(*tuple(_d.values())))

</pallas_src>

<mosaic_0001>
#map = affine_map<(d0, d1) -> (0)>
#map1 = affine_map<(d0, d1) -> (0, 0, 0)>
#map2 = affine_map<(d0, d1) -> (0, 0)>
module attributes {stable_mosaic.version = 14 : i64} {
  func.func @_sc_body(%arg0: i32, %arg1: i32, %arg2: memref<1000000xi32, #tpu.memory_space<hbm>>, %arg3: memref<50x100x4096xi32, #tpu.memory_space<hbm>>, %arg4: memref<50x4096xi32, #tpu.memory_space<hbm>>, %arg5: memref<50x4096xf32, #tpu.memory_space<hbm>>, %arg6: memref<2064384xf32, #tpu.memory_space<hbm>>, %arg7: memref<50x4096xf32, #tpu.memory_space<hbm>>, %arg8: memref<1000000xi32, #tpu.memory_space<vmem_shared>>, %arg9: memref<4096xi32, #tpu.memory_space<vmem>>, %arg10: memref<4096xi32, #tpu.memory_space<vmem>>, %arg11: memref<4096xi32, #tpu.memory_space<vmem>>, %arg12: memref<4096xi32, #tpu.memory_space<vmem>>, %arg13: memref<4096xi32, #tpu.memory_space<vmem>>, %arg14: memref<4096xi32, #tpu.memory_space<vmem>>, %arg15: memref<4096xi32, #tpu.memory_space<vmem>>, %arg16: memref<4096xi32, #tpu.memory_space<vmem>>, %arg17: memref<4096xi32, #tpu.memory_space<vmem>>, %arg18: memref<4096xi32, #tpu.memory_space<vmem>>, %arg19: memref<4096xf32, #tpu.memory_space<vmem>>, %arg20: memref<4096xf32, #tpu.memory_space<vmem>>, %arg21: memref<4096xi32, #tpu.memory_space<vmem>>, %arg22: memref<4096xi32, #tpu.memory_space<vmem>>, %arg23: memref<4096xf32, #tpu.memory_space<vmem>>, %arg24: memref<!tpu.dma_semaphore, #tpu.memory_space<semaphore_mem>>, %arg25: memref<!tpu.dma_semaphore, #tpu.memory_space<semaphore_mem>>, %arg26: memref<!tpu.dma_semaphore, #tpu.memory_space<semaphore_mem>>, %arg27: memref<!tpu.dma_semaphore, #tpu.memory_space<semaphore_mem>>, %arg28: memref<!tpu.dma_semaphore, #tpu.memory_space<semaphore_mem>>) attributes {dimension_semantics = [#tpu.dimension_semantics<core_parallel>, #tpu.dimension_semantics<subcore_parallel>], iteration_bounds = array<i64: 2, 16>, scalar_prefetch = 0 : i64, scratch_operands = 21 : i64, tpu.core_type = #tpu.core_type<sc_vector_subcore>, window_params = [{transform_indices = #map}, {transform_indices = #map1}, {transform_indices = #map2}, {transform_indices = #map2}, {transform_indices = #map}, {transform_indices = #map2}]} {
    %mul3A = arith.constant 2 : i32
    %mul3A_0 = arith.muli %arg1, %mul3A : i32
    %add3A = arith.addi %mul3A_0, %arg0 : i32
    %eq3A = arith.constant 0 : i32
    %eq3A_1 = arith.cmpi eq, %arg1, %eq3A : i32
    %convert_element_type3A = arith.extui %eq3A_1 : i1 to i32
    %cond3A = arith.constant 0 : i32
    %cond3A_2 = arith.cmpi ne, %convert_element_type3A, %cond3A : i32
    scf.if %cond3A_2 {
      "tpu.region"() ({
        %run_scoped3A = tpu.sem_alloc : memref<!tpu.dma_semaphore, #tpu.memory_space<semaphore_mem>>
        tpu.enqueue_dma source(%arg2 : memref<1000000xi32, #tpu.memory_space<hbm>>) target(%arg8 : memref<1000000xi32, #tpu.memory_space<vmem_shared>>) target_semaphore(%run_scoped3A : memref<!tpu.dma_semaphore, #tpu.memory_space<semaphore_mem>>)
        tpu.wait_dma2 semaphore(%run_scoped3A : memref<!tpu.dma_semaphore, #tpu.memory_space<semaphore_mem>>) src(%arg2 : memref<1000000xi32, #tpu.memory_space<hbm>>) dst(%arg8 : memref<1000000xi32, #tpu.memory_space<vmem_shared>>)
        tpu.yield
      }) : () -> ()
    } else {
    }
    %barrier3A = arith.constant 0 : index
    tpu.barrier barrier_id(%barrier3A)
    %mul3A_3 = arith.constant 500 : i32
    %mul3A_4 = arith.muli %add3A, %mul3A_3 : i32
    %shift_right_logical3A = arith.constant 5 : i32
    %shift_right_logical3A_5 = arith.shrui %mul3A_4, %shift_right_logical3A : i32
    %mul3A_6 = arith.constant 5 : i32
    %mul3A_7 = arith.muli %shift_right_logical3A_5, %mul3A_6 : i32
    %add3A_8 = arith.constant 1 : i32
    %add3A_9 = arith.addi %add3A, %add3A_8 : i32
    %mul3A_10 = arith.constant 500 : i32
    %mul3A_11 = arith.muli %add3A_9, %mul3A_10 : i32
    %shift_right_logical3A_12 = arith.constant 5 : i32
    %shift_right_logical3A_13 = arith.shrui %mul3A_11, %shift_right_logical3A_12 : i32
    %mul3A_14 = arith.constant 5 : i32
    %mul3A_15 = arith.muli %shift_right_logical3A_13, %mul3A_14 : i32
    %mul3A_16 = arith.constant 1311 : i32
    %mul3A_17 = arith.muli %mul3A_7, %mul3A_16 : i32
    %shift_right_logical3A_18 = arith.constant 16 : i32
    %shift_right_logical3A_19 = arith.shrui %mul3A_17, %shift_right_logical3A_18 : i32
    %mul3A_20 = arith.constant 50 : i32
    %mul3A_21 = arith.muli %mul3A_20, %shift_right_logical3A_19 : i32
    %sub3A = arith.subi %mul3A_7, %mul3A_21 : i32
    %mul3A_22 = arith.constant 2 : i32
    %mul3A_23 = arith.muli %sub3A, %mul3A_22 : i32
    %add3A_24 = arith.constant 0 : i32
    %add3A_25 = arith.addi %mul3A_23, %add3A_24 : i32
    %dma_start3A = arith.constant 0 : i32
    %dma_start3A_26 = tpu.memref_slice %arg3[%shift_right_logical3A_19, %add3A_25, %dma_start3A] : memref<50x100x4096xi32, #tpu.memory_space<hbm>> -> memref<1x1x4096xi32, #tpu.memory_space<hbm>>
    %dma_start3A_27 = tpu.memref_squeeze %dma_start3A_26 : memref<1x1x4096xi32, #tpu.memory_space<hbm>> -> memref<4096xi32, #tpu.memory_space<hbm>>
    %dma_start3A_28 = arith.constant 0 : i32
    %dma_start3A_29 = tpu.memref_slice %arg3[%shift_right_logical3A_19, %add3A_25, %dma_start3A_28] : memref<50x100x4096xi32, #tpu.memory_space<hbm>> -> memref<1x1x4096xi32, #tpu.memory_space<hbm>>
    %dma_start3A_30 = tpu.memref_squeeze %dma_start3A_29 : memref<1x1x4096xi32, #tpu.memory_space<hbm>> -> memref<4096xi32, #tpu.memory_space<hbm>>
    tpu.enqueue_dma source(%dma_start3A_30 : memref<4096xi32, #tpu.memory_space<hbm>>) target(%arg9 : memref<4096xi32, #tpu.memory_space<vmem>>) target_semaphore(%arg24 : memref<!tpu.dma_semaphore, #tpu.memory_space<semaphore_mem>>)
    %mul3A_31 = arith.constant 2 : i32
    %mul3A_32 = arith.muli %sub3A, %mul3A_31 : i32
    %add3A_33 = arith.constant 1 : i32
    %add3A_34 = arith.addi %mul3A_32, %add3A_33 : i32
    %dma_start3A_35 = arith.constant 0 : i32
    %dma_start3A_36 = tpu.memref_slice %arg3[%shift_right_logical3A_19, %add3A_34, %dma_start3A_35] : memref<50x100x4096xi32, #tpu.memory_space<hbm>> -> memref<1x1x4096xi32, #tpu.memory_space<hbm>>
    %dma_start3A_37 = tpu.memref_squeeze %dma_start3A_36 : memref<1x1x4096xi32, #tpu.memory_space<hbm>> -> memref<4096xi32, #tpu.memory_space<hbm>>
    %dma_start3A_38 = arith.constant 0 : i32
    %dma_start3A_39 = tpu.memref_slice %arg3[%shift_right_logical3A_19, %add3A_34, %dma_start3A_38] : memref<50x100x4096xi32, #tpu.memory_space<hbm>> -> memref<1x1x4096xi32, #tpu.memory_space<hbm>>
    %dma_start3A_40 = tpu.memref_squeeze %dma_start3A_39 : memref<1x1x4096xi32, #tpu.memory_space<hbm>> -> memref<4096xi32, #tpu.memory_space<hbm>>
    tpu.enqueue_dma source(%dma_start3A_40 : memref<4096xi32, #tpu.memory_space<hbm>>) target(%arg10 : memref<4096xi32, #tpu.memory_space<vmem>>) target_semaphore(%arg24 : memref<!tpu.dma_semaphore, #tpu.memory_space<semaphore_mem>>)
    %eq3A_41 = arith.constant 0 : i32
    %eq3A_42 = arith.cmpi eq, %sub3A, %eq3A_41 : i32
    %convert_element_type3A_43 = arith.extui %eq3A_42 : i1 to i32
    %cond3A_44 = arith.constant 0 : i32
    %cond3A_45 = arith.cmpi ne, %convert_element_type3A_43, %cond3A_44 : i32
    scf.if %cond3A_45 {
      %dma_start3A_121 = arith.constant 0 : i32
      %dma_start3A_122 = tpu.memref_slice %arg4[%shift_right_logical3A_19, %dma_start3A_121] : memref<50x4096xi32, #tpu.memory_space<hbm>> -> memref<1x4096xi32, #tpu.memory_space<hbm>>
      %dma_start3A_123 = tpu.memref_squeeze %dma_start3A_122 : memref<1x4096xi32, #tpu.memory_space<hbm>> -> memref<4096xi32, #tpu.memory_space<hbm>>
      %dma_start3A_124 = arith.constant 0 : i32
      %dma_start3A_125 = tpu.memref_slice %arg4[%shift_right_logical3A_19, %dma_start3A_124] : memref<50x4096xi32, #tpu.memory_space<hbm>> -> memref<1x4096xi32, #tpu.memory_space<hbm>>
      %dma_start3A_126 = tpu.memref_squeeze %dma_start3A_125 : memref<1x4096xi32, #tpu.memory_space<hbm>> -> memref<4096xi32, #tpu.memory_space<hbm>>
      tpu.enqueue_dma source(%dma_start3A_126 : memref<4096xi32, #tpu.memory_space<hbm>>) target(%arg21 : memref<4096xi32, #tpu.memory_space<vmem>>) target_semaphore(%arg24 : memref<!tpu.dma_semaphore, #tpu.memory_space<semaphore_mem>>)
    } else {
    }
    %add3A_46 = arith.constant 1 : i32
    %add3A_47 = arith.addi %mul3A_7, %add3A_46 : i32
    %mul3A_48 = arith.constant 1311 : i32
    %mul3A_49 = arith.muli %add3A_47, %mul3A_48 : i32
    %shift_right_logical3A_50 = arith.constant 16 : i32
    %shift_right_logical3A_51 = arith.shrui %mul3A_49, %shift_right_logical3A_50 : i32
    %mul3A_52 = arith.constant 50 : i32
    %mul3A_53 = arith.muli %mul3A_52, %shift_right_logical3A_51 : i32
    %sub3A_54 = arith.subi %add3A_47, %mul3A_53 : i32
    %mul3A_55 = arith.constant 2 : i32
    %mul3A_56 = arith.muli %sub3A_54, %mul3A_55 : i32
    %add3A_57 = arith.constant 0 : i32
    %add3A_58 = arith.addi %mul3A_56, %add3A_57 : i32
    %dma_start3A_59 = arith.constant 0 : i32
    %dma_start3A_60 = tpu.memref_slice %arg3[%shift_right_logical3A_51, %add3A_58, %dma_start3A_59] : memref<50x100x4096xi32, #tpu.memory_space<hbm>> -> memref<1x1x4096xi32, #tpu.memory_space<hbm>>
    %dma_start3A_61 = tpu.memref_squeeze %dma_start3A_60 : memref<1x1x4096xi32, #tpu.memory_space<hbm>> -> memref<4096xi32, #tpu.memory_space<hbm>>
    %dma_start3A_62 = arith.constant 0 : i32
    %dma_start3A_63 = tpu.memref_slice %arg3[%shift_right_logical3A_51, %add3A_58, %dma_start3A_62] : memref<50x100x4096xi32, #tpu.memory_space<hbm>> -> memref<1x1x4096xi32, #tpu.memory_space<hbm>>
    %dma_start3A_64 = tpu.memref_squeeze %dma_start3A_63 : memref<1x1x4096xi32, #tpu.memory_space<hbm>> -> memref<4096xi32, #tpu.memory_space<hbm>>
    tpu.enqueue_dma source(%dma_start3A_64 : memref<4096xi32, #tpu.memory_space<hbm>>) target(%arg11 : memref<4096xi32, #tpu.memory_space<vmem>>) target_semaphore(%arg25 : memref<!tpu.dma_semaphore, #tpu.memory_space<semaphore_mem>>)
    %mul3A_65 = arith.constant 2 : i32
    %mul3A_66 = arith.muli %sub3A_54, %mul3A_65 : i32
    %add3A_67 = arith.constant 1 : i32
    %add3A_68 = arith.addi %mul3A_66, %add3A_67 : i32
    %dma_start3A_69 = arith.constant 0 : i32
    %dma_start3A_70 = tpu.memref_slice %arg3[%shift_right_logical3A_51, %add3A_68, %dma_start3A_69] : memref<50x100x4096xi32, #tpu.memory_space<hbm>> -> memref<1x1x4096xi32, #tpu.memory_space<hbm>>
    %dma_start3A_71 = tpu.memref_squeeze %dma_start3A_70 : memref<1x1x4096xi32, #tpu.memory_space<hbm>> -> memref<4096xi32, #tpu.memory_space<hbm>>
    %dma_start3A_72 = arith.constant 0 : i32
    %dma_start3A_73 = tpu.memref_slice %arg3[%shift_right_logical3A_51, %add3A_68, %dma_start3A_72] : memref<50x100x4096xi32, #tpu.memory_space<hbm>> -> memref<1x1x4096xi32, #tpu.memory_space<hbm>>
    %dma_start3A_74 = tpu.memref_squeeze %dma_start3A_73 : memref<1x1x4096xi32, #tpu.memory_space<hbm>> -> memref<4096xi32, #tpu.memory_space<hbm>>
    tpu.enqueue_dma source(%dma_start3A_74 : memref<4096xi32, #tpu.memory_space<hbm>>) target(%arg12 : memref<4096xi32, #tpu.memory_space<vmem>>) target_semaphore(%arg25 : memref<!tpu.dma_semaphore, #tpu.memory_space<semaphore_mem>>)
    %eq3A_75 = arith.constant 0 : i32
    %eq3A_76 = arith.cmpi eq, %sub3A_54, %eq3A_75 : i32
    %convert_element_type3A_77 = arith.extui %eq3A_76 : i1 to i32
    %cond3A_78 = arith.constant 0 : i32
    %cond3A_79 = arith.cmpi ne, %convert_element_type3A_77, %cond3A_78 : i32
    scf.if %cond3A_79 {
      %dma_start3A_121 = arith.constant 0 : i32
      %dma_start3A_122 = tpu.memref_slice %arg4[%shift_right_logical3A_51, %dma_start3A_121] : memref<50x4096xi32, #tpu.memory_space<hbm>> -> memref<1x4096xi32, #tpu.memory_space<hbm>>
      %dma_start3A_123 = tpu.memref_squeeze %dma_start3A_122 : memref<1x4096xi32, #tpu.memory_space<hbm>> -> memref<4096xi32, #tpu.memory_space<hbm>>
      %dma_start3A_124 = arith.constant 0 : i32
      %dma_start3A_125 = tpu.memref_slice %arg4[%shift_right_logical3A_51, %dma_start3A_124] : memref<50x4096xi32, #tpu.memory_space<hbm>> -> memref<1x4096xi32, #tpu.memory_space<hbm>>
      %dma_start3A_126 = tpu.memref_squeeze %dma_start3A_125 : memref<1x4096xi32, #tpu.memory_space<hbm>> -> memref<4096xi32, #tpu.memory_space<hbm>>
      tpu.enqueue_dma source(%dma_start3A_126 : memref<4096xi32, #tpu.memory_space<hbm>>) target(%arg21 : memref<4096xi32, #tpu.memory_space<vmem>>) target_semaphore(%arg25 : memref<!tpu.dma_semaphore, #tpu.memory_space<semaphore_mem>>)
    } else {
    }
    %mul3A_80 = arith.constant 1311 : i32
    %mul3A_81 = arith.muli %mul3A_7, %mul3A_80 : i32
    %shift_right_logical3A_82 = arith.constant 16 : i32
    %shift_right_logical3A_83 = arith.shrui %mul3A_81, %shift_right_logical3A_82 : i32
    %mul3A_84 = arith.constant 50 : i32
    %mul3A_85 = arith.muli %mul3A_84, %shift_right_logical3A_83 : i32
    %sub3A_86 = arith.subi %mul3A_7, %mul3A_85 : i32
    %mul3A_87 = arith.constant 2 : i32
    %mul3A_88 = arith.muli %sub3A_86, %mul3A_87 : i32
    %add3A_89 = arith.constant 0 : i32
    %add3A_90 = arith.addi %mul3A_88, %add3A_89 : i32
    %dma_wait3A = arith.constant 0 : i32
    %dma_wait3A_91 = tpu.memref_slice %arg3[%shift_right_logical3A_83, %add3A_90, %dma_wait3A] : memref<50x100x4096xi32, #tpu.memory_space<hbm>> -> memref<1x1x4096xi32, #tpu.memory_space<hbm>>
    %dma_wait3A_92 = tpu.memref_squeeze %dma_wait3A_91 : memref<1x1x4096xi32, #tpu.memory_space<hbm>> -> memref<4096xi32, #tpu.memory_space<hbm>>
    %dma_wait3A_93 = arith.constant 0 : i32
    %dma_wait3A_94 = tpu.memref_slice %arg3[%shift_right_logical3A_83, %add3A_90, %dma_wait3A_93] : memref<50x100x4096xi32, #tpu.memory_space<hbm>> -> memref<1x1x4096xi32, #tpu.memory_space<hbm>>
    %dma_wait3A_95 = tpu.memref_squeeze %dma_wait3A_94 : memref<1x1x4096xi32, #tpu.memory_space<hbm>> -> memref<4096xi32, #tpu.memory_space<hbm>>
    tpu.wait_dma2 semaphore(%arg24 : memref<!tpu.dma_semaphore, #tpu.memory_space<semaphore_mem>>) src(%dma_wait3A_95 : memref<4096xi32, #tpu.memory_space<hbm>>) dst(%arg9 : memref<4096xi32, #tpu.memory_space<vmem>>)
    %dma_start3A_96 = arith.constant 0 : i32
    %dma_start3A_97 = tpu.memref_slice %arg8[%dma_start3A_96] : memref<1000000xi32, #tpu.memory_space<vmem_shared>> -> memref<1000000xi32, #tpu.memory_space<vmem_shared>>
    tpu.enqueue_indirect_dma source(%dma_start3A_97 : memref<1000000xi32, #tpu.memory_space<vmem_shared>>) target(%arg15 : memref<4096xi32, #tpu.memory_space<vmem>>) offsets(%arg9 : memref<4096xi32, #tpu.memory_space<vmem>>) semaphore(%arg27 : memref<!tpu.dma_semaphore, #tpu.memory_space<semaphore_mem>>)
    %mul3A_98 = arith.constant 2 : i32
    %mul3A_99 = arith.muli %sub3A_86, %mul3A_98 : i32
    %add3A_100 = arith.constant 1 : i32
    %add3A_101 = arith.addi %mul3A_99, %add3A_100 : i32
    %dma_wait3A_102 = arith.constant 0 : i32
    %dma_wait3A_103 = tpu.memref_slice %arg3[%shift_right_logical3A_83, %add3A_101, %dma_wait3A_102] : memref<50x100x4096xi32, #tpu.memory_space<hbm>> -> memref<1x1x4096xi32, #tpu.memory_space<hbm>>
    %dma_wait3A_104 = tpu.memref_squeeze %dma_wait3A_103 : memref<1x1x4096xi32, #tpu.memory_space<hbm>> -> memref<4096xi32, #tpu.memory_space<hbm>>
    %dma_wait3A_105 = arith.constant 0 : i32
    %dma_wait3A_106 = tpu.memref_slice %arg3[%shift_right_logical3A_83, %add3A_101, %dma_wait3A_105] : memref<50x100x4096xi32, #tpu.memory_space<hbm>> -> memref<1x1x4096xi32, #tpu.memory_space<hbm>>
    %dma_wait3A_107 = tpu.memref_squeeze %dma_wait3A_106 : memref<1x1x4096xi32, #tpu.memory_space<hbm>> -> memref<4096xi32, #tpu.memory_space<hbm>>
    tpu.wait_dma2 semaphore(%arg24 : memref<!tpu.dma_semaphore, #tpu.memory_space<semaphore_mem>>) src(%dma_wait3A_107 : memref<4096xi32, #tpu.memory_space<hbm>>) dst(%arg10 : memref<4096xi32, #tpu.memory_space<vmem>>)
    %dma_start3A_108 = arith.constant 0 : i32
    %dma_start3A_109 = tpu.memref_slice %arg8[%dma_start3A_108] : memref<1000000xi32, #tpu.memory_space<vmem_shared>> -> memref<1000000xi32, #tpu.memory_space<vmem_shared>>
    tpu.enqueue_indirect_dma source(%dma_start3A_109 : memref<1000000xi32, #tpu.memory_space<vmem_shared>>) target(%arg16 : memref<4096xi32, #tpu.memory_space<vmem>>) offsets(%arg10 : memref<4096xi32, #tpu.memory_space<vmem>>) semaphore(%arg27 : memref<!tpu.dma_semaphore, #tpu.memory_space<semaphore_mem>>)
    %eq3A_110 = arith.constant 0 : i32
    %eq3A_111 = arith.cmpi eq, %sub3A_86, %eq3A_110 : i32
    %convert_element_type3A_112 = arith.extui %eq3A_111 : i1 to i32
    %cond3A_113 = arith.constant 0 : i32
    %cond3A_114 = arith.cmpi ne, %convert_element_type3A_112, %cond3A_113 : i32
    scf.if %cond3A_114 {
      %dma_wait3A_121 = arith.constant 0 : i32
      %dma_wait3A_122 = tpu.memref_slice %arg4[%shift_right_logical3A_83, %dma_wait3A_121] : memref<50x4096xi32, #tpu.memory_space<hbm>> -> memref<1x4096xi32, #tpu.memory_space<hbm>>
      %dma_wait3A_123 = tpu.memref_squeeze %dma_wait3A_122 : memref<1x4096xi32, #tpu.memory_space<hbm>> -> memref<4096xi32, #tpu.memory_space<hbm>>
      %dma_wait3A_124 = arith.constant 0 : i32
      %dma_wait3A_125 = tpu.memref_slice %arg4[%shift_right_logical3A_83, %dma_wait3A_124] : memref<50x4096xi32, #tpu.memory_space<hbm>> -> memref<1x4096xi32, #tpu.memory_space<hbm>>
      %dma_wait3A_126 = tpu.memref_squeeze %dma_wait3A_125 : memref<1x4096xi32, #tpu.memory_space<hbm>> -> memref<4096xi32, #tpu.memory_space<hbm>>
      tpu.wait_dma2 semaphore(%arg24 : memref<!tpu.dma_semaphore, #tpu.memory_space<semaphore_mem>>) src(%dma_wait3A_126 : memref<4096xi32, #tpu.memory_space<hbm>>) dst(%arg21 : memref<4096xi32, #tpu.memory_space<vmem>>)
      %dma_start3A_127 = arith.constant 0 : i32
      %dma_start3A_128 = tpu.memref_slice %arg8[%dma_start3A_127] : memref<1000000xi32, #tpu.memory_space<vmem_shared>> -> memref<1000000xi32, #tpu.memory_space<vmem_shared>>
      tpu.enqueue_indirect_dma source(%dma_start3A_128 : memref<1000000xi32, #tpu.memory_space<vmem_shared>>) target(%arg22 : memref<4096xi32, #tpu.memory_space<vmem>>) offsets(%arg21 : memref<4096xi32, #tpu.memory_space<vmem>>) semaphore(%arg27 : memref<!tpu.dma_semaphore, #tpu.memory_space<semaphore_mem>>)
    } else {
    }
    %scan3A = arith.constant 0 : i32
    %scan3A_115 = arith.constant -65536 : i32
    %scan3A_116 = arith.constant 0 : i32
    %scan3A_117 = arith.constant 14 : i32
    %scan3A_118 = arith.addi %scan3A_116, %scan3A_117 : i32
    %scan3A_119 = arith.constant 1 : i32
    scf.for %scan3A_121 = %scan3A_116 to %scan3A_118 step %scan3A_119  : i32 {
      %mul3A_122 = arith.constant 6 : i32
      %mul3A_123 = arith.muli %scan3A_121, %mul3A_122 : i32
      %add3A_124 = arith.addi %mul3A_7, %mul3A_123 : i32
      %add3A_125 = arith.constant 0 : i32
      %add3A_126 = arith.addi %add3A_124, %add3A_125 : i32
      %add3A_127 = arith.constant 2 : i32
      %add3A_128 = arith.addi %add3A_126, %add3A_127 : i32
      %lt3A = arith.cmpi slt, %add3A_128, %mul3A_15 : i32
      %convert_element_type3A_129 = arith.extui %lt3A : i1 to i32
      %cond3A_130 = arith.constant 0 : i32
      %cond3A_131 = arith.cmpi ne, %convert_element_type3A_129, %cond3A_130 : i32
      scf.if %cond3A_131 {
        %add3A_232 = arith.constant 2 : i32
        %add3A_233 = arith.addi %add3A_126, %add3A_232 : i32
        %mul3A_234 = arith.constant 1311 : i32
        %mul3A_235 = arith.muli %add3A_233, %mul3A_234 : i32
        %shift_right_logical3A_236 = arith.constant 16 : i32
        %shift_right_logical3A_237 = arith.shrui %mul3A_235, %shift_right_logical3A_236 : i32
        %mul3A_238 = arith.constant 50 : i32
        %mul3A_239 = arith.muli %mul3A_238, %shift_right_logical3A_237 : i32
        %sub3A_240 = arith.subi %add3A_233, %mul3A_239 : i32
        %mul3A_241 = arith.constant 2 : i32
        %mul3A_242 = arith.muli %sub3A_240, %mul3A_241 : i32
        %add3A_243 = arith.constant 0 : i32
        %add3A_244 = arith.addi %mul3A_242, %add3A_243 : i32
        %dma_start3A_245 = arith.constant 0 : i32
        %dma_start3A_246 = tpu.memref_slice %arg3[%shift_right_logical3A_237, %add3A_244, %dma_start3A_245] : memref<50x100x4096xi32, #tpu.memory_space<hbm>> -> memref<1x1x4096xi32, #tpu.memory_space<hbm>>
        %dma_start3A_247 = tpu.memref_squeeze %dma_start3A_246 : memref<1x1x4096xi32, #tpu.memory_space<hbm>> -> memref<4096xi32, #tpu.memory_space<hbm>>
        %dma_start3A_248 = arith.constant 0 : i32
        %dma_start3A_249 = tpu.memref_slice %arg3[%shift_right_logical3A_237, %add3A_244, %dma_start3A_248] : memref<50x100x4096xi32, #tpu.memory_space<hbm>> -> memref<1x1x4096xi32, #tpu.memory_space<hbm>>
        %dma_start3A_250 = tpu.memref_squeeze %dma_start3A_249 : memref<1x1x4096xi32, #tpu.memory_space<hbm>> -> memref<4096xi32, #tpu.memory_space<hbm>>
        tpu.enqueue_dma source(%dma_start3A_250 : memref<4096xi32, #tpu.memory_space<hbm>>) target(%arg13 : memref<4096xi32, #tpu.memory_space<vmem>>) target_semaphore(%arg26 : memref<!tpu.dma_semaphore, #tpu.memory_space<semaphore_mem>>)
        %mul3A_251 = arith.constant 2 : i32
        %mul3A_252 = arith.muli %sub3A_240, %mul3A_251 : i32
        %add3A_253 = arith.constant 1 : i32
        %add3A_254 = arith.addi %mul3A_252, %add3A_253 : i32
        %dma_start3A_255 = arith.constant 0 : i32
        %dma_start3A_256 = tpu.memref_slice %arg3[%shift_right_logical3A_237, %add3A_254, %dma_start3A_255] : memref<50x100x4096xi32, #tpu.memory_space<hbm>> -> memref<1x1x4096xi32, #tpu.memory_space<hbm>>
        %dma_start3A_257 = tpu.memref_squeeze %dma_start3A_256 : memref<1x1x4096xi32, #tpu.memory_space<hbm>> -> memref<4096xi32, #tpu.memory_space<hbm>>
        %dma_start3A_258 = arith.constant 0 : i32
        %dma_start3A_259 = tpu.memref_slice %arg3[%shift_right_logical3A_237, %add3A_254, %dma_start3A_258] : memref<50x100x4096xi32, #tpu.memory_space<hbm>> -> memref<1x1x4096xi32, #tpu.memory_space<hbm>>
        %dma_start3A_260 = tpu.memref_squeeze %dma_start3A_259 : memref<1x1x4096xi32, #tpu.memory_space<hbm>> -> memref<4096xi32, #tpu.memory_space<hbm>>
        tpu.enqueue_dma source(%dma_start3A_260 : memref<4096xi32, #tpu.memory_space<hbm>>) target(%arg14 : memref<4096xi32, #tpu.memory_space<vmem>>) target_semaphore(%arg26 : memref<!tpu.dma_semaphore, #tpu.memory_space<semaphore_mem>>)
        %eq3A_261 = arith.constant 0 : i32
        %eq3A_262 = arith.cmpi eq, %sub3A_240, %eq3A_261 : i32
        %convert_element_type3A_263 = arith.extui %eq3A_262 : i1 to i32
        %cond3A_264 = arith.constant 0 : i32
        %cond3A_265 = arith.cmpi ne, %convert_element_type3A_263, %cond3A_264 : i32
        scf.if %cond3A_265 {
          %dma_start3A_266 = arith.constant 0 : i32
          %dma_start3A_267 = tpu.memref_slice %arg4[%shift_right_logical3A_237, %dma_start3A_266] : memref<50x4096xi32, #tpu.memory_space<hbm>> -> memref<1x4096xi32, #tpu.memory_space<hbm>>
          %dma_start3A_268 = tpu.memref_squeeze %dma_start3A_267 : memref<1x4096xi32, #tpu.memory_space<hbm>> -> memref<4096xi32, #tpu.memory_space<hbm>>
          %dma_start3A_269 = arith.constant 0 : i32
          %dma_start3A_270 = tpu.memref_slice %arg4[%shift_right_logical3A_237, %dma_start3A_269] : memref<50x4096xi32, #tpu.memory_space<hbm>> -> memref<1x4096xi32, #tpu.memory_space<hbm>>
          %dma_start3A_271 = tpu.memref_squeeze %dma_start3A_270 : memref<1x4096xi32, #tpu.memory_space<hbm>> -> memref<4096xi32, #tpu.memory_space<hbm>>
          tpu.enqueue_dma source(%dma_start3A_271 : memref<4096xi32, #tpu.memory_space<hbm>>) target(%arg21 : memref<4096xi32, #tpu.memory_space<vmem>>) target_semaphore(%arg26 : memref<!tpu.dma_semaphore, #tpu.memory_space<semaphore_mem>>)
        } else {
        }
      } else {
      }
      %add3A_132 = arith.constant 1 : i32
      %add3A_133 = arith.addi %add3A_126, %add3A_132 : i32
      %lt3A_134 = arith.cmpi slt, %add3A_133, %mul3A_15 : i32
      %convert_element_type3A_135 = arith.extui %lt3A_134 : i1 to i32
      %cond3A_136 = arith.constant 0 : i32
      %cond3A_137 = arith.cmpi ne, %convert_element_type3A_135, %cond3A_136 : i32
      scf.if %cond3A_137 {
        %add3A_232 = arith.constant 1 : i32
        %add3A_233 = arith.addi %add3A_126, %add3A_232 : i32
        %mul3A_234 = arith.constant 1311 : i32
        %mul3A_235 = arith.muli %add3A_233, %mul3A_234 : i32
        %shift_right_logical3A_236 = arith.constant 16 : i32
        %shift_right_logical3A_237 = arith.shrui %mul3A_235, %shift_right_logical3A_236 : i32
        %mul3A_238 = arith.constant 50 : i32
        %mul3A_239 = arith.muli %mul3A_238, %shift_right_logical3A_237 : i32
        %sub3A_240 = arith.subi %add3A_233, %mul3A_239 : i32
        %mul3A_241 = arith.constant 2 : i32
        %mul3A_242 = arith.muli %sub3A_240, %mul3A_241 : i32
        %add3A_243 = arith.constant 0 : i32
        %add3A_244 = arith.addi %mul3A_242, %add3A_243 : i32
        %dma_wait3A_245 = arith.constant 0 : i32
        %dma_wait3A_246 = tpu.memref_slice %arg3[%shift_right_logical3A_237, %add3A_244, %dma_wait3A_245] : memref<50x100x4096xi32, #tpu.memory_space<hbm>> -> memref<1x1x4096xi32, #tpu.memory_space<hbm>>
        %dma_wait3A_247 = tpu.memref_squeeze %dma_wait3A_246 : memref<1x1x4096xi32, #tpu.memory_space<hbm>> -> memref<4096xi32, #tpu.memory_space<hbm>>
        %dma_wait3A_248 = arith.constant 0 : i32
        %dma_wait3A_249 = tpu.memref_slice %arg3[%shift_right_logical3A_237, %add3A_244, %dma_wait3A_248] : memref<50x100x4096xi32, #tpu.memory_space<hbm>> -> memref<1x1x4096xi32, #tpu.memory_space<hbm>>
        %dma_wait3A_250 = tpu.memref_squeeze %dma_wait3A_249 : memref<1x1x4096xi32, #tpu.memory_space<hbm>> -> memref<4096xi32, #tpu.memory_space<hbm>>
        tpu.wait_dma2 semaphore(%arg25 : memref<!tpu.dma_semaphore, #tpu.memory_space<semaphore_mem>>) src(%dma_wait3A_250 : memref<4096xi32, #tpu.memory_space<hbm>>) dst(%arg11 : memref<4096xi32, #tpu.memory_space<vmem>>)
        %dma_start3A_251 = arith.constant 0 : i32
        %dma_start3A_252 = tpu.memref_slice %arg8[%dma_start3A_251] : memref<1000000xi32, #tpu.memory_space<vmem_shared>> -> memref<1000000xi32, #tpu.memory_space<vmem_shared>>
        tpu.enqueue_indirect_dma source(%dma_start3A_252 : memref<1000000xi32, #tpu.memory_space<vmem_shared>>) target(%arg17 : memref<4096xi32, #tpu.memory_space<vmem>>) offsets(%arg11 : memref<4096xi32, #tpu.memory_space<vmem>>) semaphore(%arg28 : memref<!tpu.dma_semaphore, #tpu.memory_space<semaphore_mem>>)
        %mul3A_253 = arith.constant 2 : i32
        %mul3A_254 = arith.muli %sub3A_240, %mul3A_253 : i32
        %add3A_255 = arith.constant 1 : i32
        %add3A_256 = arith.addi %mul3A_254, %add3A_255 : i32
        %dma_wait3A_257 = arith.constant 0 : i32
        %dma_wait3A_258 = tpu.memref_slice %arg3[%shift_right_logical3A_237, %add3A_256, %dma_wait3A_257] : memref<50x100x4096xi32, #tpu.memory_space<hbm>> -> memref<1x1x4096xi32, #tpu.memory_space<hbm>>
        %dma_wait3A_259 = tpu.memref_squeeze %dma_wait3A_258 : memref<1x1x4096xi32, #tpu.memory_space<hbm>> -> memref<4096xi32, #tpu.memory_space<hbm>>
        %dma_wait3A_260 = arith.constant 0 : i32
        %dma_wait3A_261 = tpu.memref_slice %arg3[%shift_right_logical3A_237, %add3A_256, %dma_wait3A_260] : memref<50x100x4096xi32, #tpu.memory_space<hbm>> -> memref<1x1x4096xi32, #tpu.memory_space<hbm>>
        %dma_wait3A_262 = tpu.memref_squeeze %dma_wait3A_261 : memref<1x1x4096xi32, #tpu.memory_space<hbm>> -> memref<4096xi32, #tpu.memory_space<hbm>>
        tpu.wait_dma2 semaphore(%arg25 : memref<!tpu.dma_semaphore, #tpu.memory_space<semaphore_mem>>) src(%dma_wait3A_262 : memref<4096xi32, #tpu.memory_space<hbm>>) dst(%arg12 : memref<4096xi32, #tpu.memory_space<vmem>>)
        %dma_start3A_263 = arith.constant 0 : i32
        %dma_start3A_264 = tpu.memref_slice %arg8[%dma_start3A_263] : memref<1000000xi32, #tpu.memory_space<vmem_shared>> -> memref<1000000xi32, #tpu.memory_space<vmem_shared>>
        tpu.enqueue_indirect_dma source(%dma_start3A_264 : memref<1000000xi32, #tpu.memory_space<vmem_shared>>) target(%arg18 : memref<4096xi32, #tpu.memory_space<vmem>>) offsets(%arg12 : memref<4096xi32, #tpu.memory_space<vmem>>) semaphore(%arg28 : memref<!tpu.dma_semaphore, #tpu.memory_space<semaphore_mem>>)
        %eq3A_265 = arith.constant 0 : i32
        %eq3A_266 = arith.cmpi eq, %sub3A_240, %eq3A_265 : i32
        %convert_element_type3A_267 = arith.extui %eq3A_266 : i1 to i32
        %cond3A_268 = arith.constant 0 : i32
        %cond3A_269 = arith.cmpi ne, %convert_element_type3A_267, %cond3A_268 : i32
        scf.if %cond3A_269 {
          %dma_wait3A_270 = arith.constant 0 : i32
          %dma_wait3A_271 = tpu.memref_slice %arg4[%shift_right_logical3A_237, %dma_wait3A_270] : memref<50x4096xi32, #tpu.memory_space<hbm>> -> memref<1x4096xi32, #tpu.memory_space<hbm>>
          %dma_wait3A_272 = tpu.memref_squeeze %dma_wait3A_271 : memref<1x4096xi32, #tpu.memory_space<hbm>> -> memref<4096xi32, #tpu.memory_space<hbm>>
          %dma_wait3A_273 = arith.constant 0 : i32
          %dma_wait3A_274 = tpu.memref_slice %arg4[%shift_right_logical3A_237, %dma_wait3A_273] : memref<50x4096xi32, #tpu.memory_space<hbm>> -> memref<1x4096xi32, #tpu.memory_space<hbm>>
          %dma_wait3A_275 = tpu.memref_squeeze %dma_wait3A_274 : memref<1x4096xi32, #tpu.memory_space<hbm>> -> memref<4096xi32, #tpu.memory_space<hbm>>
          tpu.wait_dma2 semaphore(%arg25 : memref<!tpu.dma_semaphore, #tpu.memory_space<semaphore_mem>>) src(%dma_wait3A_275 : memref<4096xi32, #tpu.memory_space<hbm>>) dst(%arg21 : memref<4096xi32, #tpu.memory_space<vmem>>)
          %dma_start3A_276 = arith.constant 0 : i32
          %dma_start3A_277 = tpu.memref_slice %arg8[%dma_start3A_276] : memref<1000000xi32, #tpu.memory_space<vmem_shared>> -> memref<1000000xi32, #tpu.memory_space<vmem_shared>>
          tpu.enqueue_indirect_dma source(%dma_start3A_277 : memref<1000000xi32, #tpu.memory_space<vmem_shared>>) target(%arg22 : memref<4096xi32, #tpu.memory_space<vmem>>) offsets(%arg21 : memref<4096xi32, #tpu.memory_space<vmem>>) semaphore(%arg28 : memref<!tpu.dma_semaphore, #tpu.memory_space<semaphore_mem>>)
        } else {
        }
      } else {
      }
      %lt3A_138 = arith.cmpi slt, %add3A_126, %mul3A_15 : i32
      %convert_element_type3A_139 = arith.extui %lt3A_138 : i1 to i32
      %cond3A_140 = arith.constant 0 : i32
      %cond3A_141 = arith.cmpi ne, %convert_element_type3A_139, %cond3A_140 : i32
      scf.if %cond3A_141 {
        %mul3A_232 = arith.constant 1311 : i32
        %mul3A_233 = arith.muli %add3A_126, %mul3A_232 : i32
        %shift_right_logical3A_234 = arith.constant 16 : i32
        %shift_right_logical3A_235 = arith.shrui %mul3A_233, %shift_right_logical3A_234 : i32
        %mul3A_236 = arith.constant 50 : i32
        %mul3A_237 = arith.muli %mul3A_236, %shift_right_logical3A_235 : i32
        %sub3A_238 = arith.subi %add3A_126, %mul3A_237 : i32
        %mul3A_239 = arith.constant 13108 : i32
        %mul3A_240 = arith.muli %sub3A_238, %mul3A_239 : i32
        %shift_right_logical3A_241 = arith.constant 16 : i32
        %shift_right_logical3A_242 = arith.shrui %mul3A_240, %shift_right_logical3A_241 : i32
        %mul3A_243 = arith.constant 5 : i32
        %mul3A_244 = arith.muli %mul3A_243, %shift_right_logical3A_242 : i32
        %sub3A_245 = arith.subi %sub3A_238, %mul3A_244 : i32
        %eq3A_246 = arith.constant 0 : i32
        %eq3A_247 = arith.cmpi eq, %sub3A_245, %eq3A_246 : i32
        %broadcast_in_dim3A = vector.broadcast %eq3A_247 : i1 to vector<16xi1>
        %eq3A_248 = arith.constant 0 : i32
        %eq3A_249 = arith.cmpi eq, %sub3A_238, %eq3A_248 : i32
        %eq3A_250 = arith.cmpi eq, %add3A_126, %mul3A_7 : i32
        %or3A = arith.ori %eq3A_249, %eq3A_250 : i1
        %convert_element_type3A_251 = arith.extui %or3A : i1 to i32
        %cond3A_252 = arith.constant 0 : i32
        %cond3A_253 = arith.cmpi ne, %convert_element_type3A_251, %cond3A_252 : i32
        scf.if %cond3A_253 {
          "tpu.region"() ({
            %run_scoped3A = tpu.sem_alloc : memref<!tpu.dma_semaphore, #tpu.memory_space<semaphore_mem>>
            %dma_start3A_272 = arith.constant 0 : i32
            %dma_start3A_273 = tpu.memref_slice %arg5[%shift_right_logical3A_235, %dma_start3A_272] : memref<50x4096xf32, #tpu.memory_space<hbm>> -> memref<1x4096xf32, #tpu.memory_space<hbm>>
            %dma_start3A_274 = tpu.memref_squeeze %dma_start3A_273 : memref<1x4096xf32, #tpu.memory_space<hbm>> -> memref<4096xf32, #tpu.memory_space<hbm>>
            %dma_start3A_275 = arith.constant 0 : i32
            %dma_start3A_276 = tpu.memref_slice %arg5[%shift_right_logical3A_235, %dma_start3A_275] : memref<50x4096xf32, #tpu.memory_space<hbm>> -> memref<1x4096xf32, #tpu.memory_space<hbm>>
            %dma_start3A_277 = tpu.memref_squeeze %dma_start3A_276 : memref<1x4096xf32, #tpu.memory_space<hbm>> -> memref<4096xf32, #tpu.memory_space<hbm>>
            tpu.enqueue_dma source(%dma_start3A_277 : memref<4096xf32, #tpu.memory_space<hbm>>) target(%arg19 : memref<4096xf32, #tpu.memory_space<vmem>>) target_semaphore(%run_scoped3A : memref<!tpu.dma_semaphore, #tpu.memory_space<semaphore_mem>>)
            %dma_wait3A_278 = arith.constant 0 : i32
            %dma_wait3A_279 = tpu.memref_slice %arg5[%shift_right_logical3A_235, %dma_wait3A_278] : memref<50x4096xf32, #tpu.memory_space<hbm>> -> memref<1x4096xf32, #tpu.memory_space<hbm>>
            %dma_wait3A_280 = tpu.memref_squeeze %dma_wait3A_279 : memref<1x4096xf32, #tpu.memory_space<hbm>> -> memref<4096xf32, #tpu.memory_space<hbm>>
            %dma_wait3A_281 = arith.constant 0 : i32
            %dma_wait3A_282 = tpu.memref_slice %arg5[%shift_right_logical3A_235, %dma_wait3A_281] : memref<50x4096xf32, #tpu.memory_space<hbm>> -> memref<1x4096xf32, #tpu.memory_space<hbm>>
            %dma_wait3A_283 = tpu.memref_squeeze %dma_wait3A_282 : memref<1x4096xf32, #tpu.memory_space<hbm>> -> memref<4096xf32, #tpu.memory_space<hbm>>
            tpu.wait_dma2 semaphore(%run_scoped3A : memref<!tpu.dma_semaphore, #tpu.memory_space<semaphore_mem>>) src(%dma_wait3A_283 : memref<4096xf32, #tpu.memory_space<hbm>>) dst(%arg19 : memref<4096xf32, #tpu.memory_space<vmem>>)
            tpu.yield
          }) : () -> ()
        } else {
        }
        %dma_wait3A_254 = arith.constant 0 : i32
        %dma_wait3A_255 = tpu.memref_slice %arg8[%dma_wait3A_254] : memref<1000000xi32, #tpu.memory_space<vmem_shared>> -> memref<1000000xi32, #tpu.memory_space<vmem_shared>>
        tpu.wait_indirect_dma semaphore(%arg27 : memref<!tpu.dma_semaphore, #tpu.memory_space<semaphore_mem>>) src(%dma_wait3A_255 : memref<1000000xi32, #tpu.memory_space<vmem_shared>>) dst(%arg15 : memref<4096xi32, #tpu.memory_space<vmem>>)
        %dma_wait3A_256 = arith.constant 0 : i32
        %dma_wait3A_257 = tpu.memref_slice %arg8[%dma_wait3A_256] : memref<1000000xi32, #tpu.memory_space<vmem_shared>> -> memref<1000000xi32, #tpu.memory_space<vmem_shared>>
        tpu.wait_indirect_dma semaphore(%arg27 : memref<!tpu.dma_semaphore, #tpu.memory_space<semaphore_mem>>) src(%dma_wait3A_257 : memref<1000000xi32, #tpu.memory_space<vmem_shared>>) dst(%arg16 : memref<4096xi32, #tpu.memory_space<vmem>>)
        %eq3A_258 = arith.constant 0 : i32
        %eq3A_259 = arith.cmpi eq, %sub3A_238, %eq3A_258 : i32
        %convert_element_type3A_260 = arith.extui %eq3A_259 : i1 to i32
        %cond3A_261 = arith.constant 0 : i32
        %cond3A_262 = arith.cmpi ne, %convert_element_type3A_260, %cond3A_261 : i32
        scf.if %cond3A_262 {
          %dma_wait3A_272 = arith.constant 0 : i32
          %dma_wait3A_273 = tpu.memref_slice %arg8[%dma_wait3A_272] : memref<1000000xi32, #tpu.memory_space<vmem_shared>> -> memref<1000000xi32, #tpu.memory_space<vmem_shared>>
          tpu.wait_indirect_dma semaphore(%arg27 : memref<!tpu.dma_semaphore, #tpu.memory_space<semaphore_mem>>) src(%dma_wait3A_273 : memref<1000000xi32, #tpu.memory_space<vmem_shared>>) dst(%arg22 : memref<4096xi32, #tpu.memory_space<vmem>>)
          %scan3A_274 = arith.constant 0 : i32
          %scan3A_275 = arith.constant 0 : i32
          %scan3A_276 = arith.constant 256 : i32
          %scan3A_277 = arith.addi %scan3A_275, %scan3A_276 : i32
          %scan3A_278 = arith.constant 1 : i32
          %scan3A_279 = scf.for %scan3A_281 = %scan3A_275 to %scan3A_277 step %scan3A_278 iter_args(%scan3A_282 = %scan3A_274) -> (i32)  : i32 {
            %mul3A_283 = arith.constant 16 : i32
            %mul3A_284 = arith.muli %scan3A_281, %mul3A_283 : i32
            %get3A = arith.index_cast %mul3A_284 : i32 to index
            %get3A_285 = tpu.vector_load %arg19[%get3A] {strides = array<i32>} : memref<4096xf32, #tpu.memory_space<vmem>>, vector<16xf32>,
            %broadcast_in_dim3A_286 = arith.constant 0.000000e+00 : f32
            %broadcast_in_dim3A_287 = vector.broadcast %broadcast_in_dim3A_286 : f32 to vector<16xf32>
            %get3A_288 = arith.index_cast %mul3A_284 : i32 to index
            %get3A_289 = tpu.vector_load %arg20[%get3A_288] {strides = array<i32>} : memref<4096xf32, #tpu.memory_space<vmem>>, vector<16xf32>,
            %select_n3A = arith.select %broadcast_in_dim3A, %broadcast_in_dim3A_287, %get3A_289 : vector<16xi1>, vector<16xf32>
            %get3A_290 = arith.index_cast %mul3A_284 : i32 to index
            %get3A_291 = tpu.vector_load %arg15[%get3A_290] {strides = array<i32>} : memref<4096xi32, #tpu.memory_space<vmem>>, vector<16xi32>,
            %and3A = vector.broadcast %scan3A_115 : i32 to vector<16xi32>
            %and3A_292 = arith.andi %get3A_291, %and3A : vector<16xi32>
            %bitcast_convert_type3A = tpu.bitcast %and3A_292 : vector<16xi32> -> vector<16xf32>
            %mul3A_293 = arith.mulf %bitcast_convert_type3A, %get3A_285 : vector<16xf32>
            %shift_left3A = arith.constant 16 : i32
            %shift_left3A_294 = vector.broadcast %shift_left3A : i32 to vector<16xi32>
            %shift_left3A_295 = arith.shli %get3A_291, %shift_left3A_294 : vector<16xi32>
            %bitcast_convert_type3A_296 = tpu.bitcast %shift_left3A_295 : vector<16xi32> -> vector<16xf32>
            %add3A_297 = arith.addf %mul3A_293, %bitcast_convert_type3A_296 : vector<16xf32>
            %exp3A = math.exp %add3A_297 : vector<16xf32>
            %add3A_298 = arith.addf %select_n3A, %exp3A : vector<16xf32>
            %get3A_299 = arith.index_cast %mul3A_284 : i32 to index
            %get3A_300 = tpu.vector_load %arg16[%get3A_299] {strides = array<i32>} : memref<4096xi32, #tpu.memory_space<vmem>>, vector<16xi32>,
            %and3A_301 = vector.broadcast %scan3A_115 : i32 to vector<16xi32>
            %and3A_302 = arith.andi %get3A_300, %and3A_301 : vector<16xi32>
            %bitcast_convert_type3A_303 = tpu.bitcast %and3A_302 : vector<16xi32> -> vector<16xf32>
            %mul3A_304 = arith.mulf %bitcast_convert_type3A_303, %get3A_285 : vector<16xf32>
            %shift_left3A_305 = arith.constant 16 : i32
            %shift_left3A_306 = vector.broadcast %shift_left3A_305 : i32 to vector<16xi32>
            %shift_left3A_307 = arith.shli %get3A_300, %shift_left3A_306 : vector<16xi32>
            %bitcast_convert_type3A_308 = tpu.bitcast %shift_left3A_307 : vector<16xi32> -> vector<16xf32>
            %add3A_309 = arith.addf %mul3A_304, %bitcast_convert_type3A_308 : vector<16xf32>
            %exp3A_310 = math.exp %add3A_309 : vector<16xf32>
            %add3A_311 = arith.addf %add3A_298, %exp3A_310 : vector<16xf32>
            %get3A_312 = arith.index_cast %mul3A_284 : i32 to index
            %get3A_313 = tpu.vector_load %arg22[%get3A_312] {strides = array<i32>} : memref<4096xi32, #tpu.memory_space<vmem>>, vector<16xi32>,
            %and3A_314 = vector.broadcast %scan3A_115 : i32 to vector<16xi32>
            %and3A_315 = arith.andi %get3A_313, %and3A_314 : vector<16xi32>
            %bitcast_convert_type3A_316 = tpu.bitcast %and3A_315 : vector<16xi32> -> vector<16xf32>
            %mul3A_317 = arith.mulf %bitcast_convert_type3A_316, %get3A_285 : vector<16xf32>
            %shift_left3A_318 = arith.constant 16 : i32
            %shift_left3A_319 = vector.broadcast %shift_left3A_318 : i32 to vector<16xi32>
            %shift_left3A_320 = arith.shli %get3A_313, %shift_left3A_319 : vector<16xi32>
            %bitcast_convert_type3A_321 = tpu.bitcast %shift_left3A_320 : vector<16xi32> -> vector<16xf32>
            %add3A_322 = arith.addf %mul3A_317, %bitcast_convert_type3A_321 : vector<16xf32>
            %swap3A = arith.index_cast %mul3A_284 : i32 to index
            %swap3A_323 = tpu.vector_load %arg23[%swap3A] {strides = array<i32>} : memref<4096xf32, #tpu.memory_space<vmem>>, vector<16xf32>,
            tpu.vector_store %arg23[%swap3A], %add3A_322 {strides = array<i32>} : memref<4096xf32, #tpu.memory_space<vmem>>, vector<16xf32>,
            %exp3A_324 = math.exp %add3A_322 : vector<16xf32>
            %add3A_325 = arith.addf %add3A_311, %exp3A_324 : vector<16xf32>
            %swap3A_326 = arith.index_cast %mul3A_284 : i32 to index
            %swap3A_327 = tpu.vector_load %arg20[%swap3A_326] {strides = array<i32>} : memref<4096xf32, #tpu.memory_space<vmem>>, vector<16xf32>,
            tpu.vector_store %arg20[%swap3A_326], %add3A_325 {strides = array<i32>} : memref<4096xf32, #tpu.memory_space<vmem>>, vector<16xf32>,
            %scan3A_328 = arith.constant 0 : i32
            scf.yield %scan3A_328 : i32
          }
          %scan3A_280 = arith.constant 256 : i32
          "tpu.region"() ({
            %run_scoped3A = tpu.sem_alloc : memref<!tpu.dma_semaphore, #tpu.memory_space<semaphore_mem>>
            %dma_start3A_281 = arith.constant 0 : i32
            %dma_start3A_282 = tpu.memref_slice %arg7[%shift_right_logical3A_235, %dma_start3A_281] : memref<50x4096xf32, #tpu.memory_space<hbm>> -> memref<1x4096xf32, #tpu.memory_space<hbm>>
            %dma_start3A_283 = tpu.memref_squeeze %dma_start3A_282 : memref<1x4096xf32, #tpu.memory_space<hbm>> -> memref<4096xf32, #tpu.memory_space<hbm>>
            %dma_start3A_284 = arith.constant 0 : i32
            %dma_start3A_285 = tpu.memref_slice %arg7[%shift_right_logical3A_235, %dma_start3A_284] : memref<50x4096xf32, #tpu.memory_space<hbm>> -> memref<1x4096xf32, #tpu.memory_space<hbm>>
            %dma_start3A_286 = tpu.memref_squeeze %dma_start3A_285 : memref<1x4096xf32, #tpu.memory_space<hbm>> -> memref<4096xf32, #tpu.memory_space<hbm>>
            tpu.enqueue_dma source(%arg23 : memref<4096xf32, #tpu.memory_space<vmem>>) target(%dma_start3A_286 : memref<4096xf32, #tpu.memory_space<hbm>>) target_semaphore(%run_scoped3A : memref<!tpu.dma_semaphore, #tpu.memory_space<semaphore_mem>>)
            %dma_wait3A_287 = arith.constant 0 : i32
            %dma_wait3A_288 = tpu.memref_slice %arg7[%shift_right_logical3A_235, %dma_wait3A_287] : memref<50x4096xf32, #tpu.memory_space<hbm>> -> memref<1x4096xf32, #tpu.memory_space<hbm>>
            %dma_wait3A_289 = tpu.memref_squeeze %dma_wait3A_288 : memref<1x4096xf32, #tpu.memory_space<hbm>> -> memref<4096xf32, #tpu.memory_space<hbm>>
            %dma_wait3A_290 = arith.constant 0 : i32
            %dma_wait3A_291 = tpu.memref_slice %arg7[%shift_right_logical3A_235, %dma_wait3A_290] : memref<50x4096xf32, #tpu.memory_space<hbm>> -> memref<1x4096xf32, #tpu.memory_space<hbm>>
            %dma_wait3A_292 = tpu.memref_squeeze %dma_wait3A_291 : memref<1x4096xf32, #tpu.memory_space<hbm>> -> memref<4096xf32, #tpu.memory_space<hbm>>
            tpu.wait_dma2 semaphore(%run_scoped3A : memref<!tpu.dma_semaphore, #tpu.memory_space<semaphore_mem>>) src(%arg23 : memref<4096xf32, #tpu.memory_space<vmem>>) dst(%dma_wait3A_292 : memref<4096xf32, #tpu.memory_space<hbm>>)
            tpu.yield
          }) : () -> ()
        } else {
        }
        %ne3A = arith.constant 0 : i32
        %ne3A_263 = arith.cmpi ne, %sub3A_238, %ne3A : i32
        %convert_element_type3A_264 = arith.extui %ne3A_263 : i1 to i32
        %cond3A_265 = arith.constant 0 : i32
        %cond3A_266 = arith.cmpi ne, %convert_element_type3A_264, %cond3A_265 : i32
        scf.if %cond3A_266 {
          %scan3A_272 = arith.constant 0 : i32
          %scan3A_273 = arith.constant 0 : i32
          %scan3A_274 = arith.constant 256 : i32
          %scan3A_275 = arith.addi %scan3A_273, %scan3A_274 : i32
          %scan3A_276 = arith.constant 1 : i32
          %scan3A_277 = scf.for %scan3A_279 = %scan3A_273 to %scan3A_275 step %scan3A_276 iter_args(%scan3A_280 = %scan3A_272) -> (i32)  : i32 {
            %mul3A_281 = arith.constant 16 : i32
            %mul3A_282 = arith.muli %scan3A_279, %mul3A_281 : i32
            %get3A = arith.index_cast %mul3A_282 : i32 to index
            %get3A_283 = tpu.vector_load %arg19[%get3A] {strides = array<i32>} : memref<4096xf32, #tpu.memory_space<vmem>>, vector<16xf32>,
            %broadcast_in_dim3A_284 = arith.constant 0.000000e+00 : f32
            %broadcast_in_dim3A_285 = vector.broadcast %broadcast_in_dim3A_284 : f32 to vector<16xf32>
            %get3A_286 = arith.index_cast %mul3A_282 : i32 to index
            %get3A_287 = tpu.vector_load %arg20[%get3A_286] {strides = array<i32>} : memref<4096xf32, #tpu.memory_space<vmem>>, vector<16xf32>,
            %select_n3A = arith.select %broadcast_in_dim3A, %broadcast_in_dim3A_285, %get3A_287 : vector<16xi1>, vector<16xf32>
            %get3A_288 = arith.index_cast %mul3A_282 : i32 to index
            %get3A_289 = tpu.vector_load %arg15[%get3A_288] {strides = array<i32>} : memref<4096xi32, #tpu.memory_space<vmem>>, vector<16xi32>,
            %and3A = vector.broadcast %scan3A_115 : i32 to vector<16xi32>
            %and3A_290 = arith.andi %get3A_289, %and3A : vector<16xi32>
            %bitcast_convert_type3A = tpu.bitcast %and3A_290 : vector<16xi32> -> vector<16xf32>
            %mul3A_291 = arith.mulf %bitcast_convert_type3A, %get3A_283 : vector<16xf32>
            %shift_left3A = arith.constant 16 : i32
            %shift_left3A_292 = vector.broadcast %shift_left3A : i32 to vector<16xi32>
            %shift_left3A_293 = arith.shli %get3A_289, %shift_left3A_292 : vector<16xi32>
            %bitcast_convert_type3A_294 = tpu.bitcast %shift_left3A_293 : vector<16xi32> -> vector<16xf32>
            %add3A_295 = arith.addf %mul3A_291, %bitcast_convert_type3A_294 : vector<16xf32>
            %exp3A = math.exp %add3A_295 : vector<16xf32>
            %add3A_296 = arith.addf %select_n3A, %exp3A : vector<16xf32>
            %get3A_297 = arith.index_cast %mul3A_282 : i32 to index
            %get3A_298 = tpu.vector_load %arg16[%get3A_297] {strides = array<i32>} : memref<4096xi32, #tpu.memory_space<vmem>>, vector<16xi32>,
            %and3A_299 = vector.broadcast %scan3A_115 : i32 to vector<16xi32>
            %and3A_300 = arith.andi %get3A_298, %and3A_299 : vector<16xi32>
            %bitcast_convert_type3A_301 = tpu.bitcast %and3A_300 : vector<16xi32> -> vector<16xf32>
            %mul3A_302 = arith.mulf %bitcast_convert_type3A_301, %get3A_283 : vector<16xf32>
            %shift_left3A_303 = arith.constant 16 : i32
            %shift_left3A_304 = vector.broadcast %shift_left3A_303 : i32 to vector<16xi32>
            %shift_left3A_305 = arith.shli %get3A_298, %shift_left3A_304 : vector<16xi32>
            %bitcast_convert_type3A_306 = tpu.bitcast %shift_left3A_305 : vector<16xi32> -> vector<16xf32>
            %add3A_307 = arith.addf %mul3A_302, %bitcast_convert_type3A_306 : vector<16xf32>
            %exp3A_308 = math.exp %add3A_307 : vector<16xf32>
            %add3A_309 = arith.addf %add3A_296, %exp3A_308 : vector<16xf32>
            %swap3A = arith.index_cast %mul3A_282 : i32 to index
            %swap3A_310 = tpu.vector_load %arg20[%swap3A] {strides = array<i32>} : memref<4096xf32, #tpu.memory_space<vmem>>, vector<16xf32>,
            tpu.vector_store %arg20[%swap3A], %add3A_309 {strides = array<i32>} : memref<4096xf32, #tpu.memory_space<vmem>>, vector<16xf32>,
            %scan3A_311 = arith.constant 0 : i32
            scf.yield %scan3A_311 : i32
          }
          %scan3A_278 = arith.constant 256 : i32
        } else {
        }
        %eq3A_267 = arith.constant 4 : i32
        %eq3A_268 = arith.cmpi eq, %sub3A_245, %eq3A_267 : i32
        %convert_element_type3A_269 = arith.extui %eq3A_268 : i1 to i32
        %cond3A_270 = arith.constant 0 : i32
        %cond3A_271 = arith.cmpi ne, %convert_element_type3A_269, %cond3A_270 : i32
        scf.if %cond3A_271 {
          %mul3A_272 = arith.constant 50 : i32
          %mul3A_273 = arith.muli %shift_right_logical3A_242, %mul3A_272 : i32
          %add3A_274 = arith.addi %mul3A_273, %shift_right_logical3A_235 : i32
          %mul3A_275 = arith.constant 4096 : i32
          %mul3A_276 = arith.muli %add3A_274, %mul3A_275 : i32
          "tpu.region"() ({
            %run_scoped3A = tpu.sem_alloc : memref<!tpu.dma_semaphore, #tpu.memory_space<semaphore_mem>>
            %dma_start3A_277 = tpu.memref_slice %arg6[%mul3A_276] : memref<2064384xf32, #tpu.memory_space<hbm>> -> memref<4096xf32, #tpu.memory_space<hbm>>
            %dma_start3A_278 = tpu.memref_slice %arg6[%mul3A_276] : memref<2064384xf32, #tpu.memory_space<hbm>> -> memref<4096xf32, #tpu.memory_space<hbm>>
            tpu.enqueue_dma source(%arg20 : memref<4096xf32, #tpu.memory_space<vmem>>) target(%dma_start3A_278 : memref<4096xf32, #tpu.memory_space<hbm>>) target_semaphore(%run_scoped3A : memref<!tpu.dma_semaphore, #tpu.memory_space<semaphore_mem>>)
            %dma_wait3A_279 = tpu.memref_slice %arg6[%mul3A_276] : memref<2064384xf32, #tpu.memory_space<hbm>> -> memref<4096xf32, #tpu.memory_space<hbm>>
            %dma_wait3A_280 = tpu.memref_slice %arg6[%mul3A_276] : memref<2064384xf32, #tpu.memory_space<hbm>> -> memref<4096xf32, #tpu.memory_space<hbm>>
            tpu.wait_dma2 semaphore(%run_scoped3A : memref<!tpu.dma_semaphore, #tpu.memory_space<semaphore_mem>>) src(%arg20 : memref<4096xf32, #tpu.memory_space<vmem>>) dst(%dma_wait3A_280 : memref<4096xf32, #tpu.memory_space<hbm>>)
            tpu.yield
          }) : () -> ()
        } else {
        }
      } else {
      }
      %add3A_142 = arith.constant 1 : i32
      %add3A_143 = arith.addi %add3A_124, %add3A_142 : i32
      %add3A_144 = arith.constant 2 : i32
      %add3A_145 = arith.addi %add3A_143, %add3A_144 : i32
      %lt3A_146 = arith.cmpi slt, %add3A_145, %mul3A_15 : i32
      %convert_element_type3A_147 = arith.extui %lt3A_146 : i1 to i32
      %cond3A_148 = arith.constant 0 : i32
      %cond3A_149 = arith.cmpi ne, %convert_element_type3A_147, %cond3A_148 : i32
      scf.if %cond3A_149 {
        %add3A_232 = arith.constant 2 : i32
        %add3A_233 = arith.addi %add3A_143, %add3A_232 : i32
        %mul3A_234 = arith.constant 1311 : i32
        %mul3A_235 = arith.muli %add3A_233, %mul3A_234 : i32
        %shift_right_logical3A_236 = arith.constant 16 : i32
        %shift_right_logical3A_237 = arith.shrui %mul3A_235, %shift_right_logical3A_236 : i32
        %mul3A_238 = arith.constant 50 : i32
        %mul3A_239 = arith.muli %mul3A_238, %shift_right_logical3A_237 : i32
        %sub3A_240 = arith.subi %add3A_233, %mul3A_239 : i32
        %mul3A_241 = arith.constant 2 : i32
        %mul3A_242 = arith.muli %sub3A_240, %mul3A_241 : i32
        %add3A_243 = arith.constant 0 : i32
        %add3A_244 = arith.addi %mul3A_242, %add3A_243 : i32
        %dma_start3A_245 = arith.constant 0 : i32
        %dma_start3A_246 = tpu.memref_slice %arg3[%shift_right_logical3A_237, %add3A_244, %dma_start3A_245] : memref<50x100x4096xi32, #tpu.memory_space<hbm>> -> memref<1x1x4096xi32, #tpu.memory_space<hbm>>
        %dma_start3A_247 = tpu.memref_squeeze %dma_start3A_246 : memref<1x1x4096xi32, #tpu.memory_space<hbm>> -> memref<4096xi32, #tpu.memory_space<hbm>>
        %dma_start3A_248 = arith.constant 0 : i32
        %dma_start3A_249 = tpu.memref_slice %arg3[%shift_right_logical3A_237, %add3A_244, %dma_start3A_248] : memref<50x100x4096xi32, #tpu.memory_space<hbm>> -> memref<1x1x4096xi32, #tpu.memory_space<hbm>>
        %dma_start3A_250 = tpu.memref_squeeze %dma_start3A_249 : memref<1x1x4096xi32, #tpu.memory_space<hbm>> -> memref<4096xi32, #tpu.memory_space<hbm>>
        tpu.enqueue_dma source(%dma_start3A_250 : memref<4096xi32, #tpu.memory_space<hbm>>) target(%arg9 : memref<4096xi32, #tpu.memory_space<vmem>>) target_semaphore(%arg24 : memref<!tpu.dma_semaphore, #tpu.memory_space<semaphore_mem>>)
        %mul3A_251 = arith.constant 2 : i32
        %mul3A_252 = arith.muli %sub3A_240, %mul3A_251 : i32
        %add3A_253 = arith.constant 1 : i32
        %add3A_254 = arith.addi %mul3A_252, %add3A_253 : i32
        %dma_start3A_255 = arith.constant 0 : i32
        %dma_start3A_256 = tpu.memref_slice %arg3[%shift_right_logical3A_237, %add3A_254, %dma_start3A_255] : memref<50x100x4096xi32, #tpu.memory_space<hbm>> -> memref<1x1x4096xi32, #tpu.memory_space<hbm>>
        %dma_start3A_257 = tpu.memref_squeeze %dma_start3A_256 : memref<1x1x4096xi32, #tpu.memory_space<hbm>> -> memref<4096xi32, #tpu.memory_space<hbm>>
        %dma_start3A_258 = arith.constant 0 : i32
        %dma_start3A_259 = tpu.memref_slice %arg3[%shift_right_logical3A_237, %add3A_254, %dma_start3A_258] : memref<50x100x4096xi32, #tpu.memory_space<hbm>> -> memref<1x1x4096xi32, #tpu.memory_space<hbm>>
        %dma_start3A_260 = tpu.memref_squeeze %dma_start3A_259 : memref<1x1x4096xi32, #tpu.memory_space<hbm>> -> memref<4096xi32, #tpu.memory_space<hbm>>
        tpu.enqueue_dma source(%dma_start3A_260 : memref<4096xi32, #tpu.memory_space<hbm>>) target(%arg10 : memref<4096xi32, #tpu.memory_space<vmem>>) target_semaphore(%arg24 : memref<!tpu.dma_semaphore, #tpu.memory_space<semaphore_mem>>)
        %eq3A_261 = arith.constant 0 : i32
        %eq3A_262 = arith.cmpi eq, %sub3A_240, %eq3A_261 : i32
        %convert_element_type3A_263 = arith.extui %eq3A_262 : i1 to i32
        %cond3A_264 = arith.constant 0 : i32
        %cond3A_265 = arith.cmpi ne, %convert_element_type3A_263, %cond3A_264 : i32
        scf.if %cond3A_265 {
          %dma_start3A_266 = arith.constant 0 : i32
          %dma_start3A_267 = tpu.memref_slice %arg4[%shift_right_logical3A_237, %dma_start3A_266] : memref<50x4096xi32, #tpu.memory_space<hbm>> -> memref<1x4096xi32, #tpu.memory_space<hbm>>
          %dma_start3A_268 = tpu.memref_squeeze %dma_start3A_267 : memref<1x4096xi32, #tpu.memory_space<hbm>> -> memref<4096xi32, #tpu.memory_space<hbm>>
          %dma_start3A_269 = arith.constant 0 : i32
          %dma_start3A_270 = tpu.memref_slice %arg4[%shift_right_logical3A_237, %dma_start3A_269] : memref<50x4096xi32, #tpu.memory_space<hbm>> -> memref<1x4096xi32, #tpu.memory_space<hbm>>
          %dma_start3A_271 = tpu.memref_squeeze %dma_start3A_270 : memref<1x4096xi32, #tpu.memory_space<hbm>> -> memref<4096xi32, #tpu.memory_space<hbm>>
          tpu.enqueue_dma source(%dma_start3A_271 : memref<4096xi32, #tpu.memory_space<hbm>>) target(%arg21 : memref<4096xi32, #tpu.memory_space<vmem>>) target_semaphore(%arg24 : memref<!tpu.dma_semaphore, #tpu.memory_space<semaphore_mem>>)
        } else {
        }
      } else {
      }
      %add3A_150 = arith.constant 1 : i32
      %add3A_151 = arith.addi %add3A_143, %add3A_150 : i32
      %lt3A_152 = arith.cmpi slt, %add3A_151, %mul3A_15 : i32
      %convert_element_type3A_153 = arith.extui %lt3A_152 : i1 to i32
      %cond3A_154 = arith.constant 0 : i32
      %cond3A_155 = arith.cmpi ne, %convert_element_type3A_153, %cond3A_154 : i32
      scf.if %cond3A_155 {
        %add3A_232 = arith.constant 1 : i32
        %add3A_233 = arith.addi %add3A_143, %add3A_232 : i32
        %mul3A_234 = arith.constant 1311 : i32
        %mul3A_235 = arith.muli %add3A_233, %mul3A_234 : i32
        %shift_right_logical3A_236 = arith.constant 16 : i32
        %shift_right_logical3A_237 = arith.shrui %mul3A_235, %shift_right_logical3A_236 : i32
        %mul3A_238 = arith.constant 50 : i32
        %mul3A_239 = arith.muli %mul3A_238, %shift_right_logical3A_237 : i32
        %sub3A_240 = arith.subi %add3A_233, %mul3A_239 : i32
        %mul3A_241 = arith.constant 2 : i32
        %mul3A_242 = arith.muli %sub3A_240, %mul3A_241 : i32
        %add3A_243 = arith.constant 0 : i32
        %add3A_244 = arith.addi %mul3A_242, %add3A_243 : i32
        %dma_wait3A_245 = arith.constant 0 : i32
        %dma_wait3A_246 = tpu.memref_slice %arg3[%shift_right_logical3A_237, %add3A_244, %dma_wait3A_245] : memref<50x100x4096xi32, #tpu.memory_space<hbm>> -> memref<1x1x4096xi32, #tpu.memory_space<hbm>>
        %dma_wait3A_247 = tpu.memref_squeeze %dma_wait3A_246 : memref<1x1x4096xi32, #tpu.memory_space<hbm>> -> memref<4096xi32, #tpu.memory_space<hbm>>
        %dma_wait3A_248 = arith.constant 0 : i32
        %dma_wait3A_249 = tpu.memref_slice %arg3[%shift_right_logical3A_237, %add3A_244, %dma_wait3A_248] : memref<50x100x4096xi32, #tpu.memory_space<hbm>> -> memref<1x1x4096xi32, #tpu.memory_space<hbm>>
        %dma_wait3A_250 = tpu.memref_squeeze %dma_wait3A_249 : memref<1x1x4096xi32, #tpu.memory_space<hbm>> -> memref<4096xi32, #tpu.memory_space<hbm>>
        tpu.wait_dma2 semaphore(%arg26 : memref<!tpu.dma_semaphore, #tpu.memory_space<semaphore_mem>>) src(%dma_wait3A_250 : memref<4096xi32, #tpu.memory_space<hbm>>) dst(%arg13 : memref<4096xi32, #tpu.memory_space<vmem>>)
        %dma_start3A_251 = arith.constant 0 : i32
        %dma_start3A_252 = tpu.memref_slice %arg8[%dma_start3A_251] : memref<1000000xi32, #tpu.memory_space<vmem_shared>> -> memref<1000000xi32, #tpu.memory_space<vmem_shared>>
        tpu.enqueue_indirect_dma source(%dma_start3A_252 : memref<1000000xi32, #tpu.memory_space<vmem_shared>>) target(%arg15 : memref<4096xi32, #tpu.memory_space<vmem>>) offsets(%arg13 : memref<4096xi32, #tpu.memory_space<vmem>>) semaphore(%arg27 : memref<!tpu.dma_semaphore, #tpu.memory_space<semaphore_mem>>)
        %mul3A_253 = arith.constant 2 : i32
        %mul3A_254 = arith.muli %sub3A_240, %mul3A_253 : i32
        %add3A_255 = arith.constant 1 : i32
        %add3A_256 = arith.addi %mul3A_254, %add3A_255 : i32
        %dma_wait3A_257 = arith.constant 0 : i32
        %dma_wait3A_258 = tpu.memref_slice %arg3[%shift_right_logical3A_237, %add3A_256, %dma_wait3A_257] : memref<50x100x4096xi32, #tpu.memory_space<hbm>> -> memref<1x1x4096xi32, #tpu.memory_space<hbm>>
        %dma_wait3A_259 = tpu.memref_squeeze %dma_wait3A_258 : memref<1x1x4096xi32, #tpu.memory_space<hbm>> -> memref<4096xi32, #tpu.memory_space<hbm>>
        %dma_wait3A_260 = arith.constant 0 : i32
        %dma_wait3A_261 = tpu.memref_slice %arg3[%shift_right_logical3A_237, %add3A_256, %dma_wait3A_260] : memref<50x100x4096xi32, #tpu.memory_space<hbm>> -> memref<1x1x4096xi32, #tpu.memory_space<hbm>>
        %dma_wait3A_262 = tpu.memref_squeeze %dma_wait3A_261 : memref<1x1x4096xi32, #tpu.memory_space<hbm>> -> memref<4096xi32, #tpu.memory_space<hbm>>
        tpu.wait_dma2 semaphore(%arg26 : memref<!tpu.dma_semaphore, #tpu.memory_space<semaphore_mem>>) src(%dma_wait3A_262 : memref<4096xi32, #tpu.memory_space<hbm>>) dst(%arg14 : memref<4096xi32, #tpu.memory_space<vmem>>)
        %dma_start3A_263 = arith.constant 0 : i32
        %dma_start3A_264 = tpu.memref_slice %arg8[%dma_start3A_263] : memref<1000000xi32, #tpu.memory_space<vmem_shared>> -> memref<1000000xi32, #tpu.memory_space<vmem_shared>>
        tpu.enqueue_indirect_dma source(%dma_start3A_264 : memref<1000000xi32, #tpu.memory_space<vmem_shared>>) target(%arg16 : memref<4096xi32, #tpu.memory_space<vmem>>) offsets(%arg14 : memref<4096xi32, #tpu.memory_space<vmem>>) semaphore(%arg27 : memref<!tpu.dma_semaphore, #tpu.memory_space<semaphore_mem>>)
        %eq3A_265 = arith.constant 0 : i32
        %eq3A_266 = arith.cmpi eq, %sub3A_240, %eq3A_265 : i32
        %convert_element_type3A_267 = arith.extui %eq3A_266 : i1 to i32
        %cond3A_268 = arith.constant 0 : i32
        %cond3A_269 = arith.cmpi ne, %convert_element_type3A_267, %cond3A_268 : i32
        scf.if %cond3A_269 {
          %dma_wait3A_270 = arith.constant 0 : i32
          %dma_wait3A_271 = tpu.memref_slice %arg4[%shift_right_logical3A_237, %dma_wait3A_270] : memref<50x4096xi32, #tpu.memory_space<hbm>> -> memref<1x4096xi32, #tpu.memory_space<hbm>>
          %dma_wait3A_272 = tpu.memref_squeeze %dma_wait3A_271 : memref<1x4096xi32, #tpu.memory_space<hbm>> -> memref<4096xi32, #tpu.memory_space<hbm>>
          %dma_wait3A_273 = arith.constant 0 : i32
          %dma_wait3A_274 = tpu.memref_slice %arg4[%shift_right_logical3A_237, %dma_wait3A_273] : memref<50x4096xi32, #tpu.memory_space<hbm>> -> memref<1x4096xi32, #tpu.memory_space<hbm>>
          %dma_wait3A_275 = tpu.memref_squeeze %dma_wait3A_274 : memref<1x4096xi32, #tpu.memory_space<hbm>> -> memref<4096xi32, #tpu.memory_space<hbm>>
          tpu.wait_dma2 semaphore(%arg26 : memref<!tpu.dma_semaphore, #tpu.memory_space<semaphore_mem>>) src(%dma_wait3A_275 : memref<4096xi32, #tpu.memory_space<hbm>>) dst(%arg21 : memref<4096xi32, #tpu.memory_space<vmem>>)
          %dma_start3A_276 = arith.constant 0 : i32
          %dma_start3A_277 = tpu.memref_slice %arg8[%dma_start3A_276] : memref<1000000xi32, #tpu.memory_space<vmem_shared>> -> memref<1000000xi32, #tpu.memory_space<vmem_shared>>
          tpu.enqueue_indirect_dma source(%dma_start3A_277 : memref<1000000xi32, #tpu.memory_space<vmem_shared>>) target(%arg22 : memref<4096xi32, #tpu.memory_space<vmem>>) offsets(%arg21 : memref<4096xi32, #tpu.memory_space<vmem>>) semaphore(%arg27 : memref<!tpu.dma_semaphore, #tpu.memory_space<semaphore_mem>>)
        } else {
        }
      } else {
      }
      %lt3A_156 = arith.cmpi slt, %add3A_143, %mul3A_15 : i32
      %convert_element_type3A_157 = arith.extui %lt3A_156 : i1 to i32
      %cond3A_158 = arith.constant 0 : i32
      %cond3A_159 = arith.cmpi ne, %convert_element_type3A_157, %cond3A_158 : i32
      scf.if %cond3A_159 {
        %mul3A_232 = arith.constant 1311 : i32
        %mul3A_233 = arith.muli %add3A_143, %mul3A_232 : i32
        %shift_right_logical3A_234 = arith.constant 16 : i32
        %shift_right_logical3A_235 = arith.shrui %mul3A_233, %shift_right_logical3A_234 : i32
        %mul3A_236 = arith.constant 50 : i32
        %mul3A_237 = arith.muli %mul3A_236, %shift_right_logical3A_235 : i32
        %sub3A_238 = arith.subi %add3A_143, %mul3A_237 : i32
        %mul3A_239 = arith.constant 13108 : i32
        %mul3A_240 = arith.muli %sub3A_238, %mul3A_239 : i32
        %shift_right_logical3A_241 = arith.constant 16 : i32
        %shift_right_logical3A_242 = arith.shrui %mul3A_240, %shift_right_logical3A_241 : i32
        %mul3A_243 = arith.constant 5 : i32
        %mul3A_244 = arith.muli %mul3A_243, %shift_right_logical3A_242 : i32
        %sub3A_245 = arith.subi %sub3A_238, %mul3A_244 : i32
        %eq3A_246 = arith.constant 0 : i32
        %eq3A_247 = arith.cmpi eq, %sub3A_245, %eq3A_246 : i32
        %broadcast_in_dim3A = vector.broadcast %eq3A_247 : i1 to vector<16xi1>
        %eq3A_248 = arith.constant 0 : i32
        %eq3A_249 = arith.cmpi eq, %sub3A_238, %eq3A_248 : i32
        %eq3A_250 = arith.cmpi eq, %add3A_143, %mul3A_7 : i32
        %or3A = arith.ori %eq3A_249, %eq3A_250 : i1
        %convert_element_type3A_251 = arith.extui %or3A : i1 to i32
        %cond3A_252 = arith.constant 0 : i32
        %cond3A_253 = arith.cmpi ne, %convert_element_type3A_251, %cond3A_252 : i32
        scf.if %cond3A_253 {
          "tpu.region"() ({
            %run_scoped3A = tpu.sem_alloc : memref<!tpu.dma_semaphore, #tpu.memory_space<semaphore_mem>>
            %dma_start3A_272 = arith.constant 0 : i32
            %dma_start3A_273 = tpu.memref_slice %arg5[%shift_right_logical3A_235, %dma_start3A_272] : memref<50x4096xf32, #tpu.memory_space<hbm>> -> memref<1x4096xf32, #tpu.memory_space<hbm>>
            %dma_start3A_274 = tpu.memref_squeeze %dma_start3A_273 : memref<1x4096xf32, #tpu.memory_space<hbm>> -> memref<4096xf32, #tpu.memory_space<hbm>>
            %dma_start3A_275 = arith.constant 0 : i32
            %dma_start3A_276 = tpu.memref_slice %arg5[%shift_right_logical3A_235, %dma_start3A_275] : memref<50x4096xf32, #tpu.memory_space<hbm>> -> memref<1x4096xf32, #tpu.memory_space<hbm>>
            %dma_start3A_277 = tpu.memref_squeeze %dma_start3A_276 : memref<1x4096xf32, #tpu.memory_space<hbm>> -> memref<4096xf32, #tpu.memory_space<hbm>>
            tpu.enqueue_dma source(%dma_start3A_277 : memref<4096xf32, #tpu.memory_space<hbm>>) target(%arg19 : memref<4096xf32, #tpu.memory_space<vmem>>) target_semaphore(%run_scoped3A : memref<!tpu.dma_semaphore, #tpu.memory_space<semaphore_mem>>)
            %dma_wait3A_278 = arith.constant 0 : i32
            %dma_wait3A_279 = tpu.memref_slice %arg5[%shift_right_logical3A_235, %dma_wait3A_278] : memref<50x4096xf32, #tpu.memory_space<hbm>> -> memref<1x4096xf32, #tpu.memory_space<hbm>>
            %dma_wait3A_280 = tpu.memref_squeeze %dma_wait3A_279 : memref<1x4096xf32, #tpu.memory_space<hbm>> -> memref<4096xf32, #tpu.memory_space<hbm>>
            %dma_wait3A_281 = arith.constant 0 : i32
            %dma_wait3A_282 = tpu.memref_slice %arg5[%shift_right_logical3A_235, %dma_wait3A_281] : memref<50x4096xf32, #tpu.memory_space<hbm>> -> memref<1x4096xf32, #tpu.memory_space<hbm>>
            %dma_wait3A_283 = tpu.memref_squeeze %dma_wait3A_282 : memref<1x4096xf32, #tpu.memory_space<hbm>> -> memref<4096xf32, #tpu.memory_space<hbm>>
            tpu.wait_dma2 semaphore(%run_scoped3A : memref<!tpu.dma_semaphore, #tpu.memory_space<semaphore_mem>>) src(%dma_wait3A_283 : memref<4096xf32, #tpu.memory_space<hbm>>) dst(%arg19 : memref<4096xf32, #tpu.memory_space<vmem>>)
            tpu.yield
          }) : () -> ()
        } else {
        }
        %dma_wait3A_254 = arith.constant 0 : i32
        %dma_wait3A_255 = tpu.memref_slice %arg8[%dma_wait3A_254] : memref<1000000xi32, #tpu.memory_space<vmem_shared>> -> memref<1000000xi32, #tpu.memory_space<vmem_shared>>
        tpu.wait_indirect_dma semaphore(%arg28 : memref<!tpu.dma_semaphore, #tpu.memory_space<semaphore_mem>>) src(%dma_wait3A_255 : memref<1000000xi32, #tpu.memory_space<vmem_shared>>) dst(%arg17 : memref<4096xi32, #tpu.memory_space<vmem>>)
        %dma_wait3A_256 = arith.constant 0 : i32
        %dma_wait3A_257 = tpu.memref_slice %arg8[%dma_wait3A_256] : memref<1000000xi32, #tpu.memory_space<vmem_shared>> -> memref<1000000xi32, #tpu.memory_space<vmem_shared>>
        tpu.wait_indirect_dma semaphore(%arg28 : memref<!tpu.dma_semaphore, #tpu.memory_space<semaphore_mem>>) src(%dma_wait3A_257 : memref<1000000xi32, #tpu.memory_space<vmem_shared>>) dst(%arg18 : memref<4096xi32, #tpu.memory_space<vmem>>)
        %eq3A_258 = arith.constant 0 : i32
        %eq3A_259 = arith.cmpi eq, %sub3A_238, %eq3A_258 : i32
        %convert_element_type3A_260 = arith.extui %eq3A_259 : i1 to i32
        %cond3A_261 = arith.constant 0 : i32
        %cond3A_262 = arith.cmpi ne, %convert_element_type3A_260, %cond3A_261 : i32
        scf.if %cond3A_262 {
          %dma_wait3A_272 = arith.constant 0 : i32
          %dma_wait3A_273 = tpu.memref_slice %arg8[%dma_wait3A_272] : memref<1000000xi32, #tpu.memory_space<vmem_shared>> -> memref<1000000xi32, #tpu.memory_space<vmem_shared>>
          tpu.wait_indirect_dma semaphore(%arg28 : memref<!tpu.dma_semaphore, #tpu.memory_space<semaphore_mem>>) src(%dma_wait3A_273 : memref<1000000xi32, #tpu.memory_space<vmem_shared>>) dst(%arg22 : memref<4096xi32, #tpu.memory_space<vmem>>)
          %scan3A_274 = arith.constant 0 : i32
          %scan3A_275 = arith.constant 0 : i32
          %scan3A_276 = arith.constant 256 : i32
          %scan3A_277 = arith.addi %scan3A_275, %scan3A_276 : i32
          %scan3A_278 = arith.constant 1 : i32
          %scan3A_279 = scf.for %scan3A_281 = %scan3A_275 to %scan3A_277 step %scan3A_278 iter_args(%scan3A_282 = %scan3A_274) -> (i32)  : i32 {
            %mul3A_283 = arith.constant 16 : i32
            %mul3A_284 = arith.muli %scan3A_281, %mul3A_283 : i32
            %get3A = arith.index_cast %mul3A_284 : i32 to index
            %get3A_285 = tpu.vector_load %arg19[%get3A] {strides = array<i32>} : memref<4096xf32, #tpu.memory_space<vmem>>, vector<16xf32>,
            %broadcast_in_dim3A_286 = arith.constant 0.000000e+00 : f32
            %broadcast_in_dim3A_287 = vector.broadcast %broadcast_in_dim3A_286 : f32 to vector<16xf32>
            %get3A_288 = arith.index_cast %mul3A_284 : i32 to index
            %get3A_289 = tpu.vector_load %arg20[%get3A_288] {strides = array<i32>} : memref<4096xf32, #tpu.memory_space<vmem>>, vector<16xf32>,
            %select_n3A = arith.select %broadcast_in_dim3A, %broadcast_in_dim3A_287, %get3A_289 : vector<16xi1>, vector<16xf32>
            %get3A_290 = arith.index_cast %mul3A_284 : i32 to index
            %get3A_291 = tpu.vector_load %arg17[%get3A_290] {strides = array<i32>} : memref<4096xi32, #tpu.memory_space<vmem>>, vector<16xi32>,
            %and3A = vector.broadcast %scan3A_115 : i32 to vector<16xi32>
            %and3A_292 = arith.andi %get3A_291, %and3A : vector<16xi32>
            %bitcast_convert_type3A = tpu.bitcast %and3A_292 : vector<16xi32> -> vector<16xf32>
            %mul3A_293 = arith.mulf %bitcast_convert_type3A, %get3A_285 : vector<16xf32>
            %shift_left3A = arith.constant 16 : i32
            %shift_left3A_294 = vector.broadcast %shift_left3A : i32 to vector<16xi32>
            %shift_left3A_295 = arith.shli %get3A_291, %shift_left3A_294 : vector<16xi32>
            %bitcast_convert_type3A_296 = tpu.bitcast %shift_left3A_295 : vector<16xi32> -> vector<16xf32>
            %add3A_297 = arith.addf %mul3A_293, %bitcast_convert_type3A_296 : vector<16xf32>
            %exp3A = math.exp %add3A_297 : vector<16xf32>
            %add3A_298 = arith.addf %select_n3A, %exp3A : vector<16xf32>
            %get3A_299 = arith.index_cast %mul3A_284 : i32 to index
            %get3A_300 = tpu.vector_load %arg18[%get3A_299] {strides = array<i32>} : memref<4096xi32, #tpu.memory_space<vmem>>, vector<16xi32>,
            %and3A_301 = vector.broadcast %scan3A_115 : i32 to vector<16xi32>
            %and3A_302 = arith.andi %get3A_300, %and3A_301 : vector<16xi32>
            %bitcast_convert_type3A_303 = tpu.bitcast %and3A_302 : vector<16xi32> -> vector<16xf32>
            %mul3A_304 = arith.mulf %bitcast_convert_type3A_303, %get3A_285 : vector<16xf32>
            %shift_left3A_305 = arith.constant 16 : i32
            %shift_left3A_306 = vector.broadcast %shift_left3A_305 : i32 to vector<16xi32>
            %shift_left3A_307 = arith.shli %get3A_300, %shift_left3A_306 : vector<16xi32>
            %bitcast_convert_type3A_308 = tpu.bitcast %shift_left3A_307 : vector<16xi32> -> vector<16xf32>
            %add3A_309 = arith.addf %mul3A_304, %bitcast_convert_type3A_308 : vector<16xf32>
            %exp3A_310 = math.exp %add3A_309 : vector<16xf32>
            %add3A_311 = arith.addf %add3A_298, %exp3A_310 : vector<16xf32>
            %get3A_312 = arith.index_cast %mul3A_284 : i32 to index
            %get3A_313 = tpu.vector_load %arg22[%get3A_312] {strides = array<i32>} : memref<4096xi32, #tpu.memory_space<vmem>>, vector<16xi32>,
            %and3A_314 = vector.broadcast %scan3A_115 : i32 to vector<16xi32>
            %and3A_315 = arith.andi %get3A_313, %and3A_314 : vector<16xi32>
            %bitcast_convert_type3A_316 = tpu.bitcast %and3A_315 : vector<16xi32> -> vector<16xf32>
            %mul3A_317 = arith.mulf %bitcast_convert_type3A_316, %get3A_285 : vector<16xf32>
            %shift_left3A_318 = arith.constant 16 : i32
            %shift_left3A_319 = vector.broadcast %shift_left3A_318 : i32 to vector<16xi32>
            %shift_left3A_320 = arith.shli %get3A_313, %shift_left3A_319 : vector<16xi32>
            %bitcast_convert_type3A_321 = tpu.bitcast %shift_left3A_320 : vector<16xi32> -> vector<16xf32>
            %add3A_322 = arith.addf %mul3A_317, %bitcast_convert_type3A_321 : vector<16xf32>
            %swap3A = arith.index_cast %mul3A_284 : i32 to index
            %swap3A_323 = tpu.vector_load %arg23[%swap3A] {strides = array<i32>} : memref<4096xf32, #tpu.memory_space<vmem>>, vector<16xf32>,
            tpu.vector_store %arg23[%swap3A], %add3A_322 {strides = array<i32>} : memref<4096xf32, #tpu.memory_space<vmem>>, vector<16xf32>,
            %exp3A_324 = math.exp %add3A_322 : vector<16xf32>
            %add3A_325 = arith.addf %add3A_311, %exp3A_324 : vector<16xf32>
            %swap3A_326 = arith.index_cast %mul3A_284 : i32 to index
            %swap3A_327 = tpu.vector_load %arg20[%swap3A_326] {strides = array<i32>} : memref<4096xf32, #tpu.memory_space<vmem>>, vector<16xf32>,
            tpu.vector_store %arg20[%swap3A_326], %add3A_325 {strides = array<i32>} : memref<4096xf32, #tpu.memory_space<vmem>>, vector<16xf32>,
            %scan3A_328 = arith.constant 0 : i32
            scf.yield %scan3A_328 : i32
          }
          %scan3A_280 = arith.constant 256 : i32
          "tpu.region"() ({
            %run_scoped3A = tpu.sem_alloc : memref<!tpu.dma_semaphore, #tpu.memory_space<semaphore_mem>>
            %dma_start3A_281 = arith.constant 0 : i32
            %dma_start3A_282 = tpu.memref_slice %arg7[%shift_right_logical3A_235, %dma_start3A_281] : memref<50x4096xf32, #tpu.memory_space<hbm>> -> memref<1x4096xf32, #tpu.memory_space<hbm>>
            %dma_start3A_283 = tpu.memref_squeeze %dma_start3A_282 : memref<1x4096xf32, #tpu.memory_space<hbm>> -> memref<4096xf32, #tpu.memory_space<hbm>>
            %dma_start3A_284 = arith.constant 0 : i32
            %dma_start3A_285 = tpu.memref_slice %arg7[%shift_right_logical3A_235, %dma_start3A_284] : memref<50x4096xf32, #tpu.memory_space<hbm>> -> memref<1x4096xf32, #tpu.memory_space<hbm>>
            %dma_start3A_286 = tpu.memref_squeeze %dma_start3A_285 : memref<1x4096xf32, #tpu.memory_space<hbm>> -> memref<4096xf32, #tpu.memory_space<hbm>>
            tpu.enqueue_dma source(%arg23 : memref<4096xf32, #tpu.memory_space<vmem>>) target(%dma_start3A_286 : memref<4096xf32, #tpu.memory_space<hbm>>) target_semaphore(%run_scoped3A : memref<!tpu.dma_semaphore, #tpu.memory_space<semaphore_mem>>)
            %dma_wait3A_287 = arith.constant 0 : i32
            %dma_wait3A_288 = tpu.memref_slice %arg7[%shift_right_logical3A_235, %dma_wait3A_287] : memref<50x4096xf32, #tpu.memory_space<hbm>> -> memref<1x4096xf32, #tpu.memory_space<hbm>>
            %dma_wait3A_289 = tpu.memref_squeeze %dma_wait3A_288 : memref<1x4096xf32, #tpu.memory_space<hbm>> -> memref<4096xf32, #tpu.memory_space<hbm>>
            %dma_wait3A_290 = arith.constant 0 : i32
            %dma_wait3A_291 = tpu.memref_slice %arg7[%shift_right_logical3A_235, %dma_wait3A_290] : memref<50x4096xf32, #tpu.memory_space<hbm>> -> memref<1x4096xf32, #tpu.memory_space<hbm>>
            %dma_wait3A_292 = tpu.memref_squeeze %dma_wait3A_291 : memref<1x4096xf32, #tpu.memory_space<hbm>> -> memref<4096xf32, #tpu.memory_space<hbm>>
            tpu.wait_dma2 semaphore(%run_scoped3A : memref<!tpu.dma_semaphore, #tpu.memory_space<semaphore_mem>>) src(%arg23 : memref<4096xf32, #tpu.memory_space<vmem>>) dst(%dma_wait3A_292 : memref<4096xf32, #tpu.memory_space<hbm>>)
            tpu.yield
          }) : () -> ()
        } else {
        }
        %ne3A = arith.constant 0 : i32
        %ne3A_263 = arith.cmpi ne, %sub3A_238, %ne3A : i32
        %convert_element_type3A_264 = arith.extui %ne3A_263 : i1 to i32
        %cond3A_265 = arith.constant 0 : i32
        %cond3A_266 = arith.cmpi ne, %convert_element_type3A_264, %cond3A_265 : i32
        scf.if %cond3A_266 {
          %scan3A_272 = arith.constant 0 : i32
          %scan3A_273 = arith.constant 0 : i32
          %scan3A_274 = arith.constant 256 : i32
          %scan3A_275 = arith.addi %scan3A_273, %scan3A_274 : i32
          %scan3A_276 = arith.constant 1 : i32
          %scan3A_277 = scf.for %scan3A_279 = %scan3A_273 to %scan3A_275 step %scan3A_276 iter_args(%scan3A_280 = %scan3A_272) -> (i32)  : i32 {
            %mul3A_281 = arith.constant 16 : i32
            %mul3A_282 = arith.muli %scan3A_279, %mul3A_281 : i32
            %get3A = arith.index_cast %mul3A_282 : i32 to index
            %get3A_283 = tpu.vector_load %arg19[%get3A] {strides = array<i32>} : memref<4096xf32, #tpu.memory_space<vmem>>, vector<16xf32>,
            %broadcast_in_dim3A_284 = arith.constant 0.000000e+00 : f32
            %broadcast_in_dim3A_285 = vector.broadcast %broadcast_in_dim3A_284 : f32 to vector<16xf32>
            %get3A_286 = arith.index_cast %mul3A_282 : i32 to index
            %get3A_287 = tpu.vector_load %arg20[%get3A_286] {strides = array<i32>} : memref<4096xf32, #tpu.memory_space<vmem>>, vector<16xf32>,
            %select_n3A = arith.select %broadcast_in_dim3A, %broadcast_in_dim3A_285, %get3A_287 : vector<16xi1>, vector<16xf32>
            %get3A_288 = arith.index_cast %mul3A_282 : i32 to index
            %get3A_289 = tpu.vector_load %arg17[%get3A_288] {strides = array<i32>} : memref<4096xi32, #tpu.memory_space<vmem>>, vector<16xi32>,
            %and3A = vector.broadcast %scan3A_115 : i32 to vector<16xi32>
            %and3A_290 = arith.andi %get3A_289, %and3A : vector<16xi32>
            %bitcast_convert_type3A = tpu.bitcast %and3A_290 : vector<16xi32> -> vector<16xf32>
            %mul3A_291 = arith.mulf %bitcast_convert_type3A, %get3A_283 : vector<16xf32>
            %shift_left3A = arith.constant 16 : i32
            %shift_left3A_292 = vector.broadcast %shift_left3A : i32 to vector<16xi32>
            %shift_left3A_293 = arith.shli %get3A_289, %shift_left3A_292 : vector<16xi32>
            %bitcast_convert_type3A_294 = tpu.bitcast %shift_left3A_293 : vector<16xi32> -> vector<16xf32>
            %add3A_295 = arith.addf %mul3A_291, %bitcast_convert_type3A_294 : vector<16xf32>
            %exp3A = math.exp %add3A_295 : vector<16xf32>
            %add3A_296 = arith.addf %select_n3A, %exp3A : vector<16xf32>
            %get3A_297 = arith.index_cast %mul3A_282 : i32 to index
            %get3A_298 = tpu.vector_load %arg18[%get3A_297] {strides = array<i32>} : memref<4096xi32, #tpu.memory_space<vmem>>, vector<16xi32>,
            %and3A_299 = vector.broadcast %scan3A_115 : i32 to vector<16xi32>
            %and3A_300 = arith.andi %get3A_298, %and3A_299 : vector<16xi32>
            %bitcast_convert_type3A_301 = tpu.bitcast %and3A_300 : vector<16xi32> -> vector<16xf32>
            %mul3A_302 = arith.mulf %bitcast_convert_type3A_301, %get3A_283 : vector<16xf32>
            %shift_left3A_303 = arith.constant 16 : i32
            %shift_left3A_304 = vector.broadcast %shift_left3A_303 : i32 to vector<16xi32>
            %shift_left3A_305 = arith.shli %get3A_298, %shift_left3A_304 : vector<16xi32>
            %bitcast_convert_type3A_306 = tpu.bitcast %shift_left3A_305 : vector<16xi32> -> vector<16xf32>
            %add3A_307 = arith.addf %mul3A_302, %bitcast_convert_type3A_306 : vector<16xf32>
            %exp3A_308 = math.exp %add3A_307 : vector<16xf32>
            %add3A_309 = arith.addf %add3A_296, %exp3A_308 : vector<16xf32>
            %swap3A = arith.index_cast %mul3A_282 : i32 to index
            %swap3A_310 = tpu.vector_load %arg20[%swap3A] {strides = array<i32>} : memref<4096xf32, #tpu.memory_space<vmem>>, vector<16xf32>,
            tpu.vector_store %arg20[%swap3A], %add3A_309 {strides = array<i32>} : memref<4096xf32, #tpu.memory_space<vmem>>, vector<16xf32>,
            %scan3A_311 = arith.constant 0 : i32
            scf.yield %scan3A_311 : i32
          }
          %scan3A_278 = arith.constant 256 : i32
        } else {
        }
        %eq3A_267 = arith.constant 4 : i32
        %eq3A_268 = arith.cmpi eq, %sub3A_245, %eq3A_267 : i32
        %convert_element_type3A_269 = arith.extui %eq3A_268 : i1 to i32
        %cond3A_270 = arith.constant 0 : i32
        %cond3A_271 = arith.cmpi ne, %convert_element_type3A_269, %cond3A_270 : i32
        scf.if %cond3A_271 {
          %mul3A_272 = arith.constant 50 : i32
          %mul3A_273 = arith.muli %shift_right_logical3A_242, %mul3A_272 : i32
          %add3A_274 = arith.addi %mul3A_273, %shift_right_logical3A_235 : i32
          %mul3A_275 = arith.constant 4096 : i32
          %mul3A_276 = arith.muli %add3A_274, %mul3A_275 : i32
          "tpu.region"() ({
            %run_scoped3A = tpu.sem_alloc : memref<!tpu.dma_semaphore, #tpu.memory_space<semaphore_mem>>
            %dma_start3A_277 = tpu.memref_slice %arg6[%mul3A_276] : memref<2064384xf32, #tpu.memory_space<hbm>> -> memref<4096xf32, #tpu.memory_space<hbm>>
            %dma_start3A_278 = tpu.memref_slice %arg6[%mul3A_276] : memref<2064384xf32, #tpu.memory_space<hbm>> -> memref<4096xf32, #tpu.memory_space<hbm>>
            tpu.enqueue_dma source(%arg20 : memref<4096xf32, #tpu.memory_space<vmem>>) target(%dma_start3A_278 : memref<4096xf32, #tpu.memory_space<hbm>>) target_semaphore(%run_scoped3A : memref<!tpu.dma_semaphore, #tpu.memory_space<semaphore_mem>>)
            %dma_wait3A_279 = tpu.memref_slice %arg6[%mul3A_276] : memref<2064384xf32, #tpu.memory_space<hbm>> -> memref<4096xf32, #tpu.memory_space<hbm>>
            %dma_wait3A_280 = tpu.memref_slice %arg6[%mul3A_276] : memref<2064384xf32, #tpu.memory_space<hbm>> -> memref<4096xf32, #tpu.memory_space<hbm>>
            tpu.wait_dma2 semaphore(%run_scoped3A : memref<!tpu.dma_semaphore, #tpu.memory_space<semaphore_mem>>) src(%arg20 : memref<4096xf32, #tpu.memory_space<vmem>>) dst(%dma_wait3A_280 : memref<4096xf32, #tpu.memory_space<hbm>>)
            tpu.yield
          }) : () -> ()
        } else {
        }
      } else {
      }
      %add3A_160 = arith.constant 2 : i32
      %add3A_161 = arith.addi %add3A_124, %add3A_160 : i32
      %add3A_162 = arith.constant 2 : i32
      %add3A_163 = arith.addi %add3A_161, %add3A_162 : i32
      %lt3A_164 = arith.cmpi slt, %add3A_163, %mul3A_15 : i32
      %convert_element_type3A_165 = arith.extui %lt3A_164 : i1 to i32
      %cond3A_166 = arith.constant 0 : i32
      %cond3A_167 = arith.cmpi ne, %convert_element_type3A_165, %cond3A_166 : i32
      scf.if %cond3A_167 {
        %add3A_232 = arith.constant 2 : i32
        %add3A_233 = arith.addi %add3A_161, %add3A_232 : i32
        %mul3A_234 = arith.constant 1311 : i32
        %mul3A_235 = arith.muli %add3A_233, %mul3A_234 : i32
        %shift_right_logical3A_236 = arith.constant 16 : i32
        %shift_right_logical3A_237 = arith.shrui %mul3A_235, %shift_right_logical3A_236 : i32
        %mul3A_238 = arith.constant 50 : i32
        %mul3A_239 = arith.muli %mul3A_238, %shift_right_logical3A_237 : i32
        %sub3A_240 = arith.subi %add3A_233, %mul3A_239 : i32
        %mul3A_241 = arith.constant 2 : i32
        %mul3A_242 = arith.muli %sub3A_240, %mul3A_241 : i32
        %add3A_243 = arith.constant 0 : i32
        %add3A_244 = arith.addi %mul3A_242, %add3A_243 : i32
        %dma_start3A_245 = arith.constant 0 : i32
        %dma_start3A_246 = tpu.memref_slice %arg3[%shift_right_logical3A_237, %add3A_244, %dma_start3A_245] : memref<50x100x4096xi32, #tpu.memory_space<hbm>> -> memref<1x1x4096xi32, #tpu.memory_space<hbm>>
        %dma_start3A_247 = tpu.memref_squeeze %dma_start3A_246 : memref<1x1x4096xi32, #tpu.memory_space<hbm>> -> memref<4096xi32, #tpu.memory_space<hbm>>
        %dma_start3A_248 = arith.constant 0 : i32
        %dma_start3A_249 = tpu.memref_slice %arg3[%shift_right_logical3A_237, %add3A_244, %dma_start3A_248] : memref<50x100x4096xi32, #tpu.memory_space<hbm>> -> memref<1x1x4096xi32, #tpu.memory_space<hbm>>
        %dma_start3A_250 = tpu.memref_squeeze %dma_start3A_249 : memref<1x1x4096xi32, #tpu.memory_space<hbm>> -> memref<4096xi32, #tpu.memory_space<hbm>>
        tpu.enqueue_dma source(%dma_start3A_250 : memref<4096xi32, #tpu.memory_space<hbm>>) target(%arg11 : memref<4096xi32, #tpu.memory_space<vmem>>) target_semaphore(%arg25 : memref<!tpu.dma_semaphore, #tpu.memory_space<semaphore_mem>>)
        %mul3A_251 = arith.constant 2 : i32
        %mul3A_252 = arith.muli %sub3A_240, %mul3A_251 : i32
        %add3A_253 = arith.constant 1 : i32
        %add3A_254 = arith.addi %mul3A_252, %add3A_253 : i32
        %dma_start3A_255 = arith.constant 0 : i32
        %dma_start3A_256 = tpu.memref_slice %arg3[%shift_right_logical3A_237, %add3A_254, %dma_start3A_255] : memref<50x100x4096xi32, #tpu.memory_space<hbm>> -> memref<1x1x4096xi32, #tpu.memory_space<hbm>>
        %dma_start3A_257 = tpu.memref_squeeze %dma_start3A_256 : memref<1x1x4096xi32, #tpu.memory_space<hbm>> -> memref<4096xi32, #tpu.memory_space<hbm>>
        %dma_start3A_258 = arith.constant 0 : i32
        %dma_start3A_259 = tpu.memref_slice %arg3[%shift_right_logical3A_237, %add3A_254, %dma_start3A_258] : memref<50x100x4096xi32, #tpu.memory_space<hbm>> -> memref<1x1x4096xi32, #tpu.memory_space<hbm>>
        %dma_start3A_260 = tpu.memref_squeeze %dma_start3A_259 : memref<1x1x4096xi32, #tpu.memory_space<hbm>> -> memref<4096xi32, #tpu.memory_space<hbm>>
        tpu.enqueue_dma source(%dma_start3A_260 : memref<4096xi32, #tpu.memory_space<hbm>>) target(%arg12 : memref<4096xi32, #tpu.memory_space<vmem>>) target_semaphore(%arg25 : memref<!tpu.dma_semaphore, #tpu.memory_space<semaphore_mem>>)
        %eq3A_261 = arith.constant 0 : i32
        %eq3A_262 = arith.cmpi eq, %sub3A_240, %eq3A_261 : i32
        %convert_element_type3A_263 = arith.extui %eq3A_262 : i1 to i32
        %cond3A_264 = arith.constant 0 : i32
        %cond3A_265 = arith.cmpi ne, %convert_element_type3A_263, %cond3A_264 : i32
        scf.if %cond3A_265 {
          %dma_start3A_266 = arith.constant 0 : i32
          %dma_start3A_267 = tpu.memref_slice %arg4[%shift_right_logical3A_237, %dma_start3A_266] : memref<50x4096xi32, #tpu.memory_space<hbm>> -> memref<1x4096xi32, #tpu.memory_space<hbm>>
          %dma_start3A_268 = tpu.memref_squeeze %dma_start3A_267 : memref<1x4096xi32, #tpu.memory_space<hbm>> -> memref<4096xi32, #tpu.memory_space<hbm>>
          %dma_start3A_269 = arith.constant 0 : i32
          %dma_start3A_270 = tpu.memref_slice %arg4[%shift_right_logical3A_237, %dma_start3A_269] : memref<50x4096xi32, #tpu.memory_space<hbm>> -> memref<1x4096xi32, #tpu.memory_space<hbm>>
          %dma_start3A_271 = tpu.memref_squeeze %dma_start3A_270 : memref<1x4096xi32, #tpu.memory_space<hbm>> -> memref<4096xi32, #tpu.memory_space<hbm>>
          tpu.enqueue_dma source(%dma_start3A_271 : memref<4096xi32, #tpu.memory_space<hbm>>) target(%arg21 : memref<4096xi32, #tpu.memory_space<vmem>>) target_semaphore(%arg25 : memref<!tpu.dma_semaphore, #tpu.memory_space<semaphore_mem>>)
        } else {
        }
      } else {
      }
      %add3A_168 = arith.constant 1 : i32
      %add3A_169 = arith.addi %add3A_161, %add3A_168 : i32
      %lt3A_170 = arith.cmpi slt, %add3A_169, %mul3A_15 : i32
      %convert_element_type3A_171 = arith.extui %lt3A_170 : i1 to i32
      %cond3A_172 = arith.constant 0 : i32
      %cond3A_173 = arith.cmpi ne, %convert_element_type3A_171, %cond3A_172 : i32
      scf.if %cond3A_173 {
        %add3A_232 = arith.constant 1 : i32
        %add3A_233 = arith.addi %add3A_161, %add3A_232 : i32
        %mul3A_234 = arith.constant 1311 : i32
        %mul3A_235 = arith.muli %add3A_233, %mul3A_234 : i32
        %shift_right_logical3A_236 = arith.constant 16 : i32
        %shift_right_logical3A_237 = arith.shrui %mul3A_235, %shift_right_logical3A_236 : i32
        %mul3A_238 = arith.constant 50 : i32
        %mul3A_239 = arith.muli %mul3A_238, %shift_right_logical3A_237 : i32
        %sub3A_240 = arith.subi %add3A_233, %mul3A_239 : i32
        %mul3A_241 = arith.constant 2 : i32
        %mul3A_242 = arith.muli %sub3A_240, %mul3A_241 : i32
        %add3A_243 = arith.constant 0 : i32
        %add3A_244 = arith.addi %mul3A_242, %add3A_243 : i32
        %dma_wait3A_245 = arith.constant 0 : i32
        %dma_wait3A_246 = tpu.memref_slice %arg3[%shift_right_logical3A_237, %add3A_244, %dma_wait3A_245] : memref<50x100x4096xi32, #tpu.memory_space<hbm>> -> memref<1x1x4096xi32, #tpu.memory_space<hbm>>
        %dma_wait3A_247 = tpu.memref_squeeze %dma_wait3A_246 : memref<1x1x4096xi32, #tpu.memory_space<hbm>> -> memref<4096xi32, #tpu.memory_space<hbm>>
        %dma_wait3A_248 = arith.constant 0 : i32
        %dma_wait3A_249 = tpu.memref_slice %arg3[%shift_right_logical3A_237, %add3A_244, %dma_wait3A_248] : memref<50x100x4096xi32, #tpu.memory_space<hbm>> -> memref<1x1x4096xi32, #tpu.memory_space<hbm>>
        %dma_wait3A_250 = tpu.memref_squeeze %dma_wait3A_249 : memref<1x1x4096xi32, #tpu.memory_space<hbm>> -> memref<4096xi32, #tpu.memory_space<hbm>>
        tpu.wait_dma2 semaphore(%arg24 : memref<!tpu.dma_semaphore, #tpu.memory_space<semaphore_mem>>) src(%dma_wait3A_250 : memref<4096xi32, #tpu.memory_space<hbm>>) dst(%arg9 : memref<4096xi32, #tpu.memory_space<vmem>>)
        %dma_start3A_251 = arith.constant 0 : i32
        %dma_start3A_252 = tpu.memref_slice %arg8[%dma_start3A_251] : memref<1000000xi32, #tpu.memory_space<vmem_shared>> -> memref<1000000xi32, #tpu.memory_space<vmem_shared>>
        tpu.enqueue_indirect_dma source(%dma_start3A_252 : memref<1000000xi32, #tpu.memory_space<vmem_shared>>) target(%arg17 : memref<4096xi32, #tpu.memory_space<vmem>>) offsets(%arg9 : memref<4096xi32, #tpu.memory_space<vmem>>) semaphore(%arg28 : memref<!tpu.dma_semaphore, #tpu.memory_space<semaphore_mem>>)
        %mul3A_253 = arith.constant 2 : i32
        %mul3A_254 = arith.muli %sub3A_240, %mul3A_253 : i32
        %add3A_255 = arith.constant 1 : i32
        %add3A_256 = arith.addi %mul3A_254, %add3A_255 : i32
        %dma_wait3A_257 = arith.constant 0 : i32
        %dma_wait3A_258 = tpu.memref_slice %arg3[%shift_right_logical3A_237, %add3A_256, %dma_wait3A_257] : memref<50x100x4096xi32, #tpu.memory_space<hbm>> -> memref<1x1x4096xi32, #tpu.memory_space<hbm>>
        %dma_wait3A_259 = tpu.memref_squeeze %dma_wait3A_258 : memref<1x1x4096xi32, #tpu.memory_space<hbm>> -> memref<4096xi32, #tpu.memory_space<hbm>>
        %dma_wait3A_260 = arith.constant 0 : i32
        %dma_wait3A_261 = tpu.memref_slice %arg3[%shift_right_logical3A_237, %add3A_256, %dma_wait3A_260] : memref<50x100x4096xi32, #tpu.memory_space<hbm>> -> memref<1x1x4096xi32, #tpu.memory_space<hbm>>
        %dma_wait3A_262 = tpu.memref_squeeze %dma_wait3A_261 : memref<1x1x4096xi32, #tpu.memory_space<hbm>> -> memref<4096xi32, #tpu.memory_space<hbm>>
        tpu.wait_dma2 semaphore(%arg24 : memref<!tpu.dma_semaphore, #tpu.memory_space<semaphore_mem>>) src(%dma_wait3A_262 : memref<4096xi32, #tpu.memory_space<hbm>>) dst(%arg10 : memref<4096xi32, #tpu.memory_space<vmem>>)
        %dma_start3A_263 = arith.constant 0 : i32
        %dma_start3A_264 = tpu.memref_slice %arg8[%dma_start3A_263] : memref<1000000xi32, #tpu.memory_space<vmem_shared>> -> memref<1000000xi32, #tpu.memory_space<vmem_shared>>
        tpu.enqueue_indirect_dma source(%dma_start3A_264 : memref<1000000xi32, #tpu.memory_space<vmem_shared>>) target(%arg18 : memref<4096xi32, #tpu.memory_space<vmem>>) offsets(%arg10 : memref<4096xi32, #tpu.memory_space<vmem>>) semaphore(%arg28 : memref<!tpu.dma_semaphore, #tpu.memory_space<semaphore_mem>>)
        %eq3A_265 = arith.constant 0 : i32
        %eq3A_266 = arith.cmpi eq, %sub3A_240, %eq3A_265 : i32
        %convert_element_type3A_267 = arith.extui %eq3A_266 : i1 to i32
        %cond3A_268 = arith.constant 0 : i32
        %cond3A_269 = arith.cmpi ne, %convert_element_type3A_267, %cond3A_268 : i32
        scf.if %cond3A_269 {
          %dma_wait3A_270 = arith.constant 0 : i32
          %dma_wait3A_271 = tpu.memref_slice %arg4[%shift_right_logical3A_237, %dma_wait3A_270] : memref<50x4096xi32, #tpu.memory_space<hbm>> -> memref<1x4096xi32, #tpu.memory_space<hbm>>
          %dma_wait3A_272 = tpu.memref_squeeze %dma_wait3A_271 : memref<1x4096xi32, #tpu.memory_space<hbm>> -> memref<4096xi32, #tpu.memory_space<hbm>>
          %dma_wait3A_273 = arith.constant 0 : i32
          %dma_wait3A_274 = tpu.memref_slice %arg4[%shift_right_logical3A_237, %dma_wait3A_273] : memref<50x4096xi32, #tpu.memory_space<hbm>> -> memref<1x4096xi32, #tpu.memory_space<hbm>>
          %dma_wait3A_275 = tpu.memref_squeeze %dma_wait3A_274 : memref<1x4096xi32, #tpu.memory_space<hbm>> -> memref<4096xi32, #tpu.memory_space<hbm>>
          tpu.wait_dma2 semaphore(%arg24 : memref<!tpu.dma_semaphore, #tpu.memory_space<semaphore_mem>>) src(%dma_wait3A_275 : memref<4096xi32, #tpu.memory_space<hbm>>) dst(%arg21 : memref<4096xi32, #tpu.memory_space<vmem>>)
          %dma_start3A_276 = arith.constant 0 : i32
          %dma_start3A_277 = tpu.memref_slice %arg8[%dma_start3A_276] : memref<1000000xi32, #tpu.memory_space<vmem_shared>> -> memref<1000000xi32, #tpu.memory_space<vmem_shared>>
          tpu.enqueue_indirect_dma source(%dma_start3A_277 : memref<1000000xi32, #tpu.memory_space<vmem_shared>>) target(%arg22 : memref<4096xi32, #tpu.memory_space<vmem>>) offsets(%arg21 : memref<4096xi32, #tpu.memory_space<vmem>>) semaphore(%arg28 : memref<!tpu.dma_semaphore, #tpu.memory_space<semaphore_mem>>)
        } else {
        }
      } else {
      }
      %lt3A_174 = arith.cmpi slt, %add3A_161, %mul3A_15 : i32
      %convert_element_type3A_175 = arith.extui %lt3A_174 : i1 to i32
      %cond3A_176 = arith.constant 0 : i32
      %cond3A_177 = arith.cmpi ne, %convert_element_type3A_175, %cond3A_176 : i32
      scf.if %cond3A_177 {
        %mul3A_232 = arith.constant 1311 : i32
        %mul3A_233 = arith.muli %add3A_161, %mul3A_232 : i32
        %shift_right_logical3A_234 = arith.constant 16 : i32
        %shift_right_logical3A_235 = arith.shrui %mul3A_233, %shift_right_logical3A_234 : i32
        %mul3A_236 = arith.constant 50 : i32
        %mul3A_237 = arith.muli %mul3A_236, %shift_right_logical3A_235 : i32
        %sub3A_238 = arith.subi %add3A_161, %mul3A_237 : i32
        %mul3A_239 = arith.constant 13108 : i32
        %mul3A_240 = arith.muli %sub3A_238, %mul3A_239 : i32
        %shift_right_logical3A_241 = arith.constant 16 : i32
        %shift_right_logical3A_242 = arith.shrui %mul3A_240, %shift_right_logical3A_241 : i32
        %mul3A_243 = arith.constant 5 : i32
        %mul3A_244 = arith.muli %mul3A_243, %shift_right_logical3A_242 : i32
        %sub3A_245 = arith.subi %sub3A_238, %mul3A_244 : i32
        %eq3A_246 = arith.constant 0 : i32
        %eq3A_247 = arith.cmpi eq, %sub3A_245, %eq3A_246 : i32
        %broadcast_in_dim3A = vector.broadcast %eq3A_247 : i1 to vector<16xi1>
        %eq3A_248 = arith.constant 0 : i32
        %eq3A_249 = arith.cmpi eq, %sub3A_238, %eq3A_248 : i32
        %eq3A_250 = arith.cmpi eq, %add3A_161, %mul3A_7 : i32
        %or3A = arith.ori %eq3A_249, %eq3A_250 : i1
        %convert_element_type3A_251 = arith.extui %or3A : i1 to i32
        %cond3A_252 = arith.constant 0 : i32
        %cond3A_253 = arith.cmpi ne, %convert_element_type3A_251, %cond3A_252 : i32
        scf.if %cond3A_253 {
          "tpu.region"() ({
            %run_scoped3A = tpu.sem_alloc : memref<!tpu.dma_semaphore, #tpu.memory_space<semaphore_mem>>
            %dma_start3A_272 = arith.constant 0 : i32
            %dma_start3A_273 = tpu.memref_slice %arg5[%shift_right_logical3A_235, %dma_start3A_272] : memref<50x4096xf32, #tpu.memory_space<hbm>> -> memref<1x4096xf32, #tpu.memory_space<hbm>>
            %dma_start3A_274 = tpu.memref_squeeze %dma_start3A_273 : memref<1x4096xf32, #tpu.memory_space<hbm>> -> memref<4096xf32, #tpu.memory_space<hbm>>
            %dma_start3A_275 = arith.constant 0 : i32
            %dma_start3A_276 = tpu.memref_slice %arg5[%shift_right_logical3A_235, %dma_start3A_275] : memref<50x4096xf32, #tpu.memory_space<hbm>> -> memref<1x4096xf32, #tpu.memory_space<hbm>>
            %dma_start3A_277 = tpu.memref_squeeze %dma_start3A_276 : memref<1x4096xf32, #tpu.memory_space<hbm>> -> memref<4096xf32, #tpu.memory_space<hbm>>
            tpu.enqueue_dma source(%dma_start3A_277 : memref<4096xf32, #tpu.memory_space<hbm>>) target(%arg19 : memref<4096xf32, #tpu.memory_space<vmem>>) target_semaphore(%run_scoped3A : memref<!tpu.dma_semaphore, #tpu.memory_space<semaphore_mem>>)
            %dma_wait3A_278 = arith.constant 0 : i32
            %dma_wait3A_279 = tpu.memref_slice %arg5[%shift_right_logical3A_235, %dma_wait3A_278] : memref<50x4096xf32, #tpu.memory_space<hbm>> -> memref<1x4096xf32, #tpu.memory_space<hbm>>
            %dma_wait3A_280 = tpu.memref_squeeze %dma_wait3A_279 : memref<1x4096xf32, #tpu.memory_space<hbm>> -> memref<4096xf32, #tpu.memory_space<hbm>>
            %dma_wait3A_281 = arith.constant 0 : i32
            %dma_wait3A_282 = tpu.memref_slice %arg5[%shift_right_logical3A_235, %dma_wait3A_281] : memref<50x4096xf32, #tpu.memory_space<hbm>> -> memref<1x4096xf32, #tpu.memory_space<hbm>>
            %dma_wait3A_283 = tpu.memref_squeeze %dma_wait3A_282 : memref<1x4096xf32, #tpu.memory_space<hbm>> -> memref<4096xf32, #tpu.memory_space<hbm>>
            tpu.wait_dma2 semaphore(%run_scoped3A : memref<!tpu.dma_semaphore, #tpu.memory_space<semaphore_mem>>) src(%dma_wait3A_283 : memref<4096xf32, #tpu.memory_space<hbm>>) dst(%arg19 : memref<4096xf32, #tpu.memory_space<vmem>>)
            tpu.yield
          }) : () -> ()
        } else {
        }
        %dma_wait3A_254 = arith.constant 0 : i32
        %dma_wait3A_255 = tpu.memref_slice %arg8[%dma_wait3A_254] : memref<1000000xi32, #tpu.memory_space<vmem_shared>> -> memref<1000000xi32, #tpu.memory_space<vmem_shared>>
        tpu.wait_indirect_dma semaphore(%arg27 : memref<!tpu.dma_semaphore, #tpu.memory_space<semaphore_mem>>) src(%dma_wait3A_255 : memref<1000000xi32, #tpu.memory_space<vmem_shared>>) dst(%arg15 : memref<4096xi32, #tpu.memory_space<vmem>>)
        %dma_wait3A_256 = arith.constant 0 : i32
        %dma_wait3A_257 = tpu.memref_slice %arg8[%dma_wait3A_256] : memref<1000000xi32, #tpu.memory_space<vmem_shared>> -> memref<1000000xi32, #tpu.memory_space<vmem_shared>>
        tpu.wait_indirect_dma semaphore(%arg27 : memref<!tpu.dma_semaphore, #tpu.memory_space<semaphore_mem>>) src(%dma_wait3A_257 : memref<1000000xi32, #tpu.memory_space<vmem_shared>>) dst(%arg16 : memref<4096xi32, #tpu.memory_space<vmem>>)
        %eq3A_258 = arith.constant 0 : i32
        %eq3A_259 = arith.cmpi eq, %sub3A_238, %eq3A_258 : i32
        %convert_element_type3A_260 = arith.extui %eq3A_259 : i1 to i32
        %cond3A_261 = arith.constant 0 : i32
        %cond3A_262 = arith.cmpi ne, %convert_element_type3A_260, %cond3A_261 : i32
        scf.if %cond3A_262 {
          %dma_wait3A_272 = arith.constant 0 : i32
          %dma_wait3A_273 = tpu.memref_slice %arg8[%dma_wait3A_272] : memref<1000000xi32, #tpu.memory_space<vmem_shared>> -> memref<1000000xi32, #tpu.memory_space<vmem_shared>>
          tpu.wait_indirect_dma semaphore(%arg27 : memref<!tpu.dma_semaphore, #tpu.memory_space<semaphore_mem>>) src(%dma_wait3A_273 : memref<1000000xi32, #tpu.memory_space<vmem_shared>>) dst(%arg22 : memref<4096xi32, #tpu.memory_space<vmem>>)
          %scan3A_274 = arith.constant 0 : i32
          %scan3A_275 = arith.constant 0 : i32
          %scan3A_276 = arith.constant 256 : i32
          %scan3A_277 = arith.addi %scan3A_275, %scan3A_276 : i32
          %scan3A_278 = arith.constant 1 : i32
          %scan3A_279 = scf.for %scan3A_281 = %scan3A_275 to %scan3A_277 step %scan3A_278 iter_args(%scan3A_282 = %scan3A_274) -> (i32)  : i32 {
            %mul3A_283 = arith.constant 16 : i32
            %mul3A_284 = arith.muli %scan3A_281, %mul3A_283 : i32
            %get3A = arith.index_cast %mul3A_284 : i32 to index
            %get3A_285 = tpu.vector_load %arg19[%get3A] {strides = array<i32>} : memref<4096xf32, #tpu.memory_space<vmem>>, vector<16xf32>,
            %broadcast_in_dim3A_286 = arith.constant 0.000000e+00 : f32
            %broadcast_in_dim3A_287 = vector.broadcast %broadcast_in_dim3A_286 : f32 to vector<16xf32>
            %get3A_288 = arith.index_cast %mul3A_284 : i32 to index
            %get3A_289 = tpu.vector_load %arg20[%get3A_288] {strides = array<i32>} : memref<4096xf32, #tpu.memory_space<vmem>>, vector<16xf32>,
            %select_n3A = arith.select %broadcast_in_dim3A, %broadcast_in_dim3A_287, %get3A_289 : vector<16xi1>, vector<16xf32>
            %get3A_290 = arith.index_cast %mul3A_284 : i32 to index
            %get3A_291 = tpu.vector_load %arg15[%get3A_290] {strides = array<i32>} : memref<4096xi32, #tpu.memory_space<vmem>>, vector<16xi32>,
            %and3A = vector.broadcast %scan3A_115 : i32 to vector<16xi32>
            %and3A_292 = arith.andi %get3A_291, %and3A : vector<16xi32>
            %bitcast_convert_type3A = tpu.bitcast %and3A_292 : vector<16xi32> -> vector<16xf32>
            %mul3A_293 = arith.mulf %bitcast_convert_type3A, %get3A_285 : vector<16xf32>
            %shift_left3A = arith.constant 16 : i32
            %shift_left3A_294 = vector.broadcast %shift_left3A : i32 to vector<16xi32>
            %shift_left3A_295 = arith.shli %get3A_291, %shift_left3A_294 : vector<16xi32>
            %bitcast_convert_type3A_296 = tpu.bitcast %shift_left3A_295 : vector<16xi32> -> vector<16xf32>
            %add3A_297 = arith.addf %mul3A_293, %bitcast_convert_type3A_296 : vector<16xf32>
            %exp3A = math.exp %add3A_297 : vector<16xf32>
            %add3A_298 = arith.addf %select_n3A, %exp3A : vector<16xf32>
            %get3A_299 = arith.index_cast %mul3A_284 : i32 to index
            %get3A_300 = tpu.vector_load %arg16[%get3A_299] {strides = array<i32>} : memref<4096xi32, #tpu.memory_space<vmem>>, vector<16xi32>,
            %and3A_301 = vector.broadcast %scan3A_115 : i32 to vector<16xi32>
            %and3A_302 = arith.andi %get3A_300, %and3A_301 : vector<16xi32>
            %bitcast_convert_type3A_303 = tpu.bitcast %and3A_302 : vector<16xi32> -> vector<16xf32>
            %mul3A_304 = arith.mulf %bitcast_convert_type3A_303, %get3A_285 : vector<16xf32>
            %shift_left3A_305 = arith.constant 16 : i32
            %shift_left3A_306 = vector.broadcast %shift_left3A_305 : i32 to vector<16xi32>
            %shift_left3A_307 = arith.shli %get3A_300, %shift_left3A_306 : vector<16xi32>
            %bitcast_convert_type3A_308 = tpu.bitcast %shift_left3A_307 : vector<16xi32> -> vector<16xf32>
            %add3A_309 = arith.addf %mul3A_304, %bitcast_convert_type3A_308 : vector<16xf32>
            %exp3A_310 = math.exp %add3A_309 : vector<16xf32>
            %add3A_311 = arith.addf %add3A_298, %exp3A_310 : vector<16xf32>
            %get3A_312 = arith.index_cast %mul3A_284 : i32 to index
            %get3A_313 = tpu.vector_load %arg22[%get3A_312] {strides = array<i32>} : memref<4096xi32, #tpu.memory_space<vmem>>, vector<16xi32>,
            %and3A_314 = vector.broadcast %scan3A_115 : i32 to vector<16xi32>
            %and3A_315 = arith.andi %get3A_313, %and3A_314 : vector<16xi32>
            %bitcast_convert_type3A_316 = tpu.bitcast %and3A_315 : vector<16xi32> -> vector<16xf32>
            %mul3A_317 = arith.mulf %bitcast_convert_type3A_316, %get3A_285 : vector<16xf32>
            %shift_left3A_318 = arith.constant 16 : i32
            %shift_left3A_319 = vector.broadcast %shift_left3A_318 : i32 to vector<16xi32>
            %shift_left3A_320 = arith.shli %get3A_313, %shift_left3A_319 : vector<16xi32>
            %bitcast_convert_type3A_321 = tpu.bitcast %shift_left3A_320 : vector<16xi32> -> vector<16xf32>
            %add3A_322 = arith.addf %mul3A_317, %bitcast_convert_type3A_321 : vector<16xf32>
            %swap3A = arith.index_cast %mul3A_284 : i32 to index
            %swap3A_323 = tpu.vector_load %arg23[%swap3A] {strides = array<i32>} : memref<4096xf32, #tpu.memory_space<vmem>>, vector<16xf32>,
            tpu.vector_store %arg23[%swap3A], %add3A_322 {strides = array<i32>} : memref<4096xf32, #tpu.memory_space<vmem>>, vector<16xf32>,
            %exp3A_324 = math.exp %add3A_322 : vector<16xf32>
            %add3A_325 = arith.addf %add3A_311, %exp3A_324 : vector<16xf32>
            %swap3A_326 = arith.index_cast %mul3A_284 : i32 to index
            %swap3A_327 = tpu.vector_load %arg20[%swap3A_326] {strides = array<i32>} : memref<4096xf32, #tpu.memory_space<vmem>>, vector<16xf32>,
            tpu.vector_store %arg20[%swap3A_326], %add3A_325 {strides = array<i32>} : memref<4096xf32, #tpu.memory_space<vmem>>, vector<16xf32>,
            %scan3A_328 = arith.constant 0 : i32
            scf.yield %scan3A_328 : i32
          }
          %scan3A_280 = arith.constant 256 : i32
          "tpu.region"() ({
            %run_scoped3A = tpu.sem_alloc : memref<!tpu.dma_semaphore, #tpu.memory_space<semaphore_mem>>
            %dma_start3A_281 = arith.constant 0 : i32
            %dma_start3A_282 = tpu.memref_slice %arg7[%shift_right_logical3A_235, %dma_start3A_281] : memref<50x4096xf32, #tpu.memory_space<hbm>> -> memref<1x4096xf32, #tpu.memory_space<hbm>>
            %dma_start3A_283 = tpu.memref_squeeze %dma_start3A_282 : memref<1x4096xf32, #tpu.memory_space<hbm>> -> memref<4096xf32, #tpu.memory_space<hbm>>
            %dma_start3A_284 = arith.constant 0 : i32
            %dma_start3A_285 = tpu.memref_slice %arg7[%shift_right_logical3A_235, %dma_start3A_284] : memref<50x4096xf32, #tpu.memory_space<hbm>> -> memref<1x4096xf32, #tpu.memory_space<hbm>>
            %dma_start3A_286 = tpu.memref_squeeze %dma_start3A_285 : memref<1x4096xf32, #tpu.memory_space<hbm>> -> memref<4096xf32, #tpu.memory_space<hbm>>
            tpu.enqueue_dma source(%arg23 : memref<4096xf32, #tpu.memory_space<vmem>>) target(%dma_start3A_286 : memref<4096xf32, #tpu.memory_space<hbm>>) target_semaphore(%run_scoped3A : memref<!tpu.dma_semaphore, #tpu.memory_space<semaphore_mem>>)
            %dma_wait3A_287 = arith.constant 0 : i32
            %dma_wait3A_288 = tpu.memref_slice %arg7[%shift_right_logical3A_235, %dma_wait3A_287] : memref<50x4096xf32, #tpu.memory_space<hbm>> -> memref<1x4096xf32, #tpu.memory_space<hbm>>
            %dma_wait3A_289 = tpu.memref_squeeze %dma_wait3A_288 : memref<1x4096xf32, #tpu.memory_space<hbm>> -> memref<4096xf32, #tpu.memory_space<hbm>>
            %dma_wait3A_290 = arith.constant 0 : i32
            %dma_wait3A_291 = tpu.memref_slice %arg7[%shift_right_logical3A_235, %dma_wait3A_290] : memref<50x4096xf32, #tpu.memory_space<hbm>> -> memref<1x4096xf32, #tpu.memory_space<hbm>>
            %dma_wait3A_292 = tpu.memref_squeeze %dma_wait3A_291 : memref<1x4096xf32, #tpu.memory_space<hbm>> -> memref<4096xf32, #tpu.memory_space<hbm>>
            tpu.wait_dma2 semaphore(%run_scoped3A : memref<!tpu.dma_semaphore, #tpu.memory_space<semaphore_mem>>) src(%arg23 : memref<4096xf32, #tpu.memory_space<vmem>>) dst(%dma_wait3A_292 : memref<4096xf32, #tpu.memory_space<hbm>>)
            tpu.yield
          }) : () -> ()
        } else {
        }
        %ne3A = arith.constant 0 : i32
        %ne3A_263 = arith.cmpi ne, %sub3A_238, %ne3A : i32
        %convert_element_type3A_264 = arith.extui %ne3A_263 : i1 to i32
        %cond3A_265 = arith.constant 0 : i32
        %cond3A_266 = arith.cmpi ne, %convert_element_type3A_264, %cond3A_265 : i32
        scf.if %cond3A_266 {
          %scan3A_272 = arith.constant 0 : i32
          %scan3A_273 = arith.constant 0 : i32
          %scan3A_274 = arith.constant 256 : i32
          %scan3A_275 = arith.addi %scan3A_273, %scan3A_274 : i32
          %scan3A_276 = arith.constant 1 : i32
          %scan3A_277 = scf.for %scan3A_279 = %scan3A_273 to %scan3A_275 step %scan3A_276 iter_args(%scan3A_280 = %scan3A_272) -> (i32)  : i32 {
            %mul3A_281 = arith.constant 16 : i32
            %mul3A_282 = arith.muli %scan3A_279, %mul3A_281 : i32
            %get3A = arith.index_cast %mul3A_282 : i32 to index
            %get3A_283 = tpu.vector_load %arg19[%get3A] {strides = array<i32>} : memref<4096xf32, #tpu.memory_space<vmem>>, vector<16xf32>,
            %broadcast_in_dim3A_284 = arith.constant 0.000000e+00 : f32
            %broadcast_in_dim3A_285 = vector.broadcast %broadcast_in_dim3A_284 : f32 to vector<16xf32>
            %get3A_286 = arith.index_cast %mul3A_282 : i32 to index
            %get3A_287 = tpu.vector_load %arg20[%get3A_286] {strides = array<i32>} : memref<4096xf32, #tpu.memory_space<vmem>>, vector<16xf32>,
            %select_n3A = arith.select %broadcast_in_dim3A, %broadcast_in_dim3A_285, %get3A_287 : vector<16xi1>, vector<16xf32>
            %get3A_288 = arith.index_cast %mul3A_282 : i32 to index
            %get3A_289 = tpu.vector_load %arg15[%get3A_288] {strides = array<i32>} : memref<4096xi32, #tpu.memory_space<vmem>>, vector<16xi32>,
            %and3A = vector.broadcast %scan3A_115 : i32 to vector<16xi32>
            %and3A_290 = arith.andi %get3A_289, %and3A : vector<16xi32>
            %bitcast_convert_type3A = tpu.bitcast %and3A_290 : vector<16xi32> -> vector<16xf32>
            %mul3A_291 = arith.mulf %bitcast_convert_type3A, %get3A_283 : vector<16xf32>
            %shift_left3A = arith.constant 16 : i32
            %shift_left3A_292 = vector.broadcast %shift_left3A : i32 to vector<16xi32>
            %shift_left3A_293 = arith.shli %get3A_289, %shift_left3A_292 : vector<16xi32>
            %bitcast_convert_type3A_294 = tpu.bitcast %shift_left3A_293 : vector<16xi32> -> vector<16xf32>
            %add3A_295 = arith.addf %mul3A_291, %bitcast_convert_type3A_294 : vector<16xf32>
            %exp3A = math.exp %add3A_295 : vector<16xf32>
            %add3A_296 = arith.addf %select_n3A, %exp3A : vector<16xf32>
            %get3A_297 = arith.index_cast %mul3A_282 : i32 to index
            %get3A_298 = tpu.vector_load %arg16[%get3A_297] {strides = array<i32>} : memref<4096xi32, #tpu.memory_space<vmem>>, vector<16xi32>,
            %and3A_299 = vector.broadcast %scan3A_115 : i32 to vector<16xi32>
            %and3A_300 = arith.andi %get3A_298, %and3A_299 : vector<16xi32>
            %bitcast_convert_type3A_301 = tpu.bitcast %and3A_300 : vector<16xi32> -> vector<16xf32>
            %mul3A_302 = arith.mulf %bitcast_convert_type3A_301, %get3A_283 : vector<16xf32>
            %shift_left3A_303 = arith.constant 16 : i32
            %shift_left3A_304 = vector.broadcast %shift_left3A_303 : i32 to vector<16xi32>
            %shift_left3A_305 = arith.shli %get3A_298, %shift_left3A_304 : vector<16xi32>
            %bitcast_convert_type3A_306 = tpu.bitcast %shift_left3A_305 : vector<16xi32> -> vector<16xf32>
            %add3A_307 = arith.addf %mul3A_302, %bitcast_convert_type3A_306 : vector<16xf32>
            %exp3A_308 = math.exp %add3A_307 : vector<16xf32>
            %add3A_309 = arith.addf %add3A_296, %exp3A_308 : vector<16xf32>
            %swap3A = arith.index_cast %mul3A_282 : i32 to index
            %swap3A_310 = tpu.vector_load %arg20[%swap3A] {strides = array<i32>} : memref<4096xf32, #tpu.memory_space<vmem>>, vector<16xf32>,
            tpu.vector_store %arg20[%swap3A], %add3A_309 {strides = array<i32>} : memref<4096xf32, #tpu.memory_space<vmem>>, vector<16xf32>,
            %scan3A_311 = arith.constant 0 : i32
            scf.yield %scan3A_311 : i32
          }
          %scan3A_278 = arith.constant 256 : i32
        } else {
        }
        %eq3A_267 = arith.constant 4 : i32
        %eq3A_268 = arith.cmpi eq, %sub3A_245, %eq3A_267 : i32
        %convert_element_type3A_269 = arith.extui %eq3A_268 : i1 to i32
        %cond3A_270 = arith.constant 0 : i32
        %cond3A_271 = arith.cmpi ne, %convert_element_type3A_269, %cond3A_270 : i32
        scf.if %cond3A_271 {
          %mul3A_272 = arith.constant 50 : i32
          %mul3A_273 = arith.muli %shift_right_logical3A_242, %mul3A_272 : i32
          %add3A_274 = arith.addi %mul3A_273, %shift_right_logical3A_235 : i32
          %mul3A_275 = arith.constant 4096 : i32
          %mul3A_276 = arith.muli %add3A_274, %mul3A_275 : i32
          "tpu.region"() ({
            %run_scoped3A = tpu.sem_alloc : memref<!tpu.dma_semaphore, #tpu.memory_space<semaphore_mem>>
            %dma_start3A_277 = tpu.memref_slice %arg6[%mul3A_276] : memref<2064384xf32, #tpu.memory_space<hbm>> -> memref<4096xf32, #tpu.memory_space<hbm>>
            %dma_start3A_278 = tpu.memref_slice %arg6[%mul3A_276] : memref<2064384xf32, #tpu.memory_space<hbm>> -> memref<4096xf32, #tpu.memory_space<hbm>>
            tpu.enqueue_dma source(%arg20 : memref<4096xf32, #tpu.memory_space<vmem>>) target(%dma_start3A_278 : memref<4096xf32, #tpu.memory_space<hbm>>) target_semaphore(%run_scoped3A : memref<!tpu.dma_semaphore, #tpu.memory_space<semaphore_mem>>)
            %dma_wait3A_279 = tpu.memref_slice %arg6[%mul3A_276] : memref<2064384xf32, #tpu.memory_space<hbm>> -> memref<4096xf32, #tpu.memory_space<hbm>>
            %dma_wait3A_280 = tpu.memref_slice %arg6[%mul3A_276] : memref<2064384xf32, #tpu.memory_space<hbm>> -> memref<4096xf32, #tpu.memory_space<hbm>>
            tpu.wait_dma2 semaphore(%run_scoped3A : memref<!tpu.dma_semaphore, #tpu.memory_space<semaphore_mem>>) src(%arg20 : memref<4096xf32, #tpu.memory_space<vmem>>) dst(%dma_wait3A_280 : memref<4096xf32, #tpu.memory_space<hbm>>)
            tpu.yield
          }) : () -> ()
        } else {
        }
      } else {
      }
      %add3A_178 = arith.constant 3 : i32
      %add3A_179 = arith.addi %add3A_124, %add3A_178 : i32
      %add3A_180 = arith.constant 2 : i32
      %add3A_181 = arith.addi %add3A_179, %add3A_180 : i32
      %lt3A_182 = arith.cmpi slt, %add3A_181, %mul3A_15 : i32
      %convert_element_type3A_183 = arith.extui %lt3A_182 : i1 to i32
      %cond3A_184 = arith.constant 0 : i32
      %cond3A_185 = arith.cmpi ne, %convert_element_type3A_183, %cond3A_184 : i32
      scf.if %cond3A_185 {
        %add3A_232 = arith.constant 2 : i32
        %add3A_233 = arith.addi %add3A_179, %add3A_232 : i32
        %mul3A_234 = arith.constant 1311 : i32
        %mul3A_235 = arith.muli %add3A_233, %mul3A_234 : i32
        %shift_right_logical3A_236 = arith.constant 16 : i32
        %shift_right_logical3A_237 = arith.shrui %mul3A_235, %shift_right_logical3A_236 : i32
        %mul3A_238 = arith.constant 50 : i32
        %mul3A_239 = arith.muli %mul3A_238, %shift_right_logical3A_237 : i32
        %sub3A_240 = arith.subi %add3A_233, %mul3A_239 : i32
        %mul3A_241 = arith.constant 2 : i32
        %mul3A_242 = arith.muli %sub3A_240, %mul3A_241 : i32
        %add3A_243 = arith.constant 0 : i32
        %add3A_244 = arith.addi %mul3A_242, %add3A_243 : i32
        %dma_start3A_245 = arith.constant 0 : i32
        %dma_start3A_246 = tpu.memref_slice %arg3[%shift_right_logical3A_237, %add3A_244, %dma_start3A_245] : memref<50x100x4096xi32, #tpu.memory_space<hbm>> -> memref<1x1x4096xi32, #tpu.memory_space<hbm>>
        %dma_start3A_247 = tpu.memref_squeeze %dma_start3A_246 : memref<1x1x4096xi32, #tpu.memory_space<hbm>> -> memref<4096xi32, #tpu.memory_space<hbm>>
        %dma_start3A_248 = arith.constant 0 : i32
        %dma_start3A_249 = tpu.memref_slice %arg3[%shift_right_logical3A_237, %add3A_244, %dma_start3A_248] : memref<50x100x4096xi32, #tpu.memory_space<hbm>> -> memref<1x1x4096xi32, #tpu.memory_space<hbm>>
        %dma_start3A_250 = tpu.memref_squeeze %dma_start3A_249 : memref<1x1x4096xi32, #tpu.memory_space<hbm>> -> memref<4096xi32, #tpu.memory_space<hbm>>
        tpu.enqueue_dma source(%dma_start3A_250 : memref<4096xi32, #tpu.memory_space<hbm>>) target(%arg13 : memref<4096xi32, #tpu.memory_space<vmem>>) target_semaphore(%arg26 : memref<!tpu.dma_semaphore, #tpu.memory_space<semaphore_mem>>)
        %mul3A_251 = arith.constant 2 : i32
        %mul3A_252 = arith.muli %sub3A_240, %mul3A_251 : i32
        %add3A_253 = arith.constant 1 : i32
        %add3A_254 = arith.addi %mul3A_252, %add3A_253 : i32
        %dma_start3A_255 = arith.constant 0 : i32
        %dma_start3A_256 = tpu.memref_slice %arg3[%shift_right_logical3A_237, %add3A_254, %dma_start3A_255] : memref<50x100x4096xi32, #tpu.memory_space<hbm>> -> memref<1x1x4096xi32, #tpu.memory_space<hbm>>
        %dma_start3A_257 = tpu.memref_squeeze %dma_start3A_256 : memref<1x1x4096xi32, #tpu.memory_space<hbm>> -> memref<4096xi32, #tpu.memory_space<hbm>>
        %dma_start3A_258 = arith.constant 0 : i32
        %dma_start3A_259 = tpu.memref_slice %arg3[%shift_right_logical3A_237, %add3A_254, %dma_start3A_258] : memref<50x100x4096xi32, #tpu.memory_space<hbm>> -> memref<1x1x4096xi32, #tpu.memory_space<hbm>>
        %dma_start3A_260 = tpu.memref_squeeze %dma_start3A_259 : memref<1x1x4096xi32, #tpu.memory_space<hbm>> -> memref<4096xi32, #tpu.memory_space<hbm>>
        tpu.enqueue_dma source(%dma_start3A_260 : memref<4096xi32, #tpu.memory_space<hbm>>) target(%arg14 : memref<4096xi32, #tpu.memory_space<vmem>>) target_semaphore(%arg26 : memref<!tpu.dma_semaphore, #tpu.memory_space<semaphore_mem>>)
        %eq3A_261 = arith.constant 0 : i32
        %eq3A_262 = arith.cmpi eq, %sub3A_240, %eq3A_261 : i32
        %convert_element_type3A_263 = arith.extui %eq3A_262 : i1 to i32
        %cond3A_264 = arith.constant 0 : i32
        %cond3A_265 = arith.cmpi ne, %convert_element_type3A_263, %cond3A_264 : i32
        scf.if %cond3A_265 {
          %dma_start3A_266 = arith.constant 0 : i32
          %dma_start3A_267 = tpu.memref_slice %arg4[%shift_right_logical3A_237, %dma_start3A_266] : memref<50x4096xi32, #tpu.memory_space<hbm>> -> memref<1x4096xi32, #tpu.memory_space<hbm>>
          %dma_start3A_268 = tpu.memref_squeeze %dma_start3A_267 : memref<1x4096xi32, #tpu.memory_space<hbm>> -> memref<4096xi32, #tpu.memory_space<hbm>>
          %dma_start3A_269 = arith.constant 0 : i32
          %dma_start3A_270 = tpu.memref_slice %arg4[%shift_right_logical3A_237, %dma_start3A_269] : memref<50x4096xi32, #tpu.memory_space<hbm>> -> memref<1x4096xi32, #tpu.memory_space<hbm>>
          %dma_start3A_271 = tpu.memref_squeeze %dma_start3A_270 : memref<1x4096xi32, #tpu.memory_space<hbm>> -> memref<4096xi32, #tpu.memory_space<hbm>>
          tpu.enqueue_dma source(%dma_start3A_271 : memref<4096xi32, #tpu.memory_space<hbm>>) target(%arg21 : memref<4096xi32, #tpu.memory_space<vmem>>) target_semaphore(%arg26 : memref<!tpu.dma_semaphore, #tpu.memory_space<semaphore_mem>>)
        } else {
        }
      } else {
      }
      %add3A_186 = arith.constant 1 : i32
      %add3A_187 = arith.addi %add3A_179, %add3A_186 : i32
      %lt3A_188 = arith.cmpi slt, %add3A_187, %mul3A_15 : i32
      %convert_element_type3A_189 = arith.extui %lt3A_188 : i1 to i32
      %cond3A_190 = arith.constant 0 : i32
      %cond3A_191 = arith.cmpi ne, %convert_element_type3A_189, %cond3A_190 : i32
      scf.if %cond3A_191 {
        %add3A_232 = arith.constant 1 : i32
        %add3A_233 = arith.addi %add3A_179, %add3A_232 : i32
        %mul3A_234 = arith.constant 1311 : i32
        %mul3A_235 = arith.muli %add3A_233, %mul3A_234 : i32
        %shift_right_logical3A_236 = arith.constant 16 : i32
        %shift_right_logical3A_237 = arith.shrui %mul3A_235, %shift_right_logical3A_236 : i32
        %mul3A_238 = arith.constant 50 : i32
        %mul3A_239 = arith.muli %mul3A_238, %shift_right_logical3A_237 : i32
        %sub3A_240 = arith.subi %add3A_233, %mul3A_239 : i32
        %mul3A_241 = arith.constant 2 : i32
        %mul3A_242 = arith.muli %sub3A_240, %mul3A_241 : i32
        %add3A_243 = arith.constant 0 : i32
        %add3A_244 = arith.addi %mul3A_242, %add3A_243 : i32
        %dma_wait3A_245 = arith.constant 0 : i32
        %dma_wait3A_246 = tpu.memref_slice %arg3[%shift_right_logical3A_237, %add3A_244, %dma_wait3A_245] : memref<50x100x4096xi32, #tpu.memory_space<hbm>> -> memref<1x1x4096xi32, #tpu.memory_space<hbm>>
        %dma_wait3A_247 = tpu.memref_squeeze %dma_wait3A_246 : memref<1x1x4096xi32, #tpu.memory_space<hbm>> -> memref<4096xi32, #tpu.memory_space<hbm>>
        %dma_wait3A_248 = arith.constant 0 : i32
        %dma_wait3A_249 = tpu.memref_slice %arg3[%shift_right_logical3A_237, %add3A_244, %dma_wait3A_248] : memref<50x100x4096xi32, #tpu.memory_space<hbm>> -> memref<1x1x4096xi32, #tpu.memory_space<hbm>>
        %dma_wait3A_250 = tpu.memref_squeeze %dma_wait3A_249 : memref<1x1x4096xi32, #tpu.memory_space<hbm>> -> memref<4096xi32, #tpu.memory_space<hbm>>
        tpu.wait_dma2 semaphore(%arg25 : memref<!tpu.dma_semaphore, #tpu.memory_space<semaphore_mem>>) src(%dma_wait3A_250 : memref<4096xi32, #tpu.memory_space<hbm>>) dst(%arg11 : memref<4096xi32, #tpu.memory_space<vmem>>)
        %dma_start3A_251 = arith.constant 0 : i32
        %dma_start3A_252 = tpu.memref_slice %arg8[%dma_start3A_251] : memref<1000000xi32, #tpu.memory_space<vmem_shared>> -> memref<1000000xi32, #tpu.memory_space<vmem_shared>>
        tpu.enqueue_indirect_dma source(%dma_start3A_252 : memref<1000000xi32, #tpu.memory_space<vmem_shared>>) target(%arg15 : memref<4096xi32, #tpu.memory_space<vmem>>) offsets(%arg11 : memref<4096xi32, #tpu.memory_space<vmem>>) semaphore(%arg27 : memref<!tpu.dma_semaphore, #tpu.memory_space<semaphore_mem>>)
        %mul3A_253 = arith.constant 2 : i32
        %mul3A_254 = arith.muli %sub3A_240, %mul3A_253 : i32
        %add3A_255 = arith.constant 1 : i32
        %add3A_256 = arith.addi %mul3A_254, %add3A_255 : i32
        %dma_wait3A_257 = arith.constant 0 : i32
        %dma_wait3A_258 = tpu.memref_slice %arg3[%shift_right_logical3A_237, %add3A_256, %dma_wait3A_257] : memref<50x100x4096xi32, #tpu.memory_space<hbm>> -> memref<1x1x4096xi32, #tpu.memory_space<hbm>>
        %dma_wait3A_259 = tpu.memref_squeeze %dma_wait3A_258 : memref<1x1x4096xi32, #tpu.memory_space<hbm>> -> memref<4096xi32, #tpu.memory_space<hbm>>
        %dma_wait3A_260 = arith.constant 0 : i32
        %dma_wait3A_261 = tpu.memref_slice %arg3[%shift_right_logical3A_237, %add3A_256, %dma_wait3A_260] : memref<50x100x4096xi32, #tpu.memory_space<hbm>> -> memref<1x1x4096xi32, #tpu.memory_space<hbm>>
        %dma_wait3A_262 = tpu.memref_squeeze %dma_wait3A_261 : memref<1x1x4096xi32, #tpu.memory_space<hbm>> -> memref<4096xi32, #tpu.memory_space<hbm>>
        tpu.wait_dma2 semaphore(%arg25 : memref<!tpu.dma_semaphore, #tpu.memory_space<semaphore_mem>>) src(%dma_wait3A_262 : memref<4096xi32, #tpu.memory_space<hbm>>) dst(%arg12 : memref<4096xi32, #tpu.memory_space<vmem>>)
        %dma_start3A_263 = arith.constant 0 : i32
        %dma_start3A_264 = tpu.memref_slice %arg8[%dma_start3A_263] : memref<1000000xi32, #tpu.memory_space<vmem_shared>> -> memref<1000000xi32, #tpu.memory_space<vmem_shared>>
        tpu.enqueue_indirect_dma source(%dma_start3A_264 : memref<1000000xi32, #tpu.memory_space<vmem_shared>>) target(%arg16 : memref<4096xi32, #tpu.memory_space<vmem>>) offsets(%arg12 : memref<4096xi32, #tpu.memory_space<vmem>>) semaphore(%arg27 : memref<!tpu.dma_semaphore, #tpu.memory_space<semaphore_mem>>)
        %eq3A_265 = arith.constant 0 : i32
        %eq3A_266 = arith.cmpi eq, %sub3A_240, %eq3A_265 : i32
        %convert_element_type3A_267 = arith.extui %eq3A_266 : i1 to i32
        %cond3A_268 = arith.constant 0 : i32
        %cond3A_269 = arith.cmpi ne, %convert_element_type3A_267, %cond3A_268 : i32
        scf.if %cond3A_269 {
          %dma_wait3A_270 = arith.constant 0 : i32
          %dma_wait3A_271 = tpu.memref_slice %arg4[%shift_right_logical3A_237, %dma_wait3A_270] : memref<50x4096xi32, #tpu.memory_space<hbm>> -> memref<1x4096xi32, #tpu.memory_space<hbm>>
          %dma_wait3A_272 = tpu.memref_squeeze %dma_wait3A_271 : memref<1x4096xi32, #tpu.memory_space<hbm>> -> memref<4096xi32, #tpu.memory_space<hbm>>
          %dma_wait3A_273 = arith.constant 0 : i32
          %dma_wait3A_274 = tpu.memref_slice %arg4[%shift_right_logical3A_237, %dma_wait3A_273] : memref<50x4096xi32, #tpu.memory_space<hbm>> -> memref<1x4096xi32, #tpu.memory_space<hbm>>
          %dma_wait3A_275 = tpu.memref_squeeze %dma_wait3A_274 : memref<1x4096xi32, #tpu.memory_space<hbm>> -> memref<4096xi32, #tpu.memory_space<hbm>>
          tpu.wait_dma2 semaphore(%arg25 : memref<!tpu.dma_semaphore, #tpu.memory_space<semaphore_mem>>) src(%dma_wait3A_275 : memref<4096xi32, #tpu.memory_space<hbm>>) dst(%arg21 : memref<4096xi32, #tpu.memory_space<vmem>>)
          %dma_start3A_276 = arith.constant 0 : i32
          %dma_start3A_277 = tpu.memref_slice %arg8[%dma_start3A_276] : memref<1000000xi32, #tpu.memory_space<vmem_shared>> -> memref<1000000xi32, #tpu.memory_space<vmem_shared>>
          tpu.enqueue_indirect_dma source(%dma_start3A_277 : memref<1000000xi32, #tpu.memory_space<vmem_shared>>) target(%arg22 : memref<4096xi32, #tpu.memory_space<vmem>>) offsets(%arg21 : memref<4096xi32, #tpu.memory_space<vmem>>) semaphore(%arg27 : memref<!tpu.dma_semaphore, #tpu.memory_space<semaphore_mem>>)
        } else {
        }
      } else {
      }
      %lt3A_192 = arith.cmpi slt, %add3A_179, %mul3A_15 : i32
      %convert_element_type3A_193 = arith.extui %lt3A_192 : i1 to i32
      %cond3A_194 = arith.constant 0 : i32
      %cond3A_195 = arith.cmpi ne, %convert_element_type3A_193, %cond3A_194 : i32
      scf.if %cond3A_195 {
        %mul3A_232 = arith.constant 1311 : i32
        %mul3A_233 = arith.muli %add3A_179, %mul3A_232 : i32
        %shift_right_logical3A_234 = arith.constant 16 : i32
        %shift_right_logical3A_235 = arith.shrui %mul3A_233, %shift_right_logical3A_234 : i32
        %mul3A_236 = arith.constant 50 : i32
        %mul3A_237 = arith.muli %mul3A_236, %shift_right_logical3A_235 : i32
        %sub3A_238 = arith.subi %add3A_179, %mul3A_237 : i32
        %mul3A_239 = arith.constant 13108 : i32
        %mul3A_240 = arith.muli %sub3A_238, %mul3A_239 : i32
        %shift_right_logical3A_241 = arith.constant 16 : i32
        %shift_right_logical3A_242 = arith.shrui %mul3A_240, %shift_right_logical3A_241 : i32
        %mul3A_243 = arith.constant 5 : i32
        %mul3A_244 = arith.muli %mul3A_243, %shift_right_logical3A_242 : i32
        %sub3A_245 = arith.subi %sub3A_238, %mul3A_244 : i32
        %eq3A_246 = arith.constant 0 : i32
        %eq3A_247 = arith.cmpi eq, %sub3A_245, %eq3A_246 : i32
        %broadcast_in_dim3A = vector.broadcast %eq3A_247 : i1 to vector<16xi1>
        %eq3A_248 = arith.constant 0 : i32
        %eq3A_249 = arith.cmpi eq, %sub3A_238, %eq3A_248 : i32
        %eq3A_250 = arith.cmpi eq, %add3A_179, %mul3A_7 : i32
        %or3A = arith.ori %eq3A_249, %eq3A_250 : i1
        %convert_element_type3A_251 = arith.extui %or3A : i1 to i32
        %cond3A_252 = arith.constant 0 : i32
        %cond3A_253 = arith.cmpi ne, %convert_element_type3A_251, %cond3A_252 : i32
        scf.if %cond3A_253 {
          "tpu.region"() ({
            %run_scoped3A = tpu.sem_alloc : memref<!tpu.dma_semaphore, #tpu.memory_space<semaphore_mem>>
            %dma_start3A_272 = arith.constant 0 : i32
            %dma_start3A_273 = tpu.memref_slice %arg5[%shift_right_logical3A_235, %dma_start3A_272] : memref<50x4096xf32, #tpu.memory_space<hbm>> -> memref<1x4096xf32, #tpu.memory_space<hbm>>
            %dma_start3A_274 = tpu.memref_squeeze %dma_start3A_273 : memref<1x4096xf32, #tpu.memory_space<hbm>> -> memref<4096xf32, #tpu.memory_space<hbm>>
            %dma_start3A_275 = arith.constant 0 : i32
            %dma_start3A_276 = tpu.memref_slice %arg5[%shift_right_logical3A_235, %dma_start3A_275] : memref<50x4096xf32, #tpu.memory_space<hbm>> -> memref<1x4096xf32, #tpu.memory_space<hbm>>
            %dma_start3A_277 = tpu.memref_squeeze %dma_start3A_276 : memref<1x4096xf32, #tpu.memory_space<hbm>> -> memref<4096xf32, #tpu.memory_space<hbm>>
            tpu.enqueue_dma source(%dma_start3A_277 : memref<4096xf32, #tpu.memory_space<hbm>>) target(%arg19 : memref<4096xf32, #tpu.memory_space<vmem>>) target_semaphore(%run_scoped3A : memref<!tpu.dma_semaphore, #tpu.memory_space<semaphore_mem>>)
            %dma_wait3A_278 = arith.constant 0 : i32
            %dma_wait3A_279 = tpu.memref_slice %arg5[%shift_right_logical3A_235, %dma_wait3A_278] : memref<50x4096xf32, #tpu.memory_space<hbm>> -> memref<1x4096xf32, #tpu.memory_space<hbm>>
            %dma_wait3A_280 = tpu.memref_squeeze %dma_wait3A_279 : memref<1x4096xf32, #tpu.memory_space<hbm>> -> memref<4096xf32, #tpu.memory_space<hbm>>
            %dma_wait3A_281 = arith.constant 0 : i32
            %dma_wait3A_282 = tpu.memref_slice %arg5[%shift_right_logical3A_235, %dma_wait3A_281] : memref<50x4096xf32, #tpu.memory_space<hbm>> -> memref<1x4096xf32, #tpu.memory_space<hbm>>
            %dma_wait3A_283 = tpu.memref_squeeze %dma_wait3A_282 : memref<1x4096xf32, #tpu.memory_space<hbm>> -> memref<4096xf32, #tpu.memory_space<hbm>>
            tpu.wait_dma2 semaphore(%run_scoped3A : memref<!tpu.dma_semaphore, #tpu.memory_space<semaphore_mem>>) src(%dma_wait3A_283 : memref<4096xf32, #tpu.memory_space<hbm>>) dst(%arg19 : memref<4096xf32, #tpu.memory_space<vmem>>)
            tpu.yield
          }) : () -> ()
        } else {
        }
        %dma_wait3A_254 = arith.constant 0 : i32
        %dma_wait3A_255 = tpu.memref_slice %arg8[%dma_wait3A_254] : memref<1000000xi32, #tpu.memory_space<vmem_shared>> -> memref<1000000xi32, #tpu.memory_space<vmem_shared>>
        tpu.wait_indirect_dma semaphore(%arg28 : memref<!tpu.dma_semaphore, #tpu.memory_space<semaphore_mem>>) src(%dma_wait3A_255 : memref<1000000xi32, #tpu.memory_space<vmem_shared>>) dst(%arg17 : memref<4096xi32, #tpu.memory_space<vmem>>)
        %dma_wait3A_256 = arith.constant 0 : i32
        %dma_wait3A_257 = tpu.memref_slice %arg8[%dma_wait3A_256] : memref<1000000xi32, #tpu.memory_space<vmem_shared>> -> memref<1000000xi32, #tpu.memory_space<vmem_shared>>
        tpu.wait_indirect_dma semaphore(%arg28 : memref<!tpu.dma_semaphore, #tpu.memory_space<semaphore_mem>>) src(%dma_wait3A_257 : memref<1000000xi32, #tpu.memory_space<vmem_shared>>) dst(%arg18 : memref<4096xi32, #tpu.memory_space<vmem>>)
        %eq3A_258 = arith.constant 0 : i32
        %eq3A_259 = arith.cmpi eq, %sub3A_238, %eq3A_258 : i32
        %convert_element_type3A_260 = arith.extui %eq3A_259 : i1 to i32
        %cond3A_261 = arith.constant 0 : i32
        %cond3A_262 = arith.cmpi ne, %convert_element_type3A_260, %cond3A_261 : i32
        scf.if %cond3A_262 {
          %dma_wait3A_272 = arith.constant 0 : i32
          %dma_wait3A_273 = tpu.memref_slice %arg8[%dma_wait3A_272] : memref<1000000xi32, #tpu.memory_space<vmem_shared>> -> memref<1000000xi32, #tpu.memory_space<vmem_shared>>
          tpu.wait_indirect_dma semaphore(%arg28 : memref<!tpu.dma_semaphore, #tpu.memory_space<semaphore_mem>>) src(%dma_wait3A_273 : memref<1000000xi32, #tpu.memory_space<vmem_shared>>) dst(%arg22 : memref<4096xi32, #tpu.memory_space<vmem>>)
          %scan3A_274 = arith.constant 0 : i32
          %scan3A_275 = arith.constant 0 : i32
          %scan3A_276 = arith.constant 256 : i32
          %scan3A_277 = arith.addi %scan3A_275, %scan3A_276 : i32
          %scan3A_278 = arith.constant 1 : i32
          %scan3A_279 = scf.for %scan3A_281 = %scan3A_275 to %scan3A_277 step %scan3A_278 iter_args(%scan3A_282 = %scan3A_274) -> (i32)  : i32 {
            %mul3A_283 = arith.constant 16 : i32
            %mul3A_284 = arith.muli %scan3A_281, %mul3A_283 : i32
            %get3A = arith.index_cast %mul3A_284 : i32 to index
            %get3A_285 = tpu.vector_load %arg19[%get3A] {strides = array<i32>} : memref<4096xf32, #tpu.memory_space<vmem>>, vector<16xf32>,
            %broadcast_in_dim3A_286 = arith.constant 0.000000e+00 : f32
            %broadcast_in_dim3A_287 = vector.broadcast %broadcast_in_dim3A_286 : f32 to vector<16xf32>
            %get3A_288 = arith.index_cast %mul3A_284 : i32 to index
            %get3A_289 = tpu.vector_load %arg20[%get3A_288] {strides = array<i32>} : memref<4096xf32, #tpu.memory_space<vmem>>, vector<16xf32>,
            %select_n3A = arith.select %broadcast_in_dim3A, %broadcast_in_dim3A_287, %get3A_289 : vector<16xi1>, vector<16xf32>
            %get3A_290 = arith.index_cast %mul3A_284 : i32 to index
            %get3A_291 = tpu.vector_load %arg17[%get3A_290] {strides = array<i32>} : memref<4096xi32, #tpu.memory_space<vmem>>, vector<16xi32>,
            %and3A = vector.broadcast %scan3A_115 : i32 to vector<16xi32>
            %and3A_292 = arith.andi %get3A_291, %and3A : vector<16xi32>
            %bitcast_convert_type3A = tpu.bitcast %and3A_292 : vector<16xi32> -> vector<16xf32>
            %mul3A_293 = arith.mulf %bitcast_convert_type3A, %get3A_285 : vector<16xf32>
            %shift_left3A = arith.constant 16 : i32
            %shift_left3A_294 = vector.broadcast %shift_left3A : i32 to vector<16xi32>
            %shift_left3A_295 = arith.shli %get3A_291, %shift_left3A_294 : vector<16xi32>
            %bitcast_convert_type3A_296 = tpu.bitcast %shift_left3A_295 : vector<16xi32> -> vector<16xf32>
            %add3A_297 = arith.addf %mul3A_293, %bitcast_convert_type3A_296 : vector<16xf32>
            %exp3A = math.exp %add3A_297 : vector<16xf32>
            %add3A_298 = arith.addf %select_n3A, %exp3A : vector<16xf32>
            %get3A_299 = arith.index_cast %mul3A_284 : i32 to index
            %get3A_300 = tpu.vector_load %arg18[%get3A_299] {strides = array<i32>} : memref<4096xi32, #tpu.memory_space<vmem>>, vector<16xi32>,
            %and3A_301 = vector.broadcast %scan3A_115 : i32 to vector<16xi32>
            %and3A_302 = arith.andi %get3A_300, %and3A_301 : vector<16xi32>
            %bitcast_convert_type3A_303 = tpu.bitcast %and3A_302 : vector<16xi32> -> vector<16xf32>
            %mul3A_304 = arith.mulf %bitcast_convert_type3A_303, %get3A_285 : vector<16xf32>
            %shift_left3A_305 = arith.constant 16 : i32
            %shift_left3A_306 = vector.broadcast %shift_left3A_305 : i32 to vector<16xi32>
            %shift_left3A_307 = arith.shli %get3A_300, %shift_left3A_306 : vector<16xi32>
            %bitcast_convert_type3A_308 = tpu.bitcast %shift_left3A_307 : vector<16xi32> -> vector<16xf32>
            %add3A_309 = arith.addf %mul3A_304, %bitcast_convert_type3A_308 : vector<16xf32>
            %exp3A_310 = math.exp %add3A_309 : vector<16xf32>
            %add3A_311 = arith.addf %add3A_298, %exp3A_310 : vector<16xf32>
            %get3A_312 = arith.index_cast %mul3A_284 : i32 to index
            %get3A_313 = tpu.vector_load %arg22[%get3A_312] {strides = array<i32>} : memref<4096xi32, #tpu.memory_space<vmem>>, vector<16xi32>,
            %and3A_314 = vector.broadcast %scan3A_115 : i32 to vector<16xi32>
            %and3A_315 = arith.andi %get3A_313, %and3A_314 : vector<16xi32>
            %bitcast_convert_type3A_316 = tpu.bitcast %and3A_315 : vector<16xi32> -> vector<16xf32>
            %mul3A_317 = arith.mulf %bitcast_convert_type3A_316, %get3A_285 : vector<16xf32>
            %shift_left3A_318 = arith.constant 16 : i32
            %shift_left3A_319 = vector.broadcast %shift_left3A_318 : i32 to vector<16xi32>
            %shift_left3A_320 = arith.shli %get3A_313, %shift_left3A_319 : vector<16xi32>
            %bitcast_convert_type3A_321 = tpu.bitcast %shift_left3A_320 : vector<16xi32> -> vector<16xf32>
            %add3A_322 = arith.addf %mul3A_317, %bitcast_convert_type3A_321 : vector<16xf32>
            %swap3A = arith.index_cast %mul3A_284 : i32 to index
            %swap3A_323 = tpu.vector_load %arg23[%swap3A] {strides = array<i32>} : memref<4096xf32, #tpu.memory_space<vmem>>, vector<16xf32>,
            tpu.vector_store %arg23[%swap3A], %add3A_322 {strides = array<i32>} : memref<4096xf32, #tpu.memory_space<vmem>>, vector<16xf32>,
            %exp3A_324 = math.exp %add3A_322 : vector<16xf32>
            %add3A_325 = arith.addf %add3A_311, %exp3A_324 : vector<16xf32>
            %swap3A_326 = arith.index_cast %mul3A_284 : i32 to index
            %swap3A_327 = tpu.vector_load %arg20[%swap3A_326] {strides = array<i32>} : memref<4096xf32, #tpu.memory_space<vmem>>, vector<16xf32>,
            tpu.vector_store %arg20[%swap3A_326], %add3A_325 {strides = array<i32>} : memref<4096xf32, #tpu.memory_space<vmem>>, vector<16xf32>,
            %scan3A_328 = arith.constant 0 : i32
            scf.yield %scan3A_328 : i32
          }
          %scan3A_280 = arith.constant 256 : i32
          "tpu.region"() ({
            %run_scoped3A = tpu.sem_alloc : memref<!tpu.dma_semaphore, #tpu.memory_space<semaphore_mem>>
            %dma_start3A_281 = arith.constant 0 : i32
            %dma_start3A_282 = tpu.memref_slice %arg7[%shift_right_logical3A_235, %dma_start3A_281] : memref<50x4096xf32, #tpu.memory_space<hbm>> -> memref<1x4096xf32, #tpu.memory_space<hbm>>
            %dma_start3A_283 = tpu.memref_squeeze %dma_start3A_282 : memref<1x4096xf32, #tpu.memory_space<hbm>> -> memref<4096xf32, #tpu.memory_space<hbm>>
            %dma_start3A_284 = arith.constant 0 : i32
            %dma_start3A_285 = tpu.memref_slice %arg7[%shift_right_logical3A_235, %dma_start3A_284] : memref<50x4096xf32, #tpu.memory_space<hbm>> -> memref<1x4096xf32, #tpu.memory_space<hbm>>
            %dma_start3A_286 = tpu.memref_squeeze %dma_start3A_285 : memref<1x4096xf32, #tpu.memory_space<hbm>> -> memref<4096xf32, #tpu.memory_space<hbm>>
            tpu.enqueue_dma source(%arg23 : memref<4096xf32, #tpu.memory_space<vmem>>) target(%dma_start3A_286 : memref<4096xf32, #tpu.memory_space<hbm>>) target_semaphore(%run_scoped3A : memref<!tpu.dma_semaphore, #tpu.memory_space<semaphore_mem>>)
            %dma_wait3A_287 = arith.constant 0 : i32
            %dma_wait3A_288 = tpu.memref_slice %arg7[%shift_right_logical3A_235, %dma_wait3A_287] : memref<50x4096xf32, #tpu.memory_space<hbm>> -> memref<1x4096xf32, #tpu.memory_space<hbm>>
            %dma_wait3A_289 = tpu.memref_squeeze %dma_wait3A_288 : memref<1x4096xf32, #tpu.memory_space<hbm>> -> memref<4096xf32, #tpu.memory_space<hbm>>
            %dma_wait3A_290 = arith.constant 0 : i32
            %dma_wait3A_291 = tpu.memref_slice %arg7[%shift_right_logical3A_235, %dma_wait3A_290] : memref<50x4096xf32, #tpu.memory_space<hbm>> -> memref<1x4096xf32, #tpu.memory_space<hbm>>
            %dma_wait3A_292 = tpu.memref_squeeze %dma_wait3A_291 : memref<1x4096xf32, #tpu.memory_space<hbm>> -> memref<4096xf32, #tpu.memory_space<hbm>>
            tpu.wait_dma2 semaphore(%run_scoped3A : memref<!tpu.dma_semaphore, #tpu.memory_space<semaphore_mem>>) src(%arg23 : memref<4096xf32, #tpu.memory_space<vmem>>) dst(%dma_wait3A_292 : memref<4096xf32, #tpu.memory_space<hbm>>)
            tpu.yield
          }) : () -> ()
        } else {
        }
        %ne3A = arith.constant 0 : i32
        %ne3A_263 = arith.cmpi ne, %sub3A_238, %ne3A : i32
        %convert_element_type3A_264 = arith.extui %ne3A_263 : i1 to i32
        %cond3A_265 = arith.constant 0 : i32
        %cond3A_266 = arith.cmpi ne, %convert_element_type3A_264, %cond3A_265 : i32
        scf.if %cond3A_266 {
          %scan3A_272 = arith.constant 0 : i32
          %scan3A_273 = arith.constant 0 : i32
          %scan3A_274 = arith.constant 256 : i32
          %scan3A_275 = arith.addi %scan3A_273, %scan3A_274 : i32
          %scan3A_276 = arith.constant 1 : i32
          %scan3A_277 = scf.for %scan3A_279 = %scan3A_273 to %scan3A_275 step %scan3A_276 iter_args(%scan3A_280 = %scan3A_272) -> (i32)  : i32 {
            %mul3A_281 = arith.constant 16 : i32
            %mul3A_282 = arith.muli %scan3A_279, %mul3A_281 : i32
            %get3A = arith.index_cast %mul3A_282 : i32 to index
            %get3A_283 = tpu.vector_load %arg19[%get3A] {strides = array<i32>} : memref<4096xf32, #tpu.memory_space<vmem>>, vector<16xf32>,
            %broadcast_in_dim3A_284 = arith.constant 0.000000e+00 : f32
            %broadcast_in_dim3A_285 = vector.broadcast %broadcast_in_dim3A_284 : f32 to vector<16xf32>
            %get3A_286 = arith.index_cast %mul3A_282 : i32 to index
            %get3A_287 = tpu.vector_load %arg20[%get3A_286] {strides = array<i32>} : memref<4096xf32, #tpu.memory_space<vmem>>, vector<16xf32>,
            %select_n3A = arith.select %broadcast_in_dim3A, %broadcast_in_dim3A_285, %get3A_287 : vector<16xi1>, vector<16xf32>
            %get3A_288 = arith.index_cast %mul3A_282 : i32 to index
            %get3A_289 = tpu.vector_load %arg17[%get3A_288] {strides = array<i32>} : memref<4096xi32, #tpu.memory_space<vmem>>, vector<16xi32>,
            %and3A = vector.broadcast %scan3A_115 : i32 to vector<16xi32>
            %and3A_290 = arith.andi %get3A_289, %and3A : vector<16xi32>
            %bitcast_convert_type3A = tpu.bitcast %and3A_290 : vector<16xi32> -> vector<16xf32>
            %mul3A_291 = arith.mulf %bitcast_convert_type3A, %get3A_283 : vector<16xf32>
            %shift_left3A = arith.constant 16 : i32
            %shift_left3A_292 = vector.broadcast %shift_left3A : i32 to vector<16xi32>
            %shift_left3A_293 = arith.shli %get3A_289, %shift_left3A_292 : vector<16xi32>
            %bitcast_convert_type3A_294 = tpu.bitcast %shift_left3A_293 : vector<16xi32> -> vector<16xf32>
            %add3A_295 = arith.addf %mul3A_291, %bitcast_convert_type3A_294 : vector<16xf32>
            %exp3A = math.exp %add3A_295 : vector<16xf32>
            %add3A_296 = arith.addf %select_n3A, %exp3A : vector<16xf32>
            %get3A_297 = arith.index_cast %mul3A_282 : i32 to index
            %get3A_298 = tpu.vector_load %arg18[%get3A_297] {strides = array<i32>} : memref<4096xi32, #tpu.memory_space<vmem>>, vector<16xi32>,
            %and3A_299 = vector.broadcast %scan3A_115 : i32 to vector<16xi32>
            %and3A_300 = arith.andi %get3A_298, %and3A_299 : vector<16xi32>
            %bitcast_convert_type3A_301 = tpu.bitcast %and3A_300 : vector<16xi32> -> vector<16xf32>
            %mul3A_302 = arith.mulf %bitcast_convert_type3A_301, %get3A_283 : vector<16xf32>
            %shift_left3A_303 = arith.constant 16 : i32
            %shift_left3A_304 = vector.broadcast %shift_left3A_303 : i32 to vector<16xi32>
            %shift_left3A_305 = arith.shli %get3A_298, %shift_left3A_304 : vector<16xi32>
            %bitcast_convert_type3A_306 = tpu.bitcast %shift_left3A_305 : vector<16xi32> -> vector<16xf32>
            %add3A_307 = arith.addf %mul3A_302, %bitcast_convert_type3A_306 : vector<16xf32>
            %exp3A_308 = math.exp %add3A_307 : vector<16xf32>
            %add3A_309 = arith.addf %add3A_296, %exp3A_308 : vector<16xf32>
            %swap3A = arith.index_cast %mul3A_282 : i32 to index
            %swap3A_310 = tpu.vector_load %arg20[%swap3A] {strides = array<i32>} : memref<4096xf32, #tpu.memory_space<vmem>>, vector<16xf32>,
            tpu.vector_store %arg20[%swap3A], %add3A_309 {strides = array<i32>} : memref<4096xf32, #tpu.memory_space<vmem>>, vector<16xf32>,
            %scan3A_311 = arith.constant 0 : i32
            scf.yield %scan3A_311 : i32
          }
          %scan3A_278 = arith.constant 256 : i32
        } else {
        }
        %eq3A_267 = arith.constant 4 : i32
        %eq3A_268 = arith.cmpi eq, %sub3A_245, %eq3A_267 : i32
        %convert_element_type3A_269 = arith.extui %eq3A_268 : i1 to i32
        %cond3A_270 = arith.constant 0 : i32
        %cond3A_271 = arith.cmpi ne, %convert_element_type3A_269, %cond3A_270 : i32
        scf.if %cond3A_271 {
          %mul3A_272 = arith.constant 50 : i32
          %mul3A_273 = arith.muli %shift_right_logical3A_242, %mul3A_272 : i32
          %add3A_274 = arith.addi %mul3A_273, %shift_right_logical3A_235 : i32
          %mul3A_275 = arith.constant 4096 : i32
          %mul3A_276 = arith.muli %add3A_274, %mul3A_275 : i32
          "tpu.region"() ({
            %run_scoped3A = tpu.sem_alloc : memref<!tpu.dma_semaphore, #tpu.memory_space<semaphore_mem>>
            %dma_start3A_277 = tpu.memref_slice %arg6[%mul3A_276] : memref<2064384xf32, #tpu.memory_space<hbm>> -> memref<4096xf32, #tpu.memory_space<hbm>>
            %dma_start3A_278 = tpu.memref_slice %arg6[%mul3A_276] : memref<2064384xf32, #tpu.memory_space<hbm>> -> memref<4096xf32, #tpu.memory_space<hbm>>
            tpu.enqueue_dma source(%arg20 : memref<4096xf32, #tpu.memory_space<vmem>>) target(%dma_start3A_278 : memref<4096xf32, #tpu.memory_space<hbm>>) target_semaphore(%run_scoped3A : memref<!tpu.dma_semaphore, #tpu.memory_space<semaphore_mem>>)
            %dma_wait3A_279 = tpu.memref_slice %arg6[%mul3A_276] : memref<2064384xf32, #tpu.memory_space<hbm>> -> memref<4096xf32, #tpu.memory_space<hbm>>
            %dma_wait3A_280 = tpu.memref_slice %arg6[%mul3A_276] : memref<2064384xf32, #tpu.memory_space<hbm>> -> memref<4096xf32, #tpu.memory_space<hbm>>
            tpu.wait_dma2 semaphore(%run_scoped3A : memref<!tpu.dma_semaphore, #tpu.memory_space<semaphore_mem>>) src(%arg20 : memref<4096xf32, #tpu.memory_space<vmem>>) dst(%dma_wait3A_280 : memref<4096xf32, #tpu.memory_space<hbm>>)
            tpu.yield
          }) : () -> ()
        } else {
        }
      } else {
      }
      %add3A_196 = arith.constant 4 : i32
      %add3A_197 = arith.addi %add3A_124, %add3A_196 : i32
      %add3A_198 = arith.constant 2 : i32
      %add3A_199 = arith.addi %add3A_197, %add3A_198 : i32
      %lt3A_200 = arith.cmpi slt, %add3A_199, %mul3A_15 : i32
      %convert_element_type3A_201 = arith.extui %lt3A_200 : i1 to i32
      %cond3A_202 = arith.constant 0 : i32
      %cond3A_203 = arith.cmpi ne, %convert_element_type3A_201, %cond3A_202 : i32
      scf.if %cond3A_203 {
        %add3A_232 = arith.constant 2 : i32
        %add3A_233 = arith.addi %add3A_197, %add3A_232 : i32
        %mul3A_234 = arith.constant 1311 : i32
        %mul3A_235 = arith.muli %add3A_233, %mul3A_234 : i32
        %shift_right_logical3A_236 = arith.constant 16 : i32
        %shift_right_logical3A_237 = arith.shrui %mul3A_235, %shift_right_logical3A_236 : i32
        %mul3A_238 = arith.constant 50 : i32
        %mul3A_239 = arith.muli %mul3A_238, %shift_right_logical3A_237 : i32
        %sub3A_240 = arith.subi %add3A_233, %mul3A_239 : i32
        %mul3A_241 = arith.constant 2 : i32
        %mul3A_242 = arith.muli %sub3A_240, %mul3A_241 : i32
        %add3A_243 = arith.constant 0 : i32
        %add3A_244 = arith.addi %mul3A_242, %add3A_243 : i32
        %dma_start3A_245 = arith.constant 0 : i32
        %dma_start3A_246 = tpu.memref_slice %arg3[%shift_right_logical3A_237, %add3A_244, %dma_start3A_245] : memref<50x100x4096xi32, #tpu.memory_space<hbm>> -> memref<1x1x4096xi32, #tpu.memory_space<hbm>>
        %dma_start3A_247 = tpu.memref_squeeze %dma_start3A_246 : memref<1x1x4096xi32, #tpu.memory_space<hbm>> -> memref<4096xi32, #tpu.memory_space<hbm>>
        %dma_start3A_248 = arith.constant 0 : i32
        %dma_start3A_249 = tpu.memref_slice %arg3[%shift_right_logical3A_237, %add3A_244, %dma_start3A_248] : memref<50x100x4096xi32, #tpu.memory_space<hbm>> -> memref<1x1x4096xi32, #tpu.memory_space<hbm>>
        %dma_start3A_250 = tpu.memref_squeeze %dma_start3A_249 : memref<1x1x4096xi32, #tpu.memory_space<hbm>> -> memref<4096xi32, #tpu.memory_space<hbm>>
        tpu.enqueue_dma source(%dma_start3A_250 : memref<4096xi32, #tpu.memory_space<hbm>>) target(%arg9 : memref<4096xi32, #tpu.memory_space<vmem>>) target_semaphore(%arg24 : memref<!tpu.dma_semaphore, #tpu.memory_space<semaphore_mem>>)
        %mul3A_251 = arith.constant 2 : i32
        %mul3A_252 = arith.muli %sub3A_240, %mul3A_251 : i32
        %add3A_253 = arith.constant 1 : i32
        %add3A_254 = arith.addi %mul3A_252, %add3A_253 : i32
        %dma_start3A_255 = arith.constant 0 : i32
        %dma_start3A_256 = tpu.memref_slice %arg3[%shift_right_logical3A_237, %add3A_254, %dma_start3A_255] : memref<50x100x4096xi32, #tpu.memory_space<hbm>> -> memref<1x1x4096xi32, #tpu.memory_space<hbm>>
        %dma_start3A_257 = tpu.memref_squeeze %dma_start3A_256 : memref<1x1x4096xi32, #tpu.memory_space<hbm>> -> memref<4096xi32, #tpu.memory_space<hbm>>
        %dma_start3A_258 = arith.constant 0 : i32
        %dma_start3A_259 = tpu.memref_slice %arg3[%shift_right_logical3A_237, %add3A_254, %dma_start3A_258] : memref<50x100x4096xi32, #tpu.memory_space<hbm>> -> memref<1x1x4096xi32, #tpu.memory_space<hbm>>
        %dma_start3A_260 = tpu.memref_squeeze %dma_start3A_259 : memref<1x1x4096xi32, #tpu.memory_space<hbm>> -> memref<4096xi32, #tpu.memory_space<hbm>>
        tpu.enqueue_dma source(%dma_start3A_260 : memref<4096xi32, #tpu.memory_space<hbm>>) target(%arg10 : memref<4096xi32, #tpu.memory_space<vmem>>) target_semaphore(%arg24 : memref<!tpu.dma_semaphore, #tpu.memory_space<semaphore_mem>>)
        %eq3A_261 = arith.constant 0 : i32
        %eq3A_262 = arith.cmpi eq, %sub3A_240, %eq3A_261 : i32
        %convert_element_type3A_263 = arith.extui %eq3A_262 : i1 to i32
        %cond3A_264 = arith.constant 0 : i32
        %cond3A_265 = arith.cmpi ne, %convert_element_type3A_263, %cond3A_264 : i32
        scf.if %cond3A_265 {
          %dma_start3A_266 = arith.constant 0 : i32
          %dma_start3A_267 = tpu.memref_slice %arg4[%shift_right_logical3A_237, %dma_start3A_266] : memref<50x4096xi32, #tpu.memory_space<hbm>> -> memref<1x4096xi32, #tpu.memory_space<hbm>>
          %dma_start3A_268 = tpu.memref_squeeze %dma_start3A_267 : memref<1x4096xi32, #tpu.memory_space<hbm>> -> memref<4096xi32, #tpu.memory_space<hbm>>
          %dma_start3A_269 = arith.constant 0 : i32
          %dma_start3A_270 = tpu.memref_slice %arg4[%shift_right_logical3A_237, %dma_start3A_269] : memref<50x4096xi32, #tpu.memory_space<hbm>> -> memref<1x4096xi32, #tpu.memory_space<hbm>>
          %dma_start3A_271 = tpu.memref_squeeze %dma_start3A_270 : memref<1x4096xi32, #tpu.memory_space<hbm>> -> memref<4096xi32, #tpu.memory_space<hbm>>
          tpu.enqueue_dma source(%dma_start3A_271 : memref<4096xi32, #tpu.memory_space<hbm>>) target(%arg21 : memref<4096xi32, #tpu.memory_space<vmem>>) target_semaphore(%arg24 : memref<!tpu.dma_semaphore, #tpu.memory_space<semaphore_mem>>)
        } else {
        }
      } else {
      }
      %add3A_204 = arith.constant 1 : i32
      %add3A_205 = arith.addi %add3A_197, %add3A_204 : i32
      %lt3A_206 = arith.cmpi slt, %add3A_205, %mul3A_15 : i32
      %convert_element_type3A_207 = arith.extui %lt3A_206 : i1 to i32
      %cond3A_208 = arith.constant 0 : i32
      %cond3A_209 = arith.cmpi ne, %convert_element_type3A_207, %cond3A_208 : i32
      scf.if %cond3A_209 {
        %add3A_232 = arith.constant 1 : i32
        %add3A_233 = arith.addi %add3A_197, %add3A_232 : i32
        %mul3A_234 = arith.constant 1311 : i32
        %mul3A_235 = arith.muli %add3A_233, %mul3A_234 : i32
        %shift_right_logical3A_236 = arith.constant 16 : i32
        %shift_right_logical3A_237 = arith.shrui %mul3A_235, %shift_right_logical3A_236 : i32
        %mul3A_238 = arith.constant 50 : i32
        %mul3A_239 = arith.muli %mul3A_238, %shift_right_logical3A_237 : i32
        %sub3A_240 = arith.subi %add3A_233, %mul3A_239 : i32
        %mul3A_241 = arith.constant 2 : i32
        %mul3A_242 = arith.muli %sub3A_240, %mul3A_241 : i32
        %add3A_243 = arith.constant 0 : i32
        %add3A_244 = arith.addi %mul3A_242, %add3A_243 : i32
        %dma_wait3A_245 = arith.constant 0 : i32
        %dma_wait3A_246 = tpu.memref_slice %arg3[%shift_right_logical3A_237, %add3A_244, %dma_wait3A_245] : memref<50x100x4096xi32, #tpu.memory_space<hbm>> -> memref<1x1x4096xi32, #tpu.memory_space<hbm>>
        %dma_wait3A_247 = tpu.memref_squeeze %dma_wait3A_246 : memref<1x1x4096xi32, #tpu.memory_space<hbm>> -> memref<4096xi32, #tpu.memory_space<hbm>>
        %dma_wait3A_248 = arith.constant 0 : i32
        %dma_wait3A_249 = tpu.memref_slice %arg3[%shift_right_logical3A_237, %add3A_244, %dma_wait3A_248] : memref<50x100x4096xi32, #tpu.memory_space<hbm>> -> memref<1x1x4096xi32, #tpu.memory_space<hbm>>
        %dma_wait3A_250 = tpu.memref_squeeze %dma_wait3A_249 : memref<1x1x4096xi32, #tpu.memory_space<hbm>> -> memref<4096xi32, #tpu.memory_space<hbm>>
        tpu.wait_dma2 semaphore(%arg26 : memref<!tpu.dma_semaphore, #tpu.memory_space<semaphore_mem>>) src(%dma_wait3A_250 : memref<4096xi32, #tpu.memory_space<hbm>>) dst(%arg13 : memref<4096xi32, #tpu.memory_space<vmem>>)
        %dma_start3A_251 = arith.constant 0 : i32
        %dma_start3A_252 = tpu.memref_slice %arg8[%dma_start3A_251] : memref<1000000xi32, #tpu.memory_space<vmem_shared>> -> memref<1000000xi32, #tpu.memory_space<vmem_shared>>
        tpu.enqueue_indirect_dma source(%dma_start3A_252 : memref<1000000xi32, #tpu.memory_space<vmem_shared>>) target(%arg17 : memref<4096xi32, #tpu.memory_space<vmem>>) offsets(%arg13 : memref<4096xi32, #tpu.memory_space<vmem>>) semaphore(%arg28 : memref<!tpu.dma_semaphore, #tpu.memory_space<semaphore_mem>>)
        %mul3A_253 = arith.constant 2 : i32
        %mul3A_254 = arith.muli %sub3A_240, %mul3A_253 : i32
        %add3A_255 = arith.constant 1 : i32
        %add3A_256 = arith.addi %mul3A_254, %add3A_255 : i32
        %dma_wait3A_257 = arith.constant 0 : i32
        %dma_wait3A_258 = tpu.memref_slice %arg3[%shift_right_logical3A_237, %add3A_256, %dma_wait3A_257] : memref<50x100x4096xi32, #tpu.memory_space<hbm>> -> memref<1x1x4096xi32, #tpu.memory_space<hbm>>
        %dma_wait3A_259 = tpu.memref_squeeze %dma_wait3A_258 : memref<1x1x4096xi32, #tpu.memory_space<hbm>> -> memref<4096xi32, #tpu.memory_space<hbm>>
        %dma_wait3A_260 = arith.constant 0 : i32
        %dma_wait3A_261 = tpu.memref_slice %arg3[%shift_right_logical3A_237, %add3A_256, %dma_wait3A_260] : memref<50x100x4096xi32, #tpu.memory_space<hbm>> -> memref<1x1x4096xi32, #tpu.memory_space<hbm>>
        %dma_wait3A_262 = tpu.memref_squeeze %dma_wait3A_261 : memref<1x1x4096xi32, #tpu.memory_space<hbm>> -> memref<4096xi32, #tpu.memory_space<hbm>>
        tpu.wait_dma2 semaphore(%arg26 : memref<!tpu.dma_semaphore, #tpu.memory_space<semaphore_mem>>) src(%dma_wait3A_262 : memref<4096xi32, #tpu.memory_space<hbm>>) dst(%arg14 : memref<4096xi32, #tpu.memory_space<vmem>>)
        %dma_start3A_263 = arith.constant 0 : i32
        %dma_start3A_264 = tpu.memref_slice %arg8[%dma_start3A_263] : memref<1000000xi32, #tpu.memory_space<vmem_shared>> -> memref<1000000xi32, #tpu.memory_space<vmem_shared>>
        tpu.enqueue_indirect_dma source(%dma_start3A_264 : memref<1000000xi32, #tpu.memory_space<vmem_shared>>) target(%arg18 : memref<4096xi32, #tpu.memory_space<vmem>>) offsets(%arg14 : memref<4096xi32, #tpu.memory_space<vmem>>) semaphore(%arg28 : memref<!tpu.dma_semaphore, #tpu.memory_space<semaphore_mem>>)
        %eq3A_265 = arith.constant 0 : i32
        %eq3A_266 = arith.cmpi eq, %sub3A_240, %eq3A_265 : i32
        %convert_element_type3A_267 = arith.extui %eq3A_266 : i1 to i32
        %cond3A_268 = arith.constant 0 : i32
        %cond3A_269 = arith.cmpi ne, %convert_element_type3A_267, %cond3A_268 : i32
        scf.if %cond3A_269 {
          %dma_wait3A_270 = arith.constant 0 : i32
          %dma_wait3A_271 = tpu.memref_slice %arg4[%shift_right_logical3A_237, %dma_wait3A_270] : memref<50x4096xi32, #tpu.memory_space<hbm>> -> memref<1x4096xi32, #tpu.memory_space<hbm>>
          %dma_wait3A_272 = tpu.memref_squeeze %dma_wait3A_271 : memref<1x4096xi32, #tpu.memory_space<hbm>> -> memref<4096xi32, #tpu.memory_space<hbm>>
          %dma_wait3A_273 = arith.constant 0 : i32
          %dma_wait3A_274 = tpu.memref_slice %arg4[%shift_right_logical3A_237, %dma_wait3A_273] : memref<50x4096xi32, #tpu.memory_space<hbm>> -> memref<1x4096xi32, #tpu.memory_space<hbm>>
          %dma_wait3A_275 = tpu.memref_squeeze %dma_wait3A_274 : memref<1x4096xi32, #tpu.memory_space<hbm>> -> memref<4096xi32, #tpu.memory_space<hbm>>
          tpu.wait_dma2 semaphore(%arg26 : memref<!tpu.dma_semaphore, #tpu.memory_space<semaphore_mem>>) src(%dma_wait3A_275 : memref<4096xi32, #tpu.memory_space<hbm>>) dst(%arg21 : memref<4096xi32, #tpu.memory_space<vmem>>)
          %dma_start3A_276 = arith.constant 0 : i32
          %dma_start3A_277 = tpu.memref_slice %arg8[%dma_start3A_276] : memref<1000000xi32, #tpu.memory_space<vmem_shared>> -> memref<1000000xi32, #tpu.memory_space<vmem_shared>>
          tpu.enqueue_indirect_dma source(%dma_start3A_277 : memref<1000000xi32, #tpu.memory_space<vmem_shared>>) target(%arg22 : memref<4096xi32, #tpu.memory_space<vmem>>) offsets(%arg21 : memref<4096xi32, #tpu.memory_space<vmem>>) semaphore(%arg28 : memref<!tpu.dma_semaphore, #tpu.memory_space<semaphore_mem>>)
        } else {
        }
      } else {
      }
      %lt3A_210 = arith.cmpi slt, %add3A_197, %mul3A_15 : i32
      %convert_element_type3A_211 = arith.extui %lt3A_210 : i1 to i32
      %cond3A_212 = arith.constant 0 : i32
      %cond3A_213 = arith.cmpi ne, %convert_element_type3A_211, %cond3A_212 : i32
      scf.if %cond3A_213 {
        %mul3A_232 = arith.constant 1311 : i32
        %mul3A_233 = arith.muli %add3A_197, %mul3A_232 : i32
        %shift_right_logical3A_234 = arith.constant 16 : i32
        %shift_right_logical3A_235 = arith.shrui %mul3A_233, %shift_right_logical3A_234 : i32
        %mul3A_236 = arith.constant 50 : i32
        %mul3A_237 = arith.muli %mul3A_236, %shift_right_logical3A_235 : i32
        %sub3A_238 = arith.subi %add3A_197, %mul3A_237 : i32
        %mul3A_239 = arith.constant 13108 : i32
        %mul3A_240 = arith.muli %sub3A_238, %mul3A_239 : i32
        %shift_right_logical3A_241 = arith.constant 16 : i32
        %shift_right_logical3A_242 = arith.shrui %mul3A_240, %shift_right_logical3A_241 : i32
        %mul3A_243 = arith.constant 5 : i32
        %mul3A_244 = arith.muli %mul3A_243, %shift_right_logical3A_242 : i32
        %sub3A_245 = arith.subi %sub3A_238, %mul3A_244 : i32
        %eq3A_246 = arith.constant 0 : i32
        %eq3A_247 = arith.cmpi eq, %sub3A_245, %eq3A_246 : i32
        %broadcast_in_dim3A = vector.broadcast %eq3A_247 : i1 to vector<16xi1>
        %eq3A_248 = arith.constant 0 : i32
        %eq3A_249 = arith.cmpi eq, %sub3A_238, %eq3A_248 : i32
        %eq3A_250 = arith.cmpi eq, %add3A_197, %mul3A_7 : i32
        %or3A = arith.ori %eq3A_249, %eq3A_250 : i1
        %convert_element_type3A_251 = arith.extui %or3A : i1 to i32
        %cond3A_252 = arith.constant 0 : i32
        %cond3A_253 = arith.cmpi ne, %convert_element_type3A_251, %cond3A_252 : i32
        scf.if %cond3A_253 {
          "tpu.region"() ({
            %run_scoped3A = tpu.sem_alloc : memref<!tpu.dma_semaphore, #tpu.memory_space<semaphore_mem>>
            %dma_start3A_272 = arith.constant 0 : i32
            %dma_start3A_273 = tpu.memref_slice %arg5[%shift_right_logical3A_235, %dma_start3A_272] : memref<50x4096xf32, #tpu.memory_space<hbm>> -> memref<1x4096xf32, #tpu.memory_space<hbm>>
            %dma_start3A_274 = tpu.memref_squeeze %dma_start3A_273 : memref<1x4096xf32, #tpu.memory_space<hbm>> -> memref<4096xf32, #tpu.memory_space<hbm>>
            %dma_start3A_275 = arith.constant 0 : i32
            %dma_start3A_276 = tpu.memref_slice %arg5[%shift_right_logical3A_235, %dma_start3A_275] : memref<50x4096xf32, #tpu.memory_space<hbm>> -> memref<1x4096xf32, #tpu.memory_space<hbm>>
            %dma_start3A_277 = tpu.memref_squeeze %dma_start3A_276 : memref<1x4096xf32, #tpu.memory_space<hbm>> -> memref<4096xf32, #tpu.memory_space<hbm>>
            tpu.enqueue_dma source(%dma_start3A_277 : memref<4096xf32, #tpu.memory_space<hbm>>) target(%arg19 : memref<4096xf32, #tpu.memory_space<vmem>>) target_semaphore(%run_scoped3A : memref<!tpu.dma_semaphore, #tpu.memory_space<semaphore_mem>>)
            %dma_wait3A_278 = arith.constant 0 : i32
            %dma_wait3A_279 = tpu.memref_slice %arg5[%shift_right_logical3A_235, %dma_wait3A_278] : memref<50x4096xf32, #tpu.memory_space<hbm>> -> memref<1x4096xf32, #tpu.memory_space<hbm>>
            %dma_wait3A_280 = tpu.memref_squeeze %dma_wait3A_279 : memref<1x4096xf32, #tpu.memory_space<hbm>> -> memref<4096xf32, #tpu.memory_space<hbm>>
            %dma_wait3A_281 = arith.constant 0 : i32
            %dma_wait3A_282 = tpu.memref_slice %arg5[%shift_right_logical3A_235, %dma_wait3A_281] : memref<50x4096xf32, #tpu.memory_space<hbm>> -> memref<1x4096xf32, #tpu.memory_space<hbm>>
            %dma_wait3A_283 = tpu.memref_squeeze %dma_wait3A_282 : memref<1x4096xf32, #tpu.memory_space<hbm>> -> memref<4096xf32, #tpu.memory_space<hbm>>
            tpu.wait_dma2 semaphore(%run_scoped3A : memref<!tpu.dma_semaphore, #tpu.memory_space<semaphore_mem>>) src(%dma_wait3A_283 : memref<4096xf32, #tpu.memory_space<hbm>>) dst(%arg19 : memref<4096xf32, #tpu.memory_space<vmem>>)
            tpu.yield
          }) : () -> ()
        } else {
        }
        %dma_wait3A_254 = arith.constant 0 : i32
        %dma_wait3A_255 = tpu.memref_slice %arg8[%dma_wait3A_254] : memref<1000000xi32, #tpu.memory_space<vmem_shared>> -> memref<1000000xi32, #tpu.memory_space<vmem_shared>>
        tpu.wait_indirect_dma semaphore(%arg27 : memref<!tpu.dma_semaphore, #tpu.memory_space<semaphore_mem>>) src(%dma_wait3A_255 : memref<1000000xi32, #tpu.memory_space<vmem_shared>>) dst(%arg15 : memref<4096xi32, #tpu.memory_space<vmem>>)
        %dma_wait3A_256 = arith.constant 0 : i32
        %dma_wait3A_257 = tpu.memref_slice %arg8[%dma_wait3A_256] : memref<1000000xi32, #tpu.memory_space<vmem_shared>> -> memref<1000000xi32, #tpu.memory_space<vmem_shared>>
        tpu.wait_indirect_dma semaphore(%arg27 : memref<!tpu.dma_semaphore, #tpu.memory_space<semaphore_mem>>) src(%dma_wait3A_257 : memref<1000000xi32, #tpu.memory_space<vmem_shared>>) dst(%arg16 : memref<4096xi32, #tpu.memory_space<vmem>>)
        %eq3A_258 = arith.constant 0 : i32
        %eq3A_259 = arith.cmpi eq, %sub3A_238, %eq3A_258 : i32
        %convert_element_type3A_260 = arith.extui %eq3A_259 : i1 to i32
        %cond3A_261 = arith.constant 0 : i32
        %cond3A_262 = arith.cmpi ne, %convert_element_type3A_260, %cond3A_261 : i32
        scf.if %cond3A_262 {
          %dma_wait3A_272 = arith.constant 0 : i32
          %dma_wait3A_273 = tpu.memref_slice %arg8[%dma_wait3A_272] : memref<1000000xi32, #tpu.memory_space<vmem_shared>> -> memref<1000000xi32, #tpu.memory_space<vmem_shared>>
          tpu.wait_indirect_dma semaphore(%arg27 : memref<!tpu.dma_semaphore, #tpu.memory_space<semaphore_mem>>) src(%dma_wait3A_273 : memref<1000000xi32, #tpu.memory_space<vmem_shared>>) dst(%arg22 : memref<4096xi32, #tpu.memory_space<vmem>>)
          %scan3A_274 = arith.constant 0 : i32
          %scan3A_275 = arith.constant 0 : i32
          %scan3A_276 = arith.constant 256 : i32
          %scan3A_277 = arith.addi %scan3A_275, %scan3A_276 : i32
          %scan3A_278 = arith.constant 1 : i32
          %scan3A_279 = scf.for %scan3A_281 = %scan3A_275 to %scan3A_277 step %scan3A_278 iter_args(%scan3A_282 = %scan3A_274) -> (i32)  : i32 {
            %mul3A_283 = arith.constant 16 : i32
            %mul3A_284 = arith.muli %scan3A_281, %mul3A_283 : i32
            %get3A = arith.index_cast %mul3A_284 : i32 to index
            %get3A_285 = tpu.vector_load %arg19[%get3A] {strides = array<i32>} : memref<4096xf32, #tpu.memory_space<vmem>>, vector<16xf32>,
            %broadcast_in_dim3A_286 = arith.constant 0.000000e+00 : f32
            %broadcast_in_dim3A_287 = vector.broadcast %broadcast_in_dim3A_286 : f32 to vector<16xf32>
            %get3A_288 = arith.index_cast %mul3A_284 : i32 to index
            %get3A_289 = tpu.vector_load %arg20[%get3A_288] {strides = array<i32>} : memref<4096xf32, #tpu.memory_space<vmem>>, vector<16xf32>,
            %select_n3A = arith.select %broadcast_in_dim3A, %broadcast_in_dim3A_287, %get3A_289 : vector<16xi1>, vector<16xf32>
            %get3A_290 = arith.index_cast %mul3A_284 : i32 to index
            %get3A_291 = tpu.vector_load %arg15[%get3A_290] {strides = array<i32>} : memref<4096xi32, #tpu.memory_space<vmem>>, vector<16xi32>,
            %and3A = vector.broadcast %scan3A_115 : i32 to vector<16xi32>
            %and3A_292 = arith.andi %get3A_291, %and3A : vector<16xi32>
            %bitcast_convert_type3A = tpu.bitcast %and3A_292 : vector<16xi32> -> vector<16xf32>
            %mul3A_293 = arith.mulf %bitcast_convert_type3A, %get3A_285 : vector<16xf32>
            %shift_left3A = arith.constant 16 : i32
            %shift_left3A_294 = vector.broadcast %shift_left3A : i32 to vector<16xi32>
            %shift_left3A_295 = arith.shli %get3A_291, %shift_left3A_294 : vector<16xi32>
            %bitcast_convert_type3A_296 = tpu.bitcast %shift_left3A_295 : vector<16xi32> -> vector<16xf32>
            %add3A_297 = arith.addf %mul3A_293, %bitcast_convert_type3A_296 : vector<16xf32>
            %exp3A = math.exp %add3A_297 : vector<16xf32>
            %add3A_298 = arith.addf %select_n3A, %exp3A : vector<16xf32>
            %get3A_299 = arith.index_cast %mul3A_284 : i32 to index
            %get3A_300 = tpu.vector_load %arg16[%get3A_299] {strides = array<i32>} : memref<4096xi32, #tpu.memory_space<vmem>>, vector<16xi32>,
            %and3A_301 = vector.broadcast %scan3A_115 : i32 to vector<16xi32>
            %and3A_302 = arith.andi %get3A_300, %and3A_301 : vector<16xi32>
            %bitcast_convert_type3A_303 = tpu.bitcast %and3A_302 : vector<16xi32> -> vector<16xf32>
            %mul3A_304 = arith.mulf %bitcast_convert_type3A_303, %get3A_285 : vector<16xf32>
            %shift_left3A_305 = arith.constant 16 : i32
            %shift_left3A_306 = vector.broadcast %shift_left3A_305 : i32 to vector<16xi32>
            %shift_left3A_307 = arith.shli %get3A_300, %shift_left3A_306 : vector<16xi32>
            %bitcast_convert_type3A_308 = tpu.bitcast %shift_left3A_307 : vector<16xi32> -> vector<16xf32>
            %add3A_309 = arith.addf %mul3A_304, %bitcast_convert_type3A_308 : vector<16xf32>
            %exp3A_310 = math.exp %add3A_309 : vector<16xf32>
            %add3A_311 = arith.addf %add3A_298, %exp3A_310 : vector<16xf32>
            %get3A_312 = arith.index_cast %mul3A_284 : i32 to index
            %get3A_313 = tpu.vector_load %arg22[%get3A_312] {strides = array<i32>} : memref<4096xi32, #tpu.memory_space<vmem>>, vector<16xi32>,
            %and3A_314 = vector.broadcast %scan3A_115 : i32 to vector<16xi32>
            %and3A_315 = arith.andi %get3A_313, %and3A_314 : vector<16xi32>
            %bitcast_convert_type3A_316 = tpu.bitcast %and3A_315 : vector<16xi32> -> vector<16xf32>
            %mul3A_317 = arith.mulf %bitcast_convert_type3A_316, %get3A_285 : vector<16xf32>
            %shift_left3A_318 = arith.constant 16 : i32
            %shift_left3A_319 = vector.broadcast %shift_left3A_318 : i32 to vector<16xi32>
            %shift_left3A_320 = arith.shli %get3A_313, %shift_left3A_319 : vector<16xi32>
            %bitcast_convert_type3A_321 = tpu.bitcast %shift_left3A_320 : vector<16xi32> -> vector<16xf32>
            %add3A_322 = arith.addf %mul3A_317, %bitcast_convert_type3A_321 : vector<16xf32>
            %swap3A = arith.index_cast %mul3A_284 : i32 to index
            %swap3A_323 = tpu.vector_load %arg23[%swap3A] {strides = array<i32>} : memref<4096xf32, #tpu.memory_space<vmem>>, vector<16xf32>,
            tpu.vector_store %arg23[%swap3A], %add3A_322 {strides = array<i32>} : memref<4096xf32, #tpu.memory_space<vmem>>, vector<16xf32>,
            %exp3A_324 = math.exp %add3A_322 : vector<16xf32>
            %add3A_325 = arith.addf %add3A_311, %exp3A_324 : vector<16xf32>
            %swap3A_326 = arith.index_cast %mul3A_284 : i32 to index
            %swap3A_327 = tpu.vector_load %arg20[%swap3A_326] {strides = array<i32>} : memref<4096xf32, #tpu.memory_space<vmem>>, vector<16xf32>,
            tpu.vector_store %arg20[%swap3A_326], %add3A_325 {strides = array<i32>} : memref<4096xf32, #tpu.memory_space<vmem>>, vector<16xf32>,
            %scan3A_328 = arith.constant 0 : i32
            scf.yield %scan3A_328 : i32
          }
          %scan3A_280 = arith.constant 256 : i32
          "tpu.region"() ({
            %run_scoped3A = tpu.sem_alloc : memref<!tpu.dma_semaphore, #tpu.memory_space<semaphore_mem>>
            %dma_start3A_281 = arith.constant 0 : i32
            %dma_start3A_282 = tpu.memref_slice %arg7[%shift_right_logical3A_235, %dma_start3A_281] : memref<50x4096xf32, #tpu.memory_space<hbm>> -> memref<1x4096xf32, #tpu.memory_space<hbm>>
            %dma_start3A_283 = tpu.memref_squeeze %dma_start3A_282 : memref<1x4096xf32, #tpu.memory_space<hbm>> -> memref<4096xf32, #tpu.memory_space<hbm>>
            %dma_start3A_284 = arith.constant 0 : i32
            %dma_start3A_285 = tpu.memref_slice %arg7[%shift_right_logical3A_235, %dma_start3A_284] : memref<50x4096xf32, #tpu.memory_space<hbm>> -> memref<1x4096xf32, #tpu.memory_space<hbm>>
            %dma_start3A_286 = tpu.memref_squeeze %dma_start3A_285 : memref<1x4096xf32, #tpu.memory_space<hbm>> -> memref<4096xf32, #tpu.memory_space<hbm>>
            tpu.enqueue_dma source(%arg23 : memref<4096xf32, #tpu.memory_space<vmem>>) target(%dma_start3A_286 : memref<4096xf32, #tpu.memory_space<hbm>>) target_semaphore(%run_scoped3A : memref<!tpu.dma_semaphore, #tpu.memory_space<semaphore_mem>>)
            %dma_wait3A_287 = arith.constant 0 : i32
            %dma_wait3A_288 = tpu.memref_slice %arg7[%shift_right_logical3A_235, %dma_wait3A_287] : memref<50x4096xf32, #tpu.memory_space<hbm>> -> memref<1x4096xf32, #tpu.memory_space<hbm>>
            %dma_wait3A_289 = tpu.memref_squeeze %dma_wait3A_288 : memref<1x4096xf32, #tpu.memory_space<hbm>> -> memref<4096xf32, #tpu.memory_space<hbm>>
            %dma_wait3A_290 = arith.constant 0 : i32
            %dma_wait3A_291 = tpu.memref_slice %arg7[%shift_right_logical3A_235, %dma_wait3A_290] : memref<50x4096xf32, #tpu.memory_space<hbm>> -> memref<1x4096xf32, #tpu.memory_space<hbm>>
            %dma_wait3A_292 = tpu.memref_squeeze %dma_wait3A_291 : memref<1x4096xf32, #tpu.memory_space<hbm>> -> memref<4096xf32, #tpu.memory_space<hbm>>
            tpu.wait_dma2 semaphore(%run_scoped3A : memref<!tpu.dma_semaphore, #tpu.memory_space<semaphore_mem>>) src(%arg23 : memref<4096xf32, #tpu.memory_space<vmem>>) dst(%dma_wait3A_292 : memref<4096xf32, #tpu.memory_space<hbm>>)
            tpu.yield
          }) : () -> ()
        } else {
        }
        %ne3A = arith.constant 0 : i32
        %ne3A_263 = arith.cmpi ne, %sub3A_238, %ne3A : i32
        %convert_element_type3A_264 = arith.extui %ne3A_263 : i1 to i32
        %cond3A_265 = arith.constant 0 : i32
        %cond3A_266 = arith.cmpi ne, %convert_element_type3A_264, %cond3A_265 : i32
        scf.if %cond3A_266 {
          %scan3A_272 = arith.constant 0 : i32
          %scan3A_273 = arith.constant 0 : i32
          %scan3A_274 = arith.constant 256 : i32
          %scan3A_275 = arith.addi %scan3A_273, %scan3A_274 : i32
          %scan3A_276 = arith.constant 1 : i32
          %scan3A_277 = scf.for %scan3A_279 = %scan3A_273 to %scan3A_275 step %scan3A_276 iter_args(%scan3A_280 = %scan3A_272) -> (i32)  : i32 {
            %mul3A_281 = arith.constant 16 : i32
            %mul3A_282 = arith.muli %scan3A_279, %mul3A_281 : i32
            %get3A = arith.index_cast %mul3A_282 : i32 to index
            %get3A_283 = tpu.vector_load %arg19[%get3A] {strides = array<i32>} : memref<4096xf32, #tpu.memory_space<vmem>>, vector<16xf32>,
            %broadcast_in_dim3A_284 = arith.constant 0.000000e+00 : f32
            %broadcast_in_dim3A_285 = vector.broadcast %broadcast_in_dim3A_284 : f32 to vector<16xf32>
            %get3A_286 = arith.index_cast %mul3A_282 : i32 to index
            %get3A_287 = tpu.vector_load %arg20[%get3A_286] {strides = array<i32>} : memref<4096xf32, #tpu.memory_space<vmem>>, vector<16xf32>,
            %select_n3A = arith.select %broadcast_in_dim3A, %broadcast_in_dim3A_285, %get3A_287 : vector<16xi1>, vector<16xf32>
            %get3A_288 = arith.index_cast %mul3A_282 : i32 to index
            %get3A_289 = tpu.vector_load %arg15[%get3A_288] {strides = array<i32>} : memref<4096xi32, #tpu.memory_space<vmem>>, vector<16xi32>,
            %and3A = vector.broadcast %scan3A_115 : i32 to vector<16xi32>
            %and3A_290 = arith.andi %get3A_289, %and3A : vector<16xi32>
            %bitcast_convert_type3A = tpu.bitcast %and3A_290 : vector<16xi32> -> vector<16xf32>
            %mul3A_291 = arith.mulf %bitcast_convert_type3A, %get3A_283 : vector<16xf32>
            %shift_left3A = arith.constant 16 : i32
            %shift_left3A_292 = vector.broadcast %shift_left3A : i32 to vector<16xi32>
            %shift_left3A_293 = arith.shli %get3A_289, %shift_left3A_292 : vector<16xi32>
            %bitcast_convert_type3A_294 = tpu.bitcast %shift_left3A_293 : vector<16xi32> -> vector<16xf32>
            %add3A_295 = arith.addf %mul3A_291, %bitcast_convert_type3A_294 : vector<16xf32>
            %exp3A = math.exp %add3A_295 : vector<16xf32>
            %add3A_296 = arith.addf %select_n3A, %exp3A : vector<16xf32>
            %get3A_297 = arith.index_cast %mul3A_282 : i32 to index
            %get3A_298 = tpu.vector_load %arg16[%get3A_297] {strides = array<i32>} : memref<4096xi32, #tpu.memory_space<vmem>>, vector<16xi32>,
            %and3A_299 = vector.broadcast %scan3A_115 : i32 to vector<16xi32>
            %and3A_300 = arith.andi %get3A_298, %and3A_299 : vector<16xi32>
            %bitcast_convert_type3A_301 = tpu.bitcast %and3A_300 : vector<16xi32> -> vector<16xf32>
            %mul3A_302 = arith.mulf %bitcast_convert_type3A_301, %get3A_283 : vector<16xf32>
            %shift_left3A_303 = arith.constant 16 : i32
            %shift_left3A_304 = vector.broadcast %shift_left3A_303 : i32 to vector<16xi32>
            %shift_left3A_305 = arith.shli %get3A_298, %shift_left3A_304 : vector<16xi32>
            %bitcast_convert_type3A_306 = tpu.bitcast %shift_left3A_305 : vector<16xi32> -> vector<16xf32>
            %add3A_307 = arith.addf %mul3A_302, %bitcast_convert_type3A_306 : vector<16xf32>
            %exp3A_308 = math.exp %add3A_307 : vector<16xf32>
            %add3A_309 = arith.addf %add3A_296, %exp3A_308 : vector<16xf32>
            %swap3A = arith.index_cast %mul3A_282 : i32 to index
            %swap3A_310 = tpu.vector_load %arg20[%swap3A] {strides = array<i32>} : memref<4096xf32, #tpu.memory_space<vmem>>, vector<16xf32>,
            tpu.vector_store %arg20[%swap3A], %add3A_309 {strides = array<i32>} : memref<4096xf32, #tpu.memory_space<vmem>>, vector<16xf32>,
            %scan3A_311 = arith.constant 0 : i32
            scf.yield %scan3A_311 : i32
          }
          %scan3A_278 = arith.constant 256 : i32
        } else {
        }
        %eq3A_267 = arith.constant 4 : i32
        %eq3A_268 = arith.cmpi eq, %sub3A_245, %eq3A_267 : i32
        %convert_element_type3A_269 = arith.extui %eq3A_268 : i1 to i32
        %cond3A_270 = arith.constant 0 : i32
        %cond3A_271 = arith.cmpi ne, %convert_element_type3A_269, %cond3A_270 : i32
        scf.if %cond3A_271 {
          %mul3A_272 = arith.constant 50 : i32
          %mul3A_273 = arith.muli %shift_right_logical3A_242, %mul3A_272 : i32
          %add3A_274 = arith.addi %mul3A_273, %shift_right_logical3A_235 : i32
          %mul3A_275 = arith.constant 4096 : i32
          %mul3A_276 = arith.muli %add3A_274, %mul3A_275 : i32
          "tpu.region"() ({
            %run_scoped3A = tpu.sem_alloc : memref<!tpu.dma_semaphore, #tpu.memory_space<semaphore_mem>>
            %dma_start3A_277 = tpu.memref_slice %arg6[%mul3A_276] : memref<2064384xf32, #tpu.memory_space<hbm>> -> memref<4096xf32, #tpu.memory_space<hbm>>
            %dma_start3A_278 = tpu.memref_slice %arg6[%mul3A_276] : memref<2064384xf32, #tpu.memory_space<hbm>> -> memref<4096xf32, #tpu.memory_space<hbm>>
            tpu.enqueue_dma source(%arg20 : memref<4096xf32, #tpu.memory_space<vmem>>) target(%dma_start3A_278 : memref<4096xf32, #tpu.memory_space<hbm>>) target_semaphore(%run_scoped3A : memref<!tpu.dma_semaphore, #tpu.memory_space<semaphore_mem>>)
            %dma_wait3A_279 = tpu.memref_slice %arg6[%mul3A_276] : memref<2064384xf32, #tpu.memory_space<hbm>> -> memref<4096xf32, #tpu.memory_space<hbm>>
            %dma_wait3A_280 = tpu.memref_slice %arg6[%mul3A_276] : memref<2064384xf32, #tpu.memory_space<hbm>> -> memref<4096xf32, #tpu.memory_space<hbm>>
            tpu.wait_dma2 semaphore(%run_scoped3A : memref<!tpu.dma_semaphore, #tpu.memory_space<semaphore_mem>>) src(%arg20 : memref<4096xf32, #tpu.memory_space<vmem>>) dst(%dma_wait3A_280 : memref<4096xf32, #tpu.memory_space<hbm>>)
            tpu.yield
          }) : () -> ()
        } else {
        }
      } else {
      }
      %add3A_214 = arith.constant 5 : i32
      %add3A_215 = arith.addi %add3A_124, %add3A_214 : i32
      %add3A_216 = arith.constant 2 : i32
      %add3A_217 = arith.addi %add3A_215, %add3A_216 : i32
      %lt3A_218 = arith.cmpi slt, %add3A_217, %mul3A_15 : i32
      %convert_element_type3A_219 = arith.extui %lt3A_218 : i1 to i32
      %cond3A_220 = arith.constant 0 : i32
      %cond3A_221 = arith.cmpi ne, %convert_element_type3A_219, %cond3A_220 : i32
      scf.if %cond3A_221 {
        %add3A_232 = arith.constant 2 : i32
        %add3A_233 = arith.addi %add3A_215, %add3A_232 : i32
        %mul3A_234 = arith.constant 1311 : i32
        %mul3A_235 = arith.muli %add3A_233, %mul3A_234 : i32
        %shift_right_logical3A_236 = arith.constant 16 : i32
        %shift_right_logical3A_237 = arith.shrui %mul3A_235, %shift_right_logical3A_236 : i32
        %mul3A_238 = arith.constant 50 : i32
        %mul3A_239 = arith.muli %mul3A_238, %shift_right_logical3A_237 : i32
        %sub3A_240 = arith.subi %add3A_233, %mul3A_239 : i32
        %mul3A_241 = arith.constant 2 : i32
        %mul3A_242 = arith.muli %sub3A_240, %mul3A_241 : i32
        %add3A_243 = arith.constant 0 : i32
        %add3A_244 = arith.addi %mul3A_242, %add3A_243 : i32
        %dma_start3A_245 = arith.constant 0 : i32
        %dma_start3A_246 = tpu.memref_slice %arg3[%shift_right_logical3A_237, %add3A_244, %dma_start3A_245] : memref<50x100x4096xi32, #tpu.memory_space<hbm>> -> memref<1x1x4096xi32, #tpu.memory_space<hbm>>
        %dma_start3A_247 = tpu.memref_squeeze %dma_start3A_246 : memref<1x1x4096xi32, #tpu.memory_space<hbm>> -> memref<4096xi32, #tpu.memory_space<hbm>>
        %dma_start3A_248 = arith.constant 0 : i32
        %dma_start3A_249 = tpu.memref_slice %arg3[%shift_right_logical3A_237, %add3A_244, %dma_start3A_248] : memref<50x100x4096xi32, #tpu.memory_space<hbm>> -> memref<1x1x4096xi32, #tpu.memory_space<hbm>>
        %dma_start3A_250 = tpu.memref_squeeze %dma_start3A_249 : memref<1x1x4096xi32, #tpu.memory_space<hbm>> -> memref<4096xi32, #tpu.memory_space<hbm>>
        tpu.enqueue_dma source(%dma_start3A_250 : memref<4096xi32, #tpu.memory_space<hbm>>) target(%arg11 : memref<4096xi32, #tpu.memory_space<vmem>>) target_semaphore(%arg25 : memref<!tpu.dma_semaphore, #tpu.memory_space<semaphore_mem>>)
        %mul3A_251 = arith.constant 2 : i32
        %mul3A_252 = arith.muli %sub3A_240, %mul3A_251 : i32
        %add3A_253 = arith.constant 1 : i32
        %add3A_254 = arith.addi %mul3A_252, %add3A_253 : i32
        %dma_start3A_255 = arith.constant 0 : i32
        %dma_start3A_256 = tpu.memref_slice %arg3[%shift_right_logical3A_237, %add3A_254, %dma_start3A_255] : memref<50x100x4096xi32, #tpu.memory_space<hbm>> -> memref<1x1x4096xi32, #tpu.memory_space<hbm>>
        %dma_start3A_257 = tpu.memref_squeeze %dma_start3A_256 : memref<1x1x4096xi32, #tpu.memory_space<hbm>> -> memref<4096xi32, #tpu.memory_space<hbm>>
        %dma_start3A_258 = arith.constant 0 : i32
        %dma_start3A_259 = tpu.memref_slice %arg3[%shift_right_logical3A_237, %add3A_254, %dma_start3A_258] : memref<50x100x4096xi32, #tpu.memory_space<hbm>> -> memref<1x1x4096xi32, #tpu.memory_space<hbm>>
        %dma_start3A_260 = tpu.memref_squeeze %dma_start3A_259 : memref<1x1x4096xi32, #tpu.memory_space<hbm>> -> memref<4096xi32, #tpu.memory_space<hbm>>
        tpu.enqueue_dma source(%dma_start3A_260 : memref<4096xi32, #tpu.memory_space<hbm>>) target(%arg12 : memref<4096xi32, #tpu.memory_space<vmem>>) target_semaphore(%arg25 : memref<!tpu.dma_semaphore, #tpu.memory_space<semaphore_mem>>)
        %eq3A_261 = arith.constant 0 : i32
        %eq3A_262 = arith.cmpi eq, %sub3A_240, %eq3A_261 : i32
        %convert_element_type3A_263 = arith.extui %eq3A_262 : i1 to i32
        %cond3A_264 = arith.constant 0 : i32
        %cond3A_265 = arith.cmpi ne, %convert_element_type3A_263, %cond3A_264 : i32
        scf.if %cond3A_265 {
          %dma_start3A_266 = arith.constant 0 : i32
          %dma_start3A_267 = tpu.memref_slice %arg4[%shift_right_logical3A_237, %dma_start3A_266] : memref<50x4096xi32, #tpu.memory_space<hbm>> -> memref<1x4096xi32, #tpu.memory_space<hbm>>
          %dma_start3A_268 = tpu.memref_squeeze %dma_start3A_267 : memref<1x4096xi32, #tpu.memory_space<hbm>> -> memref<4096xi32, #tpu.memory_space<hbm>>
          %dma_start3A_269 = arith.constant 0 : i32
          %dma_start3A_270 = tpu.memref_slice %arg4[%shift_right_logical3A_237, %dma_start3A_269] : memref<50x4096xi32, #tpu.memory_space<hbm>> -> memref<1x4096xi32, #tpu.memory_space<hbm>>
          %dma_start3A_271 = tpu.memref_squeeze %dma_start3A_270 : memref<1x4096xi32, #tpu.memory_space<hbm>> -> memref<4096xi32, #tpu.memory_space<hbm>>
          tpu.enqueue_dma source(%dma_start3A_271 : memref<4096xi32, #tpu.memory_space<hbm>>) target(%arg21 : memref<4096xi32, #tpu.memory_space<vmem>>) target_semaphore(%arg25 : memref<!tpu.dma_semaphore, #tpu.memory_space<semaphore_mem>>)
        } else {
        }
      } else {
      }
      %add3A_222 = arith.constant 1 : i32
      %add3A_223 = arith.addi %add3A_215, %add3A_222 : i32
      %lt3A_224 = arith.cmpi slt, %add3A_223, %mul3A_15 : i32
      %convert_element_type3A_225 = arith.extui %lt3A_224 : i1 to i32
      %cond3A_226 = arith.constant 0 : i32
      %cond3A_227 = arith.cmpi ne, %convert_element_type3A_225, %cond3A_226 : i32
      scf.if %cond3A_227 {
        %add3A_232 = arith.constant 1 : i32
        %add3A_233 = arith.addi %add3A_215, %add3A_232 : i32
        %mul3A_234 = arith.constant 1311 : i32
        %mul3A_235 = arith.muli %add3A_233, %mul3A_234 : i32
        %shift_right_logical3A_236 = arith.constant 16 : i32
        %shift_right_logical3A_237 = arith.shrui %mul3A_235, %shift_right_logical3A_236 : i32
        %mul3A_238 = arith.constant 50 : i32
        %mul3A_239 = arith.muli %mul3A_238, %shift_right_logical3A_237 : i32
        %sub3A_240 = arith.subi %add3A_233, %mul3A_239 : i32
        %mul3A_241 = arith.constant 2 : i32
        %mul3A_242 = arith.muli %sub3A_240, %mul3A_241 : i32
        %add3A_243 = arith.constant 0 : i32
        %add3A_244 = arith.addi %mul3A_242, %add3A_243 : i32
        %dma_wait3A_245 = arith.constant 0 : i32
        %dma_wait3A_246 = tpu.memref_slice %arg3[%shift_right_logical3A_237, %add3A_244, %dma_wait3A_245] : memref<50x100x4096xi32, #tpu.memory_space<hbm>> -> memref<1x1x4096xi32, #tpu.memory_space<hbm>>
        %dma_wait3A_247 = tpu.memref_squeeze %dma_wait3A_246 : memref<1x1x4096xi32, #tpu.memory_space<hbm>> -> memref<4096xi32, #tpu.memory_space<hbm>>
        %dma_wait3A_248 = arith.constant 0 : i32
        %dma_wait3A_249 = tpu.memref_slice %arg3[%shift_right_logical3A_237, %add3A_244, %dma_wait3A_248] : memref<50x100x4096xi32, #tpu.memory_space<hbm>> -> memref<1x1x4096xi32, #tpu.memory_space<hbm>>
        %dma_wait3A_250 = tpu.memref_squeeze %dma_wait3A_249 : memref<1x1x4096xi32, #tpu.memory_space<hbm>> -> memref<4096xi32, #tpu.memory_space<hbm>>
        tpu.wait_dma2 semaphore(%arg24 : memref<!tpu.dma_semaphore, #tpu.memory_space<semaphore_mem>>) src(%dma_wait3A_250 : memref<4096xi32, #tpu.memory_space<hbm>>) dst(%arg9 : memref<4096xi32, #tpu.memory_space<vmem>>)
        %dma_start3A_251 = arith.constant 0 : i32
        %dma_start3A_252 = tpu.memref_slice %arg8[%dma_start3A_251] : memref<1000000xi32, #tpu.memory_space<vmem_shared>> -> memref<1000000xi32, #tpu.memory_space<vmem_shared>>
        tpu.enqueue_indirect_dma source(%dma_start3A_252 : memref<1000000xi32, #tpu.memory_space<vmem_shared>>) target(%arg15 : memref<4096xi32, #tpu.memory_space<vmem>>) offsets(%arg9 : memref<4096xi32, #tpu.memory_space<vmem>>) semaphore(%arg27 : memref<!tpu.dma_semaphore, #tpu.memory_space<semaphore_mem>>)
        %mul3A_253 = arith.constant 2 : i32
        %mul3A_254 = arith.muli %sub3A_240, %mul3A_253 : i32
        %add3A_255 = arith.constant 1 : i32
        %add3A_256 = arith.addi %mul3A_254, %add3A_255 : i32
        %dma_wait3A_257 = arith.constant 0 : i32
        %dma_wait3A_258 = tpu.memref_slice %arg3[%shift_right_logical3A_237, %add3A_256, %dma_wait3A_257] : memref<50x100x4096xi32, #tpu.memory_space<hbm>> -> memref<1x1x4096xi32, #tpu.memory_space<hbm>>
        %dma_wait3A_259 = tpu.memref_squeeze %dma_wait3A_258 : memref<1x1x4096xi32, #tpu.memory_space<hbm>> -> memref<4096xi32, #tpu.memory_space<hbm>>
        %dma_wait3A_260 = arith.constant 0 : i32
        %dma_wait3A_261 = tpu.memref_slice %arg3[%shift_right_logical3A_237, %add3A_256, %dma_wait3A_260] : memref<50x100x4096xi32, #tpu.memory_space<hbm>> -> memref<1x1x4096xi32, #tpu.memory_space<hbm>>
        %dma_wait3A_262 = tpu.memref_squeeze %dma_wait3A_261 : memref<1x1x4096xi32, #tpu.memory_space<hbm>> -> memref<4096xi32, #tpu.memory_space<hbm>>
        tpu.wait_dma2 semaphore(%arg24 : memref<!tpu.dma_semaphore, #tpu.memory_space<semaphore_mem>>) src(%dma_wait3A_262 : memref<4096xi32, #tpu.memory_space<hbm>>) dst(%arg10 : memref<4096xi32, #tpu.memory_space<vmem>>)
        %dma_start3A_263 = arith.constant 0 : i32
        %dma_start3A_264 = tpu.memref_slice %arg8[%dma_start3A_263] : memref<1000000xi32, #tpu.memory_space<vmem_shared>> -> memref<1000000xi32, #tpu.memory_space<vmem_shared>>
        tpu.enqueue_indirect_dma source(%dma_start3A_264 : memref<1000000xi32, #tpu.memory_space<vmem_shared>>) target(%arg16 : memref<4096xi32, #tpu.memory_space<vmem>>) offsets(%arg10 : memref<4096xi32, #tpu.memory_space<vmem>>) semaphore(%arg27 : memref<!tpu.dma_semaphore, #tpu.memory_space<semaphore_mem>>)
        %eq3A_265 = arith.constant 0 : i32
        %eq3A_266 = arith.cmpi eq, %sub3A_240, %eq3A_265 : i32
        %convert_element_type3A_267 = arith.extui %eq3A_266 : i1 to i32
        %cond3A_268 = arith.constant 0 : i32
        %cond3A_269 = arith.cmpi ne, %convert_element_type3A_267, %cond3A_268 : i32
        scf.if %cond3A_269 {
          %dma_wait3A_270 = arith.constant 0 : i32
          %dma_wait3A_271 = tpu.memref_slice %arg4[%shift_right_logical3A_237, %dma_wait3A_270] : memref<50x4096xi32, #tpu.memory_space<hbm>> -> memref<1x4096xi32, #tpu.memory_space<hbm>>
          %dma_wait3A_272 = tpu.memref_squeeze %dma_wait3A_271 : memref<1x4096xi32, #tpu.memory_space<hbm>> -> memref<4096xi32, #tpu.memory_space<hbm>>
          %dma_wait3A_273 = arith.constant 0 : i32
          %dma_wait3A_274 = tpu.memref_slice %arg4[%shift_right_logical3A_237, %dma_wait3A_273] : memref<50x4096xi32, #tpu.memory_space<hbm>> -> memref<1x4096xi32, #tpu.memory_space<hbm>>
          %dma_wait3A_275 = tpu.memref_squeeze %dma_wait3A_274 : memref<1x4096xi32, #tpu.memory_space<hbm>> -> memref<4096xi32, #tpu.memory_space<hbm>>
          tpu.wait_dma2 semaphore(%arg24 : memref<!tpu.dma_semaphore, #tpu.memory_space<semaphore_mem>>) src(%dma_wait3A_275 : memref<4096xi32, #tpu.memory_space<hbm>>) dst(%arg21 : memref<4096xi32, #tpu.memory_space<vmem>>)
          %dma_start3A_276 = arith.constant 0 : i32
          %dma_start3A_277 = tpu.memref_slice %arg8[%dma_start3A_276] : memref<1000000xi32, #tpu.memory_space<vmem_shared>> -> memref<1000000xi32, #tpu.memory_space<vmem_shared>>
          tpu.enqueue_indirect_dma source(%dma_start3A_277 : memref<1000000xi32, #tpu.memory_space<vmem_shared>>) target(%arg22 : memref<4096xi32, #tpu.memory_space<vmem>>) offsets(%arg21 : memref<4096xi32, #tpu.memory_space<vmem>>) semaphore(%arg27 : memref<!tpu.dma_semaphore, #tpu.memory_space<semaphore_mem>>)
        } else {
        }
      } else {
      }
      %lt3A_228 = arith.cmpi slt, %add3A_215, %mul3A_15 : i32
      %convert_element_type3A_229 = arith.extui %lt3A_228 : i1 to i32
      %cond3A_230 = arith.constant 0 : i32
      %cond3A_231 = arith.cmpi ne, %convert_element_type3A_229, %cond3A_230 : i32
      scf.if %cond3A_231 {
        %mul3A_232 = arith.constant 1311 : i32
        %mul3A_233 = arith.muli %add3A_215, %mul3A_232 : i32
        %shift_right_logical3A_234 = arith.constant 16 : i32
        %shift_right_logical3A_235 = arith.shrui %mul3A_233, %shift_right_logical3A_234 : i32
        %mul3A_236 = arith.constant 50 : i32
        %mul3A_237 = arith.muli %mul3A_236, %shift_right_logical3A_235 : i32
        %sub3A_238 = arith.subi %add3A_215, %mul3A_237 : i32
        %mul3A_239 = arith.constant 13108 : i32
        %mul3A_240 = arith.muli %sub3A_238, %mul3A_239 : i32
        %shift_right_logical3A_241 = arith.constant 16 : i32
        %shift_right_logical3A_242 = arith.shrui %mul3A_240, %shift_right_logical3A_241 : i32
        %mul3A_243 = arith.constant 5 : i32
        %mul3A_244 = arith.muli %mul3A_243, %shift_right_logical3A_242 : i32
        %sub3A_245 = arith.subi %sub3A_238, %mul3A_244 : i32
        %eq3A_246 = arith.constant 0 : i32
        %eq3A_247 = arith.cmpi eq, %sub3A_245, %eq3A_246 : i32
        %broadcast_in_dim3A = vector.broadcast %eq3A_247 : i1 to vector<16xi1>
        %eq3A_248 = arith.constant 0 : i32
        %eq3A_249 = arith.cmpi eq, %sub3A_238, %eq3A_248 : i32
        %eq3A_250 = arith.cmpi eq, %add3A_215, %mul3A_7 : i32
        %or3A = arith.ori %eq3A_249, %eq3A_250 : i1
        %convert_element_type3A_251 = arith.extui %or3A : i1 to i32
        %cond3A_252 = arith.constant 0 : i32
        %cond3A_253 = arith.cmpi ne, %convert_element_type3A_251, %cond3A_252 : i32
        scf.if %cond3A_253 {
          "tpu.region"() ({
            %run_scoped3A = tpu.sem_alloc : memref<!tpu.dma_semaphore, #tpu.memory_space<semaphore_mem>>
            %dma_start3A_272 = arith.constant 0 : i32
            %dma_start3A_273 = tpu.memref_slice %arg5[%shift_right_logical3A_235, %dma_start3A_272] : memref<50x4096xf32, #tpu.memory_space<hbm>> -> memref<1x4096xf32, #tpu.memory_space<hbm>>
            %dma_start3A_274 = tpu.memref_squeeze %dma_start3A_273 : memref<1x4096xf32, #tpu.memory_space<hbm>> -> memref<4096xf32, #tpu.memory_space<hbm>>
            %dma_start3A_275 = arith.constant 0 : i32
            %dma_start3A_276 = tpu.memref_slice %arg5[%shift_right_logical3A_235, %dma_start3A_275] : memref<50x4096xf32, #tpu.memory_space<hbm>> -> memref<1x4096xf32, #tpu.memory_space<hbm>>
            %dma_start3A_277 = tpu.memref_squeeze %dma_start3A_276 : memref<1x4096xf32, #tpu.memory_space<hbm>> -> memref<4096xf32, #tpu.memory_space<hbm>>
            tpu.enqueue_dma source(%dma_start3A_277 : memref<4096xf32, #tpu.memory_space<hbm>>) target(%arg19 : memref<4096xf32, #tpu.memory_space<vmem>>) target_semaphore(%run_scoped3A : memref<!tpu.dma_semaphore, #tpu.memory_space<semaphore_mem>>)
            %dma_wait3A_278 = arith.constant 0 : i32
            %dma_wait3A_279 = tpu.memref_slice %arg5[%shift_right_logical3A_235, %dma_wait3A_278] : memref<50x4096xf32, #tpu.memory_space<hbm>> -> memref<1x4096xf32, #tpu.memory_space<hbm>>
            %dma_wait3A_280 = tpu.memref_squeeze %dma_wait3A_279 : memref<1x4096xf32, #tpu.memory_space<hbm>> -> memref<4096xf32, #tpu.memory_space<hbm>>
            %dma_wait3A_281 = arith.constant 0 : i32
            %dma_wait3A_282 = tpu.memref_slice %arg5[%shift_right_logical3A_235, %dma_wait3A_281] : memref<50x4096xf32, #tpu.memory_space<hbm>> -> memref<1x4096xf32, #tpu.memory_space<hbm>>
            %dma_wait3A_283 = tpu.memref_squeeze %dma_wait3A_282 : memref<1x4096xf32, #tpu.memory_space<hbm>> -> memref<4096xf32, #tpu.memory_space<hbm>>
            tpu.wait_dma2 semaphore(%run_scoped3A : memref<!tpu.dma_semaphore, #tpu.memory_space<semaphore_mem>>) src(%dma_wait3A_283 : memref<4096xf32, #tpu.memory_space<hbm>>) dst(%arg19 : memref<4096xf32, #tpu.memory_space<vmem>>)
            tpu.yield
          }) : () -> ()
        } else {
        }
        %dma_wait3A_254 = arith.constant 0 : i32
        %dma_wait3A_255 = tpu.memref_slice %arg8[%dma_wait3A_254] : memref<1000000xi32, #tpu.memory_space<vmem_shared>> -> memref<1000000xi32, #tpu.memory_space<vmem_shared>>
        tpu.wait_indirect_dma semaphore(%arg28 : memref<!tpu.dma_semaphore, #tpu.memory_space<semaphore_mem>>) src(%dma_wait3A_255 : memref<1000000xi32, #tpu.memory_space<vmem_shared>>) dst(%arg17 : memref<4096xi32, #tpu.memory_space<vmem>>)
        %dma_wait3A_256 = arith.constant 0 : i32
        %dma_wait3A_257 = tpu.memref_slice %arg8[%dma_wait3A_256] : memref<1000000xi32, #tpu.memory_space<vmem_shared>> -> memref<1000000xi32, #tpu.memory_space<vmem_shared>>
        tpu.wait_indirect_dma semaphore(%arg28 : memref<!tpu.dma_semaphore, #tpu.memory_space<semaphore_mem>>) src(%dma_wait3A_257 : memref<1000000xi32, #tpu.memory_space<vmem_shared>>) dst(%arg18 : memref<4096xi32, #tpu.memory_space<vmem>>)
        %eq3A_258 = arith.constant 0 : i32
        %eq3A_259 = arith.cmpi eq, %sub3A_238, %eq3A_258 : i32
        %convert_element_type3A_260 = arith.extui %eq3A_259 : i1 to i32
        %cond3A_261 = arith.constant 0 : i32
        %cond3A_262 = arith.cmpi ne, %convert_element_type3A_260, %cond3A_261 : i32
        scf.if %cond3A_262 {
          %dma_wait3A_272 = arith.constant 0 : i32
          %dma_wait3A_273 = tpu.memref_slice %arg8[%dma_wait3A_272] : memref<1000000xi32, #tpu.memory_space<vmem_shared>> -> memref<1000000xi32, #tpu.memory_space<vmem_shared>>
          tpu.wait_indirect_dma semaphore(%arg28 : memref<!tpu.dma_semaphore, #tpu.memory_space<semaphore_mem>>) src(%dma_wait3A_273 : memref<1000000xi32, #tpu.memory_space<vmem_shared>>) dst(%arg22 : memref<4096xi32, #tpu.memory_space<vmem>>)
          %scan3A_274 = arith.constant 0 : i32
          %scan3A_275 = arith.constant 0 : i32
          %scan3A_276 = arith.constant 256 : i32
          %scan3A_277 = arith.addi %scan3A_275, %scan3A_276 : i32
          %scan3A_278 = arith.constant 1 : i32
          %scan3A_279 = scf.for %scan3A_281 = %scan3A_275 to %scan3A_277 step %scan3A_278 iter_args(%scan3A_282 = %scan3A_274) -> (i32)  : i32 {
            %mul3A_283 = arith.constant 16 : i32
            %mul3A_284 = arith.muli %scan3A_281, %mul3A_283 : i32
            %get3A = arith.index_cast %mul3A_284 : i32 to index
            %get3A_285 = tpu.vector_load %arg19[%get3A] {strides = array<i32>} : memref<4096xf32, #tpu.memory_space<vmem>>, vector<16xf32>,
            %broadcast_in_dim3A_286 = arith.constant 0.000000e+00 : f32
            %broadcast_in_dim3A_287 = vector.broadcast %broadcast_in_dim3A_286 : f32 to vector<16xf32>
            %get3A_288 = arith.index_cast %mul3A_284 : i32 to index
            %get3A_289 = tpu.vector_load %arg20[%get3A_288] {strides = array<i32>} : memref<4096xf32, #tpu.memory_space<vmem>>, vector<16xf32>,
            %select_n3A = arith.select %broadcast_in_dim3A, %broadcast_in_dim3A_287, %get3A_289 : vector<16xi1>, vector<16xf32>
            %get3A_290 = arith.index_cast %mul3A_284 : i32 to index
            %get3A_291 = tpu.vector_load %arg17[%get3A_290] {strides = array<i32>} : memref<4096xi32, #tpu.memory_space<vmem>>, vector<16xi32>,
            %and3A = vector.broadcast %scan3A_115 : i32 to vector<16xi32>
            %and3A_292 = arith.andi %get3A_291, %and3A : vector<16xi32>
            %bitcast_convert_type3A = tpu.bitcast %and3A_292 : vector<16xi32> -> vector<16xf32>
            %mul3A_293 = arith.mulf %bitcast_convert_type3A, %get3A_285 : vector<16xf32>
            %shift_left3A = arith.constant 16 : i32
            %shift_left3A_294 = vector.broadcast %shift_left3A : i32 to vector<16xi32>
            %shift_left3A_295 = arith.shli %get3A_291, %shift_left3A_294 : vector<16xi32>
            %bitcast_convert_type3A_296 = tpu.bitcast %shift_left3A_295 : vector<16xi32> -> vector<16xf32>
            %add3A_297 = arith.addf %mul3A_293, %bitcast_convert_type3A_296 : vector<16xf32>
            %exp3A = math.exp %add3A_297 : vector<16xf32>
            %add3A_298 = arith.addf %select_n3A, %exp3A : vector<16xf32>
            %get3A_299 = arith.index_cast %mul3A_284 : i32 to index
            %get3A_300 = tpu.vector_load %arg18[%get3A_299] {strides = array<i32>} : memref<4096xi32, #tpu.memory_space<vmem>>, vector<16xi32>,
            %and3A_301 = vector.broadcast %scan3A_115 : i32 to vector<16xi32>
            %and3A_302 = arith.andi %get3A_300, %and3A_301 : vector<16xi32>
            %bitcast_convert_type3A_303 = tpu.bitcast %and3A_302 : vector<16xi32> -> vector<16xf32>
            %mul3A_304 = arith.mulf %bitcast_convert_type3A_303, %get3A_285 : vector<16xf32>
            %shift_left3A_305 = arith.constant 16 : i32
            %shift_left3A_306 = vector.broadcast %shift_left3A_305 : i32 to vector<16xi32>
            %shift_left3A_307 = arith.shli %get3A_300, %shift_left3A_306 : vector<16xi32>
            %bitcast_convert_type3A_308 = tpu.bitcast %shift_left3A_307 : vector<16xi32> -> vector<16xf32>
            %add3A_309 = arith.addf %mul3A_304, %bitcast_convert_type3A_308 : vector<16xf32>
            %exp3A_310 = math.exp %add3A_309 : vector<16xf32>
            %add3A_311 = arith.addf %add3A_298, %exp3A_310 : vector<16xf32>
            %get3A_312 = arith.index_cast %mul3A_284 : i32 to index
            %get3A_313 = tpu.vector_load %arg22[%get3A_312] {strides = array<i32>} : memref<4096xi32, #tpu.memory_space<vmem>>, vector<16xi32>,
            %and3A_314 = vector.broadcast %scan3A_115 : i32 to vector<16xi32>
            %and3A_315 = arith.andi %get3A_313, %and3A_314 : vector<16xi32>
            %bitcast_convert_type3A_316 = tpu.bitcast %and3A_315 : vector<16xi32> -> vector<16xf32>
            %mul3A_317 = arith.mulf %bitcast_convert_type3A_316, %get3A_285 : vector<16xf32>
            %shift_left3A_318 = arith.constant 16 : i32
            %shift_left3A_319 = vector.broadcast %shift_left3A_318 : i32 to vector<16xi32>
            %shift_left3A_320 = arith.shli %get3A_313, %shift_left3A_319 : vector<16xi32>
            %bitcast_convert_type3A_321 = tpu.bitcast %shift_left3A_320 : vector<16xi32> -> vector<16xf32>
            %add3A_322 = arith.addf %mul3A_317, %bitcast_convert_type3A_321 : vector<16xf32>
            %swap3A = arith.index_cast %mul3A_284 : i32 to index
            %swap3A_323 = tpu.vector_load %arg23[%swap3A] {strides = array<i32>} : memref<4096xf32, #tpu.memory_space<vmem>>, vector<16xf32>,
            tpu.vector_store %arg23[%swap3A], %add3A_322 {strides = array<i32>} : memref<4096xf32, #tpu.memory_space<vmem>>, vector<16xf32>,
            %exp3A_324 = math.exp %add3A_322 : vector<16xf32>
            %add3A_325 = arith.addf %add3A_311, %exp3A_324 : vector<16xf32>
            %swap3A_326 = arith.index_cast %mul3A_284 : i32 to index
            %swap3A_327 = tpu.vector_load %arg20[%swap3A_326] {strides = array<i32>} : memref<4096xf32, #tpu.memory_space<vmem>>, vector<16xf32>,
            tpu.vector_store %arg20[%swap3A_326], %add3A_325 {strides = array<i32>} : memref<4096xf32, #tpu.memory_space<vmem>>, vector<16xf32>,
            %scan3A_328 = arith.constant 0 : i32
            scf.yield %scan3A_328 : i32
          }
          %scan3A_280 = arith.constant 256 : i32
          "tpu.region"() ({
            %run_scoped3A = tpu.sem_alloc : memref<!tpu.dma_semaphore, #tpu.memory_space<semaphore_mem>>
            %dma_start3A_281 = arith.constant 0 : i32
            %dma_start3A_282 = tpu.memref_slice %arg7[%shift_right_logical3A_235, %dma_start3A_281] : memref<50x4096xf32, #tpu.memory_space<hbm>> -> memref<1x4096xf32, #tpu.memory_space<hbm>>
            %dma_start3A_283 = tpu.memref_squeeze %dma_start3A_282 : memref<1x4096xf32, #tpu.memory_space<hbm>> -> memref<4096xf32, #tpu.memory_space<hbm>>
            %dma_start3A_284 = arith.constant 0 : i32
            %dma_start3A_285 = tpu.memref_slice %arg7[%shift_right_logical3A_235, %dma_start3A_284] : memref<50x4096xf32, #tpu.memory_space<hbm>> -> memref<1x4096xf32, #tpu.memory_space<hbm>>
            %dma_start3A_286 = tpu.memref_squeeze %dma_start3A_285 : memref<1x4096xf32, #tpu.memory_space<hbm>> -> memref<4096xf32, #tpu.memory_space<hbm>>
            tpu.enqueue_dma source(%arg23 : memref<4096xf32, #tpu.memory_space<vmem>>) target(%dma_start3A_286 : memref<4096xf32, #tpu.memory_space<hbm>>) target_semaphore(%run_scoped3A : memref<!tpu.dma_semaphore, #tpu.memory_space<semaphore_mem>>)
            %dma_wait3A_287 = arith.constant 0 : i32
            %dma_wait3A_288 = tpu.memref_slice %arg7[%shift_right_logical3A_235, %dma_wait3A_287] : memref<50x4096xf32, #tpu.memory_space<hbm>> -> memref<1x4096xf32, #tpu.memory_space<hbm>>
            %dma_wait3A_289 = tpu.memref_squeeze %dma_wait3A_288 : memref<1x4096xf32, #tpu.memory_space<hbm>> -> memref<4096xf32, #tpu.memory_space<hbm>>
            %dma_wait3A_290 = arith.constant 0 : i32
            %dma_wait3A_291 = tpu.memref_slice %arg7[%shift_right_logical3A_235, %dma_wait3A_290] : memref<50x4096xf32, #tpu.memory_space<hbm>> -> memref<1x4096xf32, #tpu.memory_space<hbm>>
            %dma_wait3A_292 = tpu.memref_squeeze %dma_wait3A_291 : memref<1x4096xf32, #tpu.memory_space<hbm>> -> memref<4096xf32, #tpu.memory_space<hbm>>
            tpu.wait_dma2 semaphore(%run_scoped3A : memref<!tpu.dma_semaphore, #tpu.memory_space<semaphore_mem>>) src(%arg23 : memref<4096xf32, #tpu.memory_space<vmem>>) dst(%dma_wait3A_292 : memref<4096xf32, #tpu.memory_space<hbm>>)
            tpu.yield
          }) : () -> ()
        } else {
        }
        %ne3A = arith.constant 0 : i32
        %ne3A_263 = arith.cmpi ne, %sub3A_238, %ne3A : i32
        %convert_element_type3A_264 = arith.extui %ne3A_263 : i1 to i32
        %cond3A_265 = arith.constant 0 : i32
        %cond3A_266 = arith.cmpi ne, %convert_element_type3A_264, %cond3A_265 : i32
        scf.if %cond3A_266 {
          %scan3A_272 = arith.constant 0 : i32
          %scan3A_273 = arith.constant 0 : i32
          %scan3A_274 = arith.constant 256 : i32
          %scan3A_275 = arith.addi %scan3A_273, %scan3A_274 : i32
          %scan3A_276 = arith.constant 1 : i32
          %scan3A_277 = scf.for %scan3A_279 = %scan3A_273 to %scan3A_275 step %scan3A_276 iter_args(%scan3A_280 = %scan3A_272) -> (i32)  : i32 {
            %mul3A_281 = arith.constant 16 : i32
            %mul3A_282 = arith.muli %scan3A_279, %mul3A_281 : i32
            %get3A = arith.index_cast %mul3A_282 : i32 to index
            %get3A_283 = tpu.vector_load %arg19[%get3A] {strides = array<i32>} : memref<4096xf32, #tpu.memory_space<vmem>>, vector<16xf32>,
            %broadcast_in_dim3A_284 = arith.constant 0.000000e+00 : f32
            %broadcast_in_dim3A_285 = vector.broadcast %broadcast_in_dim3A_284 : f32 to vector<16xf32>
            %get3A_286 = arith.index_cast %mul3A_282 : i32 to index
            %get3A_287 = tpu.vector_load %arg20[%get3A_286] {strides = array<i32>} : memref<4096xf32, #tpu.memory_space<vmem>>, vector<16xf32>,
            %select_n3A = arith.select %broadcast_in_dim3A, %broadcast_in_dim3A_285, %get3A_287 : vector<16xi1>, vector<16xf32>
            %get3A_288 = arith.index_cast %mul3A_282 : i32 to index
            %get3A_289 = tpu.vector_load %arg17[%get3A_288] {strides = array<i32>} : memref<4096xi32, #tpu.memory_space<vmem>>, vector<16xi32>,
            %and3A = vector.broadcast %scan3A_115 : i32 to vector<16xi32>
            %and3A_290 = arith.andi %get3A_289, %and3A : vector<16xi32>
            %bitcast_convert_type3A = tpu.bitcast %and3A_290 : vector<16xi32> -> vector<16xf32>
            %mul3A_291 = arith.mulf %bitcast_convert_type3A, %get3A_283 : vector<16xf32>
            %shift_left3A = arith.constant 16 : i32
            %shift_left3A_292 = vector.broadcast %shift_left3A : i32 to vector<16xi32>
            %shift_left3A_293 = arith.shli %get3A_289, %shift_left3A_292 : vector<16xi32>
            %bitcast_convert_type3A_294 = tpu.bitcast %shift_left3A_293 : vector<16xi32> -> vector<16xf32>
            %add3A_295 = arith.addf %mul3A_291, %bitcast_convert_type3A_294 : vector<16xf32>
            %exp3A = math.exp %add3A_295 : vector<16xf32>
            %add3A_296 = arith.addf %select_n3A, %exp3A : vector<16xf32>
            %get3A_297 = arith.index_cast %mul3A_282 : i32 to index
            %get3A_298 = tpu.vector_load %arg18[%get3A_297] {strides = array<i32>} : memref<4096xi32, #tpu.memory_space<vmem>>, vector<16xi32>,
            %and3A_299 = vector.broadcast %scan3A_115 : i32 to vector<16xi32>
            %and3A_300 = arith.andi %get3A_298, %and3A_299 : vector<16xi32>
            %bitcast_convert_type3A_301 = tpu.bitcast %and3A_300 : vector<16xi32> -> vector<16xf32>
            %mul3A_302 = arith.mulf %bitcast_convert_type3A_301, %get3A_283 : vector<16xf32>
            %shift_left3A_303 = arith.constant 16 : i32
            %shift_left3A_304 = vector.broadcast %shift_left3A_303 : i32 to vector<16xi32>
            %shift_left3A_305 = arith.shli %get3A_298, %shift_left3A_304 : vector<16xi32>
            %bitcast_convert_type3A_306 = tpu.bitcast %shift_left3A_305 : vector<16xi32> -> vector<16xf32>
            %add3A_307 = arith.addf %mul3A_302, %bitcast_convert_type3A_306 : vector<16xf32>
            %exp3A_308 = math.exp %add3A_307 : vector<16xf32>
            %add3A_309 = arith.addf %add3A_296, %exp3A_308 : vector<16xf32>
            %swap3A = arith.index_cast %mul3A_282 : i32 to index
            %swap3A_310 = tpu.vector_load %arg20[%swap3A] {strides = array<i32>} : memref<4096xf32, #tpu.memory_space<vmem>>, vector<16xf32>,
            tpu.vector_store %arg20[%swap3A], %add3A_309 {strides = array<i32>} : memref<4096xf32, #tpu.memory_space<vmem>>, vector<16xf32>,
            %scan3A_311 = arith.constant 0 : i32
            scf.yield %scan3A_311 : i32
          }
          %scan3A_278 = arith.constant 256 : i32
        } else {
        }
        %eq3A_267 = arith.constant 4 : i32
        %eq3A_268 = arith.cmpi eq, %sub3A_245, %eq3A_267 : i32
        %convert_element_type3A_269 = arith.extui %eq3A_268 : i1 to i32
        %cond3A_270 = arith.constant 0 : i32
        %cond3A_271 = arith.cmpi ne, %convert_element_type3A_269, %cond3A_270 : i32
        scf.if %cond3A_271 {
          %mul3A_272 = arith.constant 50 : i32
          %mul3A_273 = arith.muli %shift_right_logical3A_242, %mul3A_272 : i32
          %add3A_274 = arith.addi %mul3A_273, %shift_right_logical3A_235 : i32
          %mul3A_275 = arith.constant 4096 : i32
          %mul3A_276 = arith.muli %add3A_274, %mul3A_275 : i32
          "tpu.region"() ({
            %run_scoped3A = tpu.sem_alloc : memref<!tpu.dma_semaphore, #tpu.memory_space<semaphore_mem>>
            %dma_start3A_277 = tpu.memref_slice %arg6[%mul3A_276] : memref<2064384xf32, #tpu.memory_space<hbm>> -> memref<4096xf32, #tpu.memory_space<hbm>>
            %dma_start3A_278 = tpu.memref_slice %arg6[%mul3A_276] : memref<2064384xf32, #tpu.memory_space<hbm>> -> memref<4096xf32, #tpu.memory_space<hbm>>
            tpu.enqueue_dma source(%arg20 : memref<4096xf32, #tpu.memory_space<vmem>>) target(%dma_start3A_278 : memref<4096xf32, #tpu.memory_space<hbm>>) target_semaphore(%run_scoped3A : memref<!tpu.dma_semaphore, #tpu.memory_space<semaphore_mem>>)
            %dma_wait3A_279 = tpu.memref_slice %arg6[%mul3A_276] : memref<2064384xf32, #tpu.memory_space<hbm>> -> memref<4096xf32, #tpu.memory_space<hbm>>
            %dma_wait3A_280 = tpu.memref_slice %arg6[%mul3A_276] : memref<2064384xf32, #tpu.memory_space<hbm>> -> memref<4096xf32, #tpu.memory_space<hbm>>
            tpu.wait_dma2 semaphore(%run_scoped3A : memref<!tpu.dma_semaphore, #tpu.memory_space<semaphore_mem>>) src(%arg20 : memref<4096xf32, #tpu.memory_space<vmem>>) dst(%dma_wait3A_280 : memref<4096xf32, #tpu.memory_space<hbm>>)
            tpu.yield
          }) : () -> ()
        } else {
        }
      } else {
      }
    }
    %scan3A_120 = arith.constant 14 : i32
    return
  }
}

</mosaic_0001>

<sc_bundles>
// kernel: _sc_gather_expsum.3.cloned.1.call-start
scs
__scs_entry_jumppad:
0x0: {  	(pc) =	sbr.rel $0x88, $3  }
0x1: {  	(tag) =	ssettag $0x0;
	lr =	simm.s32 $0x1  }
0x2: {  	[smem:$0x3F9D] =	sst lr;
	_ =	strace $0xD0000000  }
0x3: {  	_ = 	snop  }
0x4: {  	_ = 	snop  }
0x5: {  	_ = 	snop  }
0x6: {  	_ = 	snop  }
0x7: {  	_ = 	snop  }
__scs_overlays_trampoline_lowered:
0x8: {  	[smem:$0x3FAC] =	sst s0  }
0x9: {  	[smem:$0x3FAD] =	sst s1  }
0xa: {  	[smem:$0x3FAE] =	sst s2  }
0xb: {  	[smem:$0x3FAF] =	sst s3  }
0xc: {  	[smem:$0x3FB0] =	sst s4  }
0xd: {  	[smem:$0x3FB1] =	sst s5  }
0xe: {  	[smem:$0x3FB2] =	sst s6  }
0xf: {  	[smem:$0x3FB3] =	sst s7  }
0x10: {  	[smem:$0x3FB4] =	sst s8  }
0x11: {  	[smem:$0x3FB5] =	sst s9;
	s0 =	simm.s32 @!p0 $0x0  }
0x12: {  	s1 =	sld [smem:$0x3F9B];
	s0 =	simm.s32 @p0 $0x1  }
0x13: {  	[smem:$0x3FB6] =	sst s0;
	s0 =	simm.s32 @!p1 $0x0  }
0x14: {  	s2 =	sld [smem:$0x3F9A];
	s0 =	simm.s32 @p1 $0x1  }
0x15: {  	[smem:$0x3FB7] =	sst s0;
	s0 =	simm.s32 @!p2 $0x0  }
0x16: {  	s3 =	sld [smem:$0x3FDB];
	s0 =	simm.s32 @p2 $0x1  }
0x17: {  	s4 =	simm.s32 $0x1BF5;
	[smem:$0x3FB9] =	sst s0  }
0x18: {  	s0 =	sld [smem:$0x3F9C];
	_ =	swait.ge [sflag:s4], $0x0  }
0x19: {  	s7 =	sld [smem:$0x3F9D]  }
0x1a: {  	s8 =	sadd.s32 $0xFFFFE003, lr  }
0x1b: {  	s9 =	sadd.s32 $0xFFFFFEF7, lr;
	s5 =	simm.s32 $0xFFFFFFFF;
	p2 =	slt.u32 s8, $0xFFFFF086  }
0x1c: {  	p1 =	slt.u32 s9, $0xF7A;
	s5 =	simm.s32 @!p2 $0x0  }
0x1d: {  	s5 =	simm.s32 @p1 $0x1;
	p0 =	seq.s32 s7, s2  }
0x1e: {  	s7 =	smul.u32 @!p0 $0xF7A, s2;
	p2 =	seq.s32 @!p0 s5, $0x0  }
0x1f: {  	s9 =	smul.u32 $0xF7A, s1;
	s8 =	simm.s32 @!p0 $0x1BF5;
	p2 =	por !p2, p0  }
0x20: {  	[sflag:s8] =	ssyncset.s32 @!p0 $0xFFFFF086;
	s6 =	sadd.s32 @!p0 s3, s7;
	s7 =	simm.s32 @!p0 $0x108  }
0x21: {  	s3 =	sadd.s32 s3, s9;
	s6 =	sadd.s32 @!p0 $0x88, s6;
	s7 =	simm.s32 @p2 $0x1082  }
0x22: {  	[simem:s7], [sflag:s8] =	dma.local @!p0 [hbm:s6], $0xF7A  }
0x23: {  	s9 =	sor.u32 $0xD0000000, s2;
	s6 =	simm.s32 $0x108;
	_ =	swait.ge @!p0 [sflag:s8], $0x0  }
0x24: {  	s3 =	sadd.s32 $0x88, s3;
	s6 =	simm.s32 @!p1 $0x1082;
	[sflag:s4] =	ssyncset.s32 $0xFFFFF086  }
0x25: {  	[simem:s6], [sflag:s4] =	dma.local [hbm:s3], $0xF7A  }
0x26: {  	[smem:$0x3F9D] =	sst s1;
	(tag) =	ssettag s2;
	_ =	strace s9  }
0x27: {  	s1 =	sld [smem:$0x3FAD]  }
0x28: {  	s2 =	sld [smem:$0x3FAE]  }
0x29: {  	s4 =	sld [smem:$0x3FB0]  }
0x2a: {  	p0 =	seq.s32 s5, $0x0;
	s5 =	sld [smem:$0x3FB1]  }
0x2b: {  	s6 =	sld [smem:$0x3FB2]  }
0x2c: {  	s7 =	sld [smem:$0x3FB3]  }
0x2d: {  	s3 =	simm.s32 $0x108;
	s8 =	sld [smem:$0x3FB4]  }
0x2e: {  	s3 =	simm.s32 @!p0 $0x1082;
	s9 =	sld [smem:$0x3FB5]  }
0x2f: {  	lr =	sadd.s32 s0, s3;
	s0 =	sld [smem:$0x3FAC]  }
0x30: {  	s3 =	sld [smem:$0x3FAF]  }
0x31: {  	[smem:$0x3FB8] =	sst s10  }
0x32: {  	s10 =	sld [smem:$0x3FB6];
	_ =	sdelay $0x3  }
0x33: {  	p0 =	seq.s32 s10, $0x1;
	s10 =	sld [smem:$0x3FB8];
	_ =	sdelay $0x3  }
0x34: {  	[smem:$0x3FB8] =	sst s10  }
0x35: {  	s10 =	sld [smem:$0x3FB7];
	_ =	sdelay $0x3  }
0x36: {  	p1 =	seq.s32 s10, $0x1;
	s10 =	sld [smem:$0x3FB8];
	_ =	sdelay $0x3  }
0x37: {  	[smem:$0x3FB8] =	sst s10  }
0x38: {  	s10 =	sld [smem:$0x3FB9]  }
0x39: {  	_ = 	snop;
	(pc) =	sbr.ind lr, $3  }
0x3a: {  	_ = 	snop  }
0x3b: {  	_ = 	snop  }
0x3c: {  	p2 =	seq.s32 s10, $0x1;
	s10 =	sld [smem:$0x3FB8]  }
0x3d: {  	_ =	shalt  }
0x3e: {  	_ =	shalt  }
0x3f: {  	_ =	shalt  }
0x40: {  	_ =	shalt  }
0x41: {  	_ =	shalt  }
0x42: {  	_ =	shalt  }
0x43: {  	_ =	shalt  }
0x44: {  	_ =	shalt  }
0x45: {  	_ =	shalt  }
0x46: {  	_ =	shalt  }
0x47: {  	_ =	shalt  }
0x48: {  	_ =	shalt  }
0x49: {  	_ =	shalt  }
0x4a: {  	_ =	shalt  }
0x4b: {  	_ =	shalt  }
0x4c: {  	_ =	shalt  }
0x4d: {  	_ =	shalt  }
0x4e: {  	_ =	shalt  }
0x4f: {  	_ =	shalt  }
0x50: {  	_ =	shalt  }
0x51: {  	_ =	shalt  }
0x52: {  	_ =	shalt  }
0x53: {  	_ =	shalt  }
0x54: {  	_ =	shalt  }
0x55: {  	_ =	shalt  }
0x56: {  	_ =	shalt  }
0x57: {  	_ =	shalt  }
0x58: {  	_ =	shalt  }
0x59: {  	_ =	shalt  }
0x5a: {  	_ =	shalt  }
0x5b: {  	_ =	shalt  }
0x5c: {  	_ =	shalt  }
0x5d: {  	_ =	shalt  }
0x5e: {  	_ =	shalt  }
0x5f: {  	_ =	shalt  }
0x60: {  	_ =	shalt  }
0x61: {  	_ =	shalt  }
0x62: {  	_ =	shalt  }
0x63: {  	_ =	shalt  }
0x64: {  	_ =	shalt  }
0x65: {  	_ =	shalt  }
0x66: {  	_ =	shalt  }
0x67: {  	_ =	shalt  }
0x68: {  	_ =	shalt  }
0x69: {  	_ =	shalt  }
0x6a: {  	_ =	shalt  }
0x6b: {  	_ =	shalt  }
0x6c: {  	_ =	shalt  }
0x6d: {  	_ =	shalt  }
0x6e: {  	_ =	shalt  }
0x6f: {  	_ =	shalt  }
0x70: {  	_ =	shalt  }
0x71: {  	_ =	shalt  }
0x72: {  	_ =	shalt  }
0x73: {  	_ =	shalt  }
0x74: {  	_ =	shalt  }
0x75: {  	_ =	shalt  }
0x76: {  	_ =	shalt  }
0x77: {  	_ =	shalt  }
0x78: {  	_ =	shalt  }
0x79: {  	_ =	shalt  }
0x7a: {  	_ =	shalt  }
0x7b: {  	_ =	shalt  }
0x7c: {  	_ =	shalt  }
0x7d: {  	_ =	shalt  }
0x7e: {  	_ =	shalt  }
0x7f: {  	_ =	shalt  }
0x80: {  	_ =	shalt  }
0x81: {  	_ =	shalt  }
0x82: {  	_ =	shalt  }
0x83: {  	_ =	shalt  }
0x84: {  	_ =	shalt  }
0x85: {  	_ =	shalt  }
0x86: {  	_ =	shalt  }
0x87: {  	_ =	shalt  }
.Lfunc_end0:
.L_simem_size_0:
called_computation_lowered:
.L_overlay_start_0:
0x88: {  	s2 =	sld [smem:$0x3FD9]  }
0x89: {  	s3 =	sld [smem:$0x3FFE];
	_ =	sdelay $0x1  }
0x8a: {  	s1 =	srdreg.scid  }
0x8b: {  	s0 =	sand.u32 $0x1, s1  }
0x8c: {  	s15 =	sshll.u32 s0, $0xA;
	s2 =	sadd.s32 s3, s2  }
0x8d: {  	s2 =	sadd.s32 s2, s15  }
0x8e: {  	[smem:$0x3FC4] =	sst s2  }
0x8f: {  	_ = 	snop  }
0x90: {  	s2 =	sld [smem:$0x3FC9]  }
0x91: {  	s16 =	sld [smem:$0x3FD0]  }
0x92: {  	s4 =	sld [smem:$0x3FC8]  }
0x93: {  	s5 =	sld [smem:$0x3FC7]  }
0x94: {  	s7 =	simm.s32 $0xA;
	s8 =	simm.s32 $0x10;
	s6 =	sld [smem:$0x3FC6]  }
0x95: {  	[smem:s8], [sflag:s7] =	dma.local [hbm:s16], $0x1  }
0x96: {  	_ =	swait.eq [sflag:s7], $0x1  }
0x97: {  	[sflag:s7] =	ssyncset.done $0x0  }
0x98: {  	s17 =	sld [smem:$0x10];
	[sflag:s7] =	ssyncadd.s32 $0xFFFFFFFF  }
0x99: {  	s18 =	sld [smem:$0x11];
	(tm) =	ssettm $0x1  }
0x9a: {  	s19 =	sld [smem:$0x3FFB];
	_ =	sdelay $0x3  }
0x9b: {  	_ =	strace s19  }
0x9c: {  	s8 =	sld [smem:$0x3FFC];
	_ =	sdelay $0x3  }
0x9d: {  	_ =	strace s8  }
0x9e: {  	s8 =	sld [smem:$0x3FFD];
	_ =	sdelay $0x3  }
0x9f: {  	_ =	strace s8  }
0xa0: {  	_ =	strace $0x8FFFFFFF  }
0xa1: {  	s20 =	sld [smem:$0x3FDB];
	_ =	sdelay $0x1  }
0xa2: {  	s9 =	simm.s32 $_scs_section_size  }
0xa3: {  	s10 =	simm.s32 $_size__tile_overlayer_lowered;
	s11 =	simm.s32 $_tile_overlayer_lowered  }
0xa4: {  	s23 =	simm.s32 $0x1BFF;
	s22 =	sshll.u32 s11, $0x1;
	s8 =	sadd.s32 s9, s20  }
0xa5: {  	s12 =	simm.s32 $0x0;
	s21 =	sshll.u32 s10, $0x1;
	s10 =	sadd.s32 s22, s8  }
0xa6: {  	[timem:s12], [sflag:s23] =	dma.local [hbm:s10], s21  }
0xa7: {  	_ =	swait.ge [sflag:s23], s21  }
0xa8: {  	s9 =	ssub.s32 $0x0, s21;
	[sflag:s23] =	ssyncset.done $0x0  }
0xa9: {  	[sflag:s23] =	ssyncadd.s32 s9;
	_ =	sdelay $0x1  }
0xaa: {  	s24 =	simm.s32 $0x1B8B  }
0xab: {  	_ =	swait.ge [sflag:s24], $0x1  }
0xac: {  	[sflag:s24] =	ssyncset.done $0x0  }
0xad: {  	s25 =	simm.s32 $0x1B8E;
	[sflag:s24] =	ssyncadd.s32 $0xFFFFFFFF  }
0xae: {  	s26 =	simm.s32 $execute0_lowered;
	[smem:$0x3FD2] =	sst s25  }
0xaf: {  	s9 =	sshll.u32 s26, $0x1;
	_ =	strace $0x80000046;
	[dreg:$0x1] =	wrdreg $0xFFFFFFFF  }
0xb0: {  	s28 =	simm.s32 $_size_execute0_lowered;
	s8 =	sadd.s32 s8, s9;
	[dreg:$0x0] =	wrdreg $0x0  }
0xb1: {  	s9 =	sshll.u32 s28, $0x1;
	[dreg:$0x2] =	wrdreg s8  }
0xb2: {  	[dreg:$0x3] =	wrdreg s9  }
0xb3: {  	[dreg:$0x4] =	wrdreg $0xC0  }
0xb4: {  	_ =	task [dreg:s12], $0x5FFFF  }
0xb5: {  	[dreg:$0x1] =	wrdreg $0xFFFFFFFF  }
0xb6: {  	[dreg:$0x0] =	wrdreg $0x60  }
0xb7: {  	[dreg:$0x2] =	wrdreg s2  }
0xb8: {  	[dreg:$0x3] =	wrdreg s4  }
0xb9: {  	[dreg:$0x4] =	wrdreg s5  }
0xba: {  	[dreg:$0x5] =	wrdreg s6  }
0xbb: {  	[dreg:$0x6] =	wrdreg s17  }
0xbc: {  	[dreg:$0x7] =	wrdreg s18  }
0xbd: {  	[dreg:$0x8] =	wrdreg $0x0  }
0xbe: {  	[dreg:$0x9] =	wrdreg $0x9  }
0xbf: {  	_ =	task.clear_ibuf [dreg:s12], $0xAFFFF;
	_ =	strace $0x90000046  }
0xc0: {  	s29 =	simm.s32 $0x9;
	_ =	strace $0x80000048  }
0xc1: {  	_ =	swait.ge [sflag:s29], $0x1  }
0xc2: {  	[sflag:s29] =	ssyncadd.s32 $0xFFFFFFFF  }
0xc3: {  	_ =	strace $0x90000048  }
0xc4: {  	_ =	sfence  }
0xc5: {  	s30 =	sld [smem:$0x0];
	_ =	sdelay $0x2  }
0xc6: {  	s31 =	sshll.u32 s1, $0xD;
	s1 =	sshrl.u32 s1, $0x2  }
0xc7: {  	s3 =	sand.u32 $0x4000, s31;
	s1 =	sadd.s32 s1, s30  }
0xc8: {  	s0 =	sor.u32 s3, s0;
	s1 =	sshll.u32 s1, $0x11  }
0xc9: {  	s0 =	sor.u32 s1, s0  }
0xca: {  	s0 =	sadd.s32 $0x8F2B, s0  }
0xcb: {  	[sflag:s0] =	ssyncadd.remote.s32 $0x1  }
0xcc: {  	_ =	sfence.sel $0xFFFF  }
0xcd: {  	[dreg:$0x0] =	wrdreg $0xFFFFFFFF;
	(pc) =	sbr.abs _section_cstart, $3  }
0xce: {  	[dreg:$0x1] =	wrdreg $0xFFFFFFFF  }
0xcf: {  	_ =	task.clear_ibuf [dreg:s12], $0x2FFFF;
	_ =	strace $0x9FFFFFFF  }
0xd0: {  	(tm) =	ssettm $0x7FFFFFFF  }
0xd1: {  	_ =	shalt  }
tec
execute0_lowered:
.L_overlay_start_1:
0x0: {  	(tag) =	ssettag $0x1  }
0x1: {  	s4 =	rddreg [dreg:$0x4]  }
0x2: {  	s1 =	srdreg.scid;
	s6 =	rddreg [dreg:$0x5]  }
0x3: {  	s0 =	stileid.u32;
	s7 =	rddreg [dreg:$0x6]  }
0x4: {  	s3 =	simm.s32 $0x0;
	s30 =	simm.s32 $0x19428;
	s31 =	simm.s32 $0x7  }
0x5: {  	s5 =	sand.u32 $0x1, s1;
	s26 =	sshll.u32 s0, $0x1;
	s1 =	rddreg [dreg:$0x1]  }
0x6: {  	[smem:$0x7FF] =	sst s3;
	p0 =	sne.s32 s0, $0x0;
	s2 =	sor.u32 s5, s26  }
0x7: {  	s5 =	ssub.s32 $0x2, s5;
	s0 =	sshrl.u32 @!p0 s7, $0x3;
	s10 =	smul.u32 $0x1F4, s2  }
0x8: {  	s2 =	rddreg [dreg:$0x2];
	_ =	strace $0x80000047;
	s14 =	sshrl.u32 s5, $0x1  }
0x9: {  	[dreg:$0x10] =	wrdreg s0;
	s0 =	simm.s32 $0x1D428;
	s8 =	sshrl.u32 s10, $0x5  }
0xa: {  	s5 =	ssub.s32 s5, s14;
	s10 =	sadd.s32 $0x1F4, s10;
	s11 =	smul.u32 $0x199B, s8  }
0xb: {  	s5 =	smax.u32 s5, $0x1;
	s8 =	smul.u32 $0x5, s8;
	s10 =	sshrl.u32 s10, $0x5  }
0xc: {  	[dreg:$0xf] =	wrdreg s5;
	s10 =	smul.u32 $0x5, s10;
	s12 =	sshrl.u32 s11, $0x10  }
0xd: {  	s5 =	simm.s32 $0x4;
	s16 =	sadd.s32 $0x1, s8;
	s13 =	smul.u32 $0xFFFFFFCE, s12  }
0xe: {  	s19 =	sshrl.u32 s11, $0x4;
	s11 =	sshrl.u32 s11, $0x9;
	s18 =	smul.u32 $0x51F, s16  }
0xf: {  	s12 =	smul.u32 $0x68000, s12;
	s11 =	sand.u32 $0x380, s11;
	s13 =	sadd.s32 s8, s13  }
0x10: {  	s29 =	sshrl.u32 s18, $0x10;
	s15 =	sshll.u32 s13, $0xD;
	s17 =	sshll.u32 s13, $0x8  }
0x11: {  	s15 =	sand.u32 $0xFFFF8000, s15;
	s28 =	sand.u32 $0x300, s17;
	s17 =	smul.u32 $0xFFFFFFCE, s29  }
0x12: {  	s23 =	sshrl.u32 s18, $0x4;
	s24 =	sshrl.u32 s18, $0x9;
	s12 =	sadd.s32 s12, s15  }
0x13: {  	s14 =	smul.u32 $0x68000, s29;
	s12 =	sor.u32 s28, s12;
	s15 =	sadd.s32 s16, s17  }
0x14: {  	p1 =	sne.s32 s13, $0x0;
	s12 =	sshrl.u32 s12, $0x3;
	s16 =	sshll.u32 s15, $0xD  }
0x15: {  	s20 =	sshll.u32 s15, $0x8;
	s9 =	sadd.s32 s1, s12;
	s12 =	sand.u32 $0x7FF8000, s19  }
0x16: {  	s16 =	sand.u32 $0xFFFF8000, s16;
	s22 =	sand.u32 $0x300, s20;
	[dreg:$0x9] =	wrdreg s9  }
0x17: {  	s9 =	sadd.s32 $0x10, s9;
	s11 =	sor.u32 s12, s11;
	s21 =	sadd.s32 s14, s16  }
0x18: {  	s14 =	sand.u32 $0x7FF8000, s23;
	s16 =	sand.u32 $0x380, s24;
	[dreg:$0xa] =	wrdreg s9  }
0x19: {  	s12 =	sor.u32 s22, s21;
	s11 =	sshrl.u32 s11, $0x3;
	s26 =	sor.u32 s14, s16  }
.Ltmp0:
0x1a: {  	s12 =	sshrl.u32 s12, $0x3;
	s11 =	sadd.s32 s2, s11;
	(pc) =	sbr.rel .LBB2_1-.Ltmp0, $4  }
0x1b: {  	s28 =	sshrl.u32 s26, $0x3;
	s25 =	sadd.s32 s1, s12;
	[dreg:$0xc] =	wrdreg s11  }
0x1c: {  	p2 =	sne.s32 s15, $0x0;
	s29 =	sadd.s32 s2, s28;
	[dreg:$0xb] =	wrdreg s25  }
0x1d: {  	s19 =	simm.s32 $0x80;
	s9 =	sadd.s32 $0x10, s25;
	[dreg:$0xe] =	wrdreg s29  }
0x1e: {  	s20 =	simm.s32 $0x400;
	s23 =	simm.s32 $0x5;
	[dreg:$0xd] =	wrdreg s9  }
.LBB2_57:
0x1f: {  	s3 =	rddreg [dreg:$0x8]  }
0x20: {  	s9 =	rddreg [dreg:$0xf];
	s3 =	sadd.s32 $0x1, s3  }
0x21: {  	p3 =	sne.s32 s3, s9  }
.Ltmp1:
0x22: {  	_ = 	snop;
	(pc) =	sbr.rel @!p3 .LBB2_58-.Ltmp1, $1  }
0x23: {  	_ =	sdelay $0x3  }
.LBB2_1:
0x24: {  	[dreg:$0x8] =	wrdreg s3  }
0x25: {  	s3 =	rddreg [dreg:$0x0]  }
0x26: {  	s11 =	simm.s32 @!p0 $0x1C06;
	s9 =	rddreg [dreg:$0x10]  }
0x27: {  	[spmem:s9], [sflag:s11] =	dma.local @!p0 [hbm:s3], $0x1E850  }
0x28: {  	s11 =	simm.s32 @!p0 $0x6  }
0x29: {  	_ =	swait.ge @!p0 [sflag:s11], $0x1E850  }
0x2a: {  	[sflag:s11] =	ssyncset.done @!p0 $0x0  }
0x2b: {  	[sflag:s11] =	ssyncadd.s32 @!p0 $0xFFFE17B0  }
0x2c: {  	[bflag:$0x0] =	sbarrier.arrive $0xFFFF  }
0x2d: {  	s16 =	simm.s32 $0xF428;
	s15 =	rddreg [dreg:$0x9]  }
0x2e: {  	[tilespmem:s16], [sflag:$0x1] =	stream.strided.gather [hbm4b:s15+s19], $0x1000, s20, s19, $0x38;
	[tilespmem:$0x1E428] =	vst v63  }
0x2f: {  	s12 =	simm.s32 @!p1 $0x400;
	s17 =	rddreg [dreg:$0xa];
	s15 =	simm.s32 $0x10428  }
0x30: {  	[tilespmem:s15], [sflag:$0x1] =	stream.strided.gather [hbm4b:s17+s19], $0x1000, s20, s19, $0x38;
	[tilespmem:$0x1E428] =	vst v63  }
0x31: {  	s13 =	simm.s32 @!p1 $0x1B428;
	s11 =	simm.s32 @!p1 $0x80;
	s3 =	rddreg [dreg:$0xc]  }
0x32: {  	[tilespmem:s13], [sflag:$0x1] =	stream.strided.gather @!p1 [hbm4b:s3+s11], $0x1000, s12, s11, $0x38;
	[tilespmem:$0x1E428] =	vst v63  }
0x33: {  	s21 =	simm.s32 $0x11428;
	s24 =	simm.s32 $0x12428;
	s18 =	rddreg [dreg:$0xb]  }
0x34: {  	[tilespmem:s21], [sflag:$0x2] =	stream.strided.gather [hbm4b:s18+s19], $0x1000, s20, s19, $0x38;
	[tilespmem:$0x1E428] =	vst v63  }
0x35: {  	s14 =	simm.s32 @!p2 $0x1B428;
	s25 =	simm.s32 $0x1;
	s22 =	rddreg [dreg:$0xd]  }
0x36: {  	[tilespmem:s24], [sflag:$0x2] =	stream.strided.gather [hbm4b:s22+s19], $0x1000, s20, s19, $0x38;
	[tilespmem:$0x1E428] =	vst v63  }
0x37: {  	s11 =	simm.s32 @!p2 $0x80;
	s12 =	simm.s32 @!p2 $0x400;
	s3 =	rddreg [dreg:$0xe]  }
0x38: {  	[tilespmem:s14], [sflag:$0x2] =	stream.strided.gather @!p2 [hbm4b:s3+s11], $0x1000, s12, s11, $0x38;
	[tilespmem:$0x1E428] =	vst v63  }
0x39: {  	_ =	swait.ge [sflag:s25], $0x1000  }
0x3a: {  	[sflag:s25] =	ssyncset.done $0x0  }
0x3b: {  	s26 =	simm.s32 $0x1000;
	s28 =	simm.s32 $0x15428;
	[sflag:s25] =	ssyncadd.s32 $0xFFFFF000  }
0x3c: {  	[tilespmem:s28], [sflag:$0x4] =	stream.indirect.gather [spmem:s7], $0x1, s16, s26, $0xb8;
	[tilespmem:$0x1E428] =	vst v63  }
0x3d: {  	_ =	swait.ge [sflag:s25], $0x1000  }
0x3e: {  	[sflag:s25] =	ssyncset.done $0x0  }
0x3f: {  	s29 =	simm.s32 $0x16428;
	[sflag:s25] =	ssyncadd.s32 $0xFFFFF000  }
0x40: {  	[tilespmem:s29], [sflag:$0x4] =	stream.indirect.gather [spmem:s7], $0x1, s15, s26, $0xb8;
	[tilespmem:$0x1E428] =	vst v63  }
.Ltmp2:
0x41: {  	s11 =	simm.s32 @!p1 $0x1;
	(pc) =	sbr.rel .LBB2_2-.Ltmp2, $4  }
0x42: {  	_ =	swait.ge @!p1 [sflag:s11], $0x1000  }
0x43: {  	s24 =	simm.s32 $0x0;
	[sflag:s11] =	ssyncset.done @!p1 $0x0  }
0x44: {  	s12 =	simm.s32 @!p1 $0x1C428;
	[sflag:s11] =	ssyncadd.s32 @!p1 $0xFFFFF000;
	s11 =	simm.s32 @!p1 $0x1000  }
0x45: {  	[tilespmem:s12], [sflag:$0x4] =	stream.indirect.gather @!p1 [spmem:s7], $0x1, s13, s11, $0xb8;
	[tilespmem:$0x1E428] =	vst v63  }
.LBB2_55:
0x46: {  	p3 =	sne.s32 s15, $0x4  }
0x47: {  	s3 =	smul.u32 @!p3 $0x32, s14;
	_ =	sdelay $0x1  }
0x48: {  	s3 =	sadd.s32 @!p3 s12, s3  }
0x49: {  	s3 =	sshll.u32 @!p3 s3, $0x9  }
0x4a: {  	s3 =	sand.u32 @!p3 $0x1FFFFE00, s3  }
0x4b: {  	s9 =	simm.s32 @!p3 $0x0;
	s11 =	simm.s32 @!p3 $0x1A428;
	s3 =	sadd.s32 @!p3 s4, s3  }
0x4c: {  	[hbm4b:s3+s9] =	stream.linear.scatter @!p3 [tilespmem:s11], [sflag:$0x6], $0x1000, $0x38;
	[tilespmem:$0x1E428] =	vst v63  }
0x4d: {  	s3 =	simm.s32 @!p3 $0x6  }
0x4e: {  	_ =	swait.ge @!p3 [sflag:s3], $0x1000  }
0x4f: {  	[sflag:s3] =	ssyncset.done @!p3 $0x0  }
0x50: {  	[sflag:s3] =	ssyncadd.s32 @!p3 $0xFFFFF000  }
.LBB2_56:
0x51: {  	s24 =	sadd.s32 $0x1, s24  }
0x52: {  	p3 =	sne.s32 s24, $0xE  }
.Ltmp3:
0x53: {  	_ = 	snop;
	(pc) =	sbr.rel @!p3 .LBB2_57-.Ltmp3, $1  }
0x54: {  	_ =	sdelay $0x3  }
.LBB2_2:
0x55: {  	s11 =	smul.u32 $0x6, s24;
	_ =	sdelay $0x1  }
0x56: {  	s28 =	sadd.s32 s8, s11  }
0x57: {  	s29 =	sadd.s32 $0x2, s28  }
0x58: {  	p3 =	sge.u32 s29, s10  }
0x59: {  	s11 =	smul.u32 @!p3 $0x51F, s29;
	_ =	sdelay $0x1  }
0x5a: {  	s12 =	sshrl.u32 @!p3 s11, $0x10  }
0x5b: {  	s22 =	smul.u32 @!p3 $0xFFFFFFCE, s12;
	_ =	sdelay $0x1  }
0x5c: {  	s13 =	sadd.s32 @!p3 s29, s22  }
0x5d: {  	s14 =	smul.u32 @!p3 $0x68000, s12;
	s15 =	sshll.u32 @!p3 s13, $0xD  }
0x5e: {  	s17 =	simm.s32 @!p3 $0x400;
	p4 =	sne.s32 @!p3 s13, $0x0;
	s15 =	sand.u32 @!p3 $0xFFFF8000, s15  }
0x5f: {  	s16 =	sshll.u32 @!p3 s13, $0x8;
	p4 =	por p4, p3;
	s14 =	sadd.s32 @!p3 s14, s15  }
0x60: {  	s15 =	sand.u32 @!p3 $0x300, s16;
	s16 =	simm.s32 @!p3 $0x80;
	s11 =	sshrl.u32 @!p4 s11, $0x4  }
0x61: {  	s12 =	sshll.u32 @!p4 s12, $0x7;
	s13 =	simm.s32 @!p4 $0x400;
	s14 =	sor.u32 @!p3 s15, s14  }
0x62: {  	s11 =	sand.u32 @!p4 $0x7FF8000, s11;
	s12 =	sand.u32 @!p4 $0x380, s12;
	s14 =	sshrl.u32 @!p3 s14, $0x3  }
0x63: {  	s15 =	simm.s32 @!p3 $0x13428;
	s11 =	sor.u32 @!p4 s11, s12;
	s14 =	sadd.s32 @!p3 s1, s14  }
0x64: {  	[tilespmem:s15], [sflag:$0x3] =	stream.strided.gather @!p3 [hbm4b:s14+s16], $0x1000, s17, s16, $0x38;
	[tilespmem:$0x1E428] =	vst v63  }
0x65: {  	s11 =	sshrl.u32 @!p4 s11, $0x3;
	s18 =	sadd.s32 @!p3 $0x10, s14;
	s14 =	simm.s32 @!p3 $0x14428  }
0x66: {  	[tilespmem:s14], [sflag:$0x3] =	stream.strided.gather @!p3 [hbm4b:s18+s16], $0x1000, s17, s16, $0x38;
	[tilespmem:$0x1E428] =	vst v63  }
0x67: {  	s12 =	simm.s32 @!p4 $0x80;
	s11 =	sadd.s32 @!p4 s2, s11;
	s16 =	simm.s32 @!p4 $0x1B428  }
0x68: {  	[tilespmem:s16], [sflag:$0x3] =	stream.strided.gather @!p4 [hbm4b:s11+s12], $0x1000, s13, s12, $0x38;
	[tilespmem:$0x1E428] =	vst v63  }
0x69: {  	s12 =	sadd.s32 $0x1, s28  }
0x6a: {  	p5 =	sge.u32 s12, s10  }
0x6b: {  	s11 =	simm.s32 @!p5 $0x2  }
0x6c: {  	_ =	swait.ge @!p5 [sflag:s11], $0x1000  }
0x6d: {  	s13 =	smul.u32 @!p5 $0x51F, s12;
	s16 =	simm.s32 @!p5 $0x1000;
	[sflag:s11] =	ssyncset.done @!p5 $0x0  }
0x6e: {  	s17 =	simm.s32 @!p5 $0x11428;
	s18 =	simm.s32 @!p5 $0x17428;
	[sflag:s11] =	ssyncadd.s32 @!p5 $0xFFFFF000  }
0x6f: {  	[tilespmem:s18], [sflag:$0x5] =	stream.indirect.gather @!p5 [spmem:s7], $0x1, s17, s16, $0xb8;
	[tilespmem:$0x1E428] =	vst v63  }
0x70: {  	s13 =	sshrl.u32 @!p5 s13, $0x10;
	_ =	swait.ge @!p5 [sflag:s11], $0x1000  }
0x71: {  	s13 =	smul.u32 @!p5 $0xFFFFFFCE, s13;
	[sflag:s11] =	ssyncset.done @!p5 $0x0  }
0x72: {  	s17 =	simm.s32 @!p5 $0x18428;
	[sflag:s11] =	ssyncadd.s32 @!p5 $0xFFFFF000;
	s11 =	simm.s32 @!p5 $0x12428  }
0x73: {  	[tilespmem:s17], [sflag:$0x5] =	stream.indirect.gather @!p5 [spmem:s7], $0x1, s11, s16, $0xb8;
	[tilespmem:$0x1E428] =	vst v63  }
0x74: {  	s11 =	sxor.u32 @!p5 s28, s13  }
0x75: {  	p4 =	sne.s32 @!p5 s11, $0xFFFFFFFF  }
0x76: {  	p4 =	por p4, p5  }
0x77: {  	s11 =	simm.s32 @!p4 $0x2  }
0x78: {  	_ =	swait.ge @!p4 [sflag:s11], $0x1000  }
0x79: {  	s13 =	simm.s32 @!p4 $0x1B428;
	[sflag:s11] =	ssyncset.done @!p4 $0x0  }
0x7a: {  	s16 =	simm.s32 @!p4 $0x1C428;
	[sflag:s11] =	ssyncadd.s32 @!p4 $0xFFFFF000;
	s11 =	simm.s32 @!p4 $0x1000  }
0x7b: {  	[tilespmem:s16], [sflag:$0x5] =	stream.indirect.gather @!p4 [spmem:s7], $0x1, s13, s11, $0xb8;
	[tilespmem:$0x1E428] =	vst v63  }
0x7c: {  	p4 =	sge.u32 s28, s10  }
.Ltmp4:
0x7d: {  	_ = 	snop;
	(pc) =	sbr.rel @p4 .LBB2_11-.Ltmp4, $1  }
0x7e: {  	_ =	sdelay $0x3  }
0x7f: {  	s21 =	smul.u32 $0x51F, s28;
	_ =	sdelay $0x1  }
0x80: {  	s16 =	sshrl.u32 s21, $0x10  }
0x81: {  	s11 =	smul.u32 $0xFFFFFFCE, s16;
	_ =	sdelay $0x1  }
0x82: {  	p4 =	seq.s32 s24, $0x0;
	s11 =	sadd.s32 s28, s11  }
0x83: {  	p6 =	sne.s32 @!p4 s11, $0x0  }
0x84: {  	p4 =	por p4, !p6  }
0x85: {  	s13 =	sshrl.u32 @p4 s21, $0x4;
	s17 =	sshll.u32 @p4 s16, $0x7  }
0x86: {  	s13 =	sand.u32 @p4 $0x7FF8000, s13;
	s17 =	sand.u32 @p4 $0x380, s17  }
0x87: {  	s13 =	sor.u32 @p4 s13, s17  }
0x88: {  	s3 =	rddreg @p4 [dreg:$0x3];
	s13 =	sshrl.u32 @p4 s13, $0x3  }
0x89: {  	s13 =	sadd.s32 @p4 s3, s13  }
0x8a: {  	[tilespmem:s30], [sflag:$0x7] =	stream.strided.gather @p4 [hbm4b:s13+s19], $0x1000, s20, s19, $0x38;
	[tilespmem:$0x1E428] =	vst v63  }
0x8b: {  	_ =	swait.ge @p4 [sflag:s31], $0x1000  }
0x8c: {  	[sflag:s31] =	ssyncset.done @p4 $0x0  }
0x8d: {  	s26 =	smul.u32 $0x3334, s11;
	[sflag:s31] =	ssyncadd.s32 @p4 $0xFFFFF000  }
0x8e: {  	p6 =	sne.s32 s11, $0x0;
	_ =	swait.ge [sflag:s5], $0x1000  }
.Ltmp5:
0x8f: {  	s17 =	sshrl.u32 s26, $0x10;
	[sflag:s5] =	ssyncset.done $0x0;
	(pc) =	sbr.rel @!p6 .LBB2_4-.Ltmp5, $4  }
0x90: {  	s13 =	smul.u32 $0xFFFFFFFB, s17;
	[sflag:s5] =	ssyncadd.s32 $0xFFFFF000  }
0x91: {  	_ =	swait.ge [sflag:s5], $0x1000  }
0x92: {  	s18 =	sadd.s32 s11, s13;
	[sflag:s5] =	ssyncset.done $0x0  }
0x93: {  	p4 =	seq.s32 s18, $0x0;
	[sflag:s5] =	ssyncadd.s32 $0xFFFFF000  }
0x94: {  	s21 =	simm.s32 $0x0  }
0x95: {  	v0 =	vld [tilespmem:s21+$0x15428]  }
0x96: {  	v1 =	vld [tilespmem:s21+$0x19428];
	_ =	sdelay $0x3  }
0x97: {  	v2 =	vand.u32 $0xFFFF0000, v0  }
0x98: {  	v2 =	vmul.f32 v2, v1  }
0x99: {  	v3 =	vld [tilespmem:s21+$0x16428];
	v0 =	vshll.u32 v0, $0x10  }
0x9a: {  	v0 =	vadd.f32 v0, v2;
	_ =	sdelay $0x1  }
0x9b: {  	v0 =	vmul.f32 $1.442695020e+00, v0;
	_ =	sdelay $0x1  }
0x9c: {  	(erf) = vpow2.f32 v0;
	v0 =	vand.u32 $0xFFFF0000, v3  }
0x9d: {  	v0 =	vmul.f32 v0, v1  }
0x9e: {  	v1 =	vshll.u32 v3, $0x10  }
0x9f: {  	s11 =	simm.s32 $0x10;
	v0 =	vadd.f32 v1, v0  }
0xa0: {  	v2 =	vld [tilespmem:s11+$0x15428]  }
0xa1: {  	v4 =	vld [tilespmem:s11+$0x19428];
	v0 =	vmul.f32 $1.442695020e+00, v0  }
0xa2: {  	v5 =	vld [tilespmem:s11+$0x16428]  }
0xa3: {  	(erf) = vpow2.f32 v0;
	_ =	sdelay $0x1  }
0xa4: {  	v3 =	vld [tilespmem:s21+$0x1A428];
	v1 =	vand.u32 $0xFFFF0000, v2  }
0xa5: {  	v1 =	vmul.f32 v1, v4  }
0xa6: {  	v6 =	vand.u32 $0xFFFF0000, v5;
	v2 =	vshll.u32 v2, $0x10  }
0xa7: {  	v1 =	vadd.f32 v2, v1;
	v2 =	vmul.f32 v6, v4  }
0xa8: {  	v4 =	vshll.u32 v5, $0x10  }
0xa9: {  	s13 =	simm.s32 $0x20;
	s25 =	simm.s32 $0xC0;
	v0 =	vmul.f32 $1.442695020e+00, v1;
	v1 =	vadd.f32 v4, v2;
	v2 =	vpsel p4, $0x0, v3;
	v3 =	vpop (erf)  }
.LBB2_8:
0xaa: {  	p6 =	sne.s32 s25, $0x3FC0;
	v4 =	vld [tilespmem:s13+$0x15428];
	v2 =	vadd.f32 v3, v2  }
0xab: {  	v3 =	vld [tilespmem:s13+$0x19428];
	v1 =	vmul.f32 $1.442695020e+00, v1;
	(erf) = vpow2.f32 v0;
	v0 =	vpop (erf)  }
0xac: {  	v5 =	vld [tilespmem:s13+$0x16428];
	v0 =	vadd.f32 v0, v2  }
0xad: {  	(erf) = vpow2.f32 v1  }
0xae: {  	[tilespmem:s21+$0x1A428] =	vst v0;
	s21 =	smov.u32 s11;
	s11 =	smov.u32 s13  }
0xaf: {  	v0 =	vand.u32 $0xFFFF0000, v4;
	v2 =	vld [tilespmem:s21+$0x1A428]  }
.Ltmp6:
0xb0: {  	v0 =	vmul.f32 v0, v3;
	(pc) =	sbr.rel @p6 .LBB2_8-.Ltmp6, $4  }
0xb1: {  	v1 =	vshll.u32 v4, $0x10;
	v4 =	vand.u32 $0xFFFF0000, v5  }
0xb2: {  	v0 =	vadd.f32 v1, v0;
	v1 =	vmul.f32 v4, v3  }
0xb3: {  	v4 =	vshll.u32 v5, $0x10  }
0xb4: {  	s13 =	sshra.s32 s25, $0x2;
	s25 =	sadd.s32 $0x40, s25;
	v0 =	vmul.f32 $1.442695020e+00, v0;
	v1 =	vadd.f32 v4, v1;
	v2 =	vpsel p4, $0x0, v2;
	v3 =	vpop (erf)  }
0xb5: {  	v4 =	vld [tilespmem:s13+$0x15428];
	v2 =	vadd.f32 v3, v2  }
0xb6: {  	v52 =	vld [tilespmem:s13+$0x19428];
	v1 =	vmul.f32 $1.442695020e+00, v1;
	(erf) = vpow2.f32 v0;
	v53 =	vpop (erf)  }
0xb7: {  	v5 =	vld [tilespmem:s13+$0x16428];
	v0 =	vadd.f32 v53, v2  }
0xb8: {  	(erf) = vpow2.f32 v1  }
0xb9: {  	[tilespmem:s21+$0x1A428] =	vst v0  }
0xba: {  	v54 =	vand.u32 $0xFFFF0000, v4;
	v55 =	vld [tilespmem:s11+$0x1A428]  }
0xbb: {  	v0 =	vmul.f32 v54, v52  }
0xbc: {  	v56 =	vshll.u32 v4, $0x10;
	v57 =	vand.u32 $0xFFFF0000, v5  }
0xbd: {  	v58 =	vmul.f32 v57, v52;
	v0 =	vadd.f32 v56, v0  }
0xbe: {  	v59 =	vshll.u32 v5, $0x10  }
0xbf: {  	v2 =	vadd.f32 v59, v58;
	v0 =	vmul.f32 $1.442695020e+00, v0;
	v1 =	vpsel p4, $0x0, v55;
	v60 =	vpop (erf)  }
0xc0: {  	v1 =	vadd.f32 v60, v1  }
0xc1: {  	v2 =	vmul.f32 $1.442695020e+00, v2;
	(erf) = vpow2.f32 v0;
	v61 =	vpop (erf)  }
0xc2: {  	v0 =	vadd.f32 v61, v1  }
0xc3: {  	(erf) = vpow2.f32 v2  }
0xc4: {  	[tilespmem:s11+$0x1A428] =	vst v0  }
0xc5: {  	v0 =	vld [tilespmem:s13+$0x1A428];
	_ =	sdelay $0x4  }
0xc6: {  	v0 =	vpsel p4, $0x0, v0;
	v62 =	vpop (erf)  }
.Ltmp7:
0xc7: {  	v0 =	vadd.f32 v62, v0;
	(pc) =	sbr.rel .LBB2_10-.Ltmp7, $3  }
0xc8: {  	v63 =	vpop (erf)  }
0xc9: {  	v0 =	vadd.f32 v63, v0;
	_ =	sdelay $0x1  }
0xca: {  	[tilespmem:s13+$0x1A428] =	vst v0  }
.LBB2_4:
0xcb: {  	_ =	swait.ge [sflag:s5], $0x1000  }
0xcc: {  	[sflag:s5] =	ssyncset.done $0x0  }
0xcd: {  	s11 =	simm.s32 $0x0;
	[sflag:s5] =	ssyncadd.s32 $0xFFFFF000  }
0xce: {  	v0 =	vld [tilespmem:s11+$0x15428]  }
0xcf: {  	v1 =	vld [tilespmem:s11+$0x19428]  }
0xd0: {  	v2 =	vld [tilespmem:s11+$0x16428];
	_ =	sdelay $0x1  }
0xd1: {  	v3 =	vld [tilespmem:s11+$0x1C428]  }
0xd2: {  	v4 =	vand.u32 $0xFFFF0000, v0  }
0xd3: {  	v4 =	vmul.f32 v4, v1  }
0xd4: {  	v0 =	vshll.u32 v0, $0x10;
	v5 =	vand.u32 $0xFFFF0000, v2  }
0xd5: {  	v0 =	vadd.f32 v0, v4;
	v4 =	vmul.f32 v5, v1  }
0xd6: {  	v2 =	vshll.u32 v2, $0x10;
	v5 =	vand.u32 $0xFFFF0000, v3  }
0xd7: {  	v1 =	vmul.f32 v5, v1;
	v0 =	vmul.f32 $1.442695020e+00, v0;
	v2 =	vadd.f32 v2, v4  }
0xd8: {  	v3 =	vshll.u32 v3, $0x10  }
0xd9: {  	s26 =	simm.s32 $0x10;
	v1 =	vadd.f32 v3, v1;
	v2 =	vmul.f32 $1.442695020e+00, v2;
	(erf) = vpow2.f32 v0  }
0xda: {  	v0 =	vld [tilespmem:s26+$0x15428]  }
0xdb: {  	v3 =	vld [tilespmem:s26+$0x19428];
	[tilespmem:s11+$0x1D428] =	vst v1;
	v1 =	vmul.f32 $1.442695020e+00, v1;
	(erf) = vpow2.f32 v2  }
0xdc: {  	v2 =	vld [tilespmem:s26+$0x16428]  }
0xdd: {  	v4 =	vld [tilespmem:s11+$0x1A428];
	(erf) = vpow2.f32 v1  }
0xde: {  	v1 =	vld [tilespmem:s26+$0x1C428]  }
0xdf: {  	v5 =	vand.u32 $0xFFFF0000, v0  }
0xe0: {  	v5 =	vmul.f32 v5, v3  }
0xe1: {  	v0 =	vshll.u32 v0, $0x10;
	v6 =	vand.u32 $0xFFFF0000, v2  }
0xe2: {  	v4 =	vpsel p4, $0x0, v4;
	v0 =	vadd.f32 v0, v5;
	v5 =	vmul.f32 v6, v3;
	v62 =	vpop (erf)  }
0xe3: {  	v2 =	vshll.u32 v2, $0x10;
	v7 =	vand.u32 $0xFFFF0000, v1;
	v4 =	vadd.f32 v62, v4  }
0xe4: {  	v63 =	vmul.f32 $1.442695020e+00, v0;
	v0 =	vadd.f32 v2, v5;
	v2 =	vmul.f32 v7, v3;
	v3 =	vpop (erf)  }
0xe5: {  	v5 =	vshll.u32 v1, $0x10;
	v1 =	vadd.f32 v3, v4  }
0xe6: {  	s13 =	simm.s32 $0x20;
	s25 =	simm.s32 $0xC0;
	v0 =	vmul.f32 $1.442695020e+00, v0;
	v2 =	vadd.f32 v5, v2;
	(erf) = vpow2.f32 v63;
	v3 =	vpop (erf)  }
.LBB2_5:
0xe7: {  	p6 =	sne.s32 s25, $0x3FC0;
	v4 =	vld [tilespmem:s13+$0x15428];
	v1 =	vadd.f32 v3, v1  }
0xe8: {  	v3 =	vld [tilespmem:s13+$0x19428];
	[tilespmem:s26+$0x1D428] =	vst v2;
	v2 =	vmul.f32 $1.442695020e+00, v2;
	(erf) = vpow2.f32 v0  }
0xe9: {  	v0 =	vld [tilespmem:s13+$0x16428];
	[tilespmem:s11+$0x1A428] =	vst v1;
	s11 =	smov.u32 s26;
	s26 =	smov.u32 s13  }
0xea: {  	v1 =	vld [tilespmem:s11+$0x1A428];
	(erf) = vpow2.f32 v2  }
0xeb: {  	v2 =	vld [tilespmem:s26+$0x1C428]  }
0xec: {  	v5 =	vand.u32 $0xFFFF0000, v4  }
0xed: {  	v5 =	vmul.f32 v5, v3  }
0xee: {  	v4 =	vshll.u32 v4, $0x10;
	v7 =	vand.u32 $0xFFFF0000, v0  }
.Ltmp8:
0xef: {  	v4 =	vadd.f32 v4, v5;
	v8 =	vmul.f32 v7, v3;
	v1 =	vpsel p4, $0x0, v1;
	v6 =	vpop (erf);
	(pc) =	sbr.rel @p6 .LBB2_5-.Ltmp8, $4  }
0xf0: {  	v0 =	vshll.u32 v0, $0x10;
	v7 =	vand.u32 $0xFFFF0000, v2;
	v1 =	vadd.f32 v6, v1  }
0xf1: {  	v4 =	vmul.f32 $1.442695020e+00, v4;
	v0 =	vadd.f32 v0, v8;
	v6 =	vmul.f32 v7, v3;
	v5 =	vpop (erf)  }
0xf2: {  	v2 =	vshll.u32 v2, $0x10;
	v1 =	vadd.f32 v5, v1  }
0xf3: {  	s13 =	sshra.s32 s25, $0x2;
	s25 =	sadd.s32 $0x40, s25;
	v0 =	vmul.f32 $1.442695020e+00, v0;
	v2 =	vadd.f32 v2, v6;
	(erf) = vpow2.f32 v4;
	v3 =	vpop (erf)  }
0xf4: {  	v4 =	vld [tilespmem:s13+$0x15428];
	v1 =	vadd.f32 v3, v1  }
0xf5: {  	v5 =	vld [tilespmem:s13+$0x19428];
	[tilespmem:s26+$0x1D428] =	vst v2;
	v51 =	vmul.f32 $1.442695020e+00, v2;
	(erf) = vpow2.f32 v0  }
0xf6: {  	v52 =	vld [tilespmem:s13+$0x16428];
	[tilespmem:s11+$0x1A428] =	vst v1  }
0xf7: {  	v1 =	vld [tilespmem:s26+$0x1A428];
	(erf) = vpow2.f32 v51  }
0xf8: {  	v53 =	vld [tilespmem:s13+$0x1C428]  }
0xf9: {  	v54 =	vand.u32 $0xFFFF0000, v4  }
0xfa: {  	v3 =	vmul.f32 v54, v5  }
0xfb: {  	v4 =	vshll.u32 v4, $0x10;
	v6 =	vand.u32 $0xFFFF0000, v52  }
0xfc: {  	v3 =	vadd.f32 v4, v3;
	v55 =	vmul.f32 v6, v5;
	v1 =	vpsel p4, $0x0, v1;
	v56 =	vpop (erf)  }
0xfd: {  	v0 =	vshll.u32 v52, $0x10;
	v7 =	vand.u32 $0xFFFF0000, v53;
	v1 =	vadd.f32 v56, v1  }
0xfe: {  	v57 =	vmul.f32 v7, v5;
	v3 =	vmul.f32 $1.442695020e+00, v3;
	v0 =	vadd.f32 v0, v55;
	v58 =	vpop (erf)  }
0xff: {  	v2 =	vshll.u32 v53, $0x10;
	v1 =	vadd.f32 v58, v1  }
0x100: {  	v2 =	vadd.f32 v2, v57;
	v0 =	vmul.f32 $1.442695020e+00, v0;
	(erf) = vpow2.f32 v3;
	v59 =	vpop (erf)  }
0x101: {  	v1 =	vadd.f32 v59, v1  }
0x102: {  	[tilespmem:s13+$0x1D428] =	vst v2;
	v2 =	vmul.f32 $1.442695020e+00, v2;
	(erf) = vpow2.f32 v0  }
0x103: {  	[tilespmem:s26+$0x1A428] =	vst v1  }
0x104: {  	(erf) = vpow2.f32 v2;
	v60 =	vld [tilespmem:s13+$0x1A428];
	_ =	sdelay $0x4  }
0x105: {  	v0 =	vpsel p4, $0x0, v60;
	v61 =	vpop (erf)  }
0x106: {  	v0 =	vadd.f32 v61, v0  }
0x107: {  	v62 =	vpop (erf)  }
0x108: {  	s25 =	sshrl.u32 s21, $0x4;
	s26 =	sshll.u32 s16, $0x7;
	v0 =	vadd.f32 v62, v0  }
0x109: {  	s11 =	sand.u32 $0x7FF8000, s25;
	s21 =	sand.u32 $0x380, s26;
	v63 =	vpop (erf)  }
0x10a: {  	s11 =	sor.u32 s11, s21;
	v0 =	vadd.f32 v63, v0  }
0x10b: {  	s11 =	sshrl.u32 s11, $0x3  }
0x10c: {  	s11 =	sadd.s32 s6, s11;
	[tilespmem:s13+$0x1A428] =	vst v0  }
0x10d: {  	[hbm4b:s11+s19] =	stream.strided.scatter [tilespmem:s0], [sflag:$0x7], $0x1000, s20, s19, $0x38;
	[tilespmem:$0x1E428] =	vst v63  }
0x10e: {  	_ =	swait.ge [sflag:s31], $0x1000  }
0x10f: {  	[sflag:s31] =	ssyncset.done $0x0  }
0x110: {  	[sflag:s31] =	ssyncadd.s32 $0xFFFFF000  }
.LBB2_10:
0x111: {  	p4 =	sne.s32 s18, $0x4  }
0x112: {  	s11 =	smul.u32 @!p4 $0x32, s17;
	_ =	sdelay $0x1  }
0x113: {  	s11 =	sadd.s32 @!p4 s16, s11  }
0x114: {  	s11 =	sshll.u32 @!p4 s11, $0x9  }
0x115: {  	s11 =	sand.u32 @!p4 $0x1FFFFE00, s11  }
0x116: {  	s13 =	simm.s32 @!p4 $0x0;
	s16 =	simm.s32 @!p4 $0x1A428;
	s11 =	sadd.s32 @!p4 s4, s11  }
0x117: {  	[hbm4b:s11+s13] =	stream.linear.scatter @!p4 [tilespmem:s16], [sflag:$0x7], $0x1000, $0x38;
	[tilespmem:$0x1E428] =	vst v63  }
0x118: {  	s11 =	simm.s32 @!p4 $0x7  }
0x119: {  	_ =	swait.ge @!p4 [sflag:s11], $0x1000  }
0x11a: {  	[sflag:s11] =	ssyncset.done @!p4 $0x0  }
0x11b: {  	[sflag:s11] =	ssyncadd.s32 @!p4 $0xFFFFF000  }
.LBB2_11:
0x11c: {  	s21 =	sadd.s32 $0x3, s28  }
0x11d: {  	p4 =	sge.u32 s21, s10  }
0x11e: {  	s11 =	smul.u32 @!p4 $0x51F, s21;
	_ =	sdelay $0x1  }
0x11f: {  	s13 =	sshrl.u32 @!p4 s11, $0x10  }
0x120: {  	s26 =	smul.u32 @!p4 $0xFFFFFFCE, s13;
	_ =	sdelay $0x1  }
0x121: {  	s18 =	sadd.s32 @!p4 s21, s26  }
0x122: {  	s16 =	smul.u32 @!p4 $0x68000, s13;
	s17 =	sshll.u32 @!p4 s18, $0xD  }
0x123: {  	s25 =	sshll.u32 @!p4 s18, $0x8;
	s17 =	sand.u32 @!p4 $0xFFFF8000, s17  }
0x124: {  	s16 =	sadd.s32 @!p4 s16, s17;
	s17 =	sand.u32 @!p4 $0x300, s25  }
0x125: {  	s16 =	sor.u32 @!p4 s17, s16  }
0x126: {  	s9 =	simm.s32 @!p4 $0x400;
	p6 =	sne.s32 @!p4 s18, $0x0;
	s16 =	sshrl.u32 @!p4 s16, $0x3  }
0x127: {  	s25 =	simm.s32 @!p4 $0x80;
	s17 =	simm.s32 @!p4 $0xF428;
	s16 =	sadd.s32 @!p4 s1, s16  }
0x128: {  	[tilespmem:s17], [sflag:$0x1] =	stream.strided.gather @!p4 [hbm4b:s16+s25], $0x1000, s9, s25, $0x38;
	[tilespmem:$0x1E428] =	vst v63  }
0x129: {  	p6 =	por p6, p4;
	s3 =	sadd.s32 @!p4 $0x10, s16;
	s16 =	simm.s32 @!p4 $0x10428  }
0x12a: {  	[tilespmem:s16], [sflag:$0x1] =	stream.strided.gather @!p4 [hbm4b:s3+s25], $0x1000, s9, s25, $0x38;
	[tilespmem:$0x1E428] =	vst v63  }
0x12b: {  	s3 =	sshrl.u32 @!p6 s11, $0x4;
	s9 =	sshll.u32 @!p6 s13, $0x7  }
0x12c: {  	s3 =	sand.u32 @!p6 $0x7FF8000, s3;
	s9 =	sand.u32 @!p6 $0x380, s9  }
0x12d: {  	s3 =	sor.u32 @!p6 s3, s9  }
0x12e: {  	s11 =	simm.s32 @!p6 $0x400;
	s3 =	sshrl.u32 @!p6 s3, $0x3  }
0x12f: {  	s13 =	simm.s32 @!p6 $0x1B428;
	s9 =	simm.s32 @!p6 $0x80;
	s3 =	sadd.s32 @!p6 s2, s3  }
0x130: {  	[tilespmem:s13], [sflag:$0x1] =	stream.strided.gather @!p6 [hbm4b:s3+s9], $0x1000, s11, s9, $0x38;
	[tilespmem:$0x1E428] =	vst v63  }
0x131: {  	s3 =	simm.s32 @!p3 $0x3  }
0x132: {  	_ =	swait.ge @!p3 [sflag:s3], $0x1000  }
0x133: {  	[sflag:s3] =	ssyncset.done @!p3 $0x0  }
0x134: {  	s9 =	simm.s32 @!p3 $0x1000;
	s11 =	simm.s32 @!p3 $0x15428;
	[sflag:s3] =	ssyncadd.s32 @!p3 $0xFFFFF000  }
0x135: {  	[tilespmem:s11], [sflag:$0x4] =	stream.indirect.gather @!p3 [spmem:s7], $0x1, s15, s9, $0xb8;
	[tilespmem:$0x1E428] =	vst v63  }
0x136: {  	_ =	swait.ge @!p3 [sflag:s3], $0x1000  }
0x137: {  	[sflag:s3] =	ssyncset.done @!p3 $0x0  }
0x138: {  	[sflag:s3] =	ssyncadd.s32 @!p3 $0xFFFFF000;
	s3 =	simm.s32 @!p3 $0x16428  }
0x139: {  	[tilespmem:s3], [sflag:$0x4] =	stream.indirect.gather @!p3 [spmem:s7], $0x1, s14, s9, $0xb8;
	[tilespmem:$0x1E428] =	vst v63  }
0x13a: {  	s3 =	ssub.s32 @!p3 $0xFFFFFFFE, s28  }
0x13b: {  	p6 =	sne.s32 @!p3 s22, s3  }
0x13c: {  	p6 =	por p6, p3  }
.Ltmp9:
0x13d: {  	s3 =	simm.s32 @!p6 $0x3;
	(pc) =	sbr.rel @p5 .LBB2_20-.Ltmp9, $4  }
0x13e: {  	_ =	swait.ge @!p6 [sflag:s3], $0x1000  }
0x13f: {  	s9 =	simm.s32 @!p6 $0x1B428;
	[sflag:s3] =	ssyncset.done @!p6 $0x0  }
0x140: {  	s11 =	simm.s32 @!p6 $0x1C428;
	[sflag:s3] =	ssyncadd.s32 @!p6 $0xFFFFF000;
	s3 =	simm.s32 @!p6 $0x1000  }
0x141: {  	[tilespmem:s11], [sflag:$0x4] =	stream.indirect.gather @!p6 [spmem:s7], $0x1, s9, s3, $0xb8;
	[tilespmem:$0x1E428] =	vst v63  }
0x142: {  	s11 =	smul.u32 $0x51F, s12;
	_ =	sdelay $0x1  }
0x143: {  	s14 =	sshrl.u32 s11, $0x10  }
0x144: {  	s3 =	smul.u32 $0xFFFFFFCE, s14;
	_ =	sdelay $0x1  }
0x145: {  	s3 =	sadd.s32 s12, s3  }
0x146: {  	s9 =	smul.u32 $0x3334, s3  }
0x147: {  	p6 =	sne.s32 s3, $0x0  }
.Ltmp10:
0x148: {  	s12 =	sshrl.u32 s9, $0x10;
	(pc) =	sbr.rel @!p6 .LBB2_13-.Ltmp10, $3  }
0x149: {  	s9 =	smul.u32 $0xFFFFFFFB, s12;
	_ =	sdelay $0x1  }
0x14a: {  	s15 =	sadd.s32 s3, s9  }
0x14b: {  	p5 =	seq.s32 s15, $0x0  }
0x14c: {  	_ =	swait.ge [sflag:s23], $0x1000  }
0x14d: {  	[sflag:s23] =	ssyncset.done $0x0  }
0x14e: {  	[sflag:s23] =	ssyncadd.s32 $0xFFFFF000  }
0x14f: {  	_ =	swait.ge [sflag:s23], $0x1000  }
0x150: {  	[sflag:s23] =	ssyncset.done $0x0  }
0x151: {  	s18 =	simm.s32 $0x0;
	[sflag:s23] =	ssyncadd.s32 $0xFFFFF000  }
0x152: {  	v0 =	vld [tilespmem:s18+$0x17428]  }
0x153: {  	v1 =	vld [tilespmem:s18+$0x19428];
	_ =	sdelay $0x3  }
0x154: {  	v2 =	vand.u32 $0xFFFF0000, v0  }
0x155: {  	v2 =	vmul.f32 v2, v1  }
0x156: {  	v3 =	vld [tilespmem:s18+$0x18428];
	v0 =	vshll.u32 v0, $0x10  }
0x157: {  	v0 =	vadd.f32 v0, v2;
	_ =	sdelay $0x1  }
0x158: {  	v0 =	vmul.f32 $1.442695020e+00, v0;
	_ =	sdelay $0x1  }
0x159: {  	(erf) = vpow2.f32 v0;
	v0 =	vand.u32 $0xFFFF0000, v3  }
0x15a: {  	v0 =	vmul.f32 v0, v1  }
0x15b: {  	v1 =	vshll.u32 v3, $0x10  }
0x15c: {  	s11 =	simm.s32 $0x10;
	v0 =	vadd.f32 v1, v0  }
0x15d: {  	v2 =	vld [tilespmem:s11+$0x17428]  }
0x15e: {  	v4 =	vld [tilespmem:s11+$0x19428];
	v0 =	vmul.f32 $1.442695020e+00, v0  }
0x15f: {  	v5 =	vld [tilespmem:s11+$0x18428]  }
0x160: {  	(erf) = vpow2.f32 v0;
	_ =	sdelay $0x1  }
0x161: {  	v3 =	vld [tilespmem:s18+$0x1A428];
	v1 =	vand.u32 $0xFFFF0000, v2  }
0x162: {  	v1 =	vmul.f32 v1, v4  }
0x163: {  	v6 =	vand.u32 $0xFFFF0000, v5;
	v2 =	vshll.u32 v2, $0x10  }
0x164: {  	v1 =	vadd.f32 v2, v1;
	v2 =	vmul.f32 v6, v4  }
0x165: {  	v4 =	vshll.u32 v5, $0x10  }
0x166: {  	s13 =	simm.s32 $0x20;
	s22 =	simm.s32 $0xC0;
	v0 =	vmul.f32 $1.442695020e+00, v1;
	v1 =	vadd.f32 v4, v2;
	v2 =	vpsel p5, $0x0, v3;
	v3 =	vpop (erf)  }
.LBB2_17:
0x167: {  	p6 =	sne.s32 s22, $0x3FC0;
	v4 =	vld [tilespmem:s13+$0x17428];
	v2 =	vadd.f32 v3, v2  }
0x168: {  	v3 =	vld [tilespmem:s13+$0x19428];
	v1 =	vmul.f32 $1.442695020e+00, v1;
	(erf) = vpow2.f32 v0;
	v0 =	vpop (erf)  }
0x169: {  	v5 =	vld [tilespmem:s13+$0x18428];
	v0 =	vadd.f32 v0, v2  }
0x16a: {  	(erf) = vpow2.f32 v1  }
0x16b: {  	[tilespmem:s18+$0x1A428] =	vst v0;
	s18 =	smov.u32 s11;
	s11 =	smov.u32 s13  }
0x16c: {  	v0 =	vand.u32 $0xFFFF0000, v4;
	v2 =	vld [tilespmem:s18+$0x1A428]  }
.Ltmp11:
0x16d: {  	v0 =	vmul.f32 v0, v3;
	(pc) =	sbr.rel @p6 .LBB2_17-.Ltmp11, $4  }
0x16e: {  	v1 =	vshll.u32 v4, $0x10;
	v4 =	vand.u32 $0xFFFF0000, v5  }
0x16f: {  	v0 =	vadd.f32 v1, v0;
	v1 =	vmul.f32 v4, v3  }
0x170: {  	v4 =	vshll.u32 v5, $0x10  }
0x171: {  	s13 =	sshra.s32 s22, $0x2;
	s22 =	sadd.s32 $0x40, s22;
	v0 =	vmul.f32 $1.442695020e+00, v0;
	v1 =	vadd.f32 v4, v1;
	v2 =	vpsel p5, $0x0, v2;
	v3 =	vpop (erf)  }
0x172: {  	v4 =	vld [tilespmem:s13+$0x17428];
	v2 =	vadd.f32 v3, v2  }
0x173: {  	v52 =	vld [tilespmem:s13+$0x19428];
	v1 =	vmul.f32 $1.442695020e+00, v1;
	(erf) = vpow2.f32 v0;
	v53 =	vpop (erf)  }
0x174: {  	v5 =	vld [tilespmem:s13+$0x18428];
	v0 =	vadd.f32 v53, v2  }
0x175: {  	(erf) = vpow2.f32 v1  }
0x176: {  	[tilespmem:s18+$0x1A428] =	vst v0  }
0x177: {  	v54 =	vand.u32 $0xFFFF0000, v4;
	v55 =	vld [tilespmem:s11+$0x1A428]  }
0x178: {  	v0 =	vmul.f32 v54, v52  }
0x179: {  	v56 =	vshll.u32 v4, $0x10;
	v57 =	vand.u32 $0xFFFF0000, v5  }
0x17a: {  	v58 =	vmul.f32 v57, v52;
	v0 =	vadd.f32 v56, v0  }
0x17b: {  	v59 =	vshll.u32 v5, $0x10  }
0x17c: {  	v2 =	vadd.f32 v59, v58;
	v0 =	vmul.f32 $1.442695020e+00, v0;
	v1 =	vpsel p5, $0x0, v55;
	v60 =	vpop (erf)  }
0x17d: {  	v1 =	vadd.f32 v60, v1  }
0x17e: {  	v2 =	vmul.f32 $1.442695020e+00, v2;
	(erf) = vpow2.f32 v0;
	v61 =	vpop (erf)  }
0x17f: {  	v0 =	vadd.f32 v61, v1  }
0x180: {  	(erf) = vpow2.f32 v2  }
0x181: {  	[tilespmem:s11+$0x1A428] =	vst v0  }
0x182: {  	v0 =	vld [tilespmem:s13+$0x1A428];
	_ =	sdelay $0x4  }
0x183: {  	v0 =	vpsel p5, $0x0, v0;
	v62 =	vpop (erf)  }
.Ltmp12:
0x184: {  	v0 =	vadd.f32 v62, v0;
	(pc) =	sbr.rel .LBB2_19-.Ltmp12, $3  }
0x185: {  	v63 =	vpop (erf)  }
0x186: {  	v0 =	vadd.f32 v63, v0;
	_ =	sdelay $0x1  }
0x187: {  	[tilespmem:s13+$0x1A428] =	vst v0  }
.LBB2_13:
0x188: {  	s3 =	sshrl.u32 s11, $0x4;
	s9 =	sshll.u32 s14, $0x7  }
0x189: {  	s3 =	sand.u32 $0x7FF8000, s3;
	s9 =	sand.u32 $0x380, s9  }
0x18a: {  	s3 =	sor.u32 s3, s9  }
0x18b: {  	s25 =	rddreg [dreg:$0x3];
	s18 =	sshrl.u32 s3, $0x3  }
0x18c: {  	s3 =	sadd.s32 s25, s18  }
0x18d: {  	[tilespmem:s30], [sflag:$0x7] =	stream.strided.gather [hbm4b:s3+s19], $0x1000, s20, s19, $0x38;
	[tilespmem:$0x1E428] =	vst v63  }
0x18e: {  	_ =	swait.ge [sflag:s31], $0x1000  }
0x18f: {  	[sflag:s31] =	ssyncset.done $0x0  }
0x190: {  	[sflag:s31] =	ssyncadd.s32 $0xFFFFF000  }
0x191: {  	_ =	swait.ge [sflag:s23], $0x1000  }
0x192: {  	[sflag:s23] =	ssyncset.done $0x0  }
0x193: {  	[sflag:s23] =	ssyncadd.s32 $0xFFFFF000  }
0x194: {  	_ =	swait.ge [sflag:s23], $0x1000  }
0x195: {  	[sflag:s23] =	ssyncset.done $0x0  }
0x196: {  	[sflag:s23] =	ssyncadd.s32 $0xFFFFF000  }
0x197: {  	_ =	swait.ge [sflag:s23], $0x1000  }
0x198: {  	[sflag:s23] =	ssyncset.done $0x0  }
0x199: {  	s11 =	simm.s32 $0x0;
	[sflag:s23] =	ssyncadd.s32 $0xFFFFF000  }
0x19a: {  	v0 =	vld [tilespmem:s11+$0x17428]  }
0x19b: {  	v1 =	vld [tilespmem:s11+$0x19428]  }
0x19c: {  	v2 =	vld [tilespmem:s11+$0x18428];
	_ =	sdelay $0x1  }
0x19d: {  	v3 =	vld [tilespmem:s11+$0x1C428]  }
0x19e: {  	v4 =	vand.u32 $0xFFFF0000, v0  }
0x19f: {  	v4 =	vmul.f32 v4, v1  }
0x1a0: {  	v0 =	vshll.u32 v0, $0x10;
	v5 =	vand.u32 $0xFFFF0000, v2  }
0x1a1: {  	v0 =	vadd.f32 v0, v4;
	v4 =	vmul.f32 v5, v1  }
0x1a2: {  	v2 =	vshll.u32 v2, $0x10;
	v5 =	vand.u32 $0xFFFF0000, v3  }
0x1a3: {  	v1 =	vmul.f32 v5, v1;
	v0 =	vmul.f32 $1.442695020e+00, v0;
	v2 =	vadd.f32 v2, v4  }
0x1a4: {  	v3 =	vshll.u32 v3, $0x10  }
0x1a5: {  	s22 =	simm.s32 $0x10;
	v1 =	vadd.f32 v3, v1;
	v2 =	vmul.f32 $1.442695020e+00, v2;
	(erf) = vpow2.f32 v0  }
0x1a6: {  	v0 =	vld [tilespmem:s22+$0x17428]  }
0x1a7: {  	v3 =	vld [tilespmem:s22+$0x19428];
	[tilespmem:s11+$0x1D428] =	vst v1;
	v1 =	vmul.f32 $1.442695020e+00, v1;
	(erf) = vpow2.f32 v2  }
0x1a8: {  	v2 =	vld [tilespmem:s22+$0x18428]  }
0x1a9: {  	v4 =	vld [tilespmem:s11+$0x1A428];
	(erf) = vpow2.f32 v1  }
0x1aa: {  	v1 =	vld [tilespmem:s22+$0x1C428]  }
0x1ab: {  	v5 =	vand.u32 $0xFFFF0000, v0  }
0x1ac: {  	v5 =	vmul.f32 v5, v3  }
0x1ad: {  	v0 =	vshll.u32 v0, $0x10;
	v6 =	vand.u32 $0xFFFF0000, v2  }
0x1ae: {  	v4 =	vpsel p5, $0x0, v4;
	v0 =	vadd.f32 v0, v5;
	v5 =	vmul.f32 v6, v3;
	v62 =	vpop (erf)  }
0x1af: {  	v2 =	vshll.u32 v2, $0x10;
	v7 =	vand.u32 $0xFFFF0000, v1;
	v4 =	vadd.f32 v62, v4  }
0x1b0: {  	v63 =	vmul.f32 $1.442695020e+00, v0;
	v0 =	vadd.f32 v2, v5;
	v2 =	vmul.f32 v7, v3;
	v3 =	vpop (erf)  }
0x1b1: {  	v5 =	vshll.u32 v1, $0x10;
	v1 =	vadd.f32 v3, v4  }
0x1b2: {  	s13 =	simm.s32 $0x20;
	s25 =	simm.s32 $0xC0;
	v0 =	vmul.f32 $1.442695020e+00, v0;
	v2 =	vadd.f32 v5, v2;
	(erf) = vpow2.f32 v63;
	v3 =	vpop (erf)  }
.LBB2_14:
0x1b3: {  	p6 =	sne.s32 s25, $0x3FC0;
	v4 =	vld [tilespmem:s13+$0x17428];
	v1 =	vadd.f32 v3, v1  }
0x1b4: {  	v3 =	vld [tilespmem:s13+$0x19428];
	[tilespmem:s22+$0x1D428] =	vst v2;
	v2 =	vmul.f32 $1.442695020e+00, v2;
	(erf) = vpow2.f32 v0  }
0x1b5: {  	v0 =	vld [tilespmem:s13+$0x18428];
	[tilespmem:s11+$0x1A428] =	vst v1;
	s11 =	smov.u32 s22;
	s22 =	smov.u32 s13  }
0x1b6: {  	v1 =	vld [tilespmem:s11+$0x1A428];
	(erf) = vpow2.f32 v2  }
0x1b7: {  	v2 =	vld [tilespmem:s22+$0x1C428]  }
0x1b8: {  	v5 =	vand.u32 $0xFFFF0000, v4  }
0x1b9: {  	v5 =	vmul.f32 v5, v3  }
0x1ba: {  	v4 =	vshll.u32 v4, $0x10;
	v7 =	vand.u32 $0xFFFF0000, v0  }
.Ltmp13:
0x1bb: {  	v4 =	vadd.f32 v4, v5;
	v8 =	vmul.f32 v7, v3;
	v1 =	vpsel p5, $0x0, v1;
	v6 =	vpop (erf);
	(pc) =	sbr.rel @p6 .LBB2_14-.Ltmp13, $4  }
0x1bc: {  	v0 =	vshll.u32 v0, $0x10;
	v7 =	vand.u32 $0xFFFF0000, v2;
	v1 =	vadd.f32 v6, v1  }
0x1bd: {  	v4 =	vmul.f32 $1.442695020e+00, v4;
	v0 =	vadd.f32 v0, v8;
	v6 =	vmul.f32 v7, v3;
	v5 =	vpop (erf)  }
0x1be: {  	v2 =	vshll.u32 v2, $0x10;
	v1 =	vadd.f32 v5, v1  }
0x1bf: {  	s13 =	sshra.s32 s25, $0x2;
	s25 =	sadd.s32 $0x40, s25;
	v0 =	vmul.f32 $1.442695020e+00, v0;
	v2 =	vadd.f32 v2, v6;
	(erf) = vpow2.f32 v4;
	v3 =	vpop (erf)  }
0x1c0: {  	v4 =	vld [tilespmem:s13+$0x17428];
	v1 =	vadd.f32 v3, v1  }
0x1c1: {  	v5 =	vld [tilespmem:s13+$0x19428];
	[tilespmem:s22+$0x1D428] =	vst v2;
	v51 =	vmul.f32 $1.442695020e+00, v2;
	(erf) = vpow2.f32 v0  }
0x1c2: {  	v52 =	vld [tilespmem:s13+$0x18428];
	[tilespmem:s11+$0x1A428] =	vst v1  }
0x1c3: {  	v1 =	vld [tilespmem:s22+$0x1A428];
	(erf) = vpow2.f32 v51  }
0x1c4: {  	v53 =	vld [tilespmem:s13+$0x1C428]  }
0x1c5: {  	v54 =	vand.u32 $0xFFFF0000, v4  }
0x1c6: {  	v3 =	vmul.f32 v54, v5  }
0x1c7: {  	v4 =	vshll.u32 v4, $0x10;
	v6 =	vand.u32 $0xFFFF0000, v52  }
0x1c8: {  	v3 =	vadd.f32 v4, v3;
	v55 =	vmul.f32 v6, v5;
	v1 =	vpsel p5, $0x0, v1;
	v56 =	vpop (erf)  }
0x1c9: {  	v0 =	vshll.u32 v52, $0x10;
	v7 =	vand.u32 $0xFFFF0000, v53;
	v1 =	vadd.f32 v56, v1  }
0x1ca: {  	v57 =	vmul.f32 v7, v5;
	v3 =	vmul.f32 $1.442695020e+00, v3;
	v0 =	vadd.f32 v0, v55;
	v58 =	vpop (erf)  }
0x1cb: {  	v2 =	vshll.u32 v53, $0x10;
	v1 =	vadd.f32 v58, v1  }
0x1cc: {  	v2 =	vadd.f32 v2, v57;
	v0 =	vmul.f32 $1.442695020e+00, v0;
	(erf) = vpow2.f32 v3;
	v59 =	vpop (erf)  }
0x1cd: {  	v1 =	vadd.f32 v59, v1  }
0x1ce: {  	[tilespmem:s13+$0x1D428] =	vst v2;
	v2 =	vmul.f32 $1.442695020e+00, v2;
	(erf) = vpow2.f32 v0  }
0x1cf: {  	[tilespmem:s22+$0x1A428] =	vst v1  }
0x1d0: {  	(erf) = vpow2.f32 v2;
	v60 =	vld [tilespmem:s13+$0x1A428];
	_ =	sdelay $0x4  }
0x1d1: {  	v0 =	vpsel p5, $0x0, v60;
	v61 =	vpop (erf)  }
0x1d2: {  	v0 =	vadd.f32 v61, v0  }
0x1d3: {  	v62 =	vpop (erf)  }
0x1d4: {  	v0 =	vadd.f32 v62, v0  }
0x1d5: {  	v63 =	vpop (erf)  }
0x1d6: {  	v0 =	vadd.f32 v63, v0;
	_ =	sdelay $0x1  }
0x1d7: {  	s3 =	sadd.s32 s6, s18;
	[tilespmem:s13+$0x1A428] =	vst v0  }
0x1d8: {  	[hbm4b:s3+s19] =	stream.strided.scatter [tilespmem:s0], [sflag:$0x7], $0x1000, s20, s19, $0x38;
	[tilespmem:$0x1E428] =	vst v63  }
0x1d9: {  	_ =	swait.ge [sflag:s31], $0x1000  }
0x1da: {  	[sflag:s31] =	ssyncset.done $0x0  }
0x1db: {  	[sflag:s31] =	ssyncadd.s32 $0xFFFFF000  }
.LBB2_19:
0x1dc: {  	p5 =	sne.s32 s15, $0x4  }
0x1dd: {  	s3 =	smul.u32 @!p5 $0x32, s12;
	_ =	sdelay $0x1  }
0x1de: {  	s3 =	sadd.s32 @!p5 s14, s3  }
0x1df: {  	s3 =	sshll.u32 @!p5 s3, $0x9  }
0x1e0: {  	s3 =	sand.u32 @!p5 $0x1FFFFE00, s3  }
0x1e1: {  	s9 =	simm.s32 @!p5 $0x0;
	s11 =	simm.s32 @!p5 $0x1A428;
	s3 =	sadd.s32 @!p5 s4, s3  }
0x1e2: {  	[hbm4b:s3+s9] =	stream.linear.scatter @!p5 [tilespmem:s11], [sflag:$0x7], $0x1000, $0x38;
	[tilespmem:$0x1E428] =	vst v63  }
0x1e3: {  	s3 =	simm.s32 @!p5 $0x7  }
0x1e4: {  	_ =	swait.ge @!p5 [sflag:s3], $0x1000  }
0x1e5: {  	[sflag:s3] =	ssyncset.done @!p5 $0x0  }
0x1e6: {  	[sflag:s3] =	ssyncadd.s32 @!p5 $0xFFFFF000  }
.LBB2_20:
0x1e7: {  	s22 =	sadd.s32 $0x4, s28  }
0x1e8: {  	p5 =	sge.u32 s22, s10  }
0x1e9: {  	s3 =	smul.u32 @!p5 $0x51F, s22;
	_ =	sdelay $0x1  }
0x1ea: {  	s9 =	sshrl.u32 @!p5 s3, $0x10  }
0x1eb: {  	s12 =	smul.u32 @!p5 $0xFFFFFFCE, s9;
	_ =	sdelay $0x1  }
0x1ec: {  	s25 =	simm.s32 @!p5 $0x400;
	s18 =	simm.s32 @!p5 $0x11428;
	s11 =	sadd.s32 @!p5 s22, s12  }
0x1ed: {  	s13 =	smul.u32 @!p5 $0x68000, s9;
	s14 =	sshll.u32 @!p5 s11, $0xD;
	p6 =	sne.s32 @!p5 s11, $0x0  }
0x1ee: {  	s15 =	sshll.u32 @!p5 s11, $0x8;
	s14 =	sand.u32 @!p5 $0xFFFF8000, s14;
	p6 =	por p6, p5  }
0x1ef: {  	s13 =	sadd.s32 @!p5 s13, s14;
	s14 =	sand.u32 @!p5 $0x300, s15;
	s15 =	simm.s32 @!p5 $0x80  }
0x1f0: {  	s3 =	sshrl.u32 @!p6 s3, $0x4;
	s9 =	sshll.u32 @!p6 s9, $0x7;
	s13 =	sor.u32 @!p5 s14, s13  }
0x1f1: {  	s3 =	sand.u32 @!p6 $0x7FF8000, s3;
	s9 =	sand.u32 @!p6 $0x380, s9;
	s13 =	sshrl.u32 @!p5 s13, $0x3  }
0x1f2: {  	s11 =	simm.s32 @!p6 $0x400;
	s3 =	sor.u32 @!p6 s3, s9;
	s13 =	sadd.s32 @!p5 s1, s13  }
0x1f3: {  	[tilespmem:s18], [sflag:$0x2] =	stream.strided.gather @!p5 [hbm4b:s13+s15], $0x1000, s25, s15, $0x38;
	[tilespmem:$0x1E428] =	vst v63  }
0x1f4: {  	s14 =	simm.s32 @!p5 $0x12428;
	s3 =	sshrl.u32 @!p6 s3, $0x3;
	s13 =	sadd.s32 @!p5 $0x10, s13  }
0x1f5: {  	[tilespmem:s14], [sflag:$0x2] =	stream.strided.gather @!p5 [hbm4b:s13+s15], $0x1000, s25, s15, $0x38;
	[tilespmem:$0x1E428] =	vst v63  }
0x1f6: {  	s9 =	simm.s32 @!p6 $0x80;
	s3 =	sadd.s32 @!p6 s2, s3;
	s13 =	simm.s32 @!p6 $0x1B428  }
0x1f7: {  	[tilespmem:s13], [sflag:$0x2] =	stream.strided.gather @!p6 [hbm4b:s3+s9], $0x1000, s11, s9, $0x38;
	[tilespmem:$0x1E428] =	vst v63  }
0x1f8: {  	s3 =	simm.s32 @!p4 $0x1  }
0x1f9: {  	_ =	swait.ge @!p4 [sflag:s3], $0x1000  }
0x1fa: {  	[sflag:s3] =	ssyncset.done @!p4 $0x0  }
0x1fb: {  	s9 =	simm.s32 @!p4 $0x1000;
	s11 =	simm.s32 @!p4 $0x17428;
	[sflag:s3] =	ssyncadd.s32 @!p4 $0xFFFFF000  }
0x1fc: {  	[tilespmem:s11], [sflag:$0x5] =	stream.indirect.gather @!p4 [spmem:s7], $0x1, s17, s9, $0xb8;
	[tilespmem:$0x1E428] =	vst v63  }
0x1fd: {  	_ =	swait.ge @!p4 [sflag:s3], $0x1000  }
0x1fe: {  	[sflag:s3] =	ssyncset.done @!p4 $0x0  }
0x1ff: {  	[sflag:s3] =	ssyncadd.s32 @!p4 $0xFFFFF000;
	s3 =	simm.s32 @!p4 $0x18428  }
0x200: {  	[tilespmem:s3], [sflag:$0x5] =	stream.indirect.gather @!p4 [spmem:s7], $0x1, s16, s9, $0xb8;
	[tilespmem:$0x1E428] =	vst v63  }
0x201: {  	s3 =	ssub.s32 @!p4 $0xFFFFFFFD, s28  }
0x202: {  	p6 =	sne.s32 @!p4 s26, s3  }
0x203: {  	p6 =	por p6, p4  }
.Ltmp14:
0x204: {  	s3 =	simm.s32 @!p6 $0x1;
	(pc) =	sbr.rel @p3 .LBB2_29-.Ltmp14, $4  }
0x205: {  	_ =	swait.ge @!p6 [sflag:s3], $0x1000  }
0x206: {  	s9 =	simm.s32 @!p6 $0x1B428;
	[sflag:s3] =	ssyncset.done @!p6 $0x0  }
0x207: {  	s11 =	simm.s32 @!p6 $0x1C428;
	[sflag:s3] =	ssyncadd.s32 @!p6 $0xFFFFF000;
	s3 =	simm.s32 @!p6 $0x1000  }
0x208: {  	[tilespmem:s11], [sflag:$0x5] =	stream.indirect.gather @!p6 [spmem:s7], $0x1, s9, s3, $0xb8;
	[tilespmem:$0x1E428] =	vst v63  }
0x209: {  	s11 =	smul.u32 $0x51F, s29;
	_ =	sdelay $0x1  }
0x20a: {  	s15 =	sshrl.u32 s11, $0x10  }
0x20b: {  	s3 =	smul.u32 $0xFFFFFFCE, s15;
	_ =	sdelay $0x1  }
0x20c: {  	s3 =	sadd.s32 s29, s3  }
0x20d: {  	s9 =	smul.u32 $0x3334, s3  }
0x20e: {  	p6 =	sne.s32 s3, $0x0  }
.Ltmp15:
0x20f: {  	s16 =	sshrl.u32 s9, $0x10;
	(pc) =	sbr.rel @!p6 .LBB2_22-.Ltmp15, $3  }
0x210: {  	s9 =	smul.u32 $0xFFFFFFFB, s16;
	_ =	sdelay $0x1  }
0x211: {  	s17 =	sadd.s32 s3, s9  }
0x212: {  	p3 =	seq.s32 s17, $0x0  }
0x213: {  	_ =	swait.ge [sflag:s5], $0x1000  }
0x214: {  	[sflag:s5] =	ssyncset.done $0x0  }
0x215: {  	[sflag:s5] =	ssyncadd.s32 $0xFFFFF000  }
0x216: {  	_ =	swait.ge [sflag:s5], $0x1000  }
0x217: {  	[sflag:s5] =	ssyncset.done $0x0  }
0x218: {  	s26 =	simm.s32 $0x0;
	[sflag:s5] =	ssyncadd.s32 $0xFFFFF000  }
0x219: {  	v0 =	vld [tilespmem:s26+$0x15428]  }
0x21a: {  	v1 =	vld [tilespmem:s26+$0x19428];
	_ =	sdelay $0x3  }
0x21b: {  	v2 =	vand.u32 $0xFFFF0000, v0  }
0x21c: {  	v2 =	vmul.f32 v2, v1  }
0x21d: {  	v3 =	vld [tilespmem:s26+$0x16428];
	v0 =	vshll.u32 v0, $0x10  }
0x21e: {  	v0 =	vadd.f32 v0, v2;
	_ =	sdelay $0x1  }
0x21f: {  	v0 =	vmul.f32 $1.442695020e+00, v0;
	_ =	sdelay $0x1  }
0x220: {  	(erf) = vpow2.f32 v0;
	v0 =	vand.u32 $0xFFFF0000, v3  }
0x221: {  	v0 =	vmul.f32 v0, v1  }
0x222: {  	v1 =	vshll.u32 v3, $0x10  }
0x223: {  	s11 =	simm.s32 $0x10;
	v0 =	vadd.f32 v1, v0  }
0x224: {  	v2 =	vld [tilespmem:s11+$0x15428]  }
0x225: {  	v4 =	vld [tilespmem:s11+$0x19428];
	v0 =	vmul.f32 $1.442695020e+00, v0  }
0x226: {  	v5 =	vld [tilespmem:s11+$0x16428]  }
0x227: {  	(erf) = vpow2.f32 v0;
	_ =	sdelay $0x1  }
0x228: {  	v3 =	vld [tilespmem:s26+$0x1A428];
	v1 =	vand.u32 $0xFFFF0000, v2  }
0x229: {  	v1 =	vmul.f32 v1, v4  }
0x22a: {  	v6 =	vand.u32 $0xFFFF0000, v5;
	v2 =	vshll.u32 v2, $0x10  }
0x22b: {  	v1 =	vadd.f32 v2, v1;
	v2 =	vmul.f32 v6, v4  }
0x22c: {  	v4 =	vshll.u32 v5, $0x10  }
0x22d: {  	s13 =	simm.s32 $0x20;
	s25 =	simm.s32 $0xC0;
	v0 =	vmul.f32 $1.442695020e+00, v1;
	v1 =	vadd.f32 v4, v2;
	v2 =	vpsel p3, $0x0, v3;
	v3 =	vpop (erf)  }
.LBB2_26:
0x22e: {  	p6 =	sne.s32 s25, $0x3FC0;
	v4 =	vld [tilespmem:s13+$0x15428];
	v2 =	vadd.f32 v3, v2  }
0x22f: {  	v3 =	vld [tilespmem:s13+$0x19428];
	v1 =	vmul.f32 $1.442695020e+00, v1;
	(erf) = vpow2.f32 v0;
	v0 =	vpop (erf)  }
0x230: {  	v5 =	vld [tilespmem:s13+$0x16428];
	v0 =	vadd.f32 v0, v2  }
0x231: {  	(erf) = vpow2.f32 v1  }
0x232: {  	[tilespmem:s26+$0x1A428] =	vst v0;
	s26 =	smov.u32 s11;
	s11 =	smov.u32 s13  }
0x233: {  	v0 =	vand.u32 $0xFFFF0000, v4;
	v2 =	vld [tilespmem:s26+$0x1A428]  }
.Ltmp16:
0x234: {  	v0 =	vmul.f32 v0, v3;
	(pc) =	sbr.rel @p6 .LBB2_26-.Ltmp16, $4  }
0x235: {  	v1 =	vshll.u32 v4, $0x10;
	v4 =	vand.u32 $0xFFFF0000, v5  }
0x236: {  	v0 =	vadd.f32 v1, v0;
	v1 =	vmul.f32 v4, v3  }
0x237: {  	v4 =	vshll.u32 v5, $0x10  }
0x238: {  	s13 =	sshra.s32 s25, $0x2;
	s25 =	sadd.s32 $0x40, s25;
	v0 =	vmul.f32 $1.442695020e+00, v0;
	v1 =	vadd.f32 v4, v1;
	v2 =	vpsel p3, $0x0, v2;
	v3 =	vpop (erf)  }
0x239: {  	v4 =	vld [tilespmem:s13+$0x15428];
	v2 =	vadd.f32 v3, v2  }
0x23a: {  	v52 =	vld [tilespmem:s13+$0x19428];
	v1 =	vmul.f32 $1.442695020e+00, v1;
	(erf) = vpow2.f32 v0;
	v53 =	vpop (erf)  }
0x23b: {  	v5 =	vld [tilespmem:s13+$0x16428];
	v0 =	vadd.f32 v53, v2  }
0x23c: {  	(erf) = vpow2.f32 v1  }
0x23d: {  	[tilespmem:s26+$0x1A428] =	vst v0  }
0x23e: {  	v54 =	vand.u32 $0xFFFF0000, v4;
	v55 =	vld [tilespmem:s11+$0x1A428]  }
0x23f: {  	v0 =	vmul.f32 v54, v52  }
0x240: {  	v56 =	vshll.u32 v4, $0x10;
	v57 =	vand.u32 $0xFFFF0000, v5  }
0x241: {  	v58 =	vmul.f32 v57, v52;
	v0 =	vadd.f32 v56, v0  }
0x242: {  	v59 =	vshll.u32 v5, $0x10  }
0x243: {  	v2 =	vadd.f32 v59, v58;
	v0 =	vmul.f32 $1.442695020e+00, v0;
	v1 =	vpsel p3, $0x0, v55;
	v60 =	vpop (erf)  }
0x244: {  	v1 =	vadd.f32 v60, v1  }
0x245: {  	v2 =	vmul.f32 $1.442695020e+00, v2;
	(erf) = vpow2.f32 v0;
	v61 =	vpop (erf)  }
0x246: {  	v0 =	vadd.f32 v61, v1  }
0x247: {  	(erf) = vpow2.f32 v2  }
0x248: {  	[tilespmem:s11+$0x1A428] =	vst v0  }
0x249: {  	v0 =	vld [tilespmem:s13+$0x1A428];
	_ =	sdelay $0x4  }
0x24a: {  	v0 =	vpsel p3, $0x0, v0;
	v62 =	vpop (erf)  }
.Ltmp17:
0x24b: {  	v0 =	vadd.f32 v62, v0;
	(pc) =	sbr.rel .LBB2_28-.Ltmp17, $3  }
0x24c: {  	v63 =	vpop (erf)  }
0x24d: {  	v0 =	vadd.f32 v63, v0;
	_ =	sdelay $0x1  }
0x24e: {  	[tilespmem:s13+$0x1A428] =	vst v0  }
.LBB2_22:
0x24f: {  	s3 =	sshrl.u32 s11, $0x4;
	s9 =	sshll.u32 s15, $0x7  }
0x250: {  	s3 =	sand.u32 $0x7FF8000, s3;
	s9 =	sand.u32 $0x380, s9  }
0x251: {  	s3 =	sor.u32 s3, s9  }
0x252: {  	s25 =	rddreg [dreg:$0x3];
	s26 =	sshrl.u32 s3, $0x3  }
0x253: {  	s3 =	sadd.s32 s25, s26  }
0x254: {  	[tilespmem:s30], [sflag:$0x7] =	stream.strided.gather [hbm4b:s3+s19], $0x1000, s20, s19, $0x38;
	[tilespmem:$0x1E428] =	vst v63  }
0x255: {  	_ =	swait.ge [sflag:s31], $0x1000  }
0x256: {  	[sflag:s31] =	ssyncset.done $0x0  }
0x257: {  	[sflag:s31] =	ssyncadd.s32 $0xFFFFF000  }
0x258: {  	_ =	swait.ge [sflag:s5], $0x1000  }
0x259: {  	[sflag:s5] =	ssyncset.done $0x0  }
0x25a: {  	[sflag:s5] =	ssyncadd.s32 $0xFFFFF000  }
0x25b: {  	_ =	swait.ge [sflag:s5], $0x1000  }
0x25c: {  	[sflag:s5] =	ssyncset.done $0x0  }
0x25d: {  	[sflag:s5] =	ssyncadd.s32 $0xFFFFF000  }
0x25e: {  	_ =	swait.ge [sflag:s5], $0x1000  }
0x25f: {  	[sflag:s5] =	ssyncset.done $0x0  }
0x260: {  	s11 =	simm.s32 $0x0;
	[sflag:s5] =	ssyncadd.s32 $0xFFFFF000  }
0x261: {  	v0 =	vld [tilespmem:s11+$0x15428]  }
0x262: {  	v1 =	vld [tilespmem:s11+$0x19428]  }
0x263: {  	v2 =	vld [tilespmem:s11+$0x16428];
	_ =	sdelay $0x1  }
0x264: {  	v3 =	vld [tilespmem:s11+$0x1C428]  }
0x265: {  	v4 =	vand.u32 $0xFFFF0000, v0  }
0x266: {  	v4 =	vmul.f32 v4, v1  }
0x267: {  	v0 =	vshll.u32 v0, $0x10;
	v5 =	vand.u32 $0xFFFF0000, v2  }
0x268: {  	v0 =	vadd.f32 v0, v4;
	v4 =	vmul.f32 v5, v1  }
0x269: {  	v2 =	vshll.u32 v2, $0x10;
	v5 =	vand.u32 $0xFFFF0000, v3  }
0x26a: {  	v1 =	vmul.f32 v5, v1;
	v0 =	vmul.f32 $1.442695020e+00, v0;
	v2 =	vadd.f32 v2, v4  }
0x26b: {  	v3 =	vshll.u32 v3, $0x10  }
0x26c: {  	s29 =	simm.s32 $0x10;
	v1 =	vadd.f32 v3, v1;
	v2 =	vmul.f32 $1.442695020e+00, v2;
	(erf) = vpow2.f32 v0  }
0x26d: {  	v0 =	vld [tilespmem:s29+$0x15428]  }
0x26e: {  	v3 =	vld [tilespmem:s29+$0x19428];
	[tilespmem:s11+$0x1D428] =	vst v1;
	v1 =	vmul.f32 $1.442695020e+00, v1;
	(erf) = vpow2.f32 v2  }
0x26f: {  	v2 =	vld [tilespmem:s29+$0x16428]  }
0x270: {  	v4 =	vld [tilespmem:s11+$0x1A428];
	(erf) = vpow2.f32 v1  }
0x271: {  	v1 =	vld [tilespmem:s29+$0x1C428]  }
0x272: {  	v5 =	vand.u32 $0xFFFF0000, v0  }
0x273: {  	v5 =	vmul.f32 v5, v3  }
0x274: {  	v0 =	vshll.u32 v0, $0x10;
	v6 =	vand.u32 $0xFFFF0000, v2  }
0x275: {  	v4 =	vpsel p3, $0x0, v4;
	v0 =	vadd.f32 v0, v5;
	v5 =	vmul.f32 v6, v3;
	v62 =	vpop (erf)  }
0x276: {  	v2 =	vshll.u32 v2, $0x10;
	v7 =	vand.u32 $0xFFFF0000, v1;
	v4 =	vadd.f32 v62, v4  }
0x277: {  	v63 =	vmul.f32 $1.442695020e+00, v0;
	v0 =	vadd.f32 v2, v5;
	v2 =	vmul.f32 v7, v3;
	v3 =	vpop (erf)  }
0x278: {  	v5 =	vshll.u32 v1, $0x10;
	v1 =	vadd.f32 v3, v4  }
0x279: {  	s13 =	simm.s32 $0x20;
	s25 =	simm.s32 $0xC0;
	v0 =	vmul.f32 $1.442695020e+00, v0;
	v2 =	vadd.f32 v5, v2;
	(erf) = vpow2.f32 v63;
	v3 =	vpop (erf)  }
.LBB2_23:
0x27a: {  	p6 =	sne.s32 s25, $0x3FC0;
	v4 =	vld [tilespmem:s13+$0x15428];
	v1 =	vadd.f32 v3, v1  }
0x27b: {  	v3 =	vld [tilespmem:s13+$0x19428];
	[tilespmem:s29+$0x1D428] =	vst v2;
	v2 =	vmul.f32 $1.442695020e+00, v2;
	(erf) = vpow2.f32 v0  }
0x27c: {  	v0 =	vld [tilespmem:s13+$0x16428];
	[tilespmem:s11+$0x1A428] =	vst v1;
	s11 =	smov.u32 s29;
	s29 =	smov.u32 s13  }
0x27d: {  	v1 =	vld [tilespmem:s11+$0x1A428];
	(erf) = vpow2.f32 v2  }
0x27e: {  	v2 =	vld [tilespmem:s29+$0x1C428]  }
0x27f: {  	v5 =	vand.u32 $0xFFFF0000, v4  }
0x280: {  	v5 =	vmul.f32 v5, v3  }
0x281: {  	v4 =	vshll.u32 v4, $0x10;
	v7 =	vand.u32 $0xFFFF0000, v0  }
.Ltmp18:
0x282: {  	v4 =	vadd.f32 v4, v5;
	v8 =	vmul.f32 v7, v3;
	v1 =	vpsel p3, $0x0, v1;
	v6 =	vpop (erf);
	(pc) =	sbr.rel @p6 .LBB2_23-.Ltmp18, $4  }
0x283: {  	v0 =	vshll.u32 v0, $0x10;
	v7 =	vand.u32 $0xFFFF0000, v2;
	v1 =	vadd.f32 v6, v1  }
0x284: {  	v4 =	vmul.f32 $1.442695020e+00, v4;
	v0 =	vadd.f32 v0, v8;
	v6 =	vmul.f32 v7, v3;
	v5 =	vpop (erf)  }
0x285: {  	v2 =	vshll.u32 v2, $0x10;
	v1 =	vadd.f32 v5, v1  }
0x286: {  	s13 =	sshra.s32 s25, $0x2;
	s25 =	sadd.s32 $0x40, s25;
	v0 =	vmul.f32 $1.442695020e+00, v0;
	v2 =	vadd.f32 v2, v6;
	(erf) = vpow2.f32 v4;
	v3 =	vpop (erf)  }
0x287: {  	v4 =	vld [tilespmem:s13+$0x15428];
	v1 =	vadd.f32 v3, v1  }
0x288: {  	v5 =	vld [tilespmem:s13+$0x19428];
	[tilespmem:s29+$0x1D428] =	vst v2;
	v51 =	vmul.f32 $1.442695020e+00, v2;
	(erf) = vpow2.f32 v0  }
0x289: {  	v52 =	vld [tilespmem:s13+$0x16428];
	[tilespmem:s11+$0x1A428] =	vst v1  }
0x28a: {  	v1 =	vld [tilespmem:s29+$0x1A428];
	(erf) = vpow2.f32 v51  }
0x28b: {  	v53 =	vld [tilespmem:s13+$0x1C428]  }
0x28c: {  	v54 =	vand.u32 $0xFFFF0000, v4  }
0x28d: {  	v3 =	vmul.f32 v54, v5  }
0x28e: {  	v4 =	vshll.u32 v4, $0x10;
	v6 =	vand.u32 $0xFFFF0000, v52  }
0x28f: {  	v3 =	vadd.f32 v4, v3;
	v55 =	vmul.f32 v6, v5;
	v1 =	vpsel p3, $0x0, v1;
	v56 =	vpop (erf)  }
0x290: {  	v0 =	vshll.u32 v52, $0x10;
	v7 =	vand.u32 $0xFFFF0000, v53;
	v1 =	vadd.f32 v56, v1  }
0x291: {  	v57 =	vmul.f32 v7, v5;
	v3 =	vmul.f32 $1.442695020e+00, v3;
	v0 =	vadd.f32 v0, v55;
	v58 =	vpop (erf)  }
0x292: {  	v2 =	vshll.u32 v53, $0x10;
	v1 =	vadd.f32 v58, v1  }
0x293: {  	v2 =	vadd.f32 v2, v57;
	v0 =	vmul.f32 $1.442695020e+00, v0;
	(erf) = vpow2.f32 v3;
	v59 =	vpop (erf)  }
0x294: {  	v1 =	vadd.f32 v59, v1  }
0x295: {  	[tilespmem:s13+$0x1D428] =	vst v2;
	v2 =	vmul.f32 $1.442695020e+00, v2;
	(erf) = vpow2.f32 v0  }
0x296: {  	[tilespmem:s29+$0x1A428] =	vst v1  }
0x297: {  	(erf) = vpow2.f32 v2;
	v60 =	vld [tilespmem:s13+$0x1A428];
	_ =	sdelay $0x4  }
0x298: {  	v0 =	vpsel p3, $0x0, v60;
	v61 =	vpop (erf)  }
0x299: {  	v0 =	vadd.f32 v61, v0  }
0x29a: {  	v62 =	vpop (erf)  }
0x29b: {  	v0 =	vadd.f32 v62, v0  }
0x29c: {  	v63 =	vpop (erf)  }
0x29d: {  	v0 =	vadd.f32 v63, v0;
	_ =	sdelay $0x1  }
0x29e: {  	s3 =	sadd.s32 s6, s26;
	[tilespmem:s13+$0x1A428] =	vst v0  }
0x29f: {  	[hbm4b:s3+s19] =	stream.strided.scatter [tilespmem:s0], [sflag:$0x7], $0x1000, s20, s19, $0x38;
	[tilespmem:$0x1E428] =	vst v63  }
0x2a0: {  	_ =	swait.ge [sflag:s31], $0x1000  }
0x2a1: {  	[sflag:s31] =	ssyncset.done $0x0  }
0x2a2: {  	[sflag:s31] =	ssyncadd.s32 $0xFFFFF000  }
.LBB2_28:
0x2a3: {  	p3 =	sne.s32 s17, $0x4  }
0x2a4: {  	s3 =	smul.u32 @!p3 $0x32, s16;
	_ =	sdelay $0x1  }
0x2a5: {  	s3 =	sadd.s32 @!p3 s15, s3  }
0x2a6: {  	s3 =	sshll.u32 @!p3 s3, $0x9  }
0x2a7: {  	s3 =	sand.u32 @!p3 $0x1FFFFE00, s3  }
0x2a8: {  	s9 =	simm.s32 @!p3 $0x0;
	s11 =	simm.s32 @!p3 $0x1A428;
	s3 =	sadd.s32 @!p3 s4, s3  }
0x2a9: {  	[hbm4b:s3+s9] =	stream.linear.scatter @!p3 [tilespmem:s11], [sflag:$0x7], $0x1000, $0x38;
	[tilespmem:$0x1E428] =	vst v63  }
0x2aa: {  	s3 =	simm.s32 @!p3 $0x7  }
0x2ab: {  	_ =	swait.ge @!p3 [sflag:s3], $0x1000  }
0x2ac: {  	[sflag:s3] =	ssyncset.done @!p3 $0x0  }
0x2ad: {  	[sflag:s3] =	ssyncadd.s32 @!p3 $0xFFFFF000  }
.LBB2_29:
0x2ae: {  	s29 =	sadd.s32 $0x5, s28  }
0x2af: {  	p3 =	sge.u32 s29, s10  }
0x2b0: {  	s3 =	smul.u32 @!p3 $0x51F, s29;
	_ =	sdelay $0x1  }
0x2b1: {  	s9 =	sshrl.u32 @!p3 s3, $0x10  }
0x2b2: {  	s26 =	smul.u32 @!p3 $0xFFFFFFCE, s9;
	_ =	sdelay $0x1  }
0x2b3: {  	s17 =	simm.s32 @!p3 $0x80;
	s25 =	simm.s32 @!p3 $0x400;
	s11 =	sadd.s32 @!p3 s29, s26  }
0x2b4: {  	s13 =	smul.u32 @!p3 $0x68000, s9;
	s15 =	sshll.u32 @!p3 s11, $0xD;
	p6 =	sne.s32 @!p3 s11, $0x0  }
0x2b5: {  	s16 =	sshll.u32 @!p3 s11, $0x8;
	s15 =	sand.u32 @!p3 $0xFFFF8000, s15;
	p6 =	por p6, p3  }
0x2b6: {  	s13 =	sadd.s32 @!p3 s13, s15;
	s15 =	sand.u32 @!p3 $0x300, s16;
	s16 =	simm.s32 @!p3 $0x13428  }
0x2b7: {  	s3 =	sshrl.u32 @!p6 s3, $0x4;
	s9 =	sshll.u32 @!p6 s9, $0x7;
	s13 =	sor.u32 @!p3 s15, s13  }
0x2b8: {  	s3 =	sand.u32 @!p6 $0x7FF8000, s3;
	s9 =	sand.u32 @!p6 $0x380, s9;
	s13 =	sshrl.u32 @!p3 s13, $0x3  }
0x2b9: {  	s11 =	simm.s32 @!p6 $0x400;
	s3 =	sor.u32 @!p6 s3, s9;
	s13 =	sadd.s32 @!p3 s1, s13  }
0x2ba: {  	[tilespmem:s16], [sflag:$0x3] =	stream.strided.gather @!p3 [hbm4b:s13+s17], $0x1000, s25, s17, $0x38;
	[tilespmem:$0x1E428] =	vst v63  }
0x2bb: {  	s15 =	simm.s32 @!p3 $0x14428;
	s3 =	sshrl.u32 @!p6 s3, $0x3;
	s13 =	sadd.s32 @!p3 $0x10, s13  }
0x2bc: {  	[tilespmem:s15], [sflag:$0x3] =	stream.strided.gather @!p3 [hbm4b:s13+s17], $0x1000, s25, s17, $0x38;
	[tilespmem:$0x1E428] =	vst v63  }
0x2bd: {  	s9 =	simm.s32 @!p6 $0x80;
	s3 =	sadd.s32 @!p6 s2, s3;
	s13 =	simm.s32 @!p6 $0x1B428  }
0x2be: {  	[tilespmem:s13], [sflag:$0x3] =	stream.strided.gather @!p6 [hbm4b:s3+s9], $0x1000, s11, s9, $0x38;
	[tilespmem:$0x1E428] =	vst v63  }
0x2bf: {  	s3 =	simm.s32 @!p5 $0x2  }
0x2c0: {  	_ =	swait.ge @!p5 [sflag:s3], $0x1000  }
0x2c1: {  	[sflag:s3] =	ssyncset.done @!p5 $0x0  }
0x2c2: {  	s9 =	simm.s32 @!p5 $0x1000;
	s11 =	simm.s32 @!p5 $0x15428;
	[sflag:s3] =	ssyncadd.s32 @!p5 $0xFFFFF000  }
0x2c3: {  	[tilespmem:s11], [sflag:$0x4] =	stream.indirect.gather @!p5 [spmem:s7], $0x1, s18, s9, $0xb8;
	[tilespmem:$0x1E428] =	vst v63  }
0x2c4: {  	_ =	swait.ge @!p5 [sflag:s3], $0x1000  }
0x2c5: {  	[sflag:s3] =	ssyncset.done @!p5 $0x0  }
0x2c6: {  	[sflag:s3] =	ssyncadd.s32 @!p5 $0xFFFFF000;
	s3 =	simm.s32 @!p5 $0x16428  }
0x2c7: {  	[tilespmem:s3], [sflag:$0x4] =	stream.indirect.gather @!p5 [spmem:s7], $0x1, s14, s9, $0xb8;
	[tilespmem:$0x1E428] =	vst v63  }
0x2c8: {  	s3 =	ssub.s32 @!p5 $0xFFFFFFFC, s28  }
0x2c9: {  	p6 =	sne.s32 @!p5 s12, s3  }
0x2ca: {  	p6 =	por p6, p5  }
.Ltmp19:
0x2cb: {  	s3 =	simm.s32 @!p6 $0x2;
	(pc) =	sbr.rel @p4 .LBB2_38-.Ltmp19, $4  }
0x2cc: {  	_ =	swait.ge @!p6 [sflag:s3], $0x1000  }
0x2cd: {  	s9 =	simm.s32 @!p6 $0x1B428;
	[sflag:s3] =	ssyncset.done @!p6 $0x0  }
0x2ce: {  	s11 =	simm.s32 @!p6 $0x1C428;
	[sflag:s3] =	ssyncadd.s32 @!p6 $0xFFFFF000;
	s3 =	simm.s32 @!p6 $0x1000  }
0x2cf: {  	[tilespmem:s11], [sflag:$0x4] =	stream.indirect.gather @!p6 [spmem:s7], $0x1, s9, s3, $0xb8;
	[tilespmem:$0x1E428] =	vst v63  }
0x2d0: {  	s11 =	smul.u32 $0x51F, s21;
	_ =	sdelay $0x1  }
0x2d1: {  	s12 =	sshrl.u32 s11, $0x10  }
0x2d2: {  	s3 =	smul.u32 $0xFFFFFFCE, s12;
	_ =	sdelay $0x1  }
0x2d3: {  	s3 =	sadd.s32 s21, s3  }
0x2d4: {  	s9 =	smul.u32 $0x3334, s3  }
0x2d5: {  	p6 =	sne.s32 s3, $0x0  }
.Ltmp20:
0x2d6: {  	s14 =	sshrl.u32 s9, $0x10;
	(pc) =	sbr.rel @!p6 .LBB2_31-.Ltmp20, $3  }
0x2d7: {  	s9 =	smul.u32 $0xFFFFFFFB, s14;
	_ =	sdelay $0x1  }
0x2d8: {  	s17 =	sadd.s32 s3, s9  }
0x2d9: {  	p4 =	seq.s32 s17, $0x0  }
0x2da: {  	_ =	swait.ge [sflag:s23], $0x1000  }
0x2db: {  	[sflag:s23] =	ssyncset.done $0x0  }
0x2dc: {  	[sflag:s23] =	ssyncadd.s32 $0xFFFFF000  }
0x2dd: {  	_ =	swait.ge [sflag:s23], $0x1000  }
0x2de: {  	[sflag:s23] =	ssyncset.done $0x0  }
0x2df: {  	s18 =	simm.s32 $0x0;
	[sflag:s23] =	ssyncadd.s32 $0xFFFFF000  }
0x2e0: {  	v0 =	vld [tilespmem:s18+$0x17428]  }
0x2e1: {  	v1 =	vld [tilespmem:s18+$0x19428];
	_ =	sdelay $0x3  }
0x2e2: {  	v2 =	vand.u32 $0xFFFF0000, v0  }
0x2e3: {  	v2 =	vmul.f32 v2, v1  }
0x2e4: {  	v3 =	vld [tilespmem:s18+$0x18428];
	v0 =	vshll.u32 v0, $0x10  }
0x2e5: {  	v0 =	vadd.f32 v0, v2;
	_ =	sdelay $0x1  }
0x2e6: {  	v0 =	vmul.f32 $1.442695020e+00, v0;
	_ =	sdelay $0x1  }
0x2e7: {  	(erf) = vpow2.f32 v0;
	v0 =	vand.u32 $0xFFFF0000, v3  }
0x2e8: {  	v0 =	vmul.f32 v0, v1  }
0x2e9: {  	v1 =	vshll.u32 v3, $0x10  }
0x2ea: {  	s11 =	simm.s32 $0x10;
	v0 =	vadd.f32 v1, v0  }
0x2eb: {  	v2 =	vld [tilespmem:s11+$0x17428]  }
0x2ec: {  	v4 =	vld [tilespmem:s11+$0x19428];
	v0 =	vmul.f32 $1.442695020e+00, v0  }
0x2ed: {  	v5 =	vld [tilespmem:s11+$0x18428]  }
0x2ee: {  	(erf) = vpow2.f32 v0;
	_ =	sdelay $0x1  }
0x2ef: {  	v3 =	vld [tilespmem:s18+$0x1A428];
	v1 =	vand.u32 $0xFFFF0000, v2  }
0x2f0: {  	v1 =	vmul.f32 v1, v4  }
0x2f1: {  	v6 =	vand.u32 $0xFFFF0000, v5;
	v2 =	vshll.u32 v2, $0x10  }
0x2f2: {  	v1 =	vadd.f32 v2, v1;
	v2 =	vmul.f32 v6, v4  }
0x2f3: {  	v4 =	vshll.u32 v5, $0x10  }
0x2f4: {  	s13 =	simm.s32 $0x20;
	s21 =	simm.s32 $0xC0;
	v0 =	vmul.f32 $1.442695020e+00, v1;
	v1 =	vadd.f32 v4, v2;
	v2 =	vpsel p4, $0x0, v3;
	v3 =	vpop (erf)  }
.LBB2_35:
0x2f5: {  	p6 =	sne.s32 s21, $0x3FC0;
	v4 =	vld [tilespmem:s13+$0x17428];
	v2 =	vadd.f32 v3, v2  }
0x2f6: {  	v3 =	vld [tilespmem:s13+$0x19428];
	v1 =	vmul.f32 $1.442695020e+00, v1;
	(erf) = vpow2.f32 v0;
	v0 =	vpop (erf)  }
0x2f7: {  	v5 =	vld [tilespmem:s13+$0x18428];
	v0 =	vadd.f32 v0, v2  }
0x2f8: {  	(erf) = vpow2.f32 v1  }
0x2f9: {  	[tilespmem:s18+$0x1A428] =	vst v0;
	s18 =	smov.u32 s11;
	s11 =	smov.u32 s13  }
0x2fa: {  	v0 =	vand.u32 $0xFFFF0000, v4;
	v2 =	vld [tilespmem:s18+$0x1A428]  }
.Ltmp21:
0x2fb: {  	v0 =	vmul.f32 v0, v3;
	(pc) =	sbr.rel @p6 .LBB2_35-.Ltmp21, $4  }
0x2fc: {  	v1 =	vshll.u32 v4, $0x10;
	v4 =	vand.u32 $0xFFFF0000, v5  }
0x2fd: {  	v0 =	vadd.f32 v1, v0;
	v1 =	vmul.f32 v4, v3  }
0x2fe: {  	v4 =	vshll.u32 v5, $0x10  }
0x2ff: {  	s13 =	sshra.s32 s21, $0x2;
	s21 =	sadd.s32 $0x40, s21;
	v0 =	vmul.f32 $1.442695020e+00, v0;
	v1 =	vadd.f32 v4, v1;
	v2 =	vpsel p4, $0x0, v2;
	v3 =	vpop (erf)  }
0x300: {  	v4 =	vld [tilespmem:s13+$0x17428];
	v2 =	vadd.f32 v3, v2  }
0x301: {  	v52 =	vld [tilespmem:s13+$0x19428];
	v1 =	vmul.f32 $1.442695020e+00, v1;
	(erf) = vpow2.f32 v0;
	v53 =	vpop (erf)  }
0x302: {  	v5 =	vld [tilespmem:s13+$0x18428];
	v0 =	vadd.f32 v53, v2  }
0x303: {  	(erf) = vpow2.f32 v1  }
0x304: {  	[tilespmem:s18+$0x1A428] =	vst v0  }
0x305: {  	v54 =	vand.u32 $0xFFFF0000, v4;
	v55 =	vld [tilespmem:s11+$0x1A428]  }
0x306: {  	v0 =	vmul.f32 v54, v52  }
0x307: {  	v56 =	vshll.u32 v4, $0x10;
	v57 =	vand.u32 $0xFFFF0000, v5  }
0x308: {  	v58 =	vmul.f32 v57, v52;
	v0 =	vadd.f32 v56, v0  }
0x309: {  	v59 =	vshll.u32 v5, $0x10  }
0x30a: {  	v2 =	vadd.f32 v59, v58;
	v0 =	vmul.f32 $1.442695020e+00, v0;
	v1 =	vpsel p4, $0x0, v55;
	v60 =	vpop (erf)  }
0x30b: {  	v1 =	vadd.f32 v60, v1  }
0x30c: {  	v2 =	vmul.f32 $1.442695020e+00, v2;
	(erf) = vpow2.f32 v0;
	v61 =	vpop (erf)  }
0x30d: {  	v0 =	vadd.f32 v61, v1  }
0x30e: {  	(erf) = vpow2.f32 v2  }
0x30f: {  	[tilespmem:s11+$0x1A428] =	vst v0  }
0x310: {  	v0 =	vld [tilespmem:s13+$0x1A428];
	_ =	sdelay $0x4  }
0x311: {  	v0 =	vpsel p4, $0x0, v0;
	v62 =	vpop (erf)  }
.Ltmp22:
0x312: {  	v0 =	vadd.f32 v62, v0;
	(pc) =	sbr.rel .LBB2_37-.Ltmp22, $3  }
0x313: {  	v63 =	vpop (erf)  }
0x314: {  	v0 =	vadd.f32 v63, v0;
	_ =	sdelay $0x1  }
0x315: {  	[tilespmem:s13+$0x1A428] =	vst v0  }
.LBB2_31:
0x316: {  	s3 =	sshrl.u32 s11, $0x4;
	s9 =	sshll.u32 s12, $0x7  }
0x317: {  	s3 =	sand.u32 $0x7FF8000, s3;
	s9 =	sand.u32 $0x380, s9  }
0x318: {  	s3 =	sor.u32 s3, s9  }
0x319: {  	s25 =	rddreg [dreg:$0x3];
	s18 =	sshrl.u32 s3, $0x3  }
0x31a: {  	s3 =	sadd.s32 s25, s18  }
0x31b: {  	[tilespmem:s30], [sflag:$0x7] =	stream.strided.gather [hbm4b:s3+s19], $0x1000, s20, s19, $0x38;
	[tilespmem:$0x1E428] =	vst v63  }
0x31c: {  	_ =	swait.ge [sflag:s31], $0x1000  }
0x31d: {  	[sflag:s31] =	ssyncset.done $0x0  }
0x31e: {  	[sflag:s31] =	ssyncadd.s32 $0xFFFFF000  }
0x31f: {  	_ =	swait.ge [sflag:s23], $0x1000  }
0x320: {  	[sflag:s23] =	ssyncset.done $0x0  }
0x321: {  	[sflag:s23] =	ssyncadd.s32 $0xFFFFF000  }
0x322: {  	_ =	swait.ge [sflag:s23], $0x1000  }
0x323: {  	[sflag:s23] =	ssyncset.done $0x0  }
0x324: {  	[sflag:s23] =	ssyncadd.s32 $0xFFFFF000  }
0x325: {  	_ =	swait.ge [sflag:s23], $0x1000  }
0x326: {  	[sflag:s23] =	ssyncset.done $0x0  }
0x327: {  	s11 =	simm.s32 $0x0;
	[sflag:s23] =	ssyncadd.s32 $0xFFFFF000  }
0x328: {  	v0 =	vld [tilespmem:s11+$0x17428]  }
0x329: {  	v1 =	vld [tilespmem:s11+$0x19428]  }
0x32a: {  	v2 =	vld [tilespmem:s11+$0x18428];
	_ =	sdelay $0x1  }
0x32b: {  	v3 =	vld [tilespmem:s11+$0x1C428]  }
0x32c: {  	v4 =	vand.u32 $0xFFFF0000, v0  }
0x32d: {  	v4 =	vmul.f32 v4, v1  }
0x32e: {  	v0 =	vshll.u32 v0, $0x10;
	v5 =	vand.u32 $0xFFFF0000, v2  }
0x32f: {  	v0 =	vadd.f32 v0, v4;
	v4 =	vmul.f32 v5, v1  }
0x330: {  	v2 =	vshll.u32 v2, $0x10;
	v5 =	vand.u32 $0xFFFF0000, v3  }
0x331: {  	v1 =	vmul.f32 v5, v1;
	v0 =	vmul.f32 $1.442695020e+00, v0;
	v2 =	vadd.f32 v2, v4  }
0x332: {  	v3 =	vshll.u32 v3, $0x10  }
0x333: {  	s21 =	simm.s32 $0x10;
	v1 =	vadd.f32 v3, v1;
	v2 =	vmul.f32 $1.442695020e+00, v2;
	(erf) = vpow2.f32 v0  }
0x334: {  	v0 =	vld [tilespmem:s21+$0x17428]  }
0x335: {  	v3 =	vld [tilespmem:s21+$0x19428];
	[tilespmem:s11+$0x1D428] =	vst v1;
	v1 =	vmul.f32 $1.442695020e+00, v1;
	(erf) = vpow2.f32 v2  }
0x336: {  	v2 =	vld [tilespmem:s21+$0x18428]  }
0x337: {  	v4 =	vld [tilespmem:s11+$0x1A428];
	(erf) = vpow2.f32 v1  }
0x338: {  	v1 =	vld [tilespmem:s21+$0x1C428]  }
0x339: {  	v5 =	vand.u32 $0xFFFF0000, v0  }
0x33a: {  	v5 =	vmul.f32 v5, v3  }
0x33b: {  	v0 =	vshll.u32 v0, $0x10;
	v6 =	vand.u32 $0xFFFF0000, v2  }
0x33c: {  	v4 =	vpsel p4, $0x0, v4;
	v0 =	vadd.f32 v0, v5;
	v5 =	vmul.f32 v6, v3;
	v62 =	vpop (erf)  }
0x33d: {  	v2 =	vshll.u32 v2, $0x10;
	v7 =	vand.u32 $0xFFFF0000, v1;
	v4 =	vadd.f32 v62, v4  }
0x33e: {  	v63 =	vmul.f32 $1.442695020e+00, v0;
	v0 =	vadd.f32 v2, v5;
	v2 =	vmul.f32 v7, v3;
	v3 =	vpop (erf)  }
0x33f: {  	v5 =	vshll.u32 v1, $0x10;
	v1 =	vadd.f32 v3, v4  }
0x340: {  	s13 =	simm.s32 $0x20;
	s25 =	simm.s32 $0xC0;
	v0 =	vmul.f32 $1.442695020e+00, v0;
	v2 =	vadd.f32 v5, v2;
	(erf) = vpow2.f32 v63;
	v3 =	vpop (erf)  }
.LBB2_32:
0x341: {  	p6 =	sne.s32 s25, $0x3FC0;
	v4 =	vld [tilespmem:s13+$0x17428];
	v1 =	vadd.f32 v3, v1  }
0x342: {  	v3 =	vld [tilespmem:s13+$0x19428];
	[tilespmem:s21+$0x1D428] =	vst v2;
	v2 =	vmul.f32 $1.442695020e+00, v2;
	(erf) = vpow2.f32 v0  }
0x343: {  	v0 =	vld [tilespmem:s13+$0x18428];
	[tilespmem:s11+$0x1A428] =	vst v1;
	s11 =	smov.u32 s21;
	s21 =	smov.u32 s13  }
0x344: {  	v1 =	vld [tilespmem:s11+$0x1A428];
	(erf) = vpow2.f32 v2  }
0x345: {  	v2 =	vld [tilespmem:s21+$0x1C428]  }
0x346: {  	v5 =	vand.u32 $0xFFFF0000, v4  }
0x347: {  	v5 =	vmul.f32 v5, v3  }
0x348: {  	v4 =	vshll.u32 v4, $0x10;
	v7 =	vand.u32 $0xFFFF0000, v0  }
.Ltmp23:
0x349: {  	v4 =	vadd.f32 v4, v5;
	v8 =	vmul.f32 v7, v3;
	v1 =	vpsel p4, $0x0, v1;
	v6 =	vpop (erf);
	(pc) =	sbr.rel @p6 .LBB2_32-.Ltmp23, $4  }
0x34a: {  	v0 =	vshll.u32 v0, $0x10;
	v7 =	vand.u32 $0xFFFF0000, v2;
	v1 =	vadd.f32 v6, v1  }
0x34b: {  	v4 =	vmul.f32 $1.442695020e+00, v4;
	v0 =	vadd.f32 v0, v8;
	v6 =	vmul.f32 v7, v3;
	v5 =	vpop (erf)  }
0x34c: {  	v2 =	vshll.u32 v2, $0x10;
	v1 =	vadd.f32 v5, v1  }
0x34d: {  	s13 =	sshra.s32 s25, $0x2;
	s25 =	sadd.s32 $0x40, s25;
	v0 =	vmul.f32 $1.442695020e+00, v0;
	v2 =	vadd.f32 v2, v6;
	(erf) = vpow2.f32 v4;
	v3 =	vpop (erf)  }
0x34e: {  	v4 =	vld [tilespmem:s13+$0x17428];
	v1 =	vadd.f32 v3, v1  }
0x34f: {  	v5 =	vld [tilespmem:s13+$0x19428];
	[tilespmem:s21+$0x1D428] =	vst v2;
	v51 =	vmul.f32 $1.442695020e+00, v2;
	(erf) = vpow2.f32 v0  }
0x350: {  	v52 =	vld [tilespmem:s13+$0x18428];
	[tilespmem:s11+$0x1A428] =	vst v1  }
0x351: {  	v1 =	vld [tilespmem:s21+$0x1A428];
	(erf) = vpow2.f32 v51  }
0x352: {  	v53 =	vld [tilespmem:s13+$0x1C428]  }
0x353: {  	v54 =	vand.u32 $0xFFFF0000, v4  }
0x354: {  	v3 =	vmul.f32 v54, v5  }
0x355: {  	v4 =	vshll.u32 v4, $0x10;
	v6 =	vand.u32 $0xFFFF0000, v52  }
0x356: {  	v3 =	vadd.f32 v4, v3;
	v55 =	vmul.f32 v6, v5;
	v1 =	vpsel p4, $0x0, v1;
	v56 =	vpop (erf)  }
0x357: {  	v0 =	vshll.u32 v52, $0x10;
	v7 =	vand.u32 $0xFFFF0000, v53;
	v1 =	vadd.f32 v56, v1  }
0x358: {  	v57 =	vmul.f32 v7, v5;
	v3 =	vmul.f32 $1.442695020e+00, v3;
	v0 =	vadd.f32 v0, v55;
	v58 =	vpop (erf)  }
0x359: {  	v2 =	vshll.u32 v53, $0x10;
	v1 =	vadd.f32 v58, v1  }
0x35a: {  	v2 =	vadd.f32 v2, v57;
	v0 =	vmul.f32 $1.442695020e+00, v0;
	(erf) = vpow2.f32 v3;
	v59 =	vpop (erf)  }
0x35b: {  	v1 =	vadd.f32 v59, v1  }
0x35c: {  	[tilespmem:s13+$0x1D428] =	vst v2;
	v2 =	vmul.f32 $1.442695020e+00, v2;
	(erf) = vpow2.f32 v0  }
0x35d: {  	[tilespmem:s21+$0x1A428] =	vst v1  }
0x35e: {  	(erf) = vpow2.f32 v2;
	v60 =	vld [tilespmem:s13+$0x1A428];
	_ =	sdelay $0x4  }
0x35f: {  	v0 =	vpsel p4, $0x0, v60;
	v61 =	vpop (erf)  }
0x360: {  	v0 =	vadd.f32 v61, v0  }
0x361: {  	v62 =	vpop (erf)  }
0x362: {  	v0 =	vadd.f32 v62, v0  }
0x363: {  	v63 =	vpop (erf)  }
0x364: {  	v0 =	vadd.f32 v63, v0;
	_ =	sdelay $0x1  }
0x365: {  	s3 =	sadd.s32 s6, s18;
	[tilespmem:s13+$0x1A428] =	vst v0  }
0x366: {  	[hbm4b:s3+s19] =	stream.strided.scatter [tilespmem:s0], [sflag:$0x7], $0x1000, s20, s19, $0x38;
	[tilespmem:$0x1E428] =	vst v63  }
0x367: {  	_ =	swait.ge [sflag:s31], $0x1000  }
0x368: {  	[sflag:s31] =	ssyncset.done $0x0  }
0x369: {  	[sflag:s31] =	ssyncadd.s32 $0xFFFFF000  }
.LBB2_37:
0x36a: {  	p4 =	sne.s32 s17, $0x4  }
0x36b: {  	s3 =	smul.u32 @!p4 $0x32, s14;
	_ =	sdelay $0x1  }
0x36c: {  	s3 =	sadd.s32 @!p4 s12, s3  }
0x36d: {  	s3 =	sshll.u32 @!p4 s3, $0x9  }
0x36e: {  	s3 =	sand.u32 @!p4 $0x1FFFFE00, s3  }
0x36f: {  	s9 =	simm.s32 @!p4 $0x0;
	s11 =	simm.s32 @!p4 $0x1A428;
	s3 =	sadd.s32 @!p4 s4, s3  }
0x370: {  	[hbm4b:s3+s9] =	stream.linear.scatter @!p4 [tilespmem:s11], [sflag:$0x7], $0x1000, $0x38;
	[tilespmem:$0x1E428] =	vst v63  }
0x371: {  	s3 =	simm.s32 @!p4 $0x7  }
0x372: {  	_ =	swait.ge @!p4 [sflag:s3], $0x1000  }
0x373: {  	[sflag:s3] =	ssyncset.done @!p4 $0x0  }
0x374: {  	[sflag:s3] =	ssyncadd.s32 @!p4 $0xFFFFF000  }
.LBB2_38:
0x375: {  	s3 =	sadd.s32 $0x6, s28  }
0x376: {  	p4 =	sge.u32 s3, s10  }
0x377: {  	s9 =	smul.u32 @!p4 $0x51F, s3;
	_ =	sdelay $0x1  }
0x378: {  	s11 =	sshrl.u32 @!p4 s9, $0x10  }
0x379: {  	s12 =	smul.u32 @!p4 $0xFFFFFFCE, s11;
	_ =	sdelay $0x1  }
0x37a: {  	s18 =	simm.s32 @!p4 $0x80;
	s21 =	simm.s32 @!p4 $0x400;
	s3 =	sadd.s32 @!p4 s3, s12  }
0x37b: {  	s13 =	smul.u32 @!p4 $0x68000, s11;
	s14 =	sshll.u32 @!p4 s3, $0xD;
	p6 =	sne.s32 @!p4 s3, $0x0  }
0x37c: {  	s17 =	sshll.u32 @!p4 s3, $0x8;
	s14 =	sand.u32 @!p4 $0xFFFF8000, s14;
	p6 =	por p6, p4  }
0x37d: {  	s13 =	sadd.s32 @!p4 s13, s14;
	s14 =	sand.u32 @!p4 $0x300, s17;
	s17 =	simm.s32 @!p4 $0xF428  }
0x37e: {  	s3 =	sshrl.u32 @!p6 s9, $0x4;
	s9 =	sshll.u32 @!p6 s11, $0x7;
	s13 =	sor.u32 @!p4 s14, s13  }
0x37f: {  	s3 =	sand.u32 @!p6 $0x7FF8000, s3;
	s9 =	sand.u32 @!p6 $0x380, s9;
	s13 =	sshrl.u32 @!p4 s13, $0x3  }
0x380: {  	s11 =	simm.s32 @!p6 $0x400;
	s3 =	sor.u32 @!p6 s3, s9;
	s13 =	sadd.s32 @!p4 s1, s13  }
0x381: {  	[tilespmem:s17], [sflag:$0x1] =	stream.strided.gather @!p4 [hbm4b:s13+s18], $0x1000, s21, s18, $0x38;
	[tilespmem:$0x1E428] =	vst v63  }
0x382: {  	s14 =	simm.s32 @!p4 $0x10428;
	s3 =	sshrl.u32 @!p6 s3, $0x3;
	s13 =	sadd.s32 @!p4 $0x10, s13  }
0x383: {  	[tilespmem:s14], [sflag:$0x1] =	stream.strided.gather @!p4 [hbm4b:s13+s18], $0x1000, s21, s18, $0x38;
	[tilespmem:$0x1E428] =	vst v63  }
0x384: {  	s9 =	simm.s32 @!p6 $0x80;
	s3 =	sadd.s32 @!p6 s2, s3;
	s13 =	simm.s32 @!p6 $0x1B428  }
0x385: {  	[tilespmem:s13], [sflag:$0x1] =	stream.strided.gather @!p6 [hbm4b:s3+s9], $0x1000, s11, s9, $0x38;
	[tilespmem:$0x1E428] =	vst v63  }
0x386: {  	s3 =	simm.s32 @!p3 $0x3  }
0x387: {  	_ =	swait.ge @!p3 [sflag:s3], $0x1000  }
0x388: {  	[sflag:s3] =	ssyncset.done @!p3 $0x0  }
0x389: {  	s9 =	simm.s32 @!p3 $0x1000;
	s11 =	simm.s32 @!p3 $0x17428;
	[sflag:s3] =	ssyncadd.s32 @!p3 $0xFFFFF000  }
0x38a: {  	[tilespmem:s11], [sflag:$0x5] =	stream.indirect.gather @!p3 [spmem:s7], $0x1, s16, s9, $0xb8;
	[tilespmem:$0x1E428] =	vst v63  }
0x38b: {  	_ =	swait.ge @!p3 [sflag:s3], $0x1000  }
0x38c: {  	[sflag:s3] =	ssyncset.done @!p3 $0x0  }
0x38d: {  	[sflag:s3] =	ssyncadd.s32 @!p3 $0xFFFFF000;
	s3 =	simm.s32 @!p3 $0x18428  }
0x38e: {  	[tilespmem:s3], [sflag:$0x5] =	stream.indirect.gather @!p3 [spmem:s7], $0x1, s15, s9, $0xb8;
	[tilespmem:$0x1E428] =	vst v63  }
0x38f: {  	s3 =	ssub.s32 @!p3 $0xFFFFFFFB, s28  }
0x390: {  	p6 =	sne.s32 @!p3 s26, s3  }
0x391: {  	p6 =	por p6, p3  }
.Ltmp24:
0x392: {  	s3 =	simm.s32 @!p6 $0x3;
	(pc) =	sbr.rel @p5 .LBB2_47-.Ltmp24, $4  }
0x393: {  	_ =	swait.ge @!p6 [sflag:s3], $0x1000  }
0x394: {  	s9 =	simm.s32 @!p6 $0x1B428;
	[sflag:s3] =	ssyncset.done @!p6 $0x0  }
0x395: {  	s11 =	simm.s32 @!p6 $0x1C428;
	[sflag:s3] =	ssyncadd.s32 @!p6 $0xFFFFF000;
	s3 =	simm.s32 @!p6 $0x1000  }
0x396: {  	[tilespmem:s11], [sflag:$0x5] =	stream.indirect.gather @!p6 [spmem:s7], $0x1, s9, s3, $0xb8;
	[tilespmem:$0x1E428] =	vst v63  }
0x397: {  	s11 =	smul.u32 $0x51F, s22;
	_ =	sdelay $0x1  }
0x398: {  	s15 =	sshrl.u32 s11, $0x10  }
0x399: {  	s3 =	smul.u32 $0xFFFFFFCE, s15;
	_ =	sdelay $0x1  }
0x39a: {  	s3 =	sadd.s32 s22, s3  }
0x39b: {  	s9 =	smul.u32 $0x3334, s3  }
0x39c: {  	p6 =	sne.s32 s3, $0x0  }
.Ltmp25:
0x39d: {  	s16 =	sshrl.u32 s9, $0x10;
	(pc) =	sbr.rel @!p6 .LBB2_40-.Ltmp25, $3  }
0x39e: {  	s9 =	smul.u32 $0xFFFFFFFB, s16;
	_ =	sdelay $0x1  }
0x39f: {  	s18 =	sadd.s32 s3, s9  }
0x3a0: {  	p5 =	seq.s32 s18, $0x0  }
0x3a1: {  	_ =	swait.ge [sflag:s5], $0x1000  }
0x3a2: {  	[sflag:s5] =	ssyncset.done $0x0  }
0x3a3: {  	[sflag:s5] =	ssyncadd.s32 $0xFFFFF000  }
0x3a4: {  	_ =	swait.ge [sflag:s5], $0x1000  }
0x3a5: {  	[sflag:s5] =	ssyncset.done $0x0  }
0x3a6: {  	s21 =	simm.s32 $0x0;
	[sflag:s5] =	ssyncadd.s32 $0xFFFFF000  }
0x3a7: {  	v0 =	vld [tilespmem:s21+$0x15428]  }
0x3a8: {  	v1 =	vld [tilespmem:s21+$0x19428];
	_ =	sdelay $0x3  }
0x3a9: {  	v2 =	vand.u32 $0xFFFF0000, v0  }
0x3aa: {  	v2 =	vmul.f32 v2, v1  }
0x3ab: {  	v3 =	vld [tilespmem:s21+$0x16428];
	v0 =	vshll.u32 v0, $0x10  }
0x3ac: {  	v0 =	vadd.f32 v0, v2;
	_ =	sdelay $0x1  }
0x3ad: {  	v0 =	vmul.f32 $1.442695020e+00, v0;
	_ =	sdelay $0x1  }
0x3ae: {  	(erf) = vpow2.f32 v0;
	v0 =	vand.u32 $0xFFFF0000, v3  }
0x3af: {  	v0 =	vmul.f32 v0, v1  }
0x3b0: {  	v1 =	vshll.u32 v3, $0x10  }
0x3b1: {  	s11 =	simm.s32 $0x10;
	v0 =	vadd.f32 v1, v0  }
0x3b2: {  	v2 =	vld [tilespmem:s11+$0x15428]  }
0x3b3: {  	v4 =	vld [tilespmem:s11+$0x19428];
	v0 =	vmul.f32 $1.442695020e+00, v0  }
0x3b4: {  	v5 =	vld [tilespmem:s11+$0x16428]  }
0x3b5: {  	(erf) = vpow2.f32 v0;
	_ =	sdelay $0x1  }
0x3b6: {  	v3 =	vld [tilespmem:s21+$0x1A428];
	v1 =	vand.u32 $0xFFFF0000, v2  }
0x3b7: {  	v1 =	vmul.f32 v1, v4  }
0x3b8: {  	v6 =	vand.u32 $0xFFFF0000, v5;
	v2 =	vshll.u32 v2, $0x10  }
0x3b9: {  	v1 =	vadd.f32 v2, v1;
	v2 =	vmul.f32 v6, v4  }
0x3ba: {  	v4 =	vshll.u32 v5, $0x10  }
0x3bb: {  	s13 =	simm.s32 $0x20;
	s22 =	simm.s32 $0xC0;
	v0 =	vmul.f32 $1.442695020e+00, v1;
	v1 =	vadd.f32 v4, v2;
	v2 =	vpsel p5, $0x0, v3;
	v3 =	vpop (erf)  }
.LBB2_44:
0x3bc: {  	p6 =	sne.s32 s22, $0x3FC0;
	v4 =	vld [tilespmem:s13+$0x15428];
	v2 =	vadd.f32 v3, v2  }
0x3bd: {  	v3 =	vld [tilespmem:s13+$0x19428];
	v1 =	vmul.f32 $1.442695020e+00, v1;
	(erf) = vpow2.f32 v0;
	v0 =	vpop (erf)  }
0x3be: {  	v5 =	vld [tilespmem:s13+$0x16428];
	v0 =	vadd.f32 v0, v2  }
0x3bf: {  	(erf) = vpow2.f32 v1  }
0x3c0: {  	[tilespmem:s21+$0x1A428] =	vst v0;
	s21 =	smov.u32 s11;
	s11 =	smov.u32 s13  }
0x3c1: {  	v0 =	vand.u32 $0xFFFF0000, v4;
	v2 =	vld [tilespmem:s21+$0x1A428]  }
.Ltmp26:
0x3c2: {  	v0 =	vmul.f32 v0, v3;
	(pc) =	sbr.rel @p6 .LBB2_44-.Ltmp26, $4  }
0x3c3: {  	v1 =	vshll.u32 v4, $0x10;
	v4 =	vand.u32 $0xFFFF0000, v5  }
0x3c4: {  	v0 =	vadd.f32 v1, v0;
	v1 =	vmul.f32 v4, v3  }
0x3c5: {  	v4 =	vshll.u32 v5, $0x10  }
0x3c6: {  	s13 =	sshra.s32 s22, $0x2;
	s22 =	sadd.s32 $0x40, s22;
	v0 =	vmul.f32 $1.442695020e+00, v0;
	v1 =	vadd.f32 v4, v1;
	v2 =	vpsel p5, $0x0, v2;
	v3 =	vpop (erf)  }
0x3c7: {  	v4 =	vld [tilespmem:s13+$0x15428];
	v2 =	vadd.f32 v3, v2  }
0x3c8: {  	v52 =	vld [tilespmem:s13+$0x19428];
	v1 =	vmul.f32 $1.442695020e+00, v1;
	(erf) = vpow2.f32 v0;
	v53 =	vpop (erf)  }
0x3c9: {  	v5 =	vld [tilespmem:s13+$0x16428];
	v0 =	vadd.f32 v53, v2  }
0x3ca: {  	(erf) = vpow2.f32 v1  }
0x3cb: {  	[tilespmem:s21+$0x1A428] =	vst v0  }
0x3cc: {  	v54 =	vand.u32 $0xFFFF0000, v4;
	v55 =	vld [tilespmem:s11+$0x1A428]  }
0x3cd: {  	v0 =	vmul.f32 v54, v52  }
0x3ce: {  	v56 =	vshll.u32 v4, $0x10;
	v57 =	vand.u32 $0xFFFF0000, v5  }
0x3cf: {  	v58 =	vmul.f32 v57, v52;
	v0 =	vadd.f32 v56, v0  }
0x3d0: {  	v59 =	vshll.u32 v5, $0x10  }
0x3d1: {  	v2 =	vadd.f32 v59, v58;
	v0 =	vmul.f32 $1.442695020e+00, v0;
	v1 =	vpsel p5, $0x0, v55;
	v60 =	vpop (erf)  }
0x3d2: {  	v1 =	vadd.f32 v60, v1  }
0x3d3: {  	v2 =	vmul.f32 $1.442695020e+00, v2;
	(erf) = vpow2.f32 v0;
	v61 =	vpop (erf)  }
0x3d4: {  	v0 =	vadd.f32 v61, v1  }
0x3d5: {  	(erf) = vpow2.f32 v2  }
0x3d6: {  	[tilespmem:s11+$0x1A428] =	vst v0  }
0x3d7: {  	v0 =	vld [tilespmem:s13+$0x1A428];
	_ =	sdelay $0x4  }
0x3d8: {  	v0 =	vpsel p5, $0x0, v0;
	v62 =	vpop (erf)  }
.Ltmp27:
0x3d9: {  	v0 =	vadd.f32 v62, v0;
	(pc) =	sbr.rel .LBB2_46-.Ltmp27, $3  }
0x3da: {  	v63 =	vpop (erf)  }
0x3db: {  	v0 =	vadd.f32 v63, v0;
	_ =	sdelay $0x1  }
0x3dc: {  	[tilespmem:s13+$0x1A428] =	vst v0  }
.LBB2_40:
0x3dd: {  	s3 =	sshrl.u32 s11, $0x4;
	s9 =	sshll.u32 s15, $0x7  }
0x3de: {  	s3 =	sand.u32 $0x7FF8000, s3;
	s9 =	sand.u32 $0x380, s9  }
0x3df: {  	s3 =	sor.u32 s3, s9  }
0x3e0: {  	s26 =	rddreg [dreg:$0x3];
	s21 =	sshrl.u32 s3, $0x3  }
0x3e1: {  	s3 =	sadd.s32 s26, s21  }
0x3e2: {  	[tilespmem:s30], [sflag:$0x7] =	stream.strided.gather [hbm4b:s3+s19], $0x1000, s20, s19, $0x38;
	[tilespmem:$0x1E428] =	vst v63  }
0x3e3: {  	_ =	swait.ge [sflag:s31], $0x1000  }
0x3e4: {  	[sflag:s31] =	ssyncset.done $0x0  }
0x3e5: {  	[sflag:s31] =	ssyncadd.s32 $0xFFFFF000  }
0x3e6: {  	_ =	swait.ge [sflag:s5], $0x1000  }
0x3e7: {  	[sflag:s5] =	ssyncset.done $0x0  }
0x3e8: {  	[sflag:s5] =	ssyncadd.s32 $0xFFFFF000  }
0x3e9: {  	_ =	swait.ge [sflag:s5], $0x1000  }
0x3ea: {  	[sflag:s5] =	ssyncset.done $0x0  }
0x3eb: {  	[sflag:s5] =	ssyncadd.s32 $0xFFFFF000  }
0x3ec: {  	_ =	swait.ge [sflag:s5], $0x1000  }
0x3ed: {  	[sflag:s5] =	ssyncset.done $0x0  }
0x3ee: {  	s11 =	simm.s32 $0x0;
	[sflag:s5] =	ssyncadd.s32 $0xFFFFF000  }
0x3ef: {  	v0 =	vld [tilespmem:s11+$0x15428]  }
0x3f0: {  	v1 =	vld [tilespmem:s11+$0x19428]  }
0x3f1: {  	v2 =	vld [tilespmem:s11+$0x16428];
	_ =	sdelay $0x1  }
0x3f2: {  	v3 =	vld [tilespmem:s11+$0x1C428]  }
0x3f3: {  	v4 =	vand.u32 $0xFFFF0000, v0  }
0x3f4: {  	v4 =	vmul.f32 v4, v1  }
0x3f5: {  	v0 =	vshll.u32 v0, $0x10;
	v5 =	vand.u32 $0xFFFF0000, v2  }
0x3f6: {  	v0 =	vadd.f32 v0, v4;
	v4 =	vmul.f32 v5, v1  }
0x3f7: {  	v2 =	vshll.u32 v2, $0x10;
	v5 =	vand.u32 $0xFFFF0000, v3  }
0x3f8: {  	v1 =	vmul.f32 v5, v1;
	v0 =	vmul.f32 $1.442695020e+00, v0;
	v2 =	vadd.f32 v2, v4  }
0x3f9: {  	v3 =	vshll.u32 v3, $0x10  }
0x3fa: {  	s22 =	simm.s32 $0x10;
	v1 =	vadd.f32 v3, v1;
	v2 =	vmul.f32 $1.442695020e+00, v2;
	(erf) = vpow2.f32 v0  }
0x3fb: {  	v0 =	vld [tilespmem:s22+$0x15428]  }
0x3fc: {  	v3 =	vld [tilespmem:s22+$0x19428];
	[tilespmem:s11+$0x1D428] =	vst v1;
	v1 =	vmul.f32 $1.442695020e+00, v1;
	(erf) = vpow2.f32 v2  }
0x3fd: {  	v2 =	vld [tilespmem:s22+$0x16428]  }
0x3fe: {  	v4 =	vld [tilespmem:s11+$0x1A428];
	(erf) = vpow2.f32 v1  }
0x3ff: {  	v1 =	vld [tilespmem:s22+$0x1C428]  }
0x400: {  	v5 =	vand.u32 $0xFFFF0000, v0  }
0x401: {  	v5 =	vmul.f32 v5, v3  }
0x402: {  	v0 =	vshll.u32 v0, $0x10;
	v6 =	vand.u32 $0xFFFF0000, v2  }
0x403: {  	v4 =	vpsel p5, $0x0, v4;
	v0 =	vadd.f32 v0, v5;
	v5 =	vmul.f32 v6, v3;
	v62 =	vpop (erf)  }
0x404: {  	v2 =	vshll.u32 v2, $0x10;
	v7 =	vand.u32 $0xFFFF0000, v1;
	v4 =	vadd.f32 v62, v4  }
0x405: {  	v63 =	vmul.f32 $1.442695020e+00, v0;
	v0 =	vadd.f32 v2, v5;
	v2 =	vmul.f32 v7, v3;
	v3 =	vpop (erf)  }
0x406: {  	v5 =	vshll.u32 v1, $0x10;
	v1 =	vadd.f32 v3, v4  }
0x407: {  	s13 =	simm.s32 $0x20;
	s25 =	simm.s32 $0xC0;
	v0 =	vmul.f32 $1.442695020e+00, v0;
	v2 =	vadd.f32 v5, v2;
	(erf) = vpow2.f32 v63;
	v3 =	vpop (erf)  }
.LBB2_41:
0x408: {  	p6 =	sne.s32 s25, $0x3FC0;
	v4 =	vld [tilespmem:s13+$0x15428];
	v1 =	vadd.f32 v3, v1  }
0x409: {  	v3 =	vld [tilespmem:s13+$0x19428];
	[tilespmem:s22+$0x1D428] =	vst v2;
	v2 =	vmul.f32 $1.442695020e+00, v2;
	(erf) = vpow2.f32 v0  }
0x40a: {  	v0 =	vld [tilespmem:s13+$0x16428];
	[tilespmem:s11+$0x1A428] =	vst v1;
	s11 =	smov.u32 s22;
	s22 =	smov.u32 s13  }
0x40b: {  	v1 =	vld [tilespmem:s11+$0x1A428];
	(erf) = vpow2.f32 v2  }
0x40c: {  	v2 =	vld [tilespmem:s22+$0x1C428]  }
0x40d: {  	v5 =	vand.u32 $0xFFFF0000, v4  }
0x40e: {  	v5 =	vmul.f32 v5, v3  }
0x40f: {  	v4 =	vshll.u32 v4, $0x10;
	v7 =	vand.u32 $0xFFFF0000, v0  }
.Ltmp28:
0x410: {  	v4 =	vadd.f32 v4, v5;
	v8 =	vmul.f32 v7, v3;
	v1 =	vpsel p5, $0x0, v1;
	v6 =	vpop (erf);
	(pc) =	sbr.rel @p6 .LBB2_41-.Ltmp28, $4  }
0x411: {  	v0 =	vshll.u32 v0, $0x10;
	v7 =	vand.u32 $0xFFFF0000, v2;
	v1 =	vadd.f32 v6, v1  }
0x412: {  	v4 =	vmul.f32 $1.442695020e+00, v4;
	v0 =	vadd.f32 v0, v8;
	v6 =	vmul.f32 v7, v3;
	v5 =	vpop (erf)  }
0x413: {  	v2 =	vshll.u32 v2, $0x10;
	v1 =	vadd.f32 v5, v1  }
0x414: {  	s13 =	sshra.s32 s25, $0x2;
	s25 =	sadd.s32 $0x40, s25;
	v0 =	vmul.f32 $1.442695020e+00, v0;
	v2 =	vadd.f32 v2, v6;
	(erf) = vpow2.f32 v4;
	v3 =	vpop (erf)  }
0x415: {  	v4 =	vld [tilespmem:s13+$0x15428];
	v1 =	vadd.f32 v3, v1  }
0x416: {  	v5 =	vld [tilespmem:s13+$0x19428];
	[tilespmem:s22+$0x1D428] =	vst v2;
	v51 =	vmul.f32 $1.442695020e+00, v2;
	(erf) = vpow2.f32 v0  }
0x417: {  	v52 =	vld [tilespmem:s13+$0x16428];
	[tilespmem:s11+$0x1A428] =	vst v1  }
0x418: {  	v1 =	vld [tilespmem:s22+$0x1A428];
	(erf) = vpow2.f32 v51  }
0x419: {  	v53 =	vld [tilespmem:s13+$0x1C428]  }
0x41a: {  	v54 =	vand.u32 $0xFFFF0000, v4  }
0x41b: {  	v3 =	vmul.f32 v54, v5  }
0x41c: {  	v4 =	vshll.u32 v4, $0x10;
	v6 =	vand.u32 $0xFFFF0000, v52  }
0x41d: {  	v3 =	vadd.f32 v4, v3;
	v55 =	vmul.f32 v6, v5;
	v1 =	vpsel p5, $0x0, v1;
	v56 =	vpop (erf)  }
0x41e: {  	v0 =	vshll.u32 v52, $0x10;
	v7 =	vand.u32 $0xFFFF0000, v53;
	v1 =	vadd.f32 v56, v1  }
0x41f: {  	v57 =	vmul.f32 v7, v5;
	v3 =	vmul.f32 $1.442695020e+00, v3;
	v0 =	vadd.f32 v0, v55;
	v58 =	vpop (erf)  }
0x420: {  	v2 =	vshll.u32 v53, $0x10;
	v1 =	vadd.f32 v58, v1  }
0x421: {  	v2 =	vadd.f32 v2, v57;
	v0 =	vmul.f32 $1.442695020e+00, v0;
	(erf) = vpow2.f32 v3;
	v59 =	vpop (erf)  }
0x422: {  	v1 =	vadd.f32 v59, v1  }
0x423: {  	[tilespmem:s13+$0x1D428] =	vst v2;
	v2 =	vmul.f32 $1.442695020e+00, v2;
	(erf) = vpow2.f32 v0  }
0x424: {  	[tilespmem:s22+$0x1A428] =	vst v1  }
0x425: {  	(erf) = vpow2.f32 v2;
	v60 =	vld [tilespmem:s13+$0x1A428];
	_ =	sdelay $0x4  }
0x426: {  	v0 =	vpsel p5, $0x0, v60;
	v61 =	vpop (erf)  }
0x427: {  	v0 =	vadd.f32 v61, v0  }
0x428: {  	v62 =	vpop (erf)  }
0x429: {  	v0 =	vadd.f32 v62, v0  }
0x42a: {  	v63 =	vpop (erf)  }
0x42b: {  	v0 =	vadd.f32 v63, v0;
	_ =	sdelay $0x1  }
0x42c: {  	s3 =	sadd.s32 s6, s21;
	[tilespmem:s13+$0x1A428] =	vst v0  }
0x42d: {  	[hbm4b:s3+s19] =	stream.strided.scatter [tilespmem:s0], [sflag:$0x7], $0x1000, s20, s19, $0x38;
	[tilespmem:$0x1E428] =	vst v63  }
0x42e: {  	_ =	swait.ge [sflag:s31], $0x1000  }
0x42f: {  	[sflag:s31] =	ssyncset.done $0x0  }
0x430: {  	[sflag:s31] =	ssyncadd.s32 $0xFFFFF000  }
.LBB2_46:
0x431: {  	p5 =	sne.s32 s18, $0x4  }
0x432: {  	s3 =	smul.u32 @!p5 $0x32, s16;
	_ =	sdelay $0x1  }
0x433: {  	s3 =	sadd.s32 @!p5 s15, s3  }
0x434: {  	s3 =	sshll.u32 @!p5 s3, $0x9  }
0x435: {  	s3 =	sand.u32 @!p5 $0x1FFFFE00, s3  }
0x436: {  	s9 =	simm.s32 @!p5 $0x0;
	s11 =	simm.s32 @!p5 $0x1A428;
	s3 =	sadd.s32 @!p5 s4, s3  }
0x437: {  	[hbm4b:s3+s9] =	stream.linear.scatter @!p5 [tilespmem:s11], [sflag:$0x7], $0x1000, $0x38;
	[tilespmem:$0x1E428] =	vst v63  }
0x438: {  	s3 =	simm.s32 @!p5 $0x7  }
0x439: {  	_ =	swait.ge @!p5 [sflag:s3], $0x1000  }
0x43a: {  	[sflag:s3] =	ssyncset.done @!p5 $0x0  }
0x43b: {  	[sflag:s3] =	ssyncadd.s32 @!p5 $0xFFFFF000  }
.LBB2_47:
0x43c: {  	s3 =	sadd.s32 $0x7, s28  }
0x43d: {  	p5 =	sge.u32 s3, s10  }
0x43e: {  	s9 =	smul.u32 @!p5 $0x51F, s3;
	_ =	sdelay $0x1  }
0x43f: {  	s11 =	sshrl.u32 @!p5 s9, $0x10  }
0x440: {  	s13 =	smul.u32 @!p5 $0xFFFFFFCE, s11;
	_ =	sdelay $0x1  }
0x441: {  	s3 =	sadd.s32 @!p5 s3, s13  }
0x442: {  	s13 =	smul.u32 @!p5 $0x68000, s11;
	s15 =	sshll.u32 @!p5 s3, $0xD  }
0x443: {  	s16 =	sshll.u32 @!p5 s3, $0x8;
	s15 =	sand.u32 @!p5 $0xFFFF8000, s15  }
0x444: {  	s13 =	sadd.s32 @!p5 s13, s15;
	s15 =	sand.u32 @!p5 $0x300, s16  }
0x445: {  	s13 =	sor.u32 @!p5 s15, s13  }
0x446: {  	s18 =	simm.s32 @!p5 $0x11428;
	s13 =	sshrl.u32 @!p5 s13, $0x3  }
0x447: {  	s16 =	simm.s32 @!p5 $0x400;
	s15 =	simm.s32 @!p5 $0x80;
	s13 =	sadd.s32 @!p5 s1, s13  }
0x448: {  	[tilespmem:s18], [sflag:$0x2] =	stream.strided.gather @!p5 [hbm4b:s13+s15], $0x1000, s16, s15, $0x38;
	[tilespmem:$0x1E428] =	vst v63  }
0x449: {  	p6 =	sne.s32 @!p5 s3, $0x0;
	s13 =	sadd.s32 @!p5 $0x10, s13;
	s18 =	simm.s32 @!p5 $0x12428  }
0x44a: {  	[tilespmem:s18], [sflag:$0x2] =	stream.strided.gather @!p5 [hbm4b:s13+s15], $0x1000, s16, s15, $0x38;
	[tilespmem:$0x1E428] =	vst v63  }
0x44b: {  	p5 =	por p6, p5  }
0x44c: {  	s3 =	sshrl.u32 @!p5 s9, $0x4;
	s9 =	sshll.u32 @!p5 s11, $0x7  }
0x44d: {  	s3 =	sand.u32 @!p5 $0x7FF8000, s3;
	s9 =	sand.u32 @!p5 $0x380, s9  }
0x44e: {  	s3 =	sor.u32 @!p5 s3, s9  }
0x44f: {  	s11 =	simm.s32 @!p5 $0x400;
	s3 =	sshrl.u32 @!p5 s3, $0x3  }
0x450: {  	s13 =	simm.s32 @!p5 $0x1B428;
	s9 =	simm.s32 @!p5 $0x80;
	s3 =	sadd.s32 @!p5 s2, s3  }
0x451: {  	[tilespmem:s13], [sflag:$0x2] =	stream.strided.gather @!p5 [hbm4b:s3+s9], $0x1000, s11, s9, $0x38;
	[tilespmem:$0x1E428] =	vst v63  }
0x452: {  	s3 =	simm.s32 @!p4 $0x1  }
0x453: {  	_ =	swait.ge @!p4 [sflag:s3], $0x1000  }
0x454: {  	[sflag:s3] =	ssyncset.done @!p4 $0x0  }
0x455: {  	s9 =	simm.s32 @!p4 $0x1000;
	s11 =	simm.s32 @!p4 $0x15428;
	[sflag:s3] =	ssyncadd.s32 @!p4 $0xFFFFF000  }
0x456: {  	[tilespmem:s11], [sflag:$0x4] =	stream.indirect.gather @!p4 [spmem:s7], $0x1, s17, s9, $0xb8;
	[tilespmem:$0x1E428] =	vst v63  }
0x457: {  	_ =	swait.ge @!p4 [sflag:s3], $0x1000  }
0x458: {  	[sflag:s3] =	ssyncset.done @!p4 $0x0  }
0x459: {  	[sflag:s3] =	ssyncadd.s32 @!p4 $0xFFFFF000;
	s3 =	simm.s32 @!p4 $0x16428  }
0x45a: {  	[tilespmem:s3], [sflag:$0x4] =	stream.indirect.gather @!p4 [spmem:s7], $0x1, s14, s9, $0xb8;
	[tilespmem:$0x1E428] =	vst v63  }
0x45b: {  	s3 =	ssub.s32 @!p4 $0xFFFFFFFA, s28  }
0x45c: {  	p5 =	sne.s32 @!p4 s12, s3  }
0x45d: {  	p4 =	por p5, p4  }
.Ltmp29:
0x45e: {  	s3 =	simm.s32 @!p4 $0x1;
	(pc) =	sbr.rel @p3 .LBB2_56-.Ltmp29, $4  }
0x45f: {  	_ =	swait.ge @!p4 [sflag:s3], $0x1000  }
0x460: {  	s9 =	simm.s32 @!p4 $0x1B428;
	[sflag:s3] =	ssyncset.done @!p4 $0x0  }
0x461: {  	s11 =	simm.s32 @!p4 $0x1C428;
	[sflag:s3] =	ssyncadd.s32 @!p4 $0xFFFFF000;
	s3 =	simm.s32 @!p4 $0x1000  }
0x462: {  	[tilespmem:s11], [sflag:$0x4] =	stream.indirect.gather @!p4 [spmem:s7], $0x1, s9, s3, $0xb8;
	[tilespmem:$0x1E428] =	vst v63  }
0x463: {  	s11 =	smul.u32 $0x51F, s29;
	_ =	sdelay $0x1  }
0x464: {  	s12 =	sshrl.u32 s11, $0x10  }
0x465: {  	s3 =	smul.u32 $0xFFFFFFCE, s12;
	_ =	sdelay $0x1  }
0x466: {  	s3 =	sadd.s32 s29, s3  }
0x467: {  	s9 =	smul.u32 $0x3334, s3  }
0x468: {  	p4 =	sne.s32 s3, $0x0  }
.Ltmp30:
0x469: {  	s14 =	sshrl.u32 s9, $0x10;
	(pc) =	sbr.rel @!p4 .LBB2_49-.Ltmp30, $3  }
0x46a: {  	s9 =	smul.u32 $0xFFFFFFFB, s14;
	_ =	sdelay $0x1  }
0x46b: {  	s15 =	sadd.s32 s3, s9  }
0x46c: {  	p3 =	seq.s32 s15, $0x0  }
0x46d: {  	_ =	swait.ge [sflag:s23], $0x1000  }
0x46e: {  	[sflag:s23] =	ssyncset.done $0x0  }
0x46f: {  	[sflag:s23] =	ssyncadd.s32 $0xFFFFF000  }
0x470: {  	_ =	swait.ge [sflag:s23], $0x1000  }
0x471: {  	[sflag:s23] =	ssyncset.done $0x0  }
0x472: {  	s16 =	simm.s32 $0x0;
	[sflag:s23] =	ssyncadd.s32 $0xFFFFF000  }
0x473: {  	v0 =	vld [tilespmem:s16+$0x17428]  }
0x474: {  	v1 =	vld [tilespmem:s16+$0x19428];
	_ =	sdelay $0x3  }
0x475: {  	v2 =	vand.u32 $0xFFFF0000, v0  }
0x476: {  	v2 =	vmul.f32 v2, v1  }
0x477: {  	v3 =	vld [tilespmem:s16+$0x18428];
	v0 =	vshll.u32 v0, $0x10  }
0x478: {  	v0 =	vadd.f32 v0, v2;
	_ =	sdelay $0x1  }
0x479: {  	v0 =	vmul.f32 $1.442695020e+00, v0;
	_ =	sdelay $0x1  }
0x47a: {  	(erf) = vpow2.f32 v0;
	v0 =	vand.u32 $0xFFFF0000, v3  }
0x47b: {  	v0 =	vmul.f32 v0, v1  }
0x47c: {  	v1 =	vshll.u32 v3, $0x10  }
0x47d: {  	s11 =	simm.s32 $0x10;
	v0 =	vadd.f32 v1, v0  }
0x47e: {  	v2 =	vld [tilespmem:s11+$0x17428]  }
0x47f: {  	v4 =	vld [tilespmem:s11+$0x19428];
	v0 =	vmul.f32 $1.442695020e+00, v0  }
0x480: {  	v5 =	vld [tilespmem:s11+$0x18428]  }
0x481: {  	(erf) = vpow2.f32 v0;
	_ =	sdelay $0x1  }
0x482: {  	v3 =	vld [tilespmem:s16+$0x1A428];
	v1 =	vand.u32 $0xFFFF0000, v2  }
0x483: {  	v1 =	vmul.f32 v1, v4  }
0x484: {  	v6 =	vand.u32 $0xFFFF0000, v5;
	v2 =	vshll.u32 v2, $0x10  }
0x485: {  	v1 =	vadd.f32 v2, v1;
	v2 =	vmul.f32 v6, v4  }
0x486: {  	v4 =	vshll.u32 v5, $0x10  }
0x487: {  	s13 =	simm.s32 $0x20;
	s17 =	simm.s32 $0xC0;
	v0 =	vmul.f32 $1.442695020e+00, v1;
	v1 =	vadd.f32 v4, v2;
	v2 =	vpsel p3, $0x0, v3;
	v3 =	vpop (erf)  }
.LBB2_53:
0x488: {  	p4 =	sne.s32 s17, $0x3FC0;
	v4 =	vld [tilespmem:s13+$0x17428];
	v2 =	vadd.f32 v3, v2  }
0x489: {  	v3 =	vld [tilespmem:s13+$0x19428];
	v1 =	vmul.f32 $1.442695020e+00, v1;
	(erf) = vpow2.f32 v0;
	v0 =	vpop (erf)  }
0x48a: {  	v5 =	vld [tilespmem:s13+$0x18428];
	v0 =	vadd.f32 v0, v2  }
0x48b: {  	(erf) = vpow2.f32 v1  }
0x48c: {  	[tilespmem:s16+$0x1A428] =	vst v0;
	s16 =	smov.u32 s11;
	s11 =	smov.u32 s13  }
0x48d: {  	v0 =	vand.u32 $0xFFFF0000, v4;
	v2 =	vld [tilespmem:s16+$0x1A428]  }
.Ltmp31:
0x48e: {  	v0 =	vmul.f32 v0, v3;
	(pc) =	sbr.rel @p4 .LBB2_53-.Ltmp31, $4  }
0x48f: {  	v1 =	vshll.u32 v4, $0x10;
	v4 =	vand.u32 $0xFFFF0000, v5  }
0x490: {  	v0 =	vadd.f32 v1, v0;
	v1 =	vmul.f32 v4, v3  }
0x491: {  	v4 =	vshll.u32 v5, $0x10  }
0x492: {  	s13 =	sshra.s32 s17, $0x2;
	s17 =	sadd.s32 $0x40, s17;
	v0 =	vmul.f32 $1.442695020e+00, v0;
	v1 =	vadd.f32 v4, v1;
	v2 =	vpsel p3, $0x0, v2;
	v3 =	vpop (erf)  }
0x493: {  	v4 =	vld [tilespmem:s13+$0x17428];
	v2 =	vadd.f32 v3, v2  }
0x494: {  	v52 =	vld [tilespmem:s13+$0x19428];
	v1 =	vmul.f32 $1.442695020e+00, v1;
	(erf) = vpow2.f32 v0;
	v53 =	vpop (erf)  }
0x495: {  	v5 =	vld [tilespmem:s13+$0x18428];
	v0 =	vadd.f32 v53, v2  }
0x496: {  	(erf) = vpow2.f32 v1  }
0x497: {  	[tilespmem:s16+$0x1A428] =	vst v0  }
0x498: {  	v54 =	vand.u32 $0xFFFF0000, v4;
	v55 =	vld [tilespmem:s11+$0x1A428]  }
0x499: {  	v0 =	vmul.f32 v54, v52  }
0x49a: {  	v56 =	vshll.u32 v4, $0x10;
	v57 =	vand.u32 $0xFFFF0000, v5  }
0x49b: {  	v58 =	vmul.f32 v57, v52;
	v0 =	vadd.f32 v56, v0  }
0x49c: {  	v59 =	vshll.u32 v5, $0x10  }
0x49d: {  	v2 =	vadd.f32 v59, v58;
	v0 =	vmul.f32 $1.442695020e+00, v0;
	v1 =	vpsel p3, $0x0, v55;
	v60 =	vpop (erf)  }
0x49e: {  	v1 =	vadd.f32 v60, v1  }
0x49f: {  	v2 =	vmul.f32 $1.442695020e+00, v2;
	(erf) = vpow2.f32 v0;
	v61 =	vpop (erf)  }
0x4a0: {  	v0 =	vadd.f32 v61, v1  }
0x4a1: {  	(erf) = vpow2.f32 v2  }
0x4a2: {  	[tilespmem:s11+$0x1A428] =	vst v0  }
0x4a3: {  	v0 =	vld [tilespmem:s13+$0x1A428];
	_ =	sdelay $0x4  }
0x4a4: {  	v0 =	vpsel p3, $0x0, v0;
	v62 =	vpop (erf)  }
.Ltmp32:
0x4a5: {  	v0 =	vadd.f32 v62, v0;
	(pc) =	sbr.rel .LBB2_55-.Ltmp32, $3  }
0x4a6: {  	v63 =	vpop (erf)  }
0x4a7: {  	v0 =	vadd.f32 v63, v0;
	_ =	sdelay $0x1  }
0x4a8: {  	[tilespmem:s13+$0x1A428] =	vst v0  }
.LBB2_49:
0x4a9: {  	s3 =	sshrl.u32 s11, $0x4;
	s9 =	sshll.u32 s12, $0x7  }
0x4aa: {  	s3 =	sand.u32 $0x7FF8000, s3;
	s9 =	sand.u32 $0x380, s9  }
0x4ab: {  	s3 =	sor.u32 s3, s9  }
0x4ac: {  	s29 =	rddreg [dreg:$0x3];
	s16 =	sshrl.u32 s3, $0x3  }
0x4ad: {  	s3 =	sadd.s32 s29, s16  }
0x4ae: {  	[tilespmem:s30], [sflag:$0x7] =	stream.strided.gather [hbm4b:s3+s19], $0x1000, s20, s19, $0x38;
	[tilespmem:$0x1E428] =	vst v63  }
0x4af: {  	_ =	swait.ge [sflag:s31], $0x1000  }
0x4b0: {  	[sflag:s31] =	ssyncset.done $0x0  }
0x4b1: {  	[sflag:s31] =	ssyncadd.s32 $0xFFFFF000  }
0x4b2: {  	_ =	swait.ge [sflag:s23], $0x1000  }
0x4b3: {  	[sflag:s23] =	ssyncset.done $0x0  }
0x4b4: {  	[sflag:s23] =	ssyncadd.s32 $0xFFFFF000  }
0x4b5: {  	_ =	swait.ge [sflag:s23], $0x1000  }
0x4b6: {  	[sflag:s23] =	ssyncset.done $0x0  }
0x4b7: {  	[sflag:s23] =	ssyncadd.s32 $0xFFFFF000  }
0x4b8: {  	_ =	swait.ge [sflag:s23], $0x1000  }
0x4b9: {  	[sflag:s23] =	ssyncset.done $0x0  }
0x4ba: {  	s11 =	simm.s32 $0x0;
	[sflag:s23] =	ssyncadd.s32 $0xFFFFF000  }
0x4bb: {  	v0 =	vld [tilespmem:s11+$0x17428]  }
0x4bc: {  	v1 =	vld [tilespmem:s11+$0x19428]  }
0x4bd: {  	v2 =	vld [tilespmem:s11+$0x18428];
	_ =	sdelay $0x1  }
0x4be: {  	v3 =	vld [tilespmem:s11+$0x1C428]  }
0x4bf: {  	v4 =	vand.u32 $0xFFFF0000, v0  }
0x4c0: {  	v4 =	vmul.f32 v4, v1  }
0x4c1: {  	v0 =	vshll.u32 v0, $0x10;
	v5 =	vand.u32 $0xFFFF0000, v2  }
0x4c2: {  	v0 =	vadd.f32 v0, v4;
	v4 =	vmul.f32 v5, v1  }
0x4c3: {  	v2 =	vshll.u32 v2, $0x10;
	v5 =	vand.u32 $0xFFFF0000, v3  }
0x4c4: {  	v1 =	vmul.f32 v5, v1;
	v0 =	vmul.f32 $1.442695020e+00, v0;
	v2 =	vadd.f32 v2, v4  }
0x4c5: {  	v3 =	vshll.u32 v3, $0x10  }
0x4c6: {  	s17 =	simm.s32 $0x10;
	v1 =	vadd.f32 v3, v1;
	v2 =	vmul.f32 $1.442695020e+00, v2;
	(erf) = vpow2.f32 v0  }
0x4c7: {  	v0 =	vld [tilespmem:s17+$0x17428]  }
0x4c8: {  	v3 =	vld [tilespmem:s17+$0x19428];
	[tilespmem:s11+$0x1D428] =	vst v1;
	v1 =	vmul.f32 $1.442695020e+00, v1;
	(erf) = vpow2.f32 v2  }
0x4c9: {  	v2 =	vld [tilespmem:s17+$0x18428]  }
0x4ca: {  	v4 =	vld [tilespmem:s11+$0x1A428];
	(erf) = vpow2.f32 v1  }
0x4cb: {  	v1 =	vld [tilespmem:s17+$0x1C428]  }
0x4cc: {  	v5 =	vand.u32 $0xFFFF0000, v0  }
0x4cd: {  	v5 =	vmul.f32 v5, v3  }
0x4ce: {  	v0 =	vshll.u32 v0, $0x10;
	v6 =	vand.u32 $0xFFFF0000, v2  }
0x4cf: {  	v4 =	vpsel p3, $0x0, v4;
	v0 =	vadd.f32 v0, v5;
	v5 =	vmul.f32 v6, v3;
	v62 =	vpop (erf)  }
0x4d0: {  	v2 =	vshll.u32 v2, $0x10;
	v7 =	vand.u32 $0xFFFF0000, v1;
	v4 =	vadd.f32 v62, v4  }
0x4d1: {  	v63 =	vmul.f32 $1.442695020e+00, v0;
	v0 =	vadd.f32 v2, v5;
	v2 =	vmul.f32 v7, v3;
	v3 =	vpop (erf)  }
0x4d2: {  	v5 =	vshll.u32 v1, $0x10;
	v1 =	vadd.f32 v3, v4  }
0x4d3: {  	s13 =	simm.s32 $0x20;
	s18 =	simm.s32 $0xC0;
	v0 =	vmul.f32 $1.442695020e+00, v0;
	v2 =	vadd.f32 v5, v2;
	(erf) = vpow2.f32 v63;
	v3 =	vpop (erf)  }
.LBB2_50:
0x4d4: {  	p4 =	sne.s32 s18, $0x3FC0;
	v4 =	vld [tilespmem:s13+$0x17428];
	v1 =	vadd.f32 v3, v1  }
0x4d5: {  	v3 =	vld [tilespmem:s13+$0x19428];
	[tilespmem:s17+$0x1D428] =	vst v2;
	v2 =	vmul.f32 $1.442695020e+00, v2;
	(erf) = vpow2.f32 v0  }
0x4d6: {  	v0 =	vld [tilespmem:s13+$0x18428];
	[tilespmem:s11+$0x1A428] =	vst v1;
	s11 =	smov.u32 s17;
	s17 =	smov.u32 s13  }
0x4d7: {  	v1 =	vld [tilespmem:s11+$0x1A428];
	(erf) = vpow2.f32 v2  }
0x4d8: {  	v2 =	vld [tilespmem:s17+$0x1C428]  }
0x4d9: {  	v5 =	vand.u32 $0xFFFF0000, v4  }
0x4da: {  	v5 =	vmul.f32 v5, v3  }
0x4db: {  	v4 =	vshll.u32 v4, $0x10;
	v7 =	vand.u32 $0xFFFF0000, v0  }
.Ltmp33:
0x4dc: {  	v4 =	vadd.f32 v4, v5;
	v8 =	vmul.f32 v7, v3;
	v1 =	vpsel p3, $0x0, v1;
	v6 =	vpop (erf);
	(pc) =	sbr.rel @p4 .LBB2_50-.Ltmp33, $4  }
0x4dd: {  	v0 =	vshll.u32 v0, $0x10;
	v7 =	vand.u32 $0xFFFF0000, v2;
	v1 =	vadd.f32 v6, v1  }
0x4de: {  	v4 =	vmul.f32 $1.442695020e+00, v4;
	v0 =	vadd.f32 v0, v8;
	v6 =	vmul.f32 v7, v3;
	v5 =	vpop (erf)  }
0x4df: {  	v2 =	vshll.u32 v2, $0x10;
	v1 =	vadd.f32 v5, v1  }
0x4e0: {  	s13 =	sshra.s32 s18, $0x2;
	s18 =	sadd.s32 $0x40, s18;
	v0 =	vmul.f32 $1.442695020e+00, v0;
	v2 =	vadd.f32 v2, v6;
	(erf) = vpow2.f32 v4;
	v3 =	vpop (erf)  }
0x4e1: {  	v4 =	vld [tilespmem:s13+$0x17428];
	v1 =	vadd.f32 v3, v1  }
0x4e2: {  	v5 =	vld [tilespmem:s13+$0x19428];
	[tilespmem:s17+$0x1D428] =	vst v2;
	v51 =	vmul.f32 $1.442695020e+00, v2;
	(erf) = vpow2.f32 v0  }
0x4e3: {  	v52 =	vld [tilespmem:s13+$0x18428];
	[tilespmem:s11+$0x1A428] =	vst v1  }
0x4e4: {  	v1 =	vld [tilespmem:s17+$0x1A428];
	(erf) = vpow2.f32 v51  }
0x4e5: {  	v53 =	vld [tilespmem:s13+$0x1C428]  }
0x4e6: {  	v54 =	vand.u32 $0xFFFF0000, v4  }
0x4e7: {  	v3 =	vmul.f32 v54, v5  }
0x4e8: {  	v4 =	vshll.u32 v4, $0x10;
	v6 =	vand.u32 $0xFFFF0000, v52  }
0x4e9: {  	v3 =	vadd.f32 v4, v3;
	v55 =	vmul.f32 v6, v5;
	v1 =	vpsel p3, $0x0, v1;
	v56 =	vpop (erf)  }
0x4ea: {  	v0 =	vshll.u32 v52, $0x10;
	v7 =	vand.u32 $0xFFFF0000, v53;
	v1 =	vadd.f32 v56, v1  }
0x4eb: {  	v57 =	vmul.f32 v7, v5;
	v3 =	vmul.f32 $1.442695020e+00, v3;
	v0 =	vadd.f32 v0, v55;
	v58 =	vpop (erf)  }
0x4ec: {  	v2 =	vshll.u32 v53, $0x10;
	v1 =	vadd.f32 v58, v1  }
0x4ed: {  	v2 =	vadd.f32 v2, v57;
	v0 =	vmul.f32 $1.442695020e+00, v0;
	(erf) = vpow2.f32 v3;
	v59 =	vpop (erf)  }
0x4ee: {  	v1 =	vadd.f32 v59, v1  }
0x4ef: {  	[tilespmem:s13+$0x1D428] =	vst v2;
	v2 =	vmul.f32 $1.442695020e+00, v2;
	(erf) = vpow2.f32 v0  }
0x4f0: {  	[tilespmem:s17+$0x1A428] =	vst v1  }
0x4f1: {  	(erf) = vpow2.f32 v2;
	v60 =	vld [tilespmem:s13+$0x1A428];
	_ =	sdelay $0x4  }
0x4f2: {  	v0 =	vpsel p3, $0x0, v60;
	v61 =	vpop (erf)  }
0x4f3: {  	v0 =	vadd.f32 v61, v0  }
0x4f4: {  	v62 =	vpop (erf)  }
0x4f5: {  	v0 =	vadd.f32 v62, v0  }
0x4f6: {  	v63 =	vpop (erf)  }
0x4f7: {  	v0 =	vadd.f32 v63, v0;
	_ =	sdelay $0x1  }
.Ltmp34:
0x4f8: {  	s3 =	sadd.s32 s6, s16;
	[tilespmem:s13+$0x1A428] =	vst v0;
	(pc) =	sbr.rel .LBB2_55-.Ltmp34, $4  }
0x4f9: {  	[hbm4b:s3+s19] =	stream.strided.scatter [tilespmem:s0], [sflag:$0x7], $0x1000, s20, s19, $0x38;
	[tilespmem:$0x1E428] =	vst v63  }
0x4fa: {  	_ =	swait.ge [sflag:s31], $0x1000  }
0x4fb: {  	[sflag:s31] =	ssyncset.done $0x0  }
0x4fc: {  	[sflag:s31] =	ssyncadd.s32 $0xFFFFF000  }
.LBB2_58:
0x4fd: {  	_ =	sfence.sel $0x180000  }
0x4fe: {  	[bflag:$0x0] =	sbarrier.arrive $0xFFFF  }
0x4ff: {  	_ =	strace $0x90000047  }
0x500: {  	[bflag:$0x2] =	sbarrier.arrive $0xFFFF  }
0x501: {  	s0 =	rddreg [dreg:$0x7]  }
0x502: {  	s0 =	sadd.s32 @!p0 $0x100000, s0  }
0x503: {  	[sflag:s0] =	ssyncadd.tile.s32 @!p0 $0x1;
	_ =	shalt  }
.Lfunc_end2:
_tile_overlayer_lowered:
.L_overlay_start_2:
0x504: {  	(tag) =	ssettag $0x2  }
0x505: {  	s0 =	rddreg [dreg:$0x0];
	s2 =	stileid.u32  }
0x506: {  	s1 =	rddreg [dreg:$0x1];
	p0 =	sne.s32 s2, $0x0  }
0x507: {  	s3 =	rddreg [dreg:$0x2];
	[bflag:$0x3] =	sbarrier.arrive $0xFFFF;
	s2 =	simm.s32 @!p0 $0x1C06  }
0x508: {  	[timem:s3], [sflag:s2] =	dma.local @!p0 [hbm:s0], s1  }
0x509: {  	s0 =	simm.s32 @!p0 $0x6  }
0x50a: {  	_ =	swait.ge @!p0 [sflag:s0], s1  }
0x50b: {  	s1 =	ssub.s32 @!p0 $0x0, s1;
	[sflag:s0] =	ssyncset.done @!p0 $0x0  }
0x50c: {  	[sflag:s0] =	ssyncadd.s32 @!p0 s1  }
0x50d: {  	[bflag:$0x3] =	sbarrier.arrive $0xFFFF  }
0x50e: {  	_ =	shalt  }

</sc_bundles>
